<compile_context>
chip_gen: v7x
topology: tpu7x:2x2x1
jax: 0.10.2.dev20260603
libtpu: 0.0.44.dev20260713+nightly
codegen_flags: <defaults>
</compile_context>

<pallas_src>
import numpy as np

import jax
import jax.numpy as jnp
from jax import lax
from jax.experimental import pallas as pl
from jax.experimental.pallas import tpu as pltpu
from jax.experimental.pallas import tpu_sc as plsc

E = 128
LSEQ = 200
B = 1024
K = 4
KP = K + 1
N = B * LSEQ
NW = 32
TPW = N // NW
T = 64
NCHUNK = TPW // T
NITER = NCHUNK // 4

_PERM = (np.arange(4)[:, None] * 32
         + np.stack([np.arange(16), np.arange(16) + 16], 1).reshape(32)[None, :]
         ).reshape(128)


def _pack_table(tab):
    t = tab[:, _PERM].astype(jnp.bfloat16)
    return jax.lax.bitcast_convert_type(t.reshape(-1, 64, 2), jnp.int32)


def _body(idxc_hbm, tok_tab, cont_tab, pe_hbm, out_hbm,
          pe_v, i0, i1, i2, i3, a0, a1, a2, a3, m0, m1, m2, m3,
          gs0, gs1, gs2, gs3, os0, os1, os2, os3, is0, is1, is2, is3):
    c = lax.axis_index("c")
    s = lax.axis_index("s")
    wid = s * 2 + c

    idxs = (i0, i1, i2, i3)
    accs = (a0, a1, a2, a3)
    tmps = (m0, m1, m2, m3)
    semG = (gs0, gs1, gs2, gs3)
    semO = (os0, os1, os2, os3)
    semI = (is0, is1, is2, is3)

    pltpu.sync_copy(pe_hbm, pe_v)

    def idx_copy(slot, n):
        return pltpu.make_async_copy(idxc_hbm.at[wid, n], idxs[slot], semI[slot])

    def gathers(slot):
        cps = [pltpu.make_async_copy(tok_tab.at[idxs[slot].at[0]], accs[slot],
                                     semG[slot])]
        for k in range(K):
            cps.append(pltpu.make_async_copy(
                cont_tab.at[idxs[slot].at[k + 1]],
                tmps[slot].at[k], semG[slot]))
        return cps

    def out_copy(slot, base):
        return pltpu.make_async_copy(accs[slot], out_hbm.at[pl.ds(base, T)],
                                     semO[slot])

    for j in range(4):
        idx_copy(j, j).start()
    for j in range(2):
        idx_copy(j, j).wait()
        for cp in gathers(j):
            cp.start()

    def compute(slot, n):
        acc = accs[slot]
        tm = tmps[slot]
        l0 = lax.rem(n * T, LSEQ)

        def unpk(w):
            a = lax.bitcast_convert_type(w << 16, jnp.float32)
            b = lax.bitcast_convert_type(w & jnp.int32(-65536), jnp.float32)
            return a, b

        def row(i):
            li = l0 + i
            li = jnp.where(li >= LSEQ, li - LSEQ, li)
            for dg in range(4):
                wsl = pl.ds(16 * dg, 16)
                va = None
                vb = None
                for k in range(K):
                    a, b = unpk(tm[k, i, wsl])
                    va = a if va is None else va + a
                    vb = b if vb is None else vb + b
                ap, bp = unpk(pe_v[li, wsl])
                va = va + ap
                vb = vb + bp
                plsc.addupdate(acc.at[i, pl.ds(32 * dg, 16)], va)
                plsc.addupdate(acc.at[i, pl.ds(32 * dg + 16, 16)], vb)

        def rowpair(t, _):
            row(2 * t)
            row(2 * t + 1)
            return 0

        lax.fori_loop(0, T // 2, rowpair, 0)

    def chunk(u, m):
        n = 4 * m + u
        base = wid * TPW + n * T
        for cp in gathers(u):
            cp.wait()
        compute(u, n)
        out_copy(u, base).start()

        r = (u + 2) % 4

        def refill():
            idx_copy(r, n + 2).wait()
            for cp in gathers(r):
                cp.start()

        def issue_idx():
            idx_copy(u, n + 4).start()

        if u < 2:
            @pl.when(m > 0)
            def _():
                out_copy(r, base).wait()
            refill()

            @pl.when(m < NITER - 1)
            def _():
                issue_idx()
        else:
            @pl.when(m < NITER - 1)
            def _():
                out_copy(r, base).wait()
                refill()
                issue_idx()

    def body(m, _):
        for u in range(4):
            chunk(u, m)
        return 0

    lax.fori_loop(0, NITER, body, 0)

    for u in range(4):
        out_copy(u, wid * TPW).wait()


@jax.jit
def _run(idxc, token_table, cont_packed, pe_packed):
    kern = pl.kernel(
        _body,
        out_type=jax.ShapeDtypeStruct((N, E), jnp.float32),
        mesh=plsc.VectorSubcoreMesh(core_axis_name="c", subcore_axis_name="s"),
        compiler_params=pltpu.CompilerParams(use_tc_tiling_on_sc=False),
        scratch_types=(
            [pltpu.VMEM((LSEQ, E // 2), jnp.int32)]
            + [pltpu.VMEM((KP, T), jnp.int32)] * 4
            + [pltpu.VMEM((T, E), jnp.float32)] * 4
            + [pltpu.VMEM((K, T, E // 2), jnp.int32)] * 4
            + [pltpu.SemaphoreType.DMA] * 12
        ),
    )
    return kern(idxc, token_table, cont_packed, pe_packed)


def kernel(sequence, c_sequence, token_table, content_table, pe):
    tok = sequence.astype(jnp.int32).reshape(NW, NCHUNK, 1, T)
    con = (c_sequence.astype(jnp.int32)
           .reshape(NW, NCHUNK, T, K).transpose(0, 1, 3, 2))
    idxc = jnp.concatenate([tok, con], axis=2)
    cont_packed = _pack_table(content_table)
    pe_packed = _pack_table(pe[0, :LSEQ])
    out = _run(idxc, token_table, cont_packed, pe_packed)
    return out.reshape(B, LSEQ, E)

# --- scband reference (transcript-rebuilt; emitter-appended) ---
"""Pipeline reference for scband-bertcontent-embedding-90769838834200 (READ-ONLY COPY).

The authoritative reference and input builder live on the scoring server;
editing this copy changes nothing except your own understanding.
"""

import jax, jax.numpy as jnp
import numpy as np
import math

VOCAB_SIZE = 100000
CONTENT_SIZE = 1000
EMBED_SIZE = 128
MAX_LEN = 512
B, L, K = 1024, 200, 4


def _make_positional(max_len, d_model):
    pe = np.zeros((max_len, d_model), dtype=np.float32)
    position = np.arange(0, max_len, dtype=np.float32)[:, None]
    div_term = np.exp(np.arange(0, d_model, 2, dtype=np.float32) * -(math.log(10000.0) / d_model))
    pe[:, 0::2] = np.sin(position * div_term)
    pe[:, 1::2] = np.cos(position * div_term)
    return jnp.asarray(pe[None, :, :])  # [1, max_len, d_model]


def setup_inputs(seed: int = 0) -> dict:
    key = jax.random.key(seed)
    k1, k2, k3, k4 = jax.random.split(key, 4)
    sequence = jax.random.randint(k1, (B, L), 0, VOCAB_SIZE, dtype=jnp.int64 if jax.config.jax_enable_x64 else jnp.int32)
    c_sequence = jax.random.randint(k2, (B, L, K), 0, CONTENT_SIZE, dtype=jnp.int64 if jax.config.jax_enable_x64 else jnp.int32)
    token_table = jax.random.normal(k3, (VOCAB_SIZE, EMBED_SIZE), dtype=jnp.float32) * 0.02
    content_table = jax.random.normal(k4, (CONTENT_SIZE, EMBED_SIZE), dtype=jnp.float32) * 0.02
    pe = _make_positional(MAX_LEN, EMBED_SIZE)
    return {"sequence": sequence, "c_sequence": c_sequence, "token_table": token_table, "content_table": content_table, "pe": pe}


def reference(sequence, c_sequence, token_table, content_table, pe):
    # ContentEmbedding: embed [B, L, K] -> [B, L, K, E], sum over dim=2 -> [B, L, E]
    content_embedding = jnp.take(content_table, c_sequence, axis=0).sum(axis=2)
    # TokenEmbedding: [B, L] -> [B, L, E]
    token_embedding = jnp.take(token_table, sequence, axis=0)
    # PositionalEmbedding: sin/cos buffer sliced to seq len, broadcast over batch
    pos_embedding = pe[:, : sequence.shape[1]]
    x = token_embedding + pos_embedding + content_embedding
    # Dropout in eval mode is identity
    return x

if __name__ == "__main__":
    import jax
    _d = setup_inputs()
    print(jax.jit(kernel)(*tuple(_d.values())))

</pallas_src>

<mosaic_0001>
#map = affine_map<(d0, d1) -> (0, 0, 0, 0)>
#map1 = affine_map<(d0, d1) -> (0, 0)>
module attributes {stable_mosaic.version = 14 : i64} {
  func.func @_body(%arg0: i32, %arg1: i32, %arg2: memref<32x100x5x64xi32, #tpu.memory_space<hbm>>, %arg3: memref<100000x128xf32, #tpu.memory_space<hbm>>, %arg4: memref<1000x64xi32, #tpu.memory_space<hbm>>, %arg5: memref<200x64xi32, #tpu.memory_space<hbm>>, %arg6: memref<204800x128xf32, #tpu.memory_space<hbm>>, %arg7: memref<200x64xi32, #tpu.memory_space<vmem>>, %arg8: memref<5x64xi32, #tpu.memory_space<vmem>>, %arg9: memref<5x64xi32, #tpu.memory_space<vmem>>, %arg10: memref<5x64xi32, #tpu.memory_space<vmem>>, %arg11: memref<5x64xi32, #tpu.memory_space<vmem>>, %arg12: memref<64x128xf32, #tpu.memory_space<vmem>>, %arg13: memref<64x128xf32, #tpu.memory_space<vmem>>, %arg14: memref<64x128xf32, #tpu.memory_space<vmem>>, %arg15: memref<64x128xf32, #tpu.memory_space<vmem>>, %arg16: memref<4x64x64xi32, #tpu.memory_space<vmem>>, %arg17: memref<4x64x64xi32, #tpu.memory_space<vmem>>, %arg18: memref<4x64x64xi32, #tpu.memory_space<vmem>>, %arg19: memref<4x64x64xi32, #tpu.memory_space<vmem>>, %arg20: memref<!tpu.dma_semaphore, #tpu.memory_space<semaphore_mem>>, %arg21: memref<!tpu.dma_semaphore, #tpu.memory_space<semaphore_mem>>, %arg22: memref<!tpu.dma_semaphore, #tpu.memory_space<semaphore_mem>>, %arg23: memref<!tpu.dma_semaphore, #tpu.memory_space<semaphore_mem>>, %arg24: memref<!tpu.dma_semaphore, #tpu.memory_space<semaphore_mem>>, %arg25: memref<!tpu.dma_semaphore, #tpu.memory_space<semaphore_mem>>, %arg26: memref<!tpu.dma_semaphore, #tpu.memory_space<semaphore_mem>>, %arg27: memref<!tpu.dma_semaphore, #tpu.memory_space<semaphore_mem>>, %arg28: memref<!tpu.dma_semaphore, #tpu.memory_space<semaphore_mem>>, %arg29: memref<!tpu.dma_semaphore, #tpu.memory_space<semaphore_mem>>, %arg30: memref<!tpu.dma_semaphore, #tpu.memory_space<semaphore_mem>>, %arg31: memref<!tpu.dma_semaphore, #tpu.memory_space<semaphore_mem>>) attributes {dimension_semantics = [#tpu.dimension_semantics<core_parallel>, #tpu.dimension_semantics<subcore_parallel>], iteration_bounds = array<i64: 2, 16>, scalar_prefetch = 0 : i64, scratch_operands = 25 : i64, tpu.core_type = #tpu.core_type<sc_vector_subcore>, window_params = [{transform_indices = #map}, {transform_indices = #map1}, {transform_indices = #map1}, {transform_indices = #map1}, {transform_indices = #map1}]} {
    %mul3A = arith.constant 2 : i32
    %mul3A_0 = arith.muli %arg1, %mul3A : i32
    %add3A = arith.addi %mul3A_0, %arg0 : i32
    "tpu.region"() ({
      %run_scoped3A = tpu.sem_alloc : memref<!tpu.dma_semaphore, #tpu.memory_space<semaphore_mem>>
      tpu.enqueue_dma source(%arg5 : memref<200x64xi32, #tpu.memory_space<hbm>>) target(%arg7 : memref<200x64xi32, #tpu.memory_space<vmem>>) target_semaphore(%run_scoped3A : memref<!tpu.dma_semaphore, #tpu.memory_space<semaphore_mem>>)
      tpu.wait_dma2 semaphore(%run_scoped3A : memref<!tpu.dma_semaphore, #tpu.memory_space<semaphore_mem>>) src(%arg5 : memref<200x64xi32, #tpu.memory_space<hbm>>) dst(%arg7 : memref<200x64xi32, #tpu.memory_space<vmem>>)
      tpu.yield
    }) : () -> ()
    %dma_start3A = arith.constant 0 : i32
    %dma_start3A_1 = arith.constant 0 : i32
    %dma_start3A_2 = arith.constant 0 : i32
    %dma_start3A_3 = tpu.memref_slice %arg2[%add3A, %dma_start3A, %dma_start3A_1, %dma_start3A_2] : memref<32x100x5x64xi32, #tpu.memory_space<hbm>> -> memref<1x1x5x64xi32, #tpu.memory_space<hbm>>
    %dma_start3A_4 = tpu.memref_squeeze %dma_start3A_3 : memref<1x1x5x64xi32, #tpu.memory_space<hbm>> -> memref<5x64xi32, #tpu.memory_space<hbm>>
    %dma_start3A_5 = arith.constant 0 : i32
    %dma_start3A_6 = arith.constant 0 : i32
    %dma_start3A_7 = tpu.memref_slice %arg2[%add3A, %dma_start3A, %dma_start3A_5, %dma_start3A_6] : memref<32x100x5x64xi32, #tpu.memory_space<hbm>> -> memref<1x1x5x64xi32, #tpu.memory_space<hbm>>
    %dma_start3A_8 = tpu.memref_squeeze %dma_start3A_7 : memref<1x1x5x64xi32, #tpu.memory_space<hbm>> -> memref<5x64xi32, #tpu.memory_space<hbm>>
    tpu.enqueue_dma source(%dma_start3A_8 : memref<5x64xi32, #tpu.memory_space<hbm>>) target(%arg8 : memref<5x64xi32, #tpu.memory_space<vmem>>) target_semaphore(%arg28 : memref<!tpu.dma_semaphore, #tpu.memory_space<semaphore_mem>>)
    %dma_start3A_9 = arith.constant 1 : i32
    %dma_start3A_10 = arith.constant 0 : i32
    %dma_start3A_11 = arith.constant 0 : i32
    %dma_start3A_12 = tpu.memref_slice %arg2[%add3A, %dma_start3A_9, %dma_start3A_10, %dma_start3A_11] : memref<32x100x5x64xi32, #tpu.memory_space<hbm>> -> memref<1x1x5x64xi32, #tpu.memory_space<hbm>>
    %dma_start3A_13 = tpu.memref_squeeze %dma_start3A_12 : memref<1x1x5x64xi32, #tpu.memory_space<hbm>> -> memref<5x64xi32, #tpu.memory_space<hbm>>
    %dma_start3A_14 = arith.constant 0 : i32
    %dma_start3A_15 = arith.constant 0 : i32
    %dma_start3A_16 = tpu.memref_slice %arg2[%add3A, %dma_start3A_9, %dma_start3A_14, %dma_start3A_15] : memref<32x100x5x64xi32, #tpu.memory_space<hbm>> -> memref<1x1x5x64xi32, #tpu.memory_space<hbm>>
    %dma_start3A_17 = tpu.memref_squeeze %dma_start3A_16 : memref<1x1x5x64xi32, #tpu.memory_space<hbm>> -> memref<5x64xi32, #tpu.memory_space<hbm>>
    tpu.enqueue_dma source(%dma_start3A_17 : memref<5x64xi32, #tpu.memory_space<hbm>>) target(%arg9 : memref<5x64xi32, #tpu.memory_space<vmem>>) target_semaphore(%arg29 : memref<!tpu.dma_semaphore, #tpu.memory_space<semaphore_mem>>)
    %dma_start3A_18 = arith.constant 2 : i32
    %dma_start3A_19 = arith.constant 0 : i32
    %dma_start3A_20 = arith.constant 0 : i32
    %dma_start3A_21 = tpu.memref_slice %arg2[%add3A, %dma_start3A_18, %dma_start3A_19, %dma_start3A_20] : memref<32x100x5x64xi32, #tpu.memory_space<hbm>> -> memref<1x1x5x64xi32, #tpu.memory_space<hbm>>
    %dma_start3A_22 = tpu.memref_squeeze %dma_start3A_21 : memref<1x1x5x64xi32, #tpu.memory_space<hbm>> -> memref<5x64xi32, #tpu.memory_space<hbm>>
    %dma_start3A_23 = arith.constant 0 : i32
    %dma_start3A_24 = arith.constant 0 : i32
    %dma_start3A_25 = tpu.memref_slice %arg2[%add3A, %dma_start3A_18, %dma_start3A_23, %dma_start3A_24] : memref<32x100x5x64xi32, #tpu.memory_space<hbm>> -> memref<1x1x5x64xi32, #tpu.memory_space<hbm>>
    %dma_start3A_26 = tpu.memref_squeeze %dma_start3A_25 : memref<1x1x5x64xi32, #tpu.memory_space<hbm>> -> memref<5x64xi32, #tpu.memory_space<hbm>>
    tpu.enqueue_dma source(%dma_start3A_26 : memref<5x64xi32, #tpu.memory_space<hbm>>) target(%arg10 : memref<5x64xi32, #tpu.memory_space<vmem>>) target_semaphore(%arg30 : memref<!tpu.dma_semaphore, #tpu.memory_space<semaphore_mem>>)
    %dma_start3A_27 = arith.constant 3 : i32
    %dma_start3A_28 = arith.constant 0 : i32
    %dma_start3A_29 = arith.constant 0 : i32
    %dma_start3A_30 = tpu.memref_slice %arg2[%add3A, %dma_start3A_27, %dma_start3A_28, %dma_start3A_29] : memref<32x100x5x64xi32, #tpu.memory_space<hbm>> -> memref<1x1x5x64xi32, #tpu.memory_space<hbm>>
    %dma_start3A_31 = tpu.memref_squeeze %dma_start3A_30 : memref<1x1x5x64xi32, #tpu.memory_space<hbm>> -> memref<5x64xi32, #tpu.memory_space<hbm>>
    %dma_start3A_32 = arith.constant 0 : i32
    %dma_start3A_33 = arith.constant 0 : i32
    %dma_start3A_34 = tpu.memref_slice %arg2[%add3A, %dma_start3A_27, %dma_start3A_32, %dma_start3A_33] : memref<32x100x5x64xi32, #tpu.memory_space<hbm>> -> memref<1x1x5x64xi32, #tpu.memory_space<hbm>>
    %dma_start3A_35 = tpu.memref_squeeze %dma_start3A_34 : memref<1x1x5x64xi32, #tpu.memory_space<hbm>> -> memref<5x64xi32, #tpu.memory_space<hbm>>
    tpu.enqueue_dma source(%dma_start3A_35 : memref<5x64xi32, #tpu.memory_space<hbm>>) target(%arg11 : memref<5x64xi32, #tpu.memory_space<vmem>>) target_semaphore(%arg31 : memref<!tpu.dma_semaphore, #tpu.memory_space<semaphore_mem>>)
    %dma_wait3A = arith.constant 0 : i32
    %dma_wait3A_36 = arith.constant 0 : i32
    %dma_wait3A_37 = arith.constant 0 : i32
    %dma_wait3A_38 = tpu.memref_slice %arg2[%add3A, %dma_wait3A, %dma_wait3A_36, %dma_wait3A_37] : memref<32x100x5x64xi32, #tpu.memory_space<hbm>> -> memref<1x1x5x64xi32, #tpu.memory_space<hbm>>
    %dma_wait3A_39 = tpu.memref_squeeze %dma_wait3A_38 : memref<1x1x5x64xi32, #tpu.memory_space<hbm>> -> memref<5x64xi32, #tpu.memory_space<hbm>>
    %dma_wait3A_40 = arith.constant 0 : i32
    %dma_wait3A_41 = arith.constant 0 : i32
    %dma_wait3A_42 = tpu.memref_slice %arg2[%add3A, %dma_wait3A, %dma_wait3A_40, %dma_wait3A_41] : memref<32x100x5x64xi32, #tpu.memory_space<hbm>> -> memref<1x1x5x64xi32, #tpu.memory_space<hbm>>
    %dma_wait3A_43 = tpu.memref_squeeze %dma_wait3A_42 : memref<1x1x5x64xi32, #tpu.memory_space<hbm>> -> memref<5x64xi32, #tpu.memory_space<hbm>>
    tpu.wait_dma2 semaphore(%arg28 : memref<!tpu.dma_semaphore, #tpu.memory_space<semaphore_mem>>) src(%dma_wait3A_43 : memref<5x64xi32, #tpu.memory_space<hbm>>) dst(%arg8 : memref<5x64xi32, #tpu.memory_space<vmem>>)
    %dma_start3A_44 = arith.constant 0 : i32
    %dma_start3A_45 = arith.constant 0 : i32
    %dma_start3A_46 = tpu.memref_slice %arg8[%dma_start3A_44, %dma_start3A_45] : memref<5x64xi32, #tpu.memory_space<vmem>> -> memref<1x64xi32, #tpu.memory_space<vmem>>
    %dma_start3A_47 = tpu.memref_squeeze %dma_start3A_46 : memref<1x64xi32, #tpu.memory_space<vmem>> -> memref<64xi32, #tpu.memory_space<vmem>>
    %dma_start3A_48 = arith.constant 0 : i32
    %dma_start3A_49 = arith.constant 0 : i32
    %dma_start3A_50 = tpu.memref_slice %arg3[%dma_start3A_48, %dma_start3A_49] : memref<100000x128xf32, #tpu.memory_space<hbm>> -> memref<100000x128xf32, #tpu.memory_space<hbm>>
    tpu.enqueue_indirect_dma source(%dma_start3A_50 : memref<100000x128xf32, #tpu.memory_space<hbm>>) target(%arg12 : memref<64x128xf32, #tpu.memory_space<vmem>>) offsets(%dma_start3A_47 : memref<64xi32, #tpu.memory_space<vmem>>) semaphore(%arg20 : memref<!tpu.dma_semaphore, #tpu.memory_space<semaphore_mem>>)
    %dma_start3A_51 = arith.constant 1 : i32
    %dma_start3A_52 = arith.constant 0 : i32
    %dma_start3A_53 = arith.constant 0 : i32
    %dma_start3A_54 = arith.constant 0 : i32
    %dma_start3A_55 = tpu.memref_slice %arg16[%dma_start3A_52, %dma_start3A_53, %dma_start3A_54] : memref<4x64x64xi32, #tpu.memory_space<vmem>> -> memref<1x64x64xi32, #tpu.memory_space<vmem>>
    %dma_start3A_56 = tpu.memref_squeeze %dma_start3A_55 : memref<1x64x64xi32, #tpu.memory_space<vmem>> -> memref<64x64xi32, #tpu.memory_space<vmem>>
    %dma_start3A_57 = arith.constant 0 : i32
    %dma_start3A_58 = tpu.memref_slice %arg8[%dma_start3A_51, %dma_start3A_57] : memref<5x64xi32, #tpu.memory_space<vmem>> -> memref<1x64xi32, #tpu.memory_space<vmem>>
    %dma_start3A_59 = tpu.memref_squeeze %dma_start3A_58 : memref<1x64xi32, #tpu.memory_space<vmem>> -> memref<64xi32, #tpu.memory_space<vmem>>
    %dma_start3A_60 = arith.constant 0 : i32
    %dma_start3A_61 = arith.constant 0 : i32
    %dma_start3A_62 = tpu.memref_slice %arg4[%dma_start3A_60, %dma_start3A_61] : memref<1000x64xi32, #tpu.memory_space<hbm>> -> memref<1000x64xi32, #tpu.memory_space<hbm>>
    tpu.enqueue_indirect_dma source(%dma_start3A_62 : memref<1000x64xi32, #tpu.memory_space<hbm>>) target(%dma_start3A_56 : memref<64x64xi32, #tpu.memory_space<vmem>>) offsets(%dma_start3A_59 : memref<64xi32, #tpu.memory_space<vmem>>) semaphore(%arg20 : memref<!tpu.dma_semaphore, #tpu.memory_space<semaphore_mem>>)
    %dma_start3A_63 = arith.constant 2 : i32
    %dma_start3A_64 = arith.constant 1 : i32
    %dma_start3A_65 = arith.constant 0 : i32
    %dma_start3A_66 = arith.constant 0 : i32
    %dma_start3A_67 = tpu.memref_slice %arg16[%dma_start3A_64, %dma_start3A_65, %dma_start3A_66] : memref<4x64x64xi32, #tpu.memory_space<vmem>> -> memref<1x64x64xi32, #tpu.memory_space<vmem>>
    %dma_start3A_68 = tpu.memref_squeeze %dma_start3A_67 : memref<1x64x64xi32, #tpu.memory_space<vmem>> -> memref<64x64xi32, #tpu.memory_space<vmem>>
    %dma_start3A_69 = arith.constant 0 : i32
    %dma_start3A_70 = tpu.memref_slice %arg8[%dma_start3A_63, %dma_start3A_69] : memref<5x64xi32, #tpu.memory_space<vmem>> -> memref<1x64xi32, #tpu.memory_space<vmem>>
    %dma_start3A_71 = tpu.memref_squeeze %dma_start3A_70 : memref<1x64xi32, #tpu.memory_space<vmem>> -> memref<64xi32, #tpu.memory_space<vmem>>
    %dma_start3A_72 = arith.constant 0 : i32
    %dma_start3A_73 = arith.constant 0 : i32
    %dma_start3A_74 = tpu.memref_slice %arg4[%dma_start3A_72, %dma_start3A_73] : memref<1000x64xi32, #tpu.memory_space<hbm>> -> memref<1000x64xi32, #tpu.memory_space<hbm>>
    tpu.enqueue_indirect_dma source(%dma_start3A_74 : memref<1000x64xi32, #tpu.memory_space<hbm>>) target(%dma_start3A_68 : memref<64x64xi32, #tpu.memory_space<vmem>>) offsets(%dma_start3A_71 : memref<64xi32, #tpu.memory_space<vmem>>) semaphore(%arg20 : memref<!tpu.dma_semaphore, #tpu.memory_space<semaphore_mem>>)
    %dma_start3A_75 = arith.constant 3 : i32
    %dma_start3A_76 = arith.constant 2 : i32
    %dma_start3A_77 = arith.constant 0 : i32
    %dma_start3A_78 = arith.constant 0 : i32
    %dma_start3A_79 = tpu.memref_slice %arg16[%dma_start3A_76, %dma_start3A_77, %dma_start3A_78] : memref<4x64x64xi32, #tpu.memory_space<vmem>> -> memref<1x64x64xi32, #tpu.memory_space<vmem>>
    %dma_start3A_80 = tpu.memref_squeeze %dma_start3A_79 : memref<1x64x64xi32, #tpu.memory_space<vmem>> -> memref<64x64xi32, #tpu.memory_space<vmem>>
    %dma_start3A_81 = arith.constant 0 : i32
    %dma_start3A_82 = tpu.memref_slice %arg8[%dma_start3A_75, %dma_start3A_81] : memref<5x64xi32, #tpu.memory_space<vmem>> -> memref<1x64xi32, #tpu.memory_space<vmem>>
    %dma_start3A_83 = tpu.memref_squeeze %dma_start3A_82 : memref<1x64xi32, #tpu.memory_space<vmem>> -> memref<64xi32, #tpu.memory_space<vmem>>
    %dma_start3A_84 = arith.constant 0 : i32
    %dma_start3A_85 = arith.constant 0 : i32
    %dma_start3A_86 = tpu.memref_slice %arg4[%dma_start3A_84, %dma_start3A_85] : memref<1000x64xi32, #tpu.memory_space<hbm>> -> memref<1000x64xi32, #tpu.memory_space<hbm>>
    tpu.enqueue_indirect_dma source(%dma_start3A_86 : memref<1000x64xi32, #tpu.memory_space<hbm>>) target(%dma_start3A_80 : memref<64x64xi32, #tpu.memory_space<vmem>>) offsets(%dma_start3A_83 : memref<64xi32, #tpu.memory_space<vmem>>) semaphore(%arg20 : memref<!tpu.dma_semaphore, #tpu.memory_space<semaphore_mem>>)
    %dma_start3A_87 = arith.constant 4 : i32
    %dma_start3A_88 = arith.constant 3 : i32
    %dma_start3A_89 = arith.constant 0 : i32
    %dma_start3A_90 = arith.constant 0 : i32
    %dma_start3A_91 = tpu.memref_slice %arg16[%dma_start3A_88, %dma_start3A_89, %dma_start3A_90] : memref<4x64x64xi32, #tpu.memory_space<vmem>> -> memref<1x64x64xi32, #tpu.memory_space<vmem>>
    %dma_start3A_92 = tpu.memref_squeeze %dma_start3A_91 : memref<1x64x64xi32, #tpu.memory_space<vmem>> -> memref<64x64xi32, #tpu.memory_space<vmem>>
    %dma_start3A_93 = arith.constant 0 : i32
    %dma_start3A_94 = tpu.memref_slice %arg8[%dma_start3A_87, %dma_start3A_93] : memref<5x64xi32, #tpu.memory_space<vmem>> -> memref<1x64xi32, #tpu.memory_space<vmem>>
    %dma_start3A_95 = tpu.memref_squeeze %dma_start3A_94 : memref<1x64xi32, #tpu.memory_space<vmem>> -> memref<64xi32, #tpu.memory_space<vmem>>
    %dma_start3A_96 = arith.constant 0 : i32
    %dma_start3A_97 = arith.constant 0 : i32
    %dma_start3A_98 = tpu.memref_slice %arg4[%dma_start3A_96, %dma_start3A_97] : memref<1000x64xi32, #tpu.memory_space<hbm>> -> memref<1000x64xi32, #tpu.memory_space<hbm>>
    tpu.enqueue_indirect_dma source(%dma_start3A_98 : memref<1000x64xi32, #tpu.memory_space<hbm>>) target(%dma_start3A_92 : memref<64x64xi32, #tpu.memory_space<vmem>>) offsets(%dma_start3A_95 : memref<64xi32, #tpu.memory_space<vmem>>) semaphore(%arg20 : memref<!tpu.dma_semaphore, #tpu.memory_space<semaphore_mem>>)
    %dma_wait3A_99 = arith.constant 1 : i32
    %dma_wait3A_100 = arith.constant 0 : i32
    %dma_wait3A_101 = arith.constant 0 : i32
    %dma_wait3A_102 = tpu.memref_slice %arg2[%add3A, %dma_wait3A_99, %dma_wait3A_100, %dma_wait3A_101] : memref<32x100x5x64xi32, #tpu.memory_space<hbm>> -> memref<1x1x5x64xi32, #tpu.memory_space<hbm>>
    %dma_wait3A_103 = tpu.memref_squeeze %dma_wait3A_102 : memref<1x1x5x64xi32, #tpu.memory_space<hbm>> -> memref<5x64xi32, #tpu.memory_space<hbm>>
    %dma_wait3A_104 = arith.constant 0 : i32
    %dma_wait3A_105 = arith.constant 0 : i32
    %dma_wait3A_106 = tpu.memref_slice %arg2[%add3A, %dma_wait3A_99, %dma_wait3A_104, %dma_wait3A_105] : memref<32x100x5x64xi32, #tpu.memory_space<hbm>> -> memref<1x1x5x64xi32, #tpu.memory_space<hbm>>
    %dma_wait3A_107 = tpu.memref_squeeze %dma_wait3A_106 : memref<1x1x5x64xi32, #tpu.memory_space<hbm>> -> memref<5x64xi32, #tpu.memory_space<hbm>>
    tpu.wait_dma2 semaphore(%arg29 : memref<!tpu.dma_semaphore, #tpu.memory_space<semaphore_mem>>) src(%dma_wait3A_107 : memref<5x64xi32, #tpu.memory_space<hbm>>) dst(%arg9 : memref<5x64xi32, #tpu.memory_space<vmem>>)
    %dma_start3A_108 = arith.constant 0 : i32
    %dma_start3A_109 = arith.constant 0 : i32
    %dma_start3A_110 = tpu.memref_slice %arg9[%dma_start3A_108, %dma_start3A_109] : memref<5x64xi32, #tpu.memory_space<vmem>> -> memref<1x64xi32, #tpu.memory_space<vmem>>
    %dma_start3A_111 = tpu.memref_squeeze %dma_start3A_110 : memref<1x64xi32, #tpu.memory_space<vmem>> -> memref<64xi32, #tpu.memory_space<vmem>>
    %dma_start3A_112 = arith.constant 0 : i32
    %dma_start3A_113 = arith.constant 0 : i32
    %dma_start3A_114 = tpu.memref_slice %arg3[%dma_start3A_112, %dma_start3A_113] : memref<100000x128xf32, #tpu.memory_space<hbm>> -> memref<100000x128xf32, #tpu.memory_space<hbm>>
    tpu.enqueue_indirect_dma source(%dma_start3A_114 : memref<100000x128xf32, #tpu.memory_space<hbm>>) target(%arg13 : memref<64x128xf32, #tpu.memory_space<vmem>>) offsets(%dma_start3A_111 : memref<64xi32, #tpu.memory_space<vmem>>) semaphore(%arg21 : memref<!tpu.dma_semaphore, #tpu.memory_space<semaphore_mem>>)
    %dma_start3A_115 = arith.constant 1 : i32
    %dma_start3A_116 = arith.constant 0 : i32
    %dma_start3A_117 = arith.constant 0 : i32
    %dma_start3A_118 = arith.constant 0 : i32
    %dma_start3A_119 = tpu.memref_slice %arg17[%dma_start3A_116, %dma_start3A_117, %dma_start3A_118] : memref<4x64x64xi32, #tpu.memory_space<vmem>> -> memref<1x64x64xi32, #tpu.memory_space<vmem>>
    %dma_start3A_120 = tpu.memref_squeeze %dma_start3A_119 : memref<1x64x64xi32, #tpu.memory_space<vmem>> -> memref<64x64xi32, #tpu.memory_space<vmem>>
    %dma_start3A_121 = arith.constant 0 : i32
    %dma_start3A_122 = tpu.memref_slice %arg9[%dma_start3A_115, %dma_start3A_121] : memref<5x64xi32, #tpu.memory_space<vmem>> -> memref<1x64xi32, #tpu.memory_space<vmem>>
    %dma_start3A_123 = tpu.memref_squeeze %dma_start3A_122 : memref<1x64xi32, #tpu.memory_space<vmem>> -> memref<64xi32, #tpu.memory_space<vmem>>
    %dma_start3A_124 = arith.constant 0 : i32
    %dma_start3A_125 = arith.constant 0 : i32
    %dma_start3A_126 = tpu.memref_slice %arg4[%dma_start3A_124, %dma_start3A_125] : memref<1000x64xi32, #tpu.memory_space<hbm>> -> memref<1000x64xi32, #tpu.memory_space<hbm>>
    tpu.enqueue_indirect_dma source(%dma_start3A_126 : memref<1000x64xi32, #tpu.memory_space<hbm>>) target(%dma_start3A_120 : memref<64x64xi32, #tpu.memory_space<vmem>>) offsets(%dma_start3A_123 : memref<64xi32, #tpu.memory_space<vmem>>) semaphore(%arg21 : memref<!tpu.dma_semaphore, #tpu.memory_space<semaphore_mem>>)
    %dma_start3A_127 = arith.constant 2 : i32
    %dma_start3A_128 = arith.constant 1 : i32
    %dma_start3A_129 = arith.constant 0 : i32
    %dma_start3A_130 = arith.constant 0 : i32
    %dma_start3A_131 = tpu.memref_slice %arg17[%dma_start3A_128, %dma_start3A_129, %dma_start3A_130] : memref<4x64x64xi32, #tpu.memory_space<vmem>> -> memref<1x64x64xi32, #tpu.memory_space<vmem>>
    %dma_start3A_132 = tpu.memref_squeeze %dma_start3A_131 : memref<1x64x64xi32, #tpu.memory_space<vmem>> -> memref<64x64xi32, #tpu.memory_space<vmem>>
    %dma_start3A_133 = arith.constant 0 : i32
    %dma_start3A_134 = tpu.memref_slice %arg9[%dma_start3A_127, %dma_start3A_133] : memref<5x64xi32, #tpu.memory_space<vmem>> -> memref<1x64xi32, #tpu.memory_space<vmem>>
    %dma_start3A_135 = tpu.memref_squeeze %dma_start3A_134 : memref<1x64xi32, #tpu.memory_space<vmem>> -> memref<64xi32, #tpu.memory_space<vmem>>
    %dma_start3A_136 = arith.constant 0 : i32
    %dma_start3A_137 = arith.constant 0 : i32
    %dma_start3A_138 = tpu.memref_slice %arg4[%dma_start3A_136, %dma_start3A_137] : memref<1000x64xi32, #tpu.memory_space<hbm>> -> memref<1000x64xi32, #tpu.memory_space<hbm>>
    tpu.enqueue_indirect_dma source(%dma_start3A_138 : memref<1000x64xi32, #tpu.memory_space<hbm>>) target(%dma_start3A_132 : memref<64x64xi32, #tpu.memory_space<vmem>>) offsets(%dma_start3A_135 : memref<64xi32, #tpu.memory_space<vmem>>) semaphore(%arg21 : memref<!tpu.dma_semaphore, #tpu.memory_space<semaphore_mem>>)
    %dma_start3A_139 = arith.constant 3 : i32
    %dma_start3A_140 = arith.constant 2 : i32
    %dma_start3A_141 = arith.constant 0 : i32
    %dma_start3A_142 = arith.constant 0 : i32
    %dma_start3A_143 = tpu.memref_slice %arg17[%dma_start3A_140, %dma_start3A_141, %dma_start3A_142] : memref<4x64x64xi32, #tpu.memory_space<vmem>> -> memref<1x64x64xi32, #tpu.memory_space<vmem>>
    %dma_start3A_144 = tpu.memref_squeeze %dma_start3A_143 : memref<1x64x64xi32, #tpu.memory_space<vmem>> -> memref<64x64xi32, #tpu.memory_space<vmem>>
    %dma_start3A_145 = arith.constant 0 : i32
    %dma_start3A_146 = tpu.memref_slice %arg9[%dma_start3A_139, %dma_start3A_145] : memref<5x64xi32, #tpu.memory_space<vmem>> -> memref<1x64xi32, #tpu.memory_space<vmem>>
    %dma_start3A_147 = tpu.memref_squeeze %dma_start3A_146 : memref<1x64xi32, #tpu.memory_space<vmem>> -> memref<64xi32, #tpu.memory_space<vmem>>
    %dma_start3A_148 = arith.constant 0 : i32
    %dma_start3A_149 = arith.constant 0 : i32
    %dma_start3A_150 = tpu.memref_slice %arg4[%dma_start3A_148, %dma_start3A_149] : memref<1000x64xi32, #tpu.memory_space<hbm>> -> memref<1000x64xi32, #tpu.memory_space<hbm>>
    tpu.enqueue_indirect_dma source(%dma_start3A_150 : memref<1000x64xi32, #tpu.memory_space<hbm>>) target(%dma_start3A_144 : memref<64x64xi32, #tpu.memory_space<vmem>>) offsets(%dma_start3A_147 : memref<64xi32, #tpu.memory_space<vmem>>) semaphore(%arg21 : memref<!tpu.dma_semaphore, #tpu.memory_space<semaphore_mem>>)
    %dma_start3A_151 = arith.constant 4 : i32
    %dma_start3A_152 = arith.constant 3 : i32
    %dma_start3A_153 = arith.constant 0 : i32
    %dma_start3A_154 = arith.constant 0 : i32
    %dma_start3A_155 = tpu.memref_slice %arg17[%dma_start3A_152, %dma_start3A_153, %dma_start3A_154] : memref<4x64x64xi32, #tpu.memory_space<vmem>> -> memref<1x64x64xi32, #tpu.memory_space<vmem>>
    %dma_start3A_156 = tpu.memref_squeeze %dma_start3A_155 : memref<1x64x64xi32, #tpu.memory_space<vmem>> -> memref<64x64xi32, #tpu.memory_space<vmem>>
    %dma_start3A_157 = arith.constant 0 : i32
    %dma_start3A_158 = tpu.memref_slice %arg9[%dma_start3A_151, %dma_start3A_157] : memref<5x64xi32, #tpu.memory_space<vmem>> -> memref<1x64xi32, #tpu.memory_space<vmem>>
    %dma_start3A_159 = tpu.memref_squeeze %dma_start3A_158 : memref<1x64xi32, #tpu.memory_space<vmem>> -> memref<64xi32, #tpu.memory_space<vmem>>
    %dma_start3A_160 = arith.constant 0 : i32
    %dma_start3A_161 = arith.constant 0 : i32
    %dma_start3A_162 = tpu.memref_slice %arg4[%dma_start3A_160, %dma_start3A_161] : memref<1000x64xi32, #tpu.memory_space<hbm>> -> memref<1000x64xi32, #tpu.memory_space<hbm>>
    tpu.enqueue_indirect_dma source(%dma_start3A_162 : memref<1000x64xi32, #tpu.memory_space<hbm>>) target(%dma_start3A_156 : memref<64x64xi32, #tpu.memory_space<vmem>>) offsets(%dma_start3A_159 : memref<64xi32, #tpu.memory_space<vmem>>) semaphore(%arg21 : memref<!tpu.dma_semaphore, #tpu.memory_space<semaphore_mem>>)
    %scan3A = arith.constant 0 : i32
    %scan3A_163 = arith.constant 0 : i32
    %scan3A_164 = arith.constant 25 : i32
    %scan3A_165 = arith.addi %scan3A_163, %scan3A_164 : i32
    %scan3A_166 = arith.constant 1 : i32
    %scan3A_167 = scf.for %scan3A_193 = %scan3A_163 to %scan3A_165 step %scan3A_166 iter_args(%scan3A_194 = %scan3A) -> (i32)  : i32 {
      %mul3A_195 = arith.constant 4 : i32
      %mul3A_196 = arith.muli %mul3A_195, %scan3A_193 : i32
      %add3A_197 = arith.constant 0 : i32
      %add3A_198 = arith.addi %mul3A_196, %add3A_197 : i32
      %mul3A_199 = arith.constant 6400 : i32
      %mul3A_200 = arith.muli %add3A, %mul3A_199 : i32
      %mul3A_201 = arith.constant 64 : i32
      %mul3A_202 = arith.muli %add3A_198, %mul3A_201 : i32
      %add3A_203 = arith.addi %mul3A_200, %mul3A_202 : i32
      %dma_wait3A_204 = arith.constant 0 : i32
      %dma_wait3A_205 = arith.constant 0 : i32
      %dma_wait3A_206 = tpu.memref_slice %arg8[%dma_wait3A_204, %dma_wait3A_205] : memref<5x64xi32, #tpu.memory_space<vmem>> -> memref<1x64xi32, #tpu.memory_space<vmem>>
      %dma_wait3A_207 = tpu.memref_squeeze %dma_wait3A_206 : memref<1x64xi32, #tpu.memory_space<vmem>> -> memref<64xi32, #tpu.memory_space<vmem>>
      %dma_wait3A_208 = arith.constant 0 : i32
      %dma_wait3A_209 = arith.constant 0 : i32
      %dma_wait3A_210 = tpu.memref_slice %arg3[%dma_wait3A_208, %dma_wait3A_209] : memref<100000x128xf32, #tpu.memory_space<hbm>> -> memref<100000x128xf32, #tpu.memory_space<hbm>>
      tpu.wait_indirect_dma semaphore(%arg20 : memref<!tpu.dma_semaphore, #tpu.memory_space<semaphore_mem>>) src(%dma_wait3A_210 : memref<100000x128xf32, #tpu.memory_space<hbm>>) dst(%arg12 : memref<64x128xf32, #tpu.memory_space<vmem>>)
      %dma_wait3A_211 = arith.constant 1 : i32
      %dma_wait3A_212 = arith.constant 0 : i32
      %dma_wait3A_213 = arith.constant 0 : i32
      %dma_wait3A_214 = arith.constant 0 : i32
      %dma_wait3A_215 = tpu.memref_slice %arg16[%dma_wait3A_212, %dma_wait3A_213, %dma_wait3A_214] : memref<4x64x64xi32, #tpu.memory_space<vmem>> -> memref<1x64x64xi32, #tpu.memory_space<vmem>>
      %dma_wait3A_216 = tpu.memref_squeeze %dma_wait3A_215 : memref<1x64x64xi32, #tpu.memory_space<vmem>> -> memref<64x64xi32, #tpu.memory_space<vmem>>
      %dma_wait3A_217 = arith.constant 0 : i32
      %dma_wait3A_218 = tpu.memref_slice %arg8[%dma_wait3A_211, %dma_wait3A_217] : memref<5x64xi32, #tpu.memory_space<vmem>> -> memref<1x64xi32, #tpu.memory_space<vmem>>
      %dma_wait3A_219 = tpu.memref_squeeze %dma_wait3A_218 : memref<1x64xi32, #tpu.memory_space<vmem>> -> memref<64xi32, #tpu.memory_space<vmem>>
      %dma_wait3A_220 = arith.constant 0 : i32
      %dma_wait3A_221 = arith.constant 0 : i32
      %dma_wait3A_222 = tpu.memref_slice %arg4[%dma_wait3A_220, %dma_wait3A_221] : memref<1000x64xi32, #tpu.memory_space<hbm>> -> memref<1000x64xi32, #tpu.memory_space<hbm>>
      tpu.wait_indirect_dma semaphore(%arg20 : memref<!tpu.dma_semaphore, #tpu.memory_space<semaphore_mem>>) src(%dma_wait3A_222 : memref<1000x64xi32, #tpu.memory_space<hbm>>) dst(%dma_wait3A_216 : memref<64x64xi32, #tpu.memory_space<vmem>>)
      %dma_wait3A_223 = arith.constant 2 : i32
      %dma_wait3A_224 = arith.constant 1 : i32
      %dma_wait3A_225 = arith.constant 0 : i32
      %dma_wait3A_226 = arith.constant 0 : i32
      %dma_wait3A_227 = tpu.memref_slice %arg16[%dma_wait3A_224, %dma_wait3A_225, %dma_wait3A_226] : memref<4x64x64xi32, #tpu.memory_space<vmem>> -> memref<1x64x64xi32, #tpu.memory_space<vmem>>
      %dma_wait3A_228 = tpu.memref_squeeze %dma_wait3A_227 : memref<1x64x64xi32, #tpu.memory_space<vmem>> -> memref<64x64xi32, #tpu.memory_space<vmem>>
      %dma_wait3A_229 = arith.constant 0 : i32
      %dma_wait3A_230 = tpu.memref_slice %arg8[%dma_wait3A_223, %dma_wait3A_229] : memref<5x64xi32, #tpu.memory_space<vmem>> -> memref<1x64xi32, #tpu.memory_space<vmem>>
      %dma_wait3A_231 = tpu.memref_squeeze %dma_wait3A_230 : memref<1x64xi32, #tpu.memory_space<vmem>> -> memref<64xi32, #tpu.memory_space<vmem>>
      %dma_wait3A_232 = arith.constant 0 : i32
      %dma_wait3A_233 = arith.constant 0 : i32
      %dma_wait3A_234 = tpu.memref_slice %arg4[%dma_wait3A_232, %dma_wait3A_233] : memref<1000x64xi32, #tpu.memory_space<hbm>> -> memref<1000x64xi32, #tpu.memory_space<hbm>>
      tpu.wait_indirect_dma semaphore(%arg20 : memref<!tpu.dma_semaphore, #tpu.memory_space<semaphore_mem>>) src(%dma_wait3A_234 : memref<1000x64xi32, #tpu.memory_space<hbm>>) dst(%dma_wait3A_228 : memref<64x64xi32, #tpu.memory_space<vmem>>)
      %dma_wait3A_235 = arith.constant 3 : i32
      %dma_wait3A_236 = arith.constant 2 : i32
      %dma_wait3A_237 = arith.constant 0 : i32
      %dma_wait3A_238 = arith.constant 0 : i32
      %dma_wait3A_239 = tpu.memref_slice %arg16[%dma_wait3A_236, %dma_wait3A_237, %dma_wait3A_238] : memref<4x64x64xi32, #tpu.memory_space<vmem>> -> memref<1x64x64xi32, #tpu.memory_space<vmem>>
      %dma_wait3A_240 = tpu.memref_squeeze %dma_wait3A_239 : memref<1x64x64xi32, #tpu.memory_space<vmem>> -> memref<64x64xi32, #tpu.memory_space<vmem>>
      %dma_wait3A_241 = arith.constant 0 : i32
      %dma_wait3A_242 = tpu.memref_slice %arg8[%dma_wait3A_235, %dma_wait3A_241] : memref<5x64xi32, #tpu.memory_space<vmem>> -> memref<1x64xi32, #tpu.memory_space<vmem>>
      %dma_wait3A_243 = tpu.memref_squeeze %dma_wait3A_242 : memref<1x64xi32, #tpu.memory_space<vmem>> -> memref<64xi32, #tpu.memory_space<vmem>>
      %dma_wait3A_244 = arith.constant 0 : i32
      %dma_wait3A_245 = arith.constant 0 : i32
      %dma_wait3A_246 = tpu.memref_slice %arg4[%dma_wait3A_244, %dma_wait3A_245] : memref<1000x64xi32, #tpu.memory_space<hbm>> -> memref<1000x64xi32, #tpu.memory_space<hbm>>
      tpu.wait_indirect_dma semaphore(%arg20 : memref<!tpu.dma_semaphore, #tpu.memory_space<semaphore_mem>>) src(%dma_wait3A_246 : memref<1000x64xi32, #tpu.memory_space<hbm>>) dst(%dma_wait3A_240 : memref<64x64xi32, #tpu.memory_space<vmem>>)
      %dma_wait3A_247 = arith.constant 4 : i32
      %dma_wait3A_248 = arith.constant 3 : i32
      %dma_wait3A_249 = arith.constant 0 : i32
      %dma_wait3A_250 = arith.constant 0 : i32
      %dma_wait3A_251 = tpu.memref_slice %arg16[%dma_wait3A_248, %dma_wait3A_249, %dma_wait3A_250] : memref<4x64x64xi32, #tpu.memory_space<vmem>> -> memref<1x64x64xi32, #tpu.memory_space<vmem>>
      %dma_wait3A_252 = tpu.memref_squeeze %dma_wait3A_251 : memref<1x64x64xi32, #tpu.memory_space<vmem>> -> memref<64x64xi32, #tpu.memory_space<vmem>>
      %dma_wait3A_253 = arith.constant 0 : i32
      %dma_wait3A_254 = tpu.memref_slice %arg8[%dma_wait3A_247, %dma_wait3A_253] : memref<5x64xi32, #tpu.memory_space<vmem>> -> memref<1x64xi32, #tpu.memory_space<vmem>>
      %dma_wait3A_255 = tpu.memref_squeeze %dma_wait3A_254 : memref<1x64xi32, #tpu.memory_space<vmem>> -> memref<64xi32, #tpu.memory_space<vmem>>
      %dma_wait3A_256 = arith.constant 0 : i32
      %dma_wait3A_257 = arith.constant 0 : i32
      %dma_wait3A_258 = tpu.memref_slice %arg4[%dma_wait3A_256, %dma_wait3A_257] : memref<1000x64xi32, #tpu.memory_space<hbm>> -> memref<1000x64xi32, #tpu.memory_space<hbm>>
      tpu.wait_indirect_dma semaphore(%arg20 : memref<!tpu.dma_semaphore, #tpu.memory_space<semaphore_mem>>) src(%dma_wait3A_258 : memref<1000x64xi32, #tpu.memory_space<hbm>>) dst(%dma_wait3A_252 : memref<64x64xi32, #tpu.memory_space<vmem>>)
      %mul3A_259 = arith.constant 64 : i32
      %mul3A_260 = arith.muli %add3A_198, %mul3A_259 : i32
      %rem3A = arith.constant 200 : i32
      %rem3A_261 = arith.remsi %mul3A_260, %rem3A : i32
      %scan3A_262 = arith.constant 0 : i32
      %scan3A_263 = arith.constant 0 : i32
      %scan3A_264 = arith.constant 32 : i32
      %scan3A_265 = arith.addi %scan3A_263, %scan3A_264 : i32
      %scan3A_266 = arith.constant 1 : i32
      %scan3A_267 = scf.for %scan3A_667 = %scan3A_263 to %scan3A_265 step %scan3A_266 iter_args(%scan3A_668 = %scan3A_262) -> (i32)  : i32 {
        %mul3A_669 = arith.constant 2 : i32
        %mul3A_670 = arith.muli %mul3A_669, %scan3A_667 : i32
        %add3A_671 = arith.addi %rem3A_261, %mul3A_670 : i32
        %ge3A = arith.constant 200 : i32
        %ge3A_672 = arith.cmpi sge, %add3A_671, %ge3A : i32
        %sub3A = arith.constant 200 : i32
        %sub3A_673 = arith.subi %add3A_671, %sub3A : i32
        %select_n3A = arith.select %ge3A_672, %sub3A_673, %add3A_671 : i32
        %get3A = arith.constant 0 : i32
        %get3A_674 = arith.index_cast %get3A : i32 to index
        %get3A_675 = arith.index_cast %mul3A_670 : i32 to index
        %get3A_676 = arith.constant 0 : index
        %get3A_677 = tpu.vector_load %arg16[%get3A_674, %get3A_675, %get3A_676] {strides = array<i32>} : memref<4x64x64xi32, #tpu.memory_space<vmem>>, vector<1x1x16xi32>,
        %get3A_678 = vector.shape_cast %get3A_677 : vector<1x1x16xi32> to vector<16xi32>
        %shift_left3A = arith.constant 16 : i32
        %shift_left3A_679 = vector.broadcast %shift_left3A : i32 to vector<16xi32>
        %shift_left3A_680 = arith.shli %get3A_678, %shift_left3A_679 : vector<16xi32>
        %bitcast_convert_type3A = tpu.bitcast %shift_left3A_680 : vector<16xi32> -> vector<16xf32>
        %and3A = arith.constant -65536 : i32
        %and3A_681 = vector.broadcast %and3A : i32 to vector<16xi32>
        %and3A_682 = arith.andi %get3A_678, %and3A_681 : vector<16xi32>
        %bitcast_convert_type3A_683 = tpu.bitcast %and3A_682 : vector<16xi32> -> vector<16xf32>
        %get3A_684 = arith.constant 1 : i32
        %get3A_685 = arith.index_cast %get3A_684 : i32 to index
        %get3A_686 = arith.index_cast %mul3A_670 : i32 to index
        %get3A_687 = arith.constant 0 : index
        %get3A_688 = tpu.vector_load %arg16[%get3A_685, %get3A_686, %get3A_687] {strides = array<i32>} : memref<4x64x64xi32, #tpu.memory_space<vmem>>, vector<1x1x16xi32>,
        %get3A_689 = vector.shape_cast %get3A_688 : vector<1x1x16xi32> to vector<16xi32>
        %shift_left3A_690 = arith.constant 16 : i32
        %shift_left3A_691 = vector.broadcast %shift_left3A_690 : i32 to vector<16xi32>
        %shift_left3A_692 = arith.shli %get3A_689, %shift_left3A_691 : vector<16xi32>
        %bitcast_convert_type3A_693 = tpu.bitcast %shift_left3A_692 : vector<16xi32> -> vector<16xf32>
        %and3A_694 = arith.constant -65536 : i32
        %and3A_695 = vector.broadcast %and3A_694 : i32 to vector<16xi32>
        %and3A_696 = arith.andi %get3A_689, %and3A_695 : vector<16xi32>
        %bitcast_convert_type3A_697 = tpu.bitcast %and3A_696 : vector<16xi32> -> vector<16xf32>
        %add3A_698 = arith.addf %bitcast_convert_type3A, %bitcast_convert_type3A_693 : vector<16xf32>
        %add3A_699 = arith.addf %bitcast_convert_type3A_683, %bitcast_convert_type3A_697 : vector<16xf32>
        %get3A_700 = arith.constant 2 : i32
        %get3A_701 = arith.index_cast %get3A_700 : i32 to index
        %get3A_702 = arith.index_cast %mul3A_670 : i32 to index
        %get3A_703 = arith.constant 0 : index
        %get3A_704 = tpu.vector_load %arg16[%get3A_701, %get3A_702, %get3A_703] {strides = array<i32>} : memref<4x64x64xi32, #tpu.memory_space<vmem>>, vector<1x1x16xi32>,
        %get3A_705 = vector.shape_cast %get3A_704 : vector<1x1x16xi32> to vector<16xi32>
        %shift_left3A_706 = arith.constant 16 : i32
        %shift_left3A_707 = vector.broadcast %shift_left3A_706 : i32 to vector<16xi32>
        %shift_left3A_708 = arith.shli %get3A_705, %shift_left3A_707 : vector<16xi32>
        %bitcast_convert_type3A_709 = tpu.bitcast %shift_left3A_708 : vector<16xi32> -> vector<16xf32>
        %and3A_710 = arith.constant -65536 : i32
        %and3A_711 = vector.broadcast %and3A_710 : i32 to vector<16xi32>
        %and3A_712 = arith.andi %get3A_705, %and3A_711 : vector<16xi32>
        %bitcast_convert_type3A_713 = tpu.bitcast %and3A_712 : vector<16xi32> -> vector<16xf32>
        %add3A_714 = arith.addf %add3A_698, %bitcast_convert_type3A_709 : vector<16xf32>
        %add3A_715 = arith.addf %add3A_699, %bitcast_convert_type3A_713 : vector<16xf32>
        %get3A_716 = arith.constant 3 : i32
        %get3A_717 = arith.index_cast %get3A_716 : i32 to index
        %get3A_718 = arith.index_cast %mul3A_670 : i32 to index
        %get3A_719 = arith.constant 0 : index
        %get3A_720 = tpu.vector_load %arg16[%get3A_717, %get3A_718, %get3A_719] {strides = array<i32>} : memref<4x64x64xi32, #tpu.memory_space<vmem>>, vector<1x1x16xi32>,
        %get3A_721 = vector.shape_cast %get3A_720 : vector<1x1x16xi32> to vector<16xi32>
        %shift_left3A_722 = arith.constant 16 : i32
        %shift_left3A_723 = vector.broadcast %shift_left3A_722 : i32 to vector<16xi32>
        %shift_left3A_724 = arith.shli %get3A_721, %shift_left3A_723 : vector<16xi32>
        %bitcast_convert_type3A_725 = tpu.bitcast %shift_left3A_724 : vector<16xi32> -> vector<16xf32>
        %and3A_726 = arith.constant -65536 : i32
        %and3A_727 = vector.broadcast %and3A_726 : i32 to vector<16xi32>
        %and3A_728 = arith.andi %get3A_721, %and3A_727 : vector<16xi32>
        %bitcast_convert_type3A_729 = tpu.bitcast %and3A_728 : vector<16xi32> -> vector<16xf32>
        %add3A_730 = arith.addf %add3A_714, %bitcast_convert_type3A_725 : vector<16xf32>
        %add3A_731 = arith.addf %add3A_715, %bitcast_convert_type3A_729 : vector<16xf32>
        %get3A_732 = arith.index_cast %select_n3A : i32 to index
        %get3A_733 = arith.constant 0 : index
        %get3A_734 = tpu.vector_load %arg7[%get3A_732, %get3A_733] {strides = array<i32>} : memref<200x64xi32, #tpu.memory_space<vmem>>, vector<1x16xi32>,
        %get3A_735 = vector.shape_cast %get3A_734 : vector<1x16xi32> to vector<16xi32>
        %shift_left3A_736 = arith.constant 16 : i32
        %shift_left3A_737 = vector.broadcast %shift_left3A_736 : i32 to vector<16xi32>
        %shift_left3A_738 = arith.shli %get3A_735, %shift_left3A_737 : vector<16xi32>
        %bitcast_convert_type3A_739 = tpu.bitcast %shift_left3A_738 : vector<16xi32> -> vector<16xf32>
        %and3A_740 = arith.constant -65536 : i32
        %and3A_741 = vector.broadcast %and3A_740 : i32 to vector<16xi32>
        %and3A_742 = arith.andi %get3A_735, %and3A_741 : vector<16xi32>
        %bitcast_convert_type3A_743 = tpu.bitcast %and3A_742 : vector<16xi32> -> vector<16xf32>
        %add3A_744 = arith.addf %add3A_730, %bitcast_convert_type3A_739 : vector<16xf32>
        %add3A_745 = arith.addf %add3A_731, %bitcast_convert_type3A_743 : vector<16xf32>
        %swap3A = arith.index_cast %mul3A_670 : i32 to index
        %swap3A_746 = arith.constant 0 : index
        %swap3A_747 = tpu.vector_load %arg12[%swap3A, %swap3A_746] {strides = array<i32>} : memref<64x128xf32, #tpu.memory_space<vmem>>, vector<1x16xf32>,
        %swap3A_748 = vector.shape_cast %swap3A_747 : vector<1x16xf32> to vector<16xf32>
        %swap3A_749 = vector.shape_cast %add3A_744 : vector<16xf32> to vector<1x16xf32>
        tpu.vector_store %arg12[%swap3A, %swap3A_746], %swap3A_749 {add = true, strides = array<i32>} : memref<64x128xf32, #tpu.memory_space<vmem>>, vector<1x16xf32>,
        %swap3A_750 = arith.index_cast %mul3A_670 : i32 to index
        %swap3A_751 = arith.constant 16 : index
        %swap3A_752 = tpu.vector_load %arg12[%swap3A_750, %swap3A_751] {strides = array<i32>} : memref<64x128xf32, #tpu.memory_space<vmem>>, vector<1x16xf32>,
        %swap3A_753 = vector.shape_cast %swap3A_752 : vector<1x16xf32> to vector<16xf32>
        %swap3A_754 = vector.shape_cast %add3A_745 : vector<16xf32> to vector<1x16xf32>
        tpu.vector_store %arg12[%swap3A_750, %swap3A_751], %swap3A_754 {add = true, strides = array<i32>} : memref<64x128xf32, #tpu.memory_space<vmem>>, vector<1x16xf32>,
        %get3A_755 = arith.constant 0 : i32
        %get3A_756 = arith.index_cast %get3A_755 : i32 to index
        %get3A_757 = arith.index_cast %mul3A_670 : i32 to index
        %get3A_758 = arith.constant 16 : index
        %get3A_759 = tpu.vector_load %arg16[%get3A_756, %get3A_757, %get3A_758] {strides = array<i32>} : memref<4x64x64xi32, #tpu.memory_space<vmem>>, vector<1x1x16xi32>,
        %get3A_760 = vector.shape_cast %get3A_759 : vector<1x1x16xi32> to vector<16xi32>
        %shift_left3A_761 = arith.constant 16 : i32
        %shift_left3A_762 = vector.broadcast %shift_left3A_761 : i32 to vector<16xi32>
        %shift_left3A_763 = arith.shli %get3A_760, %shift_left3A_762 : vector<16xi32>
        %bitcast_convert_type3A_764 = tpu.bitcast %shift_left3A_763 : vector<16xi32> -> vector<16xf32>
        %and3A_765 = arith.constant -65536 : i32
        %and3A_766 = vector.broadcast %and3A_765 : i32 to vector<16xi32>
        %and3A_767 = arith.andi %get3A_760, %and3A_766 : vector<16xi32>
        %bitcast_convert_type3A_768 = tpu.bitcast %and3A_767 : vector<16xi32> -> vector<16xf32>
        %get3A_769 = arith.constant 1 : i32
        %get3A_770 = arith.index_cast %get3A_769 : i32 to index
        %get3A_771 = arith.index_cast %mul3A_670 : i32 to index
        %get3A_772 = arith.constant 16 : index
        %get3A_773 = tpu.vector_load %arg16[%get3A_770, %get3A_771, %get3A_772] {strides = array<i32>} : memref<4x64x64xi32, #tpu.memory_space<vmem>>, vector<1x1x16xi32>,
        %get3A_774 = vector.shape_cast %get3A_773 : vector<1x1x16xi32> to vector<16xi32>
        %shift_left3A_775 = arith.constant 16 : i32
        %shift_left3A_776 = vector.broadcast %shift_left3A_775 : i32 to vector<16xi32>
        %shift_left3A_777 = arith.shli %get3A_774, %shift_left3A_776 : vector<16xi32>
        %bitcast_convert_type3A_778 = tpu.bitcast %shift_left3A_777 : vector<16xi32> -> vector<16xf32>
        %and3A_779 = arith.constant -65536 : i32
        %and3A_780 = vector.broadcast %and3A_779 : i32 to vector<16xi32>
        %and3A_781 = arith.andi %get3A_774, %and3A_780 : vector<16xi32>
        %bitcast_convert_type3A_782 = tpu.bitcast %and3A_781 : vector<16xi32> -> vector<16xf32>
        %add3A_783 = arith.addf %bitcast_convert_type3A_764, %bitcast_convert_type3A_778 : vector<16xf32>
        %add3A_784 = arith.addf %bitcast_convert_type3A_768, %bitcast_convert_type3A_782 : vector<16xf32>
        %get3A_785 = arith.constant 2 : i32
        %get3A_786 = arith.index_cast %get3A_785 : i32 to index
        %get3A_787 = arith.index_cast %mul3A_670 : i32 to index
        %get3A_788 = arith.constant 16 : index
        %get3A_789 = tpu.vector_load %arg16[%get3A_786, %get3A_787, %get3A_788] {strides = array<i32>} : memref<4x64x64xi32, #tpu.memory_space<vmem>>, vector<1x1x16xi32>,
        %get3A_790 = vector.shape_cast %get3A_789 : vector<1x1x16xi32> to vector<16xi32>
        %shift_left3A_791 = arith.constant 16 : i32
        %shift_left3A_792 = vector.broadcast %shift_left3A_791 : i32 to vector<16xi32>
        %shift_left3A_793 = arith.shli %get3A_790, %shift_left3A_792 : vector<16xi32>
        %bitcast_convert_type3A_794 = tpu.bitcast %shift_left3A_793 : vector<16xi32> -> vector<16xf32>
        %and3A_795 = arith.constant -65536 : i32
        %and3A_796 = vector.broadcast %and3A_795 : i32 to vector<16xi32>
        %and3A_797 = arith.andi %get3A_790, %and3A_796 : vector<16xi32>
        %bitcast_convert_type3A_798 = tpu.bitcast %and3A_797 : vector<16xi32> -> vector<16xf32>
        %add3A_799 = arith.addf %add3A_783, %bitcast_convert_type3A_794 : vector<16xf32>
        %add3A_800 = arith.addf %add3A_784, %bitcast_convert_type3A_798 : vector<16xf32>
        %get3A_801 = arith.constant 3 : i32
        %get3A_802 = arith.index_cast %get3A_801 : i32 to index
        %get3A_803 = arith.index_cast %mul3A_670 : i32 to index
        %get3A_804 = arith.constant 16 : index
        %get3A_805 = tpu.vector_load %arg16[%get3A_802, %get3A_803, %get3A_804] {strides = array<i32>} : memref<4x64x64xi32, #tpu.memory_space<vmem>>, vector<1x1x16xi32>,
        %get3A_806 = vector.shape_cast %get3A_805 : vector<1x1x16xi32> to vector<16xi32>
        %shift_left3A_807 = arith.constant 16 : i32
        %shift_left3A_808 = vector.broadcast %shift_left3A_807 : i32 to vector<16xi32>
        %shift_left3A_809 = arith.shli %get3A_806, %shift_left3A_808 : vector<16xi32>
        %bitcast_convert_type3A_810 = tpu.bitcast %shift_left3A_809 : vector<16xi32> -> vector<16xf32>
        %and3A_811 = arith.constant -65536 : i32
        %and3A_812 = vector.broadcast %and3A_811 : i32 to vector<16xi32>
        %and3A_813 = arith.andi %get3A_806, %and3A_812 : vector<16xi32>
        %bitcast_convert_type3A_814 = tpu.bitcast %and3A_813 : vector<16xi32> -> vector<16xf32>
        %add3A_815 = arith.addf %add3A_799, %bitcast_convert_type3A_810 : vector<16xf32>
        %add3A_816 = arith.addf %add3A_800, %bitcast_convert_type3A_814 : vector<16xf32>
        %get3A_817 = arith.index_cast %select_n3A : i32 to index
        %get3A_818 = arith.constant 16 : index
        %get3A_819 = tpu.vector_load %arg7[%get3A_817, %get3A_818] {strides = array<i32>} : memref<200x64xi32, #tpu.memory_space<vmem>>, vector<1x16xi32>,
        %get3A_820 = vector.shape_cast %get3A_819 : vector<1x16xi32> to vector<16xi32>
        %shift_left3A_821 = arith.constant 16 : i32
        %shift_left3A_822 = vector.broadcast %shift_left3A_821 : i32 to vector<16xi32>
        %shift_left3A_823 = arith.shli %get3A_820, %shift_left3A_822 : vector<16xi32>
        %bitcast_convert_type3A_824 = tpu.bitcast %shift_left3A_823 : vector<16xi32> -> vector<16xf32>
        %and3A_825 = arith.constant -65536 : i32
        %and3A_826 = vector.broadcast %and3A_825 : i32 to vector<16xi32>
        %and3A_827 = arith.andi %get3A_820, %and3A_826 : vector<16xi32>
        %bitcast_convert_type3A_828 = tpu.bitcast %and3A_827 : vector<16xi32> -> vector<16xf32>
        %add3A_829 = arith.addf %add3A_815, %bitcast_convert_type3A_824 : vector<16xf32>
        %add3A_830 = arith.addf %add3A_816, %bitcast_convert_type3A_828 : vector<16xf32>
        %swap3A_831 = arith.index_cast %mul3A_670 : i32 to index
        %swap3A_832 = arith.constant 32 : index
        %swap3A_833 = tpu.vector_load %arg12[%swap3A_831, %swap3A_832] {strides = array<i32>} : memref<64x128xf32, #tpu.memory_space<vmem>>, vector<1x16xf32>,
        %swap3A_834 = vector.shape_cast %swap3A_833 : vector<1x16xf32> to vector<16xf32>
        %swap3A_835 = vector.shape_cast %add3A_829 : vector<16xf32> to vector<1x16xf32>
        tpu.vector_store %arg12[%swap3A_831, %swap3A_832], %swap3A_835 {add = true, strides = array<i32>} : memref<64x128xf32, #tpu.memory_space<vmem>>, vector<1x16xf32>,
        %swap3A_836 = arith.index_cast %mul3A_670 : i32 to index
        %swap3A_837 = arith.constant 48 : index
        %swap3A_838 = tpu.vector_load %arg12[%swap3A_836, %swap3A_837] {strides = array<i32>} : memref<64x128xf32, #tpu.memory_space<vmem>>, vector<1x16xf32>,
        %swap3A_839 = vector.shape_cast %swap3A_838 : vector<1x16xf32> to vector<16xf32>
        %swap3A_840 = vector.shape_cast %add3A_830 : vector<16xf32> to vector<1x16xf32>
        tpu.vector_store %arg12[%swap3A_836, %swap3A_837], %swap3A_840 {add = true, strides = array<i32>} : memref<64x128xf32, #tpu.memory_space<vmem>>, vector<1x16xf32>,
        %get3A_841 = arith.constant 0 : i32
        %get3A_842 = arith.index_cast %get3A_841 : i32 to index
        %get3A_843 = arith.index_cast %mul3A_670 : i32 to index
        %get3A_844 = arith.constant 32 : index
        %get3A_845 = tpu.vector_load %arg16[%get3A_842, %get3A_843, %get3A_844] {strides = array<i32>} : memref<4x64x64xi32, #tpu.memory_space<vmem>>, vector<1x1x16xi32>,
        %get3A_846 = vector.shape_cast %get3A_845 : vector<1x1x16xi32> to vector<16xi32>
        %shift_left3A_847 = arith.constant 16 : i32
        %shift_left3A_848 = vector.broadcast %shift_left3A_847 : i32 to vector<16xi32>
        %shift_left3A_849 = arith.shli %get3A_846, %shift_left3A_848 : vector<16xi32>
        %bitcast_convert_type3A_850 = tpu.bitcast %shift_left3A_849 : vector<16xi32> -> vector<16xf32>
        %and3A_851 = arith.constant -65536 : i32
        %and3A_852 = vector.broadcast %and3A_851 : i32 to vector<16xi32>
        %and3A_853 = arith.andi %get3A_846, %and3A_852 : vector<16xi32>
        %bitcast_convert_type3A_854 = tpu.bitcast %and3A_853 : vector<16xi32> -> vector<16xf32>
        %get3A_855 = arith.constant 1 : i32
        %get3A_856 = arith.index_cast %get3A_855 : i32 to index
        %get3A_857 = arith.index_cast %mul3A_670 : i32 to index
        %get3A_858 = arith.constant 32 : index
        %get3A_859 = tpu.vector_load %arg16[%get3A_856, %get3A_857, %get3A_858] {strides = array<i32>} : memref<4x64x64xi32, #tpu.memory_space<vmem>>, vector<1x1x16xi32>,
        %get3A_860 = vector.shape_cast %get3A_859 : vector<1x1x16xi32> to vector<16xi32>
        %shift_left3A_861 = arith.constant 16 : i32
        %shift_left3A_862 = vector.broadcast %shift_left3A_861 : i32 to vector<16xi32>
        %shift_left3A_863 = arith.shli %get3A_860, %shift_left3A_862 : vector<16xi32>
        %bitcast_convert_type3A_864 = tpu.bitcast %shift_left3A_863 : vector<16xi32> -> vector<16xf32>
        %and3A_865 = arith.constant -65536 : i32
        %and3A_866 = vector.broadcast %and3A_865 : i32 to vector<16xi32>
        %and3A_867 = arith.andi %get3A_860, %and3A_866 : vector<16xi32>
        %bitcast_convert_type3A_868 = tpu.bitcast %and3A_867 : vector<16xi32> -> vector<16xf32>
        %add3A_869 = arith.addf %bitcast_convert_type3A_850, %bitcast_convert_type3A_864 : vector<16xf32>
        %add3A_870 = arith.addf %bitcast_convert_type3A_854, %bitcast_convert_type3A_868 : vector<16xf32>
        %get3A_871 = arith.constant 2 : i32
        %get3A_872 = arith.index_cast %get3A_871 : i32 to index
        %get3A_873 = arith.index_cast %mul3A_670 : i32 to index
        %get3A_874 = arith.constant 32 : index
        %get3A_875 = tpu.vector_load %arg16[%get3A_872, %get3A_873, %get3A_874] {strides = array<i32>} : memref<4x64x64xi32, #tpu.memory_space<vmem>>, vector<1x1x16xi32>,
        %get3A_876 = vector.shape_cast %get3A_875 : vector<1x1x16xi32> to vector<16xi32>
        %shift_left3A_877 = arith.constant 16 : i32
        %shift_left3A_878 = vector.broadcast %shift_left3A_877 : i32 to vector<16xi32>
        %shift_left3A_879 = arith.shli %get3A_876, %shift_left3A_878 : vector<16xi32>
        %bitcast_convert_type3A_880 = tpu.bitcast %shift_left3A_879 : vector<16xi32> -> vector<16xf32>
        %and3A_881 = arith.constant -65536 : i32
        %and3A_882 = vector.broadcast %and3A_881 : i32 to vector<16xi32>
        %and3A_883 = arith.andi %get3A_876, %and3A_882 : vector<16xi32>
        %bitcast_convert_type3A_884 = tpu.bitcast %and3A_883 : vector<16xi32> -> vector<16xf32>
        %add3A_885 = arith.addf %add3A_869, %bitcast_convert_type3A_880 : vector<16xf32>
        %add3A_886 = arith.addf %add3A_870, %bitcast_convert_type3A_884 : vector<16xf32>
        %get3A_887 = arith.constant 3 : i32
        %get3A_888 = arith.index_cast %get3A_887 : i32 to index
        %get3A_889 = arith.index_cast %mul3A_670 : i32 to index
        %get3A_890 = arith.constant 32 : index
        %get3A_891 = tpu.vector_load %arg16[%get3A_888, %get3A_889, %get3A_890] {strides = array<i32>} : memref<4x64x64xi32, #tpu.memory_space<vmem>>, vector<1x1x16xi32>,
        %get3A_892 = vector.shape_cast %get3A_891 : vector<1x1x16xi32> to vector<16xi32>
        %shift_left3A_893 = arith.constant 16 : i32
        %shift_left3A_894 = vector.broadcast %shift_left3A_893 : i32 to vector<16xi32>
        %shift_left3A_895 = arith.shli %get3A_892, %shift_left3A_894 : vector<16xi32>
        %bitcast_convert_type3A_896 = tpu.bitcast %shift_left3A_895 : vector<16xi32> -> vector<16xf32>
        %and3A_897 = arith.constant -65536 : i32
        %and3A_898 = vector.broadcast %and3A_897 : i32 to vector<16xi32>
        %and3A_899 = arith.andi %get3A_892, %and3A_898 : vector<16xi32>
        %bitcast_convert_type3A_900 = tpu.bitcast %and3A_899 : vector<16xi32> -> vector<16xf32>
        %add3A_901 = arith.addf %add3A_885, %bitcast_convert_type3A_896 : vector<16xf32>
        %add3A_902 = arith.addf %add3A_886, %bitcast_convert_type3A_900 : vector<16xf32>
        %get3A_903 = arith.index_cast %select_n3A : i32 to index
        %get3A_904 = arith.constant 32 : index
        %get3A_905 = tpu.vector_load %arg7[%get3A_903, %get3A_904] {strides = array<i32>} : memref<200x64xi32, #tpu.memory_space<vmem>>, vector<1x16xi32>,
        %get3A_906 = vector.shape_cast %get3A_905 : vector<1x16xi32> to vector<16xi32>
        %shift_left3A_907 = arith.constant 16 : i32
        %shift_left3A_908 = vector.broadcast %shift_left3A_907 : i32 to vector<16xi32>
        %shift_left3A_909 = arith.shli %get3A_906, %shift_left3A_908 : vector<16xi32>
        %bitcast_convert_type3A_910 = tpu.bitcast %shift_left3A_909 : vector<16xi32> -> vector<16xf32>
        %and3A_911 = arith.constant -65536 : i32
        %and3A_912 = vector.broadcast %and3A_911 : i32 to vector<16xi32>
        %and3A_913 = arith.andi %get3A_906, %and3A_912 : vector<16xi32>
        %bitcast_convert_type3A_914 = tpu.bitcast %and3A_913 : vector<16xi32> -> vector<16xf32>
        %add3A_915 = arith.addf %add3A_901, %bitcast_convert_type3A_910 : vector<16xf32>
        %add3A_916 = arith.addf %add3A_902, %bitcast_convert_type3A_914 : vector<16xf32>
        %swap3A_917 = arith.index_cast %mul3A_670 : i32 to index
        %swap3A_918 = arith.constant 64 : index
        %swap3A_919 = tpu.vector_load %arg12[%swap3A_917, %swap3A_918] {strides = array<i32>} : memref<64x128xf32, #tpu.memory_space<vmem>>, vector<1x16xf32>,
        %swap3A_920 = vector.shape_cast %swap3A_919 : vector<1x16xf32> to vector<16xf32>
        %swap3A_921 = vector.shape_cast %add3A_915 : vector<16xf32> to vector<1x16xf32>
        tpu.vector_store %arg12[%swap3A_917, %swap3A_918], %swap3A_921 {add = true, strides = array<i32>} : memref<64x128xf32, #tpu.memory_space<vmem>>, vector<1x16xf32>,
        %swap3A_922 = arith.index_cast %mul3A_670 : i32 to index
        %swap3A_923 = arith.constant 80 : index
        %swap3A_924 = tpu.vector_load %arg12[%swap3A_922, %swap3A_923] {strides = array<i32>} : memref<64x128xf32, #tpu.memory_space<vmem>>, vector<1x16xf32>,
        %swap3A_925 = vector.shape_cast %swap3A_924 : vector<1x16xf32> to vector<16xf32>
        %swap3A_926 = vector.shape_cast %add3A_916 : vector<16xf32> to vector<1x16xf32>
        tpu.vector_store %arg12[%swap3A_922, %swap3A_923], %swap3A_926 {add = true, strides = array<i32>} : memref<64x128xf32, #tpu.memory_space<vmem>>, vector<1x16xf32>,
        %get3A_927 = arith.constant 0 : i32
        %get3A_928 = arith.index_cast %get3A_927 : i32 to index
        %get3A_929 = arith.index_cast %mul3A_670 : i32 to index
        %get3A_930 = arith.constant 48 : index
        %get3A_931 = tpu.vector_load %arg16[%get3A_928, %get3A_929, %get3A_930] {strides = array<i32>} : memref<4x64x64xi32, #tpu.memory_space<vmem>>, vector<1x1x16xi32>,
        %get3A_932 = vector.shape_cast %get3A_931 : vector<1x1x16xi32> to vector<16xi32>
        %shift_left3A_933 = arith.constant 16 : i32
        %shift_left3A_934 = vector.broadcast %shift_left3A_933 : i32 to vector<16xi32>
        %shift_left3A_935 = arith.shli %get3A_932, %shift_left3A_934 : vector<16xi32>
        %bitcast_convert_type3A_936 = tpu.bitcast %shift_left3A_935 : vector<16xi32> -> vector<16xf32>
        %and3A_937 = arith.constant -65536 : i32
        %and3A_938 = vector.broadcast %and3A_937 : i32 to vector<16xi32>
        %and3A_939 = arith.andi %get3A_932, %and3A_938 : vector<16xi32>
        %bitcast_convert_type3A_940 = tpu.bitcast %and3A_939 : vector<16xi32> -> vector<16xf32>
        %get3A_941 = arith.constant 1 : i32
        %get3A_942 = arith.index_cast %get3A_941 : i32 to index
        %get3A_943 = arith.index_cast %mul3A_670 : i32 to index
        %get3A_944 = arith.constant 48 : index
        %get3A_945 = tpu.vector_load %arg16[%get3A_942, %get3A_943, %get3A_944] {strides = array<i32>} : memref<4x64x64xi32, #tpu.memory_space<vmem>>, vector<1x1x16xi32>,
        %get3A_946 = vector.shape_cast %get3A_945 : vector<1x1x16xi32> to vector<16xi32>
        %shift_left3A_947 = arith.constant 16 : i32
        %shift_left3A_948 = vector.broadcast %shift_left3A_947 : i32 to vector<16xi32>
        %shift_left3A_949 = arith.shli %get3A_946, %shift_left3A_948 : vector<16xi32>
        %bitcast_convert_type3A_950 = tpu.bitcast %shift_left3A_949 : vector<16xi32> -> vector<16xf32>
        %and3A_951 = arith.constant -65536 : i32
        %and3A_952 = vector.broadcast %and3A_951 : i32 to vector<16xi32>
        %and3A_953 = arith.andi %get3A_946, %and3A_952 : vector<16xi32>
        %bitcast_convert_type3A_954 = tpu.bitcast %and3A_953 : vector<16xi32> -> vector<16xf32>
        %add3A_955 = arith.addf %bitcast_convert_type3A_936, %bitcast_convert_type3A_950 : vector<16xf32>
        %add3A_956 = arith.addf %bitcast_convert_type3A_940, %bitcast_convert_type3A_954 : vector<16xf32>
        %get3A_957 = arith.constant 2 : i32
        %get3A_958 = arith.index_cast %get3A_957 : i32 to index
        %get3A_959 = arith.index_cast %mul3A_670 : i32 to index
        %get3A_960 = arith.constant 48 : index
        %get3A_961 = tpu.vector_load %arg16[%get3A_958, %get3A_959, %get3A_960] {strides = array<i32>} : memref<4x64x64xi32, #tpu.memory_space<vmem>>, vector<1x1x16xi32>,
        %get3A_962 = vector.shape_cast %get3A_961 : vector<1x1x16xi32> to vector<16xi32>
        %shift_left3A_963 = arith.constant 16 : i32
        %shift_left3A_964 = vector.broadcast %shift_left3A_963 : i32 to vector<16xi32>
        %shift_left3A_965 = arith.shli %get3A_962, %shift_left3A_964 : vector<16xi32>
        %bitcast_convert_type3A_966 = tpu.bitcast %shift_left3A_965 : vector<16xi32> -> vector<16xf32>
        %and3A_967 = arith.constant -65536 : i32
        %and3A_968 = vector.broadcast %and3A_967 : i32 to vector<16xi32>
        %and3A_969 = arith.andi %get3A_962, %and3A_968 : vector<16xi32>
        %bitcast_convert_type3A_970 = tpu.bitcast %and3A_969 : vector<16xi32> -> vector<16xf32>
        %add3A_971 = arith.addf %add3A_955, %bitcast_convert_type3A_966 : vector<16xf32>
        %add3A_972 = arith.addf %add3A_956, %bitcast_convert_type3A_970 : vector<16xf32>
        %get3A_973 = arith.constant 3 : i32
        %get3A_974 = arith.index_cast %get3A_973 : i32 to index
        %get3A_975 = arith.index_cast %mul3A_670 : i32 to index
        %get3A_976 = arith.constant 48 : index
        %get3A_977 = tpu.vector_load %arg16[%get3A_974, %get3A_975, %get3A_976] {strides = array<i32>} : memref<4x64x64xi32, #tpu.memory_space<vmem>>, vector<1x1x16xi32>,
        %get3A_978 = vector.shape_cast %get3A_977 : vector<1x1x16xi32> to vector<16xi32>
        %shift_left3A_979 = arith.constant 16 : i32
        %shift_left3A_980 = vector.broadcast %shift_left3A_979 : i32 to vector<16xi32>
        %shift_left3A_981 = arith.shli %get3A_978, %shift_left3A_980 : vector<16xi32>
        %bitcast_convert_type3A_982 = tpu.bitcast %shift_left3A_981 : vector<16xi32> -> vector<16xf32>
        %and3A_983 = arith.constant -65536 : i32
        %and3A_984 = vector.broadcast %and3A_983 : i32 to vector<16xi32>
        %and3A_985 = arith.andi %get3A_978, %and3A_984 : vector<16xi32>
        %bitcast_convert_type3A_986 = tpu.bitcast %and3A_985 : vector<16xi32> -> vector<16xf32>
        %add3A_987 = arith.addf %add3A_971, %bitcast_convert_type3A_982 : vector<16xf32>
        %add3A_988 = arith.addf %add3A_972, %bitcast_convert_type3A_986 : vector<16xf32>
        %get3A_989 = arith.index_cast %select_n3A : i32 to index
        %get3A_990 = arith.constant 48 : index
        %get3A_991 = tpu.vector_load %arg7[%get3A_989, %get3A_990] {strides = array<i32>} : memref<200x64xi32, #tpu.memory_space<vmem>>, vector<1x16xi32>,
        %get3A_992 = vector.shape_cast %get3A_991 : vector<1x16xi32> to vector<16xi32>
        %shift_left3A_993 = arith.constant 16 : i32
        %shift_left3A_994 = vector.broadcast %shift_left3A_993 : i32 to vector<16xi32>
        %shift_left3A_995 = arith.shli %get3A_992, %shift_left3A_994 : vector<16xi32>
        %bitcast_convert_type3A_996 = tpu.bitcast %shift_left3A_995 : vector<16xi32> -> vector<16xf32>
        %and3A_997 = arith.constant -65536 : i32
        %and3A_998 = vector.broadcast %and3A_997 : i32 to vector<16xi32>
        %and3A_999 = arith.andi %get3A_992, %and3A_998 : vector<16xi32>
        %bitcast_convert_type3A_1000 = tpu.bitcast %and3A_999 : vector<16xi32> -> vector<16xf32>
        %add3A_1001 = arith.addf %add3A_987, %bitcast_convert_type3A_996 : vector<16xf32>
        %add3A_1002 = arith.addf %add3A_988, %bitcast_convert_type3A_1000 : vector<16xf32>
        %swap3A_1003 = arith.index_cast %mul3A_670 : i32 to index
        %swap3A_1004 = arith.constant 96 : index
        %swap3A_1005 = tpu.vector_load %arg12[%swap3A_1003, %swap3A_1004] {strides = array<i32>} : memref<64x128xf32, #tpu.memory_space<vmem>>, vector<1x16xf32>,
        %swap3A_1006 = vector.shape_cast %swap3A_1005 : vector<1x16xf32> to vector<16xf32>
        %swap3A_1007 = vector.shape_cast %add3A_1001 : vector<16xf32> to vector<1x16xf32>
        tpu.vector_store %arg12[%swap3A_1003, %swap3A_1004], %swap3A_1007 {add = true, strides = array<i32>} : memref<64x128xf32, #tpu.memory_space<vmem>>, vector<1x16xf32>,
        %swap3A_1008 = arith.index_cast %mul3A_670 : i32 to index
        %swap3A_1009 = arith.constant 112 : index
        %swap3A_1010 = tpu.vector_load %arg12[%swap3A_1008, %swap3A_1009] {strides = array<i32>} : memref<64x128xf32, #tpu.memory_space<vmem>>, vector<1x16xf32>,
        %swap3A_1011 = vector.shape_cast %swap3A_1010 : vector<1x16xf32> to vector<16xf32>
        %swap3A_1012 = vector.shape_cast %add3A_1002 : vector<16xf32> to vector<1x16xf32>
        tpu.vector_store %arg12[%swap3A_1008, %swap3A_1009], %swap3A_1012 {add = true, strides = array<i32>} : memref<64x128xf32, #tpu.memory_space<vmem>>, vector<1x16xf32>,
        %mul3A_1013 = arith.constant 2 : i32
        %mul3A_1014 = arith.muli %mul3A_1013, %scan3A_667 : i32
        %add3A_1015 = arith.constant 1 : i32
        %add3A_1016 = arith.addi %mul3A_1014, %add3A_1015 : i32
        %add3A_1017 = arith.addi %rem3A_261, %add3A_1016 : i32
        %ge3A_1018 = arith.constant 200 : i32
        %ge3A_1019 = arith.cmpi sge, %add3A_1017, %ge3A_1018 : i32
        %sub3A_1020 = arith.constant 200 : i32
        %sub3A_1021 = arith.subi %add3A_1017, %sub3A_1020 : i32
        %select_n3A_1022 = arith.select %ge3A_1019, %sub3A_1021, %add3A_1017 : i32
        %get3A_1023 = arith.constant 0 : i32
        %get3A_1024 = arith.index_cast %get3A_1023 : i32 to index
        %get3A_1025 = arith.index_cast %add3A_1016 : i32 to index
        %get3A_1026 = arith.constant 0 : index
        %get3A_1027 = tpu.vector_load %arg16[%get3A_1024, %get3A_1025, %get3A_1026] {strides = array<i32>} : memref<4x64x64xi32, #tpu.memory_space<vmem>>, vector<1x1x16xi32>,
        %get3A_1028 = vector.shape_cast %get3A_1027 : vector<1x1x16xi32> to vector<16xi32>
        %shift_left3A_1029 = arith.constant 16 : i32
        %shift_left3A_1030 = vector.broadcast %shift_left3A_1029 : i32 to vector<16xi32>
        %shift_left3A_1031 = arith.shli %get3A_1028, %shift_left3A_1030 : vector<16xi32>
        %bitcast_convert_type3A_1032 = tpu.bitcast %shift_left3A_1031 : vector<16xi32> -> vector<16xf32>
        %and3A_1033 = arith.constant -65536 : i32
        %and3A_1034 = vector.broadcast %and3A_1033 : i32 to vector<16xi32>
        %and3A_1035 = arith.andi %get3A_1028, %and3A_1034 : vector<16xi32>
        %bitcast_convert_type3A_1036 = tpu.bitcast %and3A_1035 : vector<16xi32> -> vector<16xf32>
        %get3A_1037 = arith.constant 1 : i32
        %get3A_1038 = arith.index_cast %get3A_1037 : i32 to index
        %get3A_1039 = arith.index_cast %add3A_1016 : i32 to index
        %get3A_1040 = arith.constant 0 : index
        %get3A_1041 = tpu.vector_load %arg16[%get3A_1038, %get3A_1039, %get3A_1040] {strides = array<i32>} : memref<4x64x64xi32, #tpu.memory_space<vmem>>, vector<1x1x16xi32>,
        %get3A_1042 = vector.shape_cast %get3A_1041 : vector<1x1x16xi32> to vector<16xi32>
        %shift_left3A_1043 = arith.constant 16 : i32
        %shift_left3A_1044 = vector.broadcast %shift_left3A_1043 : i32 to vector<16xi32>
        %shift_left3A_1045 = arith.shli %get3A_1042, %shift_left3A_1044 : vector<16xi32>
        %bitcast_convert_type3A_1046 = tpu.bitcast %shift_left3A_1045 : vector<16xi32> -> vector<16xf32>
        %and3A_1047 = arith.constant -65536 : i32
        %and3A_1048 = vector.broadcast %and3A_1047 : i32 to vector<16xi32>
        %and3A_1049 = arith.andi %get3A_1042, %and3A_1048 : vector<16xi32>
        %bitcast_convert_type3A_1050 = tpu.bitcast %and3A_1049 : vector<16xi32> -> vector<16xf32>
        %add3A_1051 = arith.addf %bitcast_convert_type3A_1032, %bitcast_convert_type3A_1046 : vector<16xf32>
        %add3A_1052 = arith.addf %bitcast_convert_type3A_1036, %bitcast_convert_type3A_1050 : vector<16xf32>
        %get3A_1053 = arith.constant 2 : i32
        %get3A_1054 = arith.index_cast %get3A_1053 : i32 to index
        %get3A_1055 = arith.index_cast %add3A_1016 : i32 to index
        %get3A_1056 = arith.constant 0 : index
        %get3A_1057 = tpu.vector_load %arg16[%get3A_1054, %get3A_1055, %get3A_1056] {strides = array<i32>} : memref<4x64x64xi32, #tpu.memory_space<vmem>>, vector<1x1x16xi32>,
        %get3A_1058 = vector.shape_cast %get3A_1057 : vector<1x1x16xi32> to vector<16xi32>
        %shift_left3A_1059 = arith.constant 16 : i32
        %shift_left3A_1060 = vector.broadcast %shift_left3A_1059 : i32 to vector<16xi32>
        %shift_left3A_1061 = arith.shli %get3A_1058, %shift_left3A_1060 : vector<16xi32>
        %bitcast_convert_type3A_1062 = tpu.bitcast %shift_left3A_1061 : vector<16xi32> -> vector<16xf32>
        %and3A_1063 = arith.constant -65536 : i32
        %and3A_1064 = vector.broadcast %and3A_1063 : i32 to vector<16xi32>
        %and3A_1065 = arith.andi %get3A_1058, %and3A_1064 : vector<16xi32>
        %bitcast_convert_type3A_1066 = tpu.bitcast %and3A_1065 : vector<16xi32> -> vector<16xf32>
        %add3A_1067 = arith.addf %add3A_1051, %bitcast_convert_type3A_1062 : vector<16xf32>
        %add3A_1068 = arith.addf %add3A_1052, %bitcast_convert_type3A_1066 : vector<16xf32>
        %get3A_1069 = arith.constant 3 : i32
        %get3A_1070 = arith.index_cast %get3A_1069 : i32 to index
        %get3A_1071 = arith.index_cast %add3A_1016 : i32 to index
        %get3A_1072 = arith.constant 0 : index
        %get3A_1073 = tpu.vector_load %arg16[%get3A_1070, %get3A_1071, %get3A_1072] {strides = array<i32>} : memref<4x64x64xi32, #tpu.memory_space<vmem>>, vector<1x1x16xi32>,
        %get3A_1074 = vector.shape_cast %get3A_1073 : vector<1x1x16xi32> to vector<16xi32>
        %shift_left3A_1075 = arith.constant 16 : i32
        %shift_left3A_1076 = vector.broadcast %shift_left3A_1075 : i32 to vector<16xi32>
        %shift_left3A_1077 = arith.shli %get3A_1074, %shift_left3A_1076 : vector<16xi32>
        %bitcast_convert_type3A_1078 = tpu.bitcast %shift_left3A_1077 : vector<16xi32> -> vector<16xf32>
        %and3A_1079 = arith.constant -65536 : i32
        %and3A_1080 = vector.broadcast %and3A_1079 : i32 to vector<16xi32>
        %and3A_1081 = arith.andi %get3A_1074, %and3A_1080 : vector<16xi32>
        %bitcast_convert_type3A_1082 = tpu.bitcast %and3A_1081 : vector<16xi32> -> vector<16xf32>
        %add3A_1083 = arith.addf %add3A_1067, %bitcast_convert_type3A_1078 : vector<16xf32>
        %add3A_1084 = arith.addf %add3A_1068, %bitcast_convert_type3A_1082 : vector<16xf32>
        %get3A_1085 = arith.index_cast %select_n3A_1022 : i32 to index
        %get3A_1086 = arith.constant 0 : index
        %get3A_1087 = tpu.vector_load %arg7[%get3A_1085, %get3A_1086] {strides = array<i32>} : memref<200x64xi32, #tpu.memory_space<vmem>>, vector<1x16xi32>,
        %get3A_1088 = vector.shape_cast %get3A_1087 : vector<1x16xi32> to vector<16xi32>
        %shift_left3A_1089 = arith.constant 16 : i32
        %shift_left3A_1090 = vector.broadcast %shift_left3A_1089 : i32 to vector<16xi32>
        %shift_left3A_1091 = arith.shli %get3A_1088, %shift_left3A_1090 : vector<16xi32>
        %bitcast_convert_type3A_1092 = tpu.bitcast %shift_left3A_1091 : vector<16xi32> -> vector<16xf32>
        %and3A_1093 = arith.constant -65536 : i32
        %and3A_1094 = vector.broadcast %and3A_1093 : i32 to vector<16xi32>
        %and3A_1095 = arith.andi %get3A_1088, %and3A_1094 : vector<16xi32>
        %bitcast_convert_type3A_1096 = tpu.bitcast %and3A_1095 : vector<16xi32> -> vector<16xf32>
        %add3A_1097 = arith.addf %add3A_1083, %bitcast_convert_type3A_1092 : vector<16xf32>
        %add3A_1098 = arith.addf %add3A_1084, %bitcast_convert_type3A_1096 : vector<16xf32>
        %swap3A_1099 = arith.index_cast %add3A_1016 : i32 to index
        %swap3A_1100 = arith.constant 0 : index
        %swap3A_1101 = tpu.vector_load %arg12[%swap3A_1099, %swap3A_1100] {strides = array<i32>} : memref<64x128xf32, #tpu.memory_space<vmem>>, vector<1x16xf32>,
        %swap3A_1102 = vector.shape_cast %swap3A_1101 : vector<1x16xf32> to vector<16xf32>
        %swap3A_1103 = vector.shape_cast %add3A_1097 : vector<16xf32> to vector<1x16xf32>
        tpu.vector_store %arg12[%swap3A_1099, %swap3A_1100], %swap3A_1103 {add = true, strides = array<i32>} : memref<64x128xf32, #tpu.memory_space<vmem>>, vector<1x16xf32>,
        %swap3A_1104 = arith.index_cast %add3A_1016 : i32 to index
        %swap3A_1105 = arith.constant 16 : index
        %swap3A_1106 = tpu.vector_load %arg12[%swap3A_1104, %swap3A_1105] {strides = array<i32>} : memref<64x128xf32, #tpu.memory_space<vmem>>, vector<1x16xf32>,
        %swap3A_1107 = vector.shape_cast %swap3A_1106 : vector<1x16xf32> to vector<16xf32>
        %swap3A_1108 = vector.shape_cast %add3A_1098 : vector<16xf32> to vector<1x16xf32>
        tpu.vector_store %arg12[%swap3A_1104, %swap3A_1105], %swap3A_1108 {add = true, strides = array<i32>} : memref<64x128xf32, #tpu.memory_space<vmem>>, vector<1x16xf32>,
        %get3A_1109 = arith.constant 0 : i32
        %get3A_1110 = arith.index_cast %get3A_1109 : i32 to index
        %get3A_1111 = arith.index_cast %add3A_1016 : i32 to index
        %get3A_1112 = arith.constant 16 : index
        %get3A_1113 = tpu.vector_load %arg16[%get3A_1110, %get3A_1111, %get3A_1112] {strides = array<i32>} : memref<4x64x64xi32, #tpu.memory_space<vmem>>, vector<1x1x16xi32>,
        %get3A_1114 = vector.shape_cast %get3A_1113 : vector<1x1x16xi32> to vector<16xi32>
        %shift_left3A_1115 = arith.constant 16 : i32
        %shift_left3A_1116 = vector.broadcast %shift_left3A_1115 : i32 to vector<16xi32>
        %shift_left3A_1117 = arith.shli %get3A_1114, %shift_left3A_1116 : vector<16xi32>
        %bitcast_convert_type3A_1118 = tpu.bitcast %shift_left3A_1117 : vector<16xi32> -> vector<16xf32>
        %and3A_1119 = arith.constant -65536 : i32
        %and3A_1120 = vector.broadcast %and3A_1119 : i32 to vector<16xi32>
        %and3A_1121 = arith.andi %get3A_1114, %and3A_1120 : vector<16xi32>
        %bitcast_convert_type3A_1122 = tpu.bitcast %and3A_1121 : vector<16xi32> -> vector<16xf32>
        %get3A_1123 = arith.constant 1 : i32
        %get3A_1124 = arith.index_cast %get3A_1123 : i32 to index
        %get3A_1125 = arith.index_cast %add3A_1016 : i32 to index
        %get3A_1126 = arith.constant 16 : index
        %get3A_1127 = tpu.vector_load %arg16[%get3A_1124, %get3A_1125, %get3A_1126] {strides = array<i32>} : memref<4x64x64xi32, #tpu.memory_space<vmem>>, vector<1x1x16xi32>,
        %get3A_1128 = vector.shape_cast %get3A_1127 : vector<1x1x16xi32> to vector<16xi32>
        %shift_left3A_1129 = arith.constant 16 : i32
        %shift_left3A_1130 = vector.broadcast %shift_left3A_1129 : i32 to vector<16xi32>
        %shift_left3A_1131 = arith.shli %get3A_1128, %shift_left3A_1130 : vector<16xi32>
        %bitcast_convert_type3A_1132 = tpu.bitcast %shift_left3A_1131 : vector<16xi32> -> vector<16xf32>
        %and3A_1133 = arith.constant -65536 : i32
        %and3A_1134 = vector.broadcast %and3A_1133 : i32 to vector<16xi32>
        %and3A_1135 = arith.andi %get3A_1128, %and3A_1134 : vector<16xi32>
        %bitcast_convert_type3A_1136 = tpu.bitcast %and3A_1135 : vector<16xi32> -> vector<16xf32>
        %add3A_1137 = arith.addf %bitcast_convert_type3A_1118, %bitcast_convert_type3A_1132 : vector<16xf32>
        %add3A_1138 = arith.addf %bitcast_convert_type3A_1122, %bitcast_convert_type3A_1136 : vector<16xf32>
        %get3A_1139 = arith.constant 2 : i32
        %get3A_1140 = arith.index_cast %get3A_1139 : i32 to index
        %get3A_1141 = arith.index_cast %add3A_1016 : i32 to index
        %get3A_1142 = arith.constant 16 : index
        %get3A_1143 = tpu.vector_load %arg16[%get3A_1140, %get3A_1141, %get3A_1142] {strides = array<i32>} : memref<4x64x64xi32, #tpu.memory_space<vmem>>, vector<1x1x16xi32>,
        %get3A_1144 = vector.shape_cast %get3A_1143 : vector<1x1x16xi32> to vector<16xi32>
        %shift_left3A_1145 = arith.constant 16 : i32
        %shift_left3A_1146 = vector.broadcast %shift_left3A_1145 : i32 to vector<16xi32>
        %shift_left3A_1147 = arith.shli %get3A_1144, %shift_left3A_1146 : vector<16xi32>
        %bitcast_convert_type3A_1148 = tpu.bitcast %shift_left3A_1147 : vector<16xi32> -> vector<16xf32>
        %and3A_1149 = arith.constant -65536 : i32
        %and3A_1150 = vector.broadcast %and3A_1149 : i32 to vector<16xi32>
        %and3A_1151 = arith.andi %get3A_1144, %and3A_1150 : vector<16xi32>
        %bitcast_convert_type3A_1152 = tpu.bitcast %and3A_1151 : vector<16xi32> -> vector<16xf32>
        %add3A_1153 = arith.addf %add3A_1137, %bitcast_convert_type3A_1148 : vector<16xf32>
        %add3A_1154 = arith.addf %add3A_1138, %bitcast_convert_type3A_1152 : vector<16xf32>
        %get3A_1155 = arith.constant 3 : i32
        %get3A_1156 = arith.index_cast %get3A_1155 : i32 to index
        %get3A_1157 = arith.index_cast %add3A_1016 : i32 to index
        %get3A_1158 = arith.constant 16 : index
        %get3A_1159 = tpu.vector_load %arg16[%get3A_1156, %get3A_1157, %get3A_1158] {strides = array<i32>} : memref<4x64x64xi32, #tpu.memory_space<vmem>>, vector<1x1x16xi32>,
        %get3A_1160 = vector.shape_cast %get3A_1159 : vector<1x1x16xi32> to vector<16xi32>
        %shift_left3A_1161 = arith.constant 16 : i32
        %shift_left3A_1162 = vector.broadcast %shift_left3A_1161 : i32 to vector<16xi32>
        %shift_left3A_1163 = arith.shli %get3A_1160, %shift_left3A_1162 : vector<16xi32>
        %bitcast_convert_type3A_1164 = tpu.bitcast %shift_left3A_1163 : vector<16xi32> -> vector<16xf32>
        %and3A_1165 = arith.constant -65536 : i32
        %and3A_1166 = vector.broadcast %and3A_1165 : i32 to vector<16xi32>
        %and3A_1167 = arith.andi %get3A_1160, %and3A_1166 : vector<16xi32>
        %bitcast_convert_type3A_1168 = tpu.bitcast %and3A_1167 : vector<16xi32> -> vector<16xf32>
        %add3A_1169 = arith.addf %add3A_1153, %bitcast_convert_type3A_1164 : vector<16xf32>
        %add3A_1170 = arith.addf %add3A_1154, %bitcast_convert_type3A_1168 : vector<16xf32>
        %get3A_1171 = arith.index_cast %select_n3A_1022 : i32 to index
        %get3A_1172 = arith.constant 16 : index
        %get3A_1173 = tpu.vector_load %arg7[%get3A_1171, %get3A_1172] {strides = array<i32>} : memref<200x64xi32, #tpu.memory_space<vmem>>, vector<1x16xi32>,
        %get3A_1174 = vector.shape_cast %get3A_1173 : vector<1x16xi32> to vector<16xi32>
        %shift_left3A_1175 = arith.constant 16 : i32
        %shift_left3A_1176 = vector.broadcast %shift_left3A_1175 : i32 to vector<16xi32>
        %shift_left3A_1177 = arith.shli %get3A_1174, %shift_left3A_1176 : vector<16xi32>
        %bitcast_convert_type3A_1178 = tpu.bitcast %shift_left3A_1177 : vector<16xi32> -> vector<16xf32>
        %and3A_1179 = arith.constant -65536 : i32
        %and3A_1180 = vector.broadcast %and3A_1179 : i32 to vector<16xi32>
        %and3A_1181 = arith.andi %get3A_1174, %and3A_1180 : vector<16xi32>
        %bitcast_convert_type3A_1182 = tpu.bitcast %and3A_1181 : vector<16xi32> -> vector<16xf32>
        %add3A_1183 = arith.addf %add3A_1169, %bitcast_convert_type3A_1178 : vector<16xf32>
        %add3A_1184 = arith.addf %add3A_1170, %bitcast_convert_type3A_1182 : vector<16xf32>
        %swap3A_1185 = arith.index_cast %add3A_1016 : i32 to index
        %swap3A_1186 = arith.constant 32 : index
        %swap3A_1187 = tpu.vector_load %arg12[%swap3A_1185, %swap3A_1186] {strides = array<i32>} : memref<64x128xf32, #tpu.memory_space<vmem>>, vector<1x16xf32>,
        %swap3A_1188 = vector.shape_cast %swap3A_1187 : vector<1x16xf32> to vector<16xf32>
        %swap3A_1189 = vector.shape_cast %add3A_1183 : vector<16xf32> to vector<1x16xf32>
        tpu.vector_store %arg12[%swap3A_1185, %swap3A_1186], %swap3A_1189 {add = true, strides = array<i32>} : memref<64x128xf32, #tpu.memory_space<vmem>>, vector<1x16xf32>,
        %swap3A_1190 = arith.index_cast %add3A_1016 : i32 to index
        %swap3A_1191 = arith.constant 48 : index
        %swap3A_1192 = tpu.vector_load %arg12[%swap3A_1190, %swap3A_1191] {strides = array<i32>} : memref<64x128xf32, #tpu.memory_space<vmem>>, vector<1x16xf32>,
        %swap3A_1193 = vector.shape_cast %swap3A_1192 : vector<1x16xf32> to vector<16xf32>
        %swap3A_1194 = vector.shape_cast %add3A_1184 : vector<16xf32> to vector<1x16xf32>
        tpu.vector_store %arg12[%swap3A_1190, %swap3A_1191], %swap3A_1194 {add = true, strides = array<i32>} : memref<64x128xf32, #tpu.memory_space<vmem>>, vector<1x16xf32>,
        %get3A_1195 = arith.constant 0 : i32
        %get3A_1196 = arith.index_cast %get3A_1195 : i32 to index
        %get3A_1197 = arith.index_cast %add3A_1016 : i32 to index
        %get3A_1198 = arith.constant 32 : index
        %get3A_1199 = tpu.vector_load %arg16[%get3A_1196, %get3A_1197, %get3A_1198] {strides = array<i32>} : memref<4x64x64xi32, #tpu.memory_space<vmem>>, vector<1x1x16xi32>,
        %get3A_1200 = vector.shape_cast %get3A_1199 : vector<1x1x16xi32> to vector<16xi32>
        %shift_left3A_1201 = arith.constant 16 : i32
        %shift_left3A_1202 = vector.broadcast %shift_left3A_1201 : i32 to vector<16xi32>
        %shift_left3A_1203 = arith.shli %get3A_1200, %shift_left3A_1202 : vector<16xi32>
        %bitcast_convert_type3A_1204 = tpu.bitcast %shift_left3A_1203 : vector<16xi32> -> vector<16xf32>
        %and3A_1205 = arith.constant -65536 : i32
        %and3A_1206 = vector.broadcast %and3A_1205 : i32 to vector<16xi32>
        %and3A_1207 = arith.andi %get3A_1200, %and3A_1206 : vector<16xi32>
        %bitcast_convert_type3A_1208 = tpu.bitcast %and3A_1207 : vector<16xi32> -> vector<16xf32>
        %get3A_1209 = arith.constant 1 : i32
        %get3A_1210 = arith.index_cast %get3A_1209 : i32 to index
        %get3A_1211 = arith.index_cast %add3A_1016 : i32 to index
        %get3A_1212 = arith.constant 32 : index
        %get3A_1213 = tpu.vector_load %arg16[%get3A_1210, %get3A_1211, %get3A_1212] {strides = array<i32>} : memref<4x64x64xi32, #tpu.memory_space<vmem>>, vector<1x1x16xi32>,
        %get3A_1214 = vector.shape_cast %get3A_1213 : vector<1x1x16xi32> to vector<16xi32>
        %shift_left3A_1215 = arith.constant 16 : i32
        %shift_left3A_1216 = vector.broadcast %shift_left3A_1215 : i32 to vector<16xi32>
        %shift_left3A_1217 = arith.shli %get3A_1214, %shift_left3A_1216 : vector<16xi32>
        %bitcast_convert_type3A_1218 = tpu.bitcast %shift_left3A_1217 : vector<16xi32> -> vector<16xf32>
        %and3A_1219 = arith.constant -65536 : i32
        %and3A_1220 = vector.broadcast %and3A_1219 : i32 to vector<16xi32>
        %and3A_1221 = arith.andi %get3A_1214, %and3A_1220 : vector<16xi32>
        %bitcast_convert_type3A_1222 = tpu.bitcast %and3A_1221 : vector<16xi32> -> vector<16xf32>
        %add3A_1223 = arith.addf %bitcast_convert_type3A_1204, %bitcast_convert_type3A_1218 : vector<16xf32>
        %add3A_1224 = arith.addf %bitcast_convert_type3A_1208, %bitcast_convert_type3A_1222 : vector<16xf32>
        %get3A_1225 = arith.constant 2 : i32
        %get3A_1226 = arith.index_cast %get3A_1225 : i32 to index
        %get3A_1227 = arith.index_cast %add3A_1016 : i32 to index
        %get3A_1228 = arith.constant 32 : index
        %get3A_1229 = tpu.vector_load %arg16[%get3A_1226, %get3A_1227, %get3A_1228] {strides = array<i32>} : memref<4x64x64xi32, #tpu.memory_space<vmem>>, vector<1x1x16xi32>,
        %get3A_1230 = vector.shape_cast %get3A_1229 : vector<1x1x16xi32> to vector<16xi32>
        %shift_left3A_1231 = arith.constant 16 : i32
        %shift_left3A_1232 = vector.broadcast %shift_left3A_1231 : i32 to vector<16xi32>
        %shift_left3A_1233 = arith.shli %get3A_1230, %shift_left3A_1232 : vector<16xi32>
        %bitcast_convert_type3A_1234 = tpu.bitcast %shift_left3A_1233 : vector<16xi32> -> vector<16xf32>
        %and3A_1235 = arith.constant -65536 : i32
        %and3A_1236 = vector.broadcast %and3A_1235 : i32 to vector<16xi32>
        %and3A_1237 = arith.andi %get3A_1230, %and3A_1236 : vector<16xi32>
        %bitcast_convert_type3A_1238 = tpu.bitcast %and3A_1237 : vector<16xi32> -> vector<16xf32>
        %add3A_1239 = arith.addf %add3A_1223, %bitcast_convert_type3A_1234 : vector<16xf32>
        %add3A_1240 = arith.addf %add3A_1224, %bitcast_convert_type3A_1238 : vector<16xf32>
        %get3A_1241 = arith.constant 3 : i32
        %get3A_1242 = arith.index_cast %get3A_1241 : i32 to index
        %get3A_1243 = arith.index_cast %add3A_1016 : i32 to index
        %get3A_1244 = arith.constant 32 : index
        %get3A_1245 = tpu.vector_load %arg16[%get3A_1242, %get3A_1243, %get3A_1244] {strides = array<i32>} : memref<4x64x64xi32, #tpu.memory_space<vmem>>, vector<1x1x16xi32>,
        %get3A_1246 = vector.shape_cast %get3A_1245 : vector<1x1x16xi32> to vector<16xi32>
        %shift_left3A_1247 = arith.constant 16 : i32
        %shift_left3A_1248 = vector.broadcast %shift_left3A_1247 : i32 to vector<16xi32>
        %shift_left3A_1249 = arith.shli %get3A_1246, %shift_left3A_1248 : vector<16xi32>
        %bitcast_convert_type3A_1250 = tpu.bitcast %shift_left3A_1249 : vector<16xi32> -> vector<16xf32>
        %and3A_1251 = arith.constant -65536 : i32
        %and3A_1252 = vector.broadcast %and3A_1251 : i32 to vector<16xi32>
        %and3A_1253 = arith.andi %get3A_1246, %and3A_1252 : vector<16xi32>
        %bitcast_convert_type3A_1254 = tpu.bitcast %and3A_1253 : vector<16xi32> -> vector<16xf32>
        %add3A_1255 = arith.addf %add3A_1239, %bitcast_convert_type3A_1250 : vector<16xf32>
        %add3A_1256 = arith.addf %add3A_1240, %bitcast_convert_type3A_1254 : vector<16xf32>
        %get3A_1257 = arith.index_cast %select_n3A_1022 : i32 to index
        %get3A_1258 = arith.constant 32 : index
        %get3A_1259 = tpu.vector_load %arg7[%get3A_1257, %get3A_1258] {strides = array<i32>} : memref<200x64xi32, #tpu.memory_space<vmem>>, vector<1x16xi32>,
        %get3A_1260 = vector.shape_cast %get3A_1259 : vector<1x16xi32> to vector<16xi32>
        %shift_left3A_1261 = arith.constant 16 : i32
        %shift_left3A_1262 = vector.broadcast %shift_left3A_1261 : i32 to vector<16xi32>
        %shift_left3A_1263 = arith.shli %get3A_1260, %shift_left3A_1262 : vector<16xi32>
        %bitcast_convert_type3A_1264 = tpu.bitcast %shift_left3A_1263 : vector<16xi32> -> vector<16xf32>
        %and3A_1265 = arith.constant -65536 : i32
        %and3A_1266 = vector.broadcast %and3A_1265 : i32 to vector<16xi32>
        %and3A_1267 = arith.andi %get3A_1260, %and3A_1266 : vector<16xi32>
        %bitcast_convert_type3A_1268 = tpu.bitcast %and3A_1267 : vector<16xi32> -> vector<16xf32>
        %add3A_1269 = arith.addf %add3A_1255, %bitcast_convert_type3A_1264 : vector<16xf32>
        %add3A_1270 = arith.addf %add3A_1256, %bitcast_convert_type3A_1268 : vector<16xf32>
        %swap3A_1271 = arith.index_cast %add3A_1016 : i32 to index
        %swap3A_1272 = arith.constant 64 : index
        %swap3A_1273 = tpu.vector_load %arg12[%swap3A_1271, %swap3A_1272] {strides = array<i32>} : memref<64x128xf32, #tpu.memory_space<vmem>>, vector<1x16xf32>,
        %swap3A_1274 = vector.shape_cast %swap3A_1273 : vector<1x16xf32> to vector<16xf32>
        %swap3A_1275 = vector.shape_cast %add3A_1269 : vector<16xf32> to vector<1x16xf32>
        tpu.vector_store %arg12[%swap3A_1271, %swap3A_1272], %swap3A_1275 {add = true, strides = array<i32>} : memref<64x128xf32, #tpu.memory_space<vmem>>, vector<1x16xf32>,
        %swap3A_1276 = arith.index_cast %add3A_1016 : i32 to index
        %swap3A_1277 = arith.constant 80 : index
        %swap3A_1278 = tpu.vector_load %arg12[%swap3A_1276, %swap3A_1277] {strides = array<i32>} : memref<64x128xf32, #tpu.memory_space<vmem>>, vector<1x16xf32>,
        %swap3A_1279 = vector.shape_cast %swap3A_1278 : vector<1x16xf32> to vector<16xf32>
        %swap3A_1280 = vector.shape_cast %add3A_1270 : vector<16xf32> to vector<1x16xf32>
        tpu.vector_store %arg12[%swap3A_1276, %swap3A_1277], %swap3A_1280 {add = true, strides = array<i32>} : memref<64x128xf32, #tpu.memory_space<vmem>>, vector<1x16xf32>,
        %get3A_1281 = arith.constant 0 : i32
        %get3A_1282 = arith.index_cast %get3A_1281 : i32 to index
        %get3A_1283 = arith.index_cast %add3A_1016 : i32 to index
        %get3A_1284 = arith.constant 48 : index
        %get3A_1285 = tpu.vector_load %arg16[%get3A_1282, %get3A_1283, %get3A_1284] {strides = array<i32>} : memref<4x64x64xi32, #tpu.memory_space<vmem>>, vector<1x1x16xi32>,
        %get3A_1286 = vector.shape_cast %get3A_1285 : vector<1x1x16xi32> to vector<16xi32>
        %shift_left3A_1287 = arith.constant 16 : i32
        %shift_left3A_1288 = vector.broadcast %shift_left3A_1287 : i32 to vector<16xi32>
        %shift_left3A_1289 = arith.shli %get3A_1286, %shift_left3A_1288 : vector<16xi32>
        %bitcast_convert_type3A_1290 = tpu.bitcast %shift_left3A_1289 : vector<16xi32> -> vector<16xf32>
        %and3A_1291 = arith.constant -65536 : i32
        %and3A_1292 = vector.broadcast %and3A_1291 : i32 to vector<16xi32>
        %and3A_1293 = arith.andi %get3A_1286, %and3A_1292 : vector<16xi32>
        %bitcast_convert_type3A_1294 = tpu.bitcast %and3A_1293 : vector<16xi32> -> vector<16xf32>
        %get3A_1295 = arith.constant 1 : i32
        %get3A_1296 = arith.index_cast %get3A_1295 : i32 to index
        %get3A_1297 = arith.index_cast %add3A_1016 : i32 to index
        %get3A_1298 = arith.constant 48 : index
        %get3A_1299 = tpu.vector_load %arg16[%get3A_1296, %get3A_1297, %get3A_1298] {strides = array<i32>} : memref<4x64x64xi32, #tpu.memory_space<vmem>>, vector<1x1x16xi32>,
        %get3A_1300 = vector.shape_cast %get3A_1299 : vector<1x1x16xi32> to vector<16xi32>
        %shift_left3A_1301 = arith.constant 16 : i32
        %shift_left3A_1302 = vector.broadcast %shift_left3A_1301 : i32 to vector<16xi32>
        %shift_left3A_1303 = arith.shli %get3A_1300, %shift_left3A_1302 : vector<16xi32>
        %bitcast_convert_type3A_1304 = tpu.bitcast %shift_left3A_1303 : vector<16xi32> -> vector<16xf32>
        %and3A_1305 = arith.constant -65536 : i32
        %and3A_1306 = vector.broadcast %and3A_1305 : i32 to vector<16xi32>
        %and3A_1307 = arith.andi %get3A_1300, %and3A_1306 : vector<16xi32>
        %bitcast_convert_type3A_1308 = tpu.bitcast %and3A_1307 : vector<16xi32> -> vector<16xf32>
        %add3A_1309 = arith.addf %bitcast_convert_type3A_1290, %bitcast_convert_type3A_1304 : vector<16xf32>
        %add3A_1310 = arith.addf %bitcast_convert_type3A_1294, %bitcast_convert_type3A_1308 : vector<16xf32>
        %get3A_1311 = arith.constant 2 : i32
        %get3A_1312 = arith.index_cast %get3A_1311 : i32 to index
        %get3A_1313 = arith.index_cast %add3A_1016 : i32 to index
        %get3A_1314 = arith.constant 48 : index
        %get3A_1315 = tpu.vector_load %arg16[%get3A_1312, %get3A_1313, %get3A_1314] {strides = array<i32>} : memref<4x64x64xi32, #tpu.memory_space<vmem>>, vector<1x1x16xi32>,
        %get3A_1316 = vector.shape_cast %get3A_1315 : vector<1x1x16xi32> to vector<16xi32>
        %shift_left3A_1317 = arith.constant 16 : i32
        %shift_left3A_1318 = vector.broadcast %shift_left3A_1317 : i32 to vector<16xi32>
        %shift_left3A_1319 = arith.shli %get3A_1316, %shift_left3A_1318 : vector<16xi32>
        %bitcast_convert_type3A_1320 = tpu.bitcast %shift_left3A_1319 : vector<16xi32> -> vector<16xf32>
        %and3A_1321 = arith.constant -65536 : i32
        %and3A_1322 = vector.broadcast %and3A_1321 : i32 to vector<16xi32>
        %and3A_1323 = arith.andi %get3A_1316, %and3A_1322 : vector<16xi32>
        %bitcast_convert_type3A_1324 = tpu.bitcast %and3A_1323 : vector<16xi32> -> vector<16xf32>
        %add3A_1325 = arith.addf %add3A_1309, %bitcast_convert_type3A_1320 : vector<16xf32>
        %add3A_1326 = arith.addf %add3A_1310, %bitcast_convert_type3A_1324 : vector<16xf32>
        %get3A_1327 = arith.constant 3 : i32
        %get3A_1328 = arith.index_cast %get3A_1327 : i32 to index
        %get3A_1329 = arith.index_cast %add3A_1016 : i32 to index
        %get3A_1330 = arith.constant 48 : index
        %get3A_1331 = tpu.vector_load %arg16[%get3A_1328, %get3A_1329, %get3A_1330] {strides = array<i32>} : memref<4x64x64xi32, #tpu.memory_space<vmem>>, vector<1x1x16xi32>,
        %get3A_1332 = vector.shape_cast %get3A_1331 : vector<1x1x16xi32> to vector<16xi32>
        %shift_left3A_1333 = arith.constant 16 : i32
        %shift_left3A_1334 = vector.broadcast %shift_left3A_1333 : i32 to vector<16xi32>
        %shift_left3A_1335 = arith.shli %get3A_1332, %shift_left3A_1334 : vector<16xi32>
        %bitcast_convert_type3A_1336 = tpu.bitcast %shift_left3A_1335 : vector<16xi32> -> vector<16xf32>
        %and3A_1337 = arith.constant -65536 : i32
        %and3A_1338 = vector.broadcast %and3A_1337 : i32 to vector<16xi32>
        %and3A_1339 = arith.andi %get3A_1332, %and3A_1338 : vector<16xi32>
        %bitcast_convert_type3A_1340 = tpu.bitcast %and3A_1339 : vector<16xi32> -> vector<16xf32>
        %add3A_1341 = arith.addf %add3A_1325, %bitcast_convert_type3A_1336 : vector<16xf32>
        %add3A_1342 = arith.addf %add3A_1326, %bitcast_convert_type3A_1340 : vector<16xf32>
        %get3A_1343 = arith.index_cast %select_n3A_1022 : i32 to index
        %get3A_1344 = arith.constant 48 : index
        %get3A_1345 = tpu.vector_load %arg7[%get3A_1343, %get3A_1344] {strides = array<i32>} : memref<200x64xi32, #tpu.memory_space<vmem>>, vector<1x16xi32>,
        %get3A_1346 = vector.shape_cast %get3A_1345 : vector<1x16xi32> to vector<16xi32>
        %shift_left3A_1347 = arith.constant 16 : i32
        %shift_left3A_1348 = vector.broadcast %shift_left3A_1347 : i32 to vector<16xi32>
        %shift_left3A_1349 = arith.shli %get3A_1346, %shift_left3A_1348 : vector<16xi32>
        %bitcast_convert_type3A_1350 = tpu.bitcast %shift_left3A_1349 : vector<16xi32> -> vector<16xf32>
        %and3A_1351 = arith.constant -65536 : i32
        %and3A_1352 = vector.broadcast %and3A_1351 : i32 to vector<16xi32>
        %and3A_1353 = arith.andi %get3A_1346, %and3A_1352 : vector<16xi32>
        %bitcast_convert_type3A_1354 = tpu.bitcast %and3A_1353 : vector<16xi32> -> vector<16xf32>
        %add3A_1355 = arith.addf %add3A_1341, %bitcast_convert_type3A_1350 : vector<16xf32>
        %add3A_1356 = arith.addf %add3A_1342, %bitcast_convert_type3A_1354 : vector<16xf32>
        %swap3A_1357 = arith.index_cast %add3A_1016 : i32 to index
        %swap3A_1358 = arith.constant 96 : index
        %swap3A_1359 = tpu.vector_load %arg12[%swap3A_1357, %swap3A_1358] {strides = array<i32>} : memref<64x128xf32, #tpu.memory_space<vmem>>, vector<1x16xf32>,
        %swap3A_1360 = vector.shape_cast %swap3A_1359 : vector<1x16xf32> to vector<16xf32>
        %swap3A_1361 = vector.shape_cast %add3A_1355 : vector<16xf32> to vector<1x16xf32>
        tpu.vector_store %arg12[%swap3A_1357, %swap3A_1358], %swap3A_1361 {add = true, strides = array<i32>} : memref<64x128xf32, #tpu.memory_space<vmem>>, vector<1x16xf32>,
        %swap3A_1362 = arith.index_cast %add3A_1016 : i32 to index
        %swap3A_1363 = arith.constant 112 : index
        %swap3A_1364 = tpu.vector_load %arg12[%swap3A_1362, %swap3A_1363] {strides = array<i32>} : memref<64x128xf32, #tpu.memory_space<vmem>>, vector<1x16xf32>,
        %swap3A_1365 = vector.shape_cast %swap3A_1364 : vector<1x16xf32> to vector<16xf32>
        %swap3A_1366 = vector.shape_cast %add3A_1356 : vector<16xf32> to vector<1x16xf32>
        tpu.vector_store %arg12[%swap3A_1362, %swap3A_1363], %swap3A_1366 {add = true, strides = array<i32>} : memref<64x128xf32, #tpu.memory_space<vmem>>, vector<1x16xf32>,
        %scan3A_1367 = arith.constant 0 : i32
        scf.yield %scan3A_1367 : i32
      }
      %scan3A_268 = arith.constant 32 : i32
      %dma_start3A_269 = arith.constant 0 : i32
      %dma_start3A_270 = tpu.memref_slice %arg6[%add3A_203, %dma_start3A_269] : memref<204800x128xf32, #tpu.memory_space<hbm>> -> memref<64x128xf32, #tpu.memory_space<hbm>>
      %dma_start3A_271 = arith.constant 0 : i32
      %dma_start3A_272 = tpu.memref_slice %arg6[%add3A_203, %dma_start3A_271] : memref<204800x128xf32, #tpu.memory_space<hbm>> -> memref<64x128xf32, #tpu.memory_space<hbm>>
      tpu.enqueue_dma source(%arg12 : memref<64x128xf32, #tpu.memory_space<vmem>>) target(%dma_start3A_272 : memref<64x128xf32, #tpu.memory_space<hbm>>) target_semaphore(%arg24 : memref<!tpu.dma_semaphore, #tpu.memory_space<semaphore_mem>>)
      %gt3A = arith.constant 0 : i32
      %gt3A_273 = arith.cmpi sgt, %scan3A_193, %gt3A : i32
      %convert_element_type3A = arith.extui %gt3A_273 : i1 to i32
      %cond3A = arith.constant 0 : i32
      %cond3A_274 = arith.cmpi ne, %convert_element_type3A, %cond3A : i32
      scf.if %cond3A_274 {
        %dma_wait3A_667 = arith.constant 0 : i32
        %dma_wait3A_668 = tpu.memref_slice %arg6[%add3A_203, %dma_wait3A_667] : memref<204800x128xf32, #tpu.memory_space<hbm>> -> memref<64x128xf32, #tpu.memory_space<hbm>>
        %dma_wait3A_669 = arith.constant 0 : i32
        %dma_wait3A_670 = tpu.memref_slice %arg6[%add3A_203, %dma_wait3A_669] : memref<204800x128xf32, #tpu.memory_space<hbm>> -> memref<64x128xf32, #tpu.memory_space<hbm>>
        tpu.wait_dma2 semaphore(%arg26 : memref<!tpu.dma_semaphore, #tpu.memory_space<semaphore_mem>>) src(%arg14 : memref<64x128xf32, #tpu.memory_space<vmem>>) dst(%dma_wait3A_670 : memref<64x128xf32, #tpu.memory_space<hbm>>)
      } else {
      }
      %add3A_275 = arith.constant 2 : i32
      %add3A_276 = arith.addi %add3A_198, %add3A_275 : i32
      %dma_wait3A_277 = arith.constant 0 : i32
      %dma_wait3A_278 = arith.constant 0 : i32
      %dma_wait3A_279 = tpu.memref_slice %arg2[%add3A, %add3A_276, %dma_wait3A_277, %dma_wait3A_278] : memref<32x100x5x64xi32, #tpu.memory_space<hbm>> -> memref<1x1x5x64xi32, #tpu.memory_space<hbm>>
      %dma_wait3A_280 = tpu.memref_squeeze %dma_wait3A_279 : memref<1x1x5x64xi32, #tpu.memory_space<hbm>> -> memref<5x64xi32, #tpu.memory_space<hbm>>
      %dma_wait3A_281 = arith.constant 0 : i32
      %dma_wait3A_282 = arith.constant 0 : i32
      %dma_wait3A_283 = tpu.memref_slice %arg2[%add3A, %add3A_276, %dma_wait3A_281, %dma_wait3A_282] : memref<32x100x5x64xi32, #tpu.memory_space<hbm>> -> memref<1x1x5x64xi32, #tpu.memory_space<hbm>>
      %dma_wait3A_284 = tpu.memref_squeeze %dma_wait3A_283 : memref<1x1x5x64xi32, #tpu.memory_space<hbm>> -> memref<5x64xi32, #tpu.memory_space<hbm>>
      tpu.wait_dma2 semaphore(%arg30 : memref<!tpu.dma_semaphore, #tpu.memory_space<semaphore_mem>>) src(%dma_wait3A_284 : memref<5x64xi32, #tpu.memory_space<hbm>>) dst(%arg10 : memref<5x64xi32, #tpu.memory_space<vmem>>)
      %dma_start3A_285 = arith.constant 0 : i32
      %dma_start3A_286 = arith.constant 0 : i32
      %dma_start3A_287 = tpu.memref_slice %arg10[%dma_start3A_285, %dma_start3A_286] : memref<5x64xi32, #tpu.memory_space<vmem>> -> memref<1x64xi32, #tpu.memory_space<vmem>>
      %dma_start3A_288 = tpu.memref_squeeze %dma_start3A_287 : memref<1x64xi32, #tpu.memory_space<vmem>> -> memref<64xi32, #tpu.memory_space<vmem>>
      %dma_start3A_289 = arith.constant 0 : i32
      %dma_start3A_290 = arith.constant 0 : i32
      %dma_start3A_291 = tpu.memref_slice %arg3[%dma_start3A_289, %dma_start3A_290] : memref<100000x128xf32, #tpu.memory_space<hbm>> -> memref<100000x128xf32, #tpu.memory_space<hbm>>
      tpu.enqueue_indirect_dma source(%dma_start3A_291 : memref<100000x128xf32, #tpu.memory_space<hbm>>) target(%arg14 : memref<64x128xf32, #tpu.memory_space<vmem>>) offsets(%dma_start3A_288 : memref<64xi32, #tpu.memory_space<vmem>>) semaphore(%arg22 : memref<!tpu.dma_semaphore, #tpu.memory_space<semaphore_mem>>)
      %dma_start3A_292 = arith.constant 1 : i32
      %dma_start3A_293 = arith.constant 0 : i32
      %dma_start3A_294 = arith.constant 0 : i32
      %dma_start3A_295 = arith.constant 0 : i32
      %dma_start3A_296 = tpu.memref_slice %arg18[%dma_start3A_293, %dma_start3A_294, %dma_start3A_295] : memref<4x64x64xi32, #tpu.memory_space<vmem>> -> memref<1x64x64xi32, #tpu.memory_space<vmem>>
      %dma_start3A_297 = tpu.memref_squeeze %dma_start3A_296 : memref<1x64x64xi32, #tpu.memory_space<vmem>> -> memref<64x64xi32, #tpu.memory_space<vmem>>
      %dma_start3A_298 = arith.constant 0 : i32
      %dma_start3A_299 = tpu.memref_slice %arg10[%dma_start3A_292, %dma_start3A_298] : memref<5x64xi32, #tpu.memory_space<vmem>> -> memref<1x64xi32, #tpu.memory_space<vmem>>
      %dma_start3A_300 = tpu.memref_squeeze %dma_start3A_299 : memref<1x64xi32, #tpu.memory_space<vmem>> -> memref<64xi32, #tpu.memory_space<vmem>>
      %dma_start3A_301 = arith.constant 0 : i32
      %dma_start3A_302 = arith.constant 0 : i32
      %dma_start3A_303 = tpu.memref_slice %arg4[%dma_start3A_301, %dma_start3A_302] : memref<1000x64xi32, #tpu.memory_space<hbm>> -> memref<1000x64xi32, #tpu.memory_space<hbm>>
      tpu.enqueue_indirect_dma source(%dma_start3A_303 : memref<1000x64xi32, #tpu.memory_space<hbm>>) target(%dma_start3A_297 : memref<64x64xi32, #tpu.memory_space<vmem>>) offsets(%dma_start3A_300 : memref<64xi32, #tpu.memory_space<vmem>>) semaphore(%arg22 : memref<!tpu.dma_semaphore, #tpu.memory_space<semaphore_mem>>)
      %dma_start3A_304 = arith.constant 2 : i32
      %dma_start3A_305 = arith.constant 1 : i32
      %dma_start3A_306 = arith.constant 0 : i32
      %dma_start3A_307 = arith.constant 0 : i32
      %dma_start3A_308 = tpu.memref_slice %arg18[%dma_start3A_305, %dma_start3A_306, %dma_start3A_307] : memref<4x64x64xi32, #tpu.memory_space<vmem>> -> memref<1x64x64xi32, #tpu.memory_space<vmem>>
      %dma_start3A_309 = tpu.memref_squeeze %dma_start3A_308 : memref<1x64x64xi32, #tpu.memory_space<vmem>> -> memref<64x64xi32, #tpu.memory_space<vmem>>
      %dma_start3A_310 = arith.constant 0 : i32
      %dma_start3A_311 = tpu.memref_slice %arg10[%dma_start3A_304, %dma_start3A_310] : memref<5x64xi32, #tpu.memory_space<vmem>> -> memref<1x64xi32, #tpu.memory_space<vmem>>
      %dma_start3A_312 = tpu.memref_squeeze %dma_start3A_311 : memref<1x64xi32, #tpu.memory_space<vmem>> -> memref<64xi32, #tpu.memory_space<vmem>>
      %dma_start3A_313 = arith.constant 0 : i32
      %dma_start3A_314 = arith.constant 0 : i32
      %dma_start3A_315 = tpu.memref_slice %arg4[%dma_start3A_313, %dma_start3A_314] : memref<1000x64xi32, #tpu.memory_space<hbm>> -> memref<1000x64xi32, #tpu.memory_space<hbm>>
      tpu.enqueue_indirect_dma source(%dma_start3A_315 : memref<1000x64xi32, #tpu.memory_space<hbm>>) target(%dma_start3A_309 : memref<64x64xi32, #tpu.memory_space<vmem>>) offsets(%dma_start3A_312 : memref<64xi32, #tpu.memory_space<vmem>>) semaphore(%arg22 : memref<!tpu.dma_semaphore, #tpu.memory_space<semaphore_mem>>)
      %dma_start3A_316 = arith.constant 3 : i32
      %dma_start3A_317 = arith.constant 2 : i32
      %dma_start3A_318 = arith.constant 0 : i32
      %dma_start3A_319 = arith.constant 0 : i32
      %dma_start3A_320 = tpu.memref_slice %arg18[%dma_start3A_317, %dma_start3A_318, %dma_start3A_319] : memref<4x64x64xi32, #tpu.memory_space<vmem>> -> memref<1x64x64xi32, #tpu.memory_space<vmem>>
      %dma_start3A_321 = tpu.memref_squeeze %dma_start3A_320 : memref<1x64x64xi32, #tpu.memory_space<vmem>> -> memref<64x64xi32, #tpu.memory_space<vmem>>
      %dma_start3A_322 = arith.constant 0 : i32
      %dma_start3A_323 = tpu.memref_slice %arg10[%dma_start3A_316, %dma_start3A_322] : memref<5x64xi32, #tpu.memory_space<vmem>> -> memref<1x64xi32, #tpu.memory_space<vmem>>
      %dma_start3A_324 = tpu.memref_squeeze %dma_start3A_323 : memref<1x64xi32, #tpu.memory_space<vmem>> -> memref<64xi32, #tpu.memory_space<vmem>>
      %dma_start3A_325 = arith.constant 0 : i32
      %dma_start3A_326 = arith.constant 0 : i32
      %dma_start3A_327 = tpu.memref_slice %arg4[%dma_start3A_325, %dma_start3A_326] : memref<1000x64xi32, #tpu.memory_space<hbm>> -> memref<1000x64xi32, #tpu.memory_space<hbm>>
      tpu.enqueue_indirect_dma source(%dma_start3A_327 : memref<1000x64xi32, #tpu.memory_space<hbm>>) target(%dma_start3A_321 : memref<64x64xi32, #tpu.memory_space<vmem>>) offsets(%dma_start3A_324 : memref<64xi32, #tpu.memory_space<vmem>>) semaphore(%arg22 : memref<!tpu.dma_semaphore, #tpu.memory_space<semaphore_mem>>)
      %dma_start3A_328 = arith.constant 4 : i32
      %dma_start3A_329 = arith.constant 3 : i32
      %dma_start3A_330 = arith.constant 0 : i32
      %dma_start3A_331 = arith.constant 0 : i32
      %dma_start3A_332 = tpu.memref_slice %arg18[%dma_start3A_329, %dma_start3A_330, %dma_start3A_331] : memref<4x64x64xi32, #tpu.memory_space<vmem>> -> memref<1x64x64xi32, #tpu.memory_space<vmem>>
      %dma_start3A_333 = tpu.memref_squeeze %dma_start3A_332 : memref<1x64x64xi32, #tpu.memory_space<vmem>> -> memref<64x64xi32, #tpu.memory_space<vmem>>
      %dma_start3A_334 = arith.constant 0 : i32
      %dma_start3A_335 = tpu.memref_slice %arg10[%dma_start3A_328, %dma_start3A_334] : memref<5x64xi32, #tpu.memory_space<vmem>> -> memref<1x64xi32, #tpu.memory_space<vmem>>
      %dma_start3A_336 = tpu.memref_squeeze %dma_start3A_335 : memref<1x64xi32, #tpu.memory_space<vmem>> -> memref<64xi32, #tpu.memory_space<vmem>>
      %dma_start3A_337 = arith.constant 0 : i32
      %dma_start3A_338 = arith.constant 0 : i32
      %dma_start3A_339 = tpu.memref_slice %arg4[%dma_start3A_337, %dma_start3A_338] : memref<1000x64xi32, #tpu.memory_space<hbm>> -> memref<1000x64xi32, #tpu.memory_space<hbm>>
      tpu.enqueue_indirect_dma source(%dma_start3A_339 : memref<1000x64xi32, #tpu.memory_space<hbm>>) target(%dma_start3A_333 : memref<64x64xi32, #tpu.memory_space<vmem>>) offsets(%dma_start3A_336 : memref<64xi32, #tpu.memory_space<vmem>>) semaphore(%arg22 : memref<!tpu.dma_semaphore, #tpu.memory_space<semaphore_mem>>)
      %lt3A = arith.constant 24 : i32
      %lt3A_340 = arith.cmpi slt, %scan3A_193, %lt3A : i32
      %convert_element_type3A_341 = arith.extui %lt3A_340 : i1 to i32
      %cond3A_342 = arith.constant 0 : i32
      %cond3A_343 = arith.cmpi ne, %convert_element_type3A_341, %cond3A_342 : i32
      scf.if %cond3A_343 {
        %add3A_667 = arith.constant 4 : i32
        %add3A_668 = arith.addi %add3A_198, %add3A_667 : i32
        %dma_start3A_669 = arith.constant 0 : i32
        %dma_start3A_670 = arith.constant 0 : i32
        %dma_start3A_671 = tpu.memref_slice %arg2[%add3A, %add3A_668, %dma_start3A_669, %dma_start3A_670] : memref<32x100x5x64xi32, #tpu.memory_space<hbm>> -> memref<1x1x5x64xi32, #tpu.memory_space<hbm>>
        %dma_start3A_672 = tpu.memref_squeeze %dma_start3A_671 : memref<1x1x5x64xi32, #tpu.memory_space<hbm>> -> memref<5x64xi32, #tpu.memory_space<hbm>>
        %dma_start3A_673 = arith.constant 0 : i32
        %dma_start3A_674 = arith.constant 0 : i32
        %dma_start3A_675 = tpu.memref_slice %arg2[%add3A, %add3A_668, %dma_start3A_673, %dma_start3A_674] : memref<32x100x5x64xi32, #tpu.memory_space<hbm>> -> memref<1x1x5x64xi32, #tpu.memory_space<hbm>>
        %dma_start3A_676 = tpu.memref_squeeze %dma_start3A_675 : memref<1x1x5x64xi32, #tpu.memory_space<hbm>> -> memref<5x64xi32, #tpu.memory_space<hbm>>
        tpu.enqueue_dma source(%dma_start3A_676 : memref<5x64xi32, #tpu.memory_space<hbm>>) target(%arg8 : memref<5x64xi32, #tpu.memory_space<vmem>>) target_semaphore(%arg28 : memref<!tpu.dma_semaphore, #tpu.memory_space<semaphore_mem>>)
      } else {
      }
      %mul3A_344 = arith.constant 4 : i32
      %mul3A_345 = arith.muli %mul3A_344, %scan3A_193 : i32
      %add3A_346 = arith.constant 1 : i32
      %add3A_347 = arith.addi %mul3A_345, %add3A_346 : i32
      %mul3A_348 = arith.constant 6400 : i32
      %mul3A_349 = arith.muli %add3A, %mul3A_348 : i32
      %mul3A_350 = arith.constant 64 : i32
      %mul3A_351 = arith.muli %add3A_347, %mul3A_350 : i32
      %add3A_352 = arith.addi %mul3A_349, %mul3A_351 : i32
      %dma_wait3A_353 = arith.constant 0 : i32
      %dma_wait3A_354 = arith.constant 0 : i32
      %dma_wait3A_355 = tpu.memref_slice %arg9[%dma_wait3A_353, %dma_wait3A_354] : memref<5x64xi32, #tpu.memory_space<vmem>> -> memref<1x64xi32, #tpu.memory_space<vmem>>
      %dma_wait3A_356 = tpu.memref_squeeze %dma_wait3A_355 : memref<1x64xi32, #tpu.memory_space<vmem>> -> memref<64xi32, #tpu.memory_space<vmem>>
      %dma_wait3A_357 = arith.constant 0 : i32
      %dma_wait3A_358 = arith.constant 0 : i32
      %dma_wait3A_359 = tpu.memref_slice %arg3[%dma_wait3A_357, %dma_wait3A_358] : memref<100000x128xf32, #tpu.memory_space<hbm>> -> memref<100000x128xf32, #tpu.memory_space<hbm>>
      tpu.wait_indirect_dma semaphore(%arg21 : memref<!tpu.dma_semaphore, #tpu.memory_space<semaphore_mem>>) src(%dma_wait3A_359 : memref<100000x128xf32, #tpu.memory_space<hbm>>) dst(%arg13 : memref<64x128xf32, #tpu.memory_space<vmem>>)
      %dma_wait3A_360 = arith.constant 1 : i32
      %dma_wait3A_361 = arith.constant 0 : i32
      %dma_wait3A_362 = arith.constant 0 : i32
      %dma_wait3A_363 = arith.constant 0 : i32
      %dma_wait3A_364 = tpu.memref_slice %arg17[%dma_wait3A_361, %dma_wait3A_362, %dma_wait3A_363] : memref<4x64x64xi32, #tpu.memory_space<vmem>> -> memref<1x64x64xi32, #tpu.memory_space<vmem>>
      %dma_wait3A_365 = tpu.memref_squeeze %dma_wait3A_364 : memref<1x64x64xi32, #tpu.memory_space<vmem>> -> memref<64x64xi32, #tpu.memory_space<vmem>>
      %dma_wait3A_366 = arith.constant 0 : i32
      %dma_wait3A_367 = tpu.memref_slice %arg9[%dma_wait3A_360, %dma_wait3A_366] : memref<5x64xi32, #tpu.memory_space<vmem>> -> memref<1x64xi32, #tpu.memory_space<vmem>>
      %dma_wait3A_368 = tpu.memref_squeeze %dma_wait3A_367 : memref<1x64xi32, #tpu.memory_space<vmem>> -> memref<64xi32, #tpu.memory_space<vmem>>
      %dma_wait3A_369 = arith.constant 0 : i32
      %dma_wait3A_370 = arith.constant 0 : i32
      %dma_wait3A_371 = tpu.memref_slice %arg4[%dma_wait3A_369, %dma_wait3A_370] : memref<1000x64xi32, #tpu.memory_space<hbm>> -> memref<1000x64xi32, #tpu.memory_space<hbm>>
      tpu.wait_indirect_dma semaphore(%arg21 : memref<!tpu.dma_semaphore, #tpu.memory_space<semaphore_mem>>) src(%dma_wait3A_371 : memref<1000x64xi32, #tpu.memory_space<hbm>>) dst(%dma_wait3A_365 : memref<64x64xi32, #tpu.memory_space<vmem>>)
      %dma_wait3A_372 = arith.constant 2 : i32
      %dma_wait3A_373 = arith.constant 1 : i32
      %dma_wait3A_374 = arith.constant 0 : i32
      %dma_wait3A_375 = arith.constant 0 : i32
      %dma_wait3A_376 = tpu.memref_slice %arg17[%dma_wait3A_373, %dma_wait3A_374, %dma_wait3A_375] : memref<4x64x64xi32, #tpu.memory_space<vmem>> -> memref<1x64x64xi32, #tpu.memory_space<vmem>>
      %dma_wait3A_377 = tpu.memref_squeeze %dma_wait3A_376 : memref<1x64x64xi32, #tpu.memory_space<vmem>> -> memref<64x64xi32, #tpu.memory_space<vmem>>
      %dma_wait3A_378 = arith.constant 0 : i32
      %dma_wait3A_379 = tpu.memref_slice %arg9[%dma_wait3A_372, %dma_wait3A_378] : memref<5x64xi32, #tpu.memory_space<vmem>> -> memref<1x64xi32, #tpu.memory_space<vmem>>
      %dma_wait3A_380 = tpu.memref_squeeze %dma_wait3A_379 : memref<1x64xi32, #tpu.memory_space<vmem>> -> memref<64xi32, #tpu.memory_space<vmem>>
      %dma_wait3A_381 = arith.constant 0 : i32
      %dma_wait3A_382 = arith.constant 0 : i32
      %dma_wait3A_383 = tpu.memref_slice %arg4[%dma_wait3A_381, %dma_wait3A_382] : memref<1000x64xi32, #tpu.memory_space<hbm>> -> memref<1000x64xi32, #tpu.memory_space<hbm>>
      tpu.wait_indirect_dma semaphore(%arg21 : memref<!tpu.dma_semaphore, #tpu.memory_space<semaphore_mem>>) src(%dma_wait3A_383 : memref<1000x64xi32, #tpu.memory_space<hbm>>) dst(%dma_wait3A_377 : memref<64x64xi32, #tpu.memory_space<vmem>>)
      %dma_wait3A_384 = arith.constant 3 : i32
      %dma_wait3A_385 = arith.constant 2 : i32
      %dma_wait3A_386 = arith.constant 0 : i32
      %dma_wait3A_387 = arith.constant 0 : i32
      %dma_wait3A_388 = tpu.memref_slice %arg17[%dma_wait3A_385, %dma_wait3A_386, %dma_wait3A_387] : memref<4x64x64xi32, #tpu.memory_space<vmem>> -> memref<1x64x64xi32, #tpu.memory_space<vmem>>
      %dma_wait3A_389 = tpu.memref_squeeze %dma_wait3A_388 : memref<1x64x64xi32, #tpu.memory_space<vmem>> -> memref<64x64xi32, #tpu.memory_space<vmem>>
      %dma_wait3A_390 = arith.constant 0 : i32
      %dma_wait3A_391 = tpu.memref_slice %arg9[%dma_wait3A_384, %dma_wait3A_390] : memref<5x64xi32, #tpu.memory_space<vmem>> -> memref<1x64xi32, #tpu.memory_space<vmem>>
      %dma_wait3A_392 = tpu.memref_squeeze %dma_wait3A_391 : memref<1x64xi32, #tpu.memory_space<vmem>> -> memref<64xi32, #tpu.memory_space<vmem>>
      %dma_wait3A_393 = arith.constant 0 : i32
      %dma_wait3A_394 = arith.constant 0 : i32
      %dma_wait3A_395 = tpu.memref_slice %arg4[%dma_wait3A_393, %dma_wait3A_394] : memref<1000x64xi32, #tpu.memory_space<hbm>> -> memref<1000x64xi32, #tpu.memory_space<hbm>>
      tpu.wait_indirect_dma semaphore(%arg21 : memref<!tpu.dma_semaphore, #tpu.memory_space<semaphore_mem>>) src(%dma_wait3A_395 : memref<1000x64xi32, #tpu.memory_space<hbm>>) dst(%dma_wait3A_389 : memref<64x64xi32, #tpu.memory_space<vmem>>)
      %dma_wait3A_396 = arith.constant 4 : i32
      %dma_wait3A_397 = arith.constant 3 : i32
      %dma_wait3A_398 = arith.constant 0 : i32
      %dma_wait3A_399 = arith.constant 0 : i32
      %dma_wait3A_400 = tpu.memref_slice %arg17[%dma_wait3A_397, %dma_wait3A_398, %dma_wait3A_399] : memref<4x64x64xi32, #tpu.memory_space<vmem>> -> memref<1x64x64xi32, #tpu.memory_space<vmem>>
      %dma_wait3A_401 = tpu.memref_squeeze %dma_wait3A_400 : memref<1x64x64xi32, #tpu.memory_space<vmem>> -> memref<64x64xi32, #tpu.memory_space<vmem>>
      %dma_wait3A_402 = arith.constant 0 : i32
      %dma_wait3A_403 = tpu.memref_slice %arg9[%dma_wait3A_396, %dma_wait3A_402] : memref<5x64xi32, #tpu.memory_space<vmem>> -> memref<1x64xi32, #tpu.memory_space<vmem>>
      %dma_wait3A_404 = tpu.memref_squeeze %dma_wait3A_403 : memref<1x64xi32, #tpu.memory_space<vmem>> -> memref<64xi32, #tpu.memory_space<vmem>>
      %dma_wait3A_405 = arith.constant 0 : i32
      %dma_wait3A_406 = arith.constant 0 : i32
      %dma_wait3A_407 = tpu.memref_slice %arg4[%dma_wait3A_405, %dma_wait3A_406] : memref<1000x64xi32, #tpu.memory_space<hbm>> -> memref<1000x64xi32, #tpu.memory_space<hbm>>
      tpu.wait_indirect_dma semaphore(%arg21 : memref<!tpu.dma_semaphore, #tpu.memory_space<semaphore_mem>>) src(%dma_wait3A_407 : memref<1000x64xi32, #tpu.memory_space<hbm>>) dst(%dma_wait3A_401 : memref<64x64xi32, #tpu.memory_space<vmem>>)
      %mul3A_408 = arith.constant 64 : i32
      %mul3A_409 = arith.muli %add3A_347, %mul3A_408 : i32
      %rem3A_410 = arith.constant 200 : i32
      %rem3A_411 = arith.remsi %mul3A_409, %rem3A_410 : i32
      %scan3A_412 = arith.constant 0 : i32
      %scan3A_413 = arith.constant 0 : i32
      %scan3A_414 = arith.constant 32 : i32
      %scan3A_415 = arith.addi %scan3A_413, %scan3A_414 : i32
      %scan3A_416 = arith.constant 1 : i32
      %scan3A_417 = scf.for %scan3A_667 = %scan3A_413 to %scan3A_415 step %scan3A_416 iter_args(%scan3A_668 = %scan3A_412) -> (i32)  : i32 {
        %mul3A_669 = arith.constant 2 : i32
        %mul3A_670 = arith.muli %mul3A_669, %scan3A_667 : i32
        %add3A_671 = arith.addi %rem3A_411, %mul3A_670 : i32
        %ge3A = arith.constant 200 : i32
        %ge3A_672 = arith.cmpi sge, %add3A_671, %ge3A : i32
        %sub3A = arith.constant 200 : i32
        %sub3A_673 = arith.subi %add3A_671, %sub3A : i32
        %select_n3A = arith.select %ge3A_672, %sub3A_673, %add3A_671 : i32
        %get3A = arith.constant 0 : i32
        %get3A_674 = arith.index_cast %get3A : i32 to index
        %get3A_675 = arith.index_cast %mul3A_670 : i32 to index
        %get3A_676 = arith.constant 0 : index
        %get3A_677 = tpu.vector_load %arg17[%get3A_674, %get3A_675, %get3A_676] {strides = array<i32>} : memref<4x64x64xi32, #tpu.memory_space<vmem>>, vector<1x1x16xi32>,
        %get3A_678 = vector.shape_cast %get3A_677 : vector<1x1x16xi32> to vector<16xi32>
        %shift_left3A = arith.constant 16 : i32
        %shift_left3A_679 = vector.broadcast %shift_left3A : i32 to vector<16xi32>
        %shift_left3A_680 = arith.shli %get3A_678, %shift_left3A_679 : vector<16xi32>
        %bitcast_convert_type3A = tpu.bitcast %shift_left3A_680 : vector<16xi32> -> vector<16xf32>
        %and3A = arith.constant -65536 : i32
        %and3A_681 = vector.broadcast %and3A : i32 to vector<16xi32>
        %and3A_682 = arith.andi %get3A_678, %and3A_681 : vector<16xi32>
        %bitcast_convert_type3A_683 = tpu.bitcast %and3A_682 : vector<16xi32> -> vector<16xf32>
        %get3A_684 = arith.constant 1 : i32
        %get3A_685 = arith.index_cast %get3A_684 : i32 to index
        %get3A_686 = arith.index_cast %mul3A_670 : i32 to index
        %get3A_687 = arith.constant 0 : index
        %get3A_688 = tpu.vector_load %arg17[%get3A_685, %get3A_686, %get3A_687] {strides = array<i32>} : memref<4x64x64xi32, #tpu.memory_space<vmem>>, vector<1x1x16xi32>,
        %get3A_689 = vector.shape_cast %get3A_688 : vector<1x1x16xi32> to vector<16xi32>
        %shift_left3A_690 = arith.constant 16 : i32
        %shift_left3A_691 = vector.broadcast %shift_left3A_690 : i32 to vector<16xi32>
        %shift_left3A_692 = arith.shli %get3A_689, %shift_left3A_691 : vector<16xi32>
        %bitcast_convert_type3A_693 = tpu.bitcast %shift_left3A_692 : vector<16xi32> -> vector<16xf32>
        %and3A_694 = arith.constant -65536 : i32
        %and3A_695 = vector.broadcast %and3A_694 : i32 to vector<16xi32>
        %and3A_696 = arith.andi %get3A_689, %and3A_695 : vector<16xi32>
        %bitcast_convert_type3A_697 = tpu.bitcast %and3A_696 : vector<16xi32> -> vector<16xf32>
        %add3A_698 = arith.addf %bitcast_convert_type3A, %bitcast_convert_type3A_693 : vector<16xf32>
        %add3A_699 = arith.addf %bitcast_convert_type3A_683, %bitcast_convert_type3A_697 : vector<16xf32>
        %get3A_700 = arith.constant 2 : i32
        %get3A_701 = arith.index_cast %get3A_700 : i32 to index
        %get3A_702 = arith.index_cast %mul3A_670 : i32 to index
        %get3A_703 = arith.constant 0 : index
        %get3A_704 = tpu.vector_load %arg17[%get3A_701, %get3A_702, %get3A_703] {strides = array<i32>} : memref<4x64x64xi32, #tpu.memory_space<vmem>>, vector<1x1x16xi32>,
        %get3A_705 = vector.shape_cast %get3A_704 : vector<1x1x16xi32> to vector<16xi32>
        %shift_left3A_706 = arith.constant 16 : i32
        %shift_left3A_707 = vector.broadcast %shift_left3A_706 : i32 to vector<16xi32>
        %shift_left3A_708 = arith.shli %get3A_705, %shift_left3A_707 : vector<16xi32>
        %bitcast_convert_type3A_709 = tpu.bitcast %shift_left3A_708 : vector<16xi32> -> vector<16xf32>
        %and3A_710 = arith.constant -65536 : i32
        %and3A_711 = vector.broadcast %and3A_710 : i32 to vector<16xi32>
        %and3A_712 = arith.andi %get3A_705, %and3A_711 : vector<16xi32>
        %bitcast_convert_type3A_713 = tpu.bitcast %and3A_712 : vector<16xi32> -> vector<16xf32>
        %add3A_714 = arith.addf %add3A_698, %bitcast_convert_type3A_709 : vector<16xf32>
        %add3A_715 = arith.addf %add3A_699, %bitcast_convert_type3A_713 : vector<16xf32>
        %get3A_716 = arith.constant 3 : i32
        %get3A_717 = arith.index_cast %get3A_716 : i32 to index
        %get3A_718 = arith.index_cast %mul3A_670 : i32 to index
        %get3A_719 = arith.constant 0 : index
        %get3A_720 = tpu.vector_load %arg17[%get3A_717, %get3A_718, %get3A_719] {strides = array<i32>} : memref<4x64x64xi32, #tpu.memory_space<vmem>>, vector<1x1x16xi32>,
        %get3A_721 = vector.shape_cast %get3A_720 : vector<1x1x16xi32> to vector<16xi32>
        %shift_left3A_722 = arith.constant 16 : i32
        %shift_left3A_723 = vector.broadcast %shift_left3A_722 : i32 to vector<16xi32>
        %shift_left3A_724 = arith.shli %get3A_721, %shift_left3A_723 : vector<16xi32>
        %bitcast_convert_type3A_725 = tpu.bitcast %shift_left3A_724 : vector<16xi32> -> vector<16xf32>
        %and3A_726 = arith.constant -65536 : i32
        %and3A_727 = vector.broadcast %and3A_726 : i32 to vector<16xi32>
        %and3A_728 = arith.andi %get3A_721, %and3A_727 : vector<16xi32>
        %bitcast_convert_type3A_729 = tpu.bitcast %and3A_728 : vector<16xi32> -> vector<16xf32>
        %add3A_730 = arith.addf %add3A_714, %bitcast_convert_type3A_725 : vector<16xf32>
        %add3A_731 = arith.addf %add3A_715, %bitcast_convert_type3A_729 : vector<16xf32>
        %get3A_732 = arith.index_cast %select_n3A : i32 to index
        %get3A_733 = arith.constant 0 : index
        %get3A_734 = tpu.vector_load %arg7[%get3A_732, %get3A_733] {strides = array<i32>} : memref<200x64xi32, #tpu.memory_space<vmem>>, vector<1x16xi32>,
        %get3A_735 = vector.shape_cast %get3A_734 : vector<1x16xi32> to vector<16xi32>
        %shift_left3A_736 = arith.constant 16 : i32
        %shift_left3A_737 = vector.broadcast %shift_left3A_736 : i32 to vector<16xi32>
        %shift_left3A_738 = arith.shli %get3A_735, %shift_left3A_737 : vector<16xi32>
        %bitcast_convert_type3A_739 = tpu.bitcast %shift_left3A_738 : vector<16xi32> -> vector<16xf32>
        %and3A_740 = arith.constant -65536 : i32
        %and3A_741 = vector.broadcast %and3A_740 : i32 to vector<16xi32>
        %and3A_742 = arith.andi %get3A_735, %and3A_741 : vector<16xi32>
        %bitcast_convert_type3A_743 = tpu.bitcast %and3A_742 : vector<16xi32> -> vector<16xf32>
        %add3A_744 = arith.addf %add3A_730, %bitcast_convert_type3A_739 : vector<16xf32>
        %add3A_745 = arith.addf %add3A_731, %bitcast_convert_type3A_743 : vector<16xf32>
        %swap3A = arith.index_cast %mul3A_670 : i32 to index
        %swap3A_746 = arith.constant 0 : index
        %swap3A_747 = tpu.vector_load %arg13[%swap3A, %swap3A_746] {strides = array<i32>} : memref<64x128xf32, #tpu.memory_space<vmem>>, vector<1x16xf32>,
        %swap3A_748 = vector.shape_cast %swap3A_747 : vector<1x16xf32> to vector<16xf32>
        %swap3A_749 = vector.shape_cast %add3A_744 : vector<16xf32> to vector<1x16xf32>
        tpu.vector_store %arg13[%swap3A, %swap3A_746], %swap3A_749 {add = true, strides = array<i32>} : memref<64x128xf32, #tpu.memory_space<vmem>>, vector<1x16xf32>,
        %swap3A_750 = arith.index_cast %mul3A_670 : i32 to index
        %swap3A_751 = arith.constant 16 : index
        %swap3A_752 = tpu.vector_load %arg13[%swap3A_750, %swap3A_751] {strides = array<i32>} : memref<64x128xf32, #tpu.memory_space<vmem>>, vector<1x16xf32>,
        %swap3A_753 = vector.shape_cast %swap3A_752 : vector<1x16xf32> to vector<16xf32>
        %swap3A_754 = vector.shape_cast %add3A_745 : vector<16xf32> to vector<1x16xf32>
        tpu.vector_store %arg13[%swap3A_750, %swap3A_751], %swap3A_754 {add = true, strides = array<i32>} : memref<64x128xf32, #tpu.memory_space<vmem>>, vector<1x16xf32>,
        %get3A_755 = arith.constant 0 : i32
        %get3A_756 = arith.index_cast %get3A_755 : i32 to index
        %get3A_757 = arith.index_cast %mul3A_670 : i32 to index
        %get3A_758 = arith.constant 16 : index
        %get3A_759 = tpu.vector_load %arg17[%get3A_756, %get3A_757, %get3A_758] {strides = array<i32>} : memref<4x64x64xi32, #tpu.memory_space<vmem>>, vector<1x1x16xi32>,
        %get3A_760 = vector.shape_cast %get3A_759 : vector<1x1x16xi32> to vector<16xi32>
        %shift_left3A_761 = arith.constant 16 : i32
        %shift_left3A_762 = vector.broadcast %shift_left3A_761 : i32 to vector<16xi32>
        %shift_left3A_763 = arith.shli %get3A_760, %shift_left3A_762 : vector<16xi32>
        %bitcast_convert_type3A_764 = tpu.bitcast %shift_left3A_763 : vector<16xi32> -> vector<16xf32>
        %and3A_765 = arith.constant -65536 : i32
        %and3A_766 = vector.broadcast %and3A_765 : i32 to vector<16xi32>
        %and3A_767 = arith.andi %get3A_760, %and3A_766 : vector<16xi32>
        %bitcast_convert_type3A_768 = tpu.bitcast %and3A_767 : vector<16xi32> -> vector<16xf32>
        %get3A_769 = arith.constant 1 : i32
        %get3A_770 = arith.index_cast %get3A_769 : i32 to index
        %get3A_771 = arith.index_cast %mul3A_670 : i32 to index
        %get3A_772 = arith.constant 16 : index
        %get3A_773 = tpu.vector_load %arg17[%get3A_770, %get3A_771, %get3A_772] {strides = array<i32>} : memref<4x64x64xi32, #tpu.memory_space<vmem>>, vector<1x1x16xi32>,
        %get3A_774 = vector.shape_cast %get3A_773 : vector<1x1x16xi32> to vector<16xi32>
        %shift_left3A_775 = arith.constant 16 : i32
        %shift_left3A_776 = vector.broadcast %shift_left3A_775 : i32 to vector<16xi32>
        %shift_left3A_777 = arith.shli %get3A_774, %shift_left3A_776 : vector<16xi32>
        %bitcast_convert_type3A_778 = tpu.bitcast %shift_left3A_777 : vector<16xi32> -> vector<16xf32>
        %and3A_779 = arith.constant -65536 : i32
        %and3A_780 = vector.broadcast %and3A_779 : i32 to vector<16xi32>
        %and3A_781 = arith.andi %get3A_774, %and3A_780 : vector<16xi32>
        %bitcast_convert_type3A_782 = tpu.bitcast %and3A_781 : vector<16xi32> -> vector<16xf32>
        %add3A_783 = arith.addf %bitcast_convert_type3A_764, %bitcast_convert_type3A_778 : vector<16xf32>
        %add3A_784 = arith.addf %bitcast_convert_type3A_768, %bitcast_convert_type3A_782 : vector<16xf32>
        %get3A_785 = arith.constant 2 : i32
        %get3A_786 = arith.index_cast %get3A_785 : i32 to index
        %get3A_787 = arith.index_cast %mul3A_670 : i32 to index
        %get3A_788 = arith.constant 16 : index
        %get3A_789 = tpu.vector_load %arg17[%get3A_786, %get3A_787, %get3A_788] {strides = array<i32>} : memref<4x64x64xi32, #tpu.memory_space<vmem>>, vector<1x1x16xi32>,
        %get3A_790 = vector.shape_cast %get3A_789 : vector<1x1x16xi32> to vector<16xi32>
        %shift_left3A_791 = arith.constant 16 : i32
        %shift_left3A_792 = vector.broadcast %shift_left3A_791 : i32 to vector<16xi32>
        %shift_left3A_793 = arith.shli %get3A_790, %shift_left3A_792 : vector<16xi32>
        %bitcast_convert_type3A_794 = tpu.bitcast %shift_left3A_793 : vector<16xi32> -> vector<16xf32>
        %and3A_795 = arith.constant -65536 : i32
        %and3A_796 = vector.broadcast %and3A_795 : i32 to vector<16xi32>
        %and3A_797 = arith.andi %get3A_790, %and3A_796 : vector<16xi32>
        %bitcast_convert_type3A_798 = tpu.bitcast %and3A_797 : vector<16xi32> -> vector<16xf32>
        %add3A_799 = arith.addf %add3A_783, %bitcast_convert_type3A_794 : vector<16xf32>
        %add3A_800 = arith.addf %add3A_784, %bitcast_convert_type3A_798 : vector<16xf32>
        %get3A_801 = arith.constant 3 : i32
        %get3A_802 = arith.index_cast %get3A_801 : i32 to index
        %get3A_803 = arith.index_cast %mul3A_670 : i32 to index
        %get3A_804 = arith.constant 16 : index
        %get3A_805 = tpu.vector_load %arg17[%get3A_802, %get3A_803, %get3A_804] {strides = array<i32>} : memref<4x64x64xi32, #tpu.memory_space<vmem>>, vector<1x1x16xi32>,
        %get3A_806 = vector.shape_cast %get3A_805 : vector<1x1x16xi32> to vector<16xi32>
        %shift_left3A_807 = arith.constant 16 : i32
        %shift_left3A_808 = vector.broadcast %shift_left3A_807 : i32 to vector<16xi32>
        %shift_left3A_809 = arith.shli %get3A_806, %shift_left3A_808 : vector<16xi32>
        %bitcast_convert_type3A_810 = tpu.bitcast %shift_left3A_809 : vector<16xi32> -> vector<16xf32>
        %and3A_811 = arith.constant -65536 : i32
        %and3A_812 = vector.broadcast %and3A_811 : i32 to vector<16xi32>
        %and3A_813 = arith.andi %get3A_806, %and3A_812 : vector<16xi32>
        %bitcast_convert_type3A_814 = tpu.bitcast %and3A_813 : vector<16xi32> -> vector<16xf32>
        %add3A_815 = arith.addf %add3A_799, %bitcast_convert_type3A_810 : vector<16xf32>
        %add3A_816 = arith.addf %add3A_800, %bitcast_convert_type3A_814 : vector<16xf32>
        %get3A_817 = arith.index_cast %select_n3A : i32 to index
        %get3A_818 = arith.constant 16 : index
        %get3A_819 = tpu.vector_load %arg7[%get3A_817, %get3A_818] {strides = array<i32>} : memref<200x64xi32, #tpu.memory_space<vmem>>, vector<1x16xi32>,
        %get3A_820 = vector.shape_cast %get3A_819 : vector<1x16xi32> to vector<16xi32>
        %shift_left3A_821 = arith.constant 16 : i32
        %shift_left3A_822 = vector.broadcast %shift_left3A_821 : i32 to vector<16xi32>
        %shift_left3A_823 = arith.shli %get3A_820, %shift_left3A_822 : vector<16xi32>
        %bitcast_convert_type3A_824 = tpu.bitcast %shift_left3A_823 : vector<16xi32> -> vector<16xf32>
        %and3A_825 = arith.constant -65536 : i32
        %and3A_826 = vector.broadcast %and3A_825 : i32 to vector<16xi32>
        %and3A_827 = arith.andi %get3A_820, %and3A_826 : vector<16xi32>
        %bitcast_convert_type3A_828 = tpu.bitcast %and3A_827 : vector<16xi32> -> vector<16xf32>
        %add3A_829 = arith.addf %add3A_815, %bitcast_convert_type3A_824 : vector<16xf32>
        %add3A_830 = arith.addf %add3A_816, %bitcast_convert_type3A_828 : vector<16xf32>
        %swap3A_831 = arith.index_cast %mul3A_670 : i32 to index
        %swap3A_832 = arith.constant 32 : index
        %swap3A_833 = tpu.vector_load %arg13[%swap3A_831, %swap3A_832] {strides = array<i32>} : memref<64x128xf32, #tpu.memory_space<vmem>>, vector<1x16xf32>,
        %swap3A_834 = vector.shape_cast %swap3A_833 : vector<1x16xf32> to vector<16xf32>
        %swap3A_835 = vector.shape_cast %add3A_829 : vector<16xf32> to vector<1x16xf32>
        tpu.vector_store %arg13[%swap3A_831, %swap3A_832], %swap3A_835 {add = true, strides = array<i32>} : memref<64x128xf32, #tpu.memory_space<vmem>>, vector<1x16xf32>,
        %swap3A_836 = arith.index_cast %mul3A_670 : i32 to index
        %swap3A_837 = arith.constant 48 : index
        %swap3A_838 = tpu.vector_load %arg13[%swap3A_836, %swap3A_837] {strides = array<i32>} : memref<64x128xf32, #tpu.memory_space<vmem>>, vector<1x16xf32>,
        %swap3A_839 = vector.shape_cast %swap3A_838 : vector<1x16xf32> to vector<16xf32>
        %swap3A_840 = vector.shape_cast %add3A_830 : vector<16xf32> to vector<1x16xf32>
        tpu.vector_store %arg13[%swap3A_836, %swap3A_837], %swap3A_840 {add = true, strides = array<i32>} : memref<64x128xf32, #tpu.memory_space<vmem>>, vector<1x16xf32>,
        %get3A_841 = arith.constant 0 : i32
        %get3A_842 = arith.index_cast %get3A_841 : i32 to index
        %get3A_843 = arith.index_cast %mul3A_670 : i32 to index
        %get3A_844 = arith.constant 32 : index
        %get3A_845 = tpu.vector_load %arg17[%get3A_842, %get3A_843, %get3A_844] {strides = array<i32>} : memref<4x64x64xi32, #tpu.memory_space<vmem>>, vector<1x1x16xi32>,
        %get3A_846 = vector.shape_cast %get3A_845 : vector<1x1x16xi32> to vector<16xi32>
        %shift_left3A_847 = arith.constant 16 : i32
        %shift_left3A_848 = vector.broadcast %shift_left3A_847 : i32 to vector<16xi32>
        %shift_left3A_849 = arith.shli %get3A_846, %shift_left3A_848 : vector<16xi32>
        %bitcast_convert_type3A_850 = tpu.bitcast %shift_left3A_849 : vector<16xi32> -> vector<16xf32>
        %and3A_851 = arith.constant -65536 : i32
        %and3A_852 = vector.broadcast %and3A_851 : i32 to vector<16xi32>
        %and3A_853 = arith.andi %get3A_846, %and3A_852 : vector<16xi32>
        %bitcast_convert_type3A_854 = tpu.bitcast %and3A_853 : vector<16xi32> -> vector<16xf32>
        %get3A_855 = arith.constant 1 : i32
        %get3A_856 = arith.index_cast %get3A_855 : i32 to index
        %get3A_857 = arith.index_cast %mul3A_670 : i32 to index
        %get3A_858 = arith.constant 32 : index
        %get3A_859 = tpu.vector_load %arg17[%get3A_856, %get3A_857, %get3A_858] {strides = array<i32>} : memref<4x64x64xi32, #tpu.memory_space<vmem>>, vector<1x1x16xi32>,
        %get3A_860 = vector.shape_cast %get3A_859 : vector<1x1x16xi32> to vector<16xi32>
        %shift_left3A_861 = arith.constant 16 : i32
        %shift_left3A_862 = vector.broadcast %shift_left3A_861 : i32 to vector<16xi32>
        %shift_left3A_863 = arith.shli %get3A_860, %shift_left3A_862 : vector<16xi32>
        %bitcast_convert_type3A_864 = tpu.bitcast %shift_left3A_863 : vector<16xi32> -> vector<16xf32>
        %and3A_865 = arith.constant -65536 : i32
        %and3A_866 = vector.broadcast %and3A_865 : i32 to vector<16xi32>
        %and3A_867 = arith.andi %get3A_860, %and3A_866 : vector<16xi32>
        %bitcast_convert_type3A_868 = tpu.bitcast %and3A_867 : vector<16xi32> -> vector<16xf32>
        %add3A_869 = arith.addf %bitcast_convert_type3A_850, %bitcast_convert_type3A_864 : vector<16xf32>
        %add3A_870 = arith.addf %bitcast_convert_type3A_854, %bitcast_convert_type3A_868 : vector<16xf32>
        %get3A_871 = arith.constant 2 : i32
        %get3A_872 = arith.index_cast %get3A_871 : i32 to index
        %get3A_873 = arith.index_cast %mul3A_670 : i32 to index
        %get3A_874 = arith.constant 32 : index
        %get3A_875 = tpu.vector_load %arg17[%get3A_872, %get3A_873, %get3A_874] {strides = array<i32>} : memref<4x64x64xi32, #tpu.memory_space<vmem>>, vector<1x1x16xi32>,
        %get3A_876 = vector.shape_cast %get3A_875 : vector<1x1x16xi32> to vector<16xi32>
        %shift_left3A_877 = arith.constant 16 : i32
        %shift_left3A_878 = vector.broadcast %shift_left3A_877 : i32 to vector<16xi32>
        %shift_left3A_879 = arith.shli %get3A_876, %shift_left3A_878 : vector<16xi32>
        %bitcast_convert_type3A_880 = tpu.bitcast %shift_left3A_879 : vector<16xi32> -> vector<16xf32>
        %and3A_881 = arith.constant -65536 : i32
        %and3A_882 = vector.broadcast %and3A_881 : i32 to vector<16xi32>
        %and3A_883 = arith.andi %get3A_876, %and3A_882 : vector<16xi32>
        %bitcast_convert_type3A_884 = tpu.bitcast %and3A_883 : vector<16xi32> -> vector<16xf32>
        %add3A_885 = arith.addf %add3A_869, %bitcast_convert_type3A_880 : vector<16xf32>
        %add3A_886 = arith.addf %add3A_870, %bitcast_convert_type3A_884 : vector<16xf32>
        %get3A_887 = arith.constant 3 : i32
        %get3A_888 = arith.index_cast %get3A_887 : i32 to index
        %get3A_889 = arith.index_cast %mul3A_670 : i32 to index
        %get3A_890 = arith.constant 32 : index
        %get3A_891 = tpu.vector_load %arg17[%get3A_888, %get3A_889, %get3A_890] {strides = array<i32>} : memref<4x64x64xi32, #tpu.memory_space<vmem>>, vector<1x1x16xi32>,
        %get3A_892 = vector.shape_cast %get3A_891 : vector<1x1x16xi32> to vector<16xi32>
        %shift_left3A_893 = arith.constant 16 : i32
        %shift_left3A_894 = vector.broadcast %shift_left3A_893 : i32 to vector<16xi32>
        %shift_left3A_895 = arith.shli %get3A_892, %shift_left3A_894 : vector<16xi32>
        %bitcast_convert_type3A_896 = tpu.bitcast %shift_left3A_895 : vector<16xi32> -> vector<16xf32>
        %and3A_897 = arith.constant -65536 : i32
        %and3A_898 = vector.broadcast %and3A_897 : i32 to vector<16xi32>
        %and3A_899 = arith.andi %get3A_892, %and3A_898 : vector<16xi32>
        %bitcast_convert_type3A_900 = tpu.bitcast %and3A_899 : vector<16xi32> -> vector<16xf32>
        %add3A_901 = arith.addf %add3A_885, %bitcast_convert_type3A_896 : vector<16xf32>
        %add3A_902 = arith.addf %add3A_886, %bitcast_convert_type3A_900 : vector<16xf32>
        %get3A_903 = arith.index_cast %select_n3A : i32 to index
        %get3A_904 = arith.constant 32 : index
        %get3A_905 = tpu.vector_load %arg7[%get3A_903, %get3A_904] {strides = array<i32>} : memref<200x64xi32, #tpu.memory_space<vmem>>, vector<1x16xi32>,
        %get3A_906 = vector.shape_cast %get3A_905 : vector<1x16xi32> to vector<16xi32>
        %shift_left3A_907 = arith.constant 16 : i32
        %shift_left3A_908 = vector.broadcast %shift_left3A_907 : i32 to vector<16xi32>
        %shift_left3A_909 = arith.shli %get3A_906, %shift_left3A_908 : vector<16xi32>
        %bitcast_convert_type3A_910 = tpu.bitcast %shift_left3A_909 : vector<16xi32> -> vector<16xf32>
        %and3A_911 = arith.constant -65536 : i32
        %and3A_912 = vector.broadcast %and3A_911 : i32 to vector<16xi32>
        %and3A_913 = arith.andi %get3A_906, %and3A_912 : vector<16xi32>
        %bitcast_convert_type3A_914 = tpu.bitcast %and3A_913 : vector<16xi32> -> vector<16xf32>
        %add3A_915 = arith.addf %add3A_901, %bitcast_convert_type3A_910 : vector<16xf32>
        %add3A_916 = arith.addf %add3A_902, %bitcast_convert_type3A_914 : vector<16xf32>
        %swap3A_917 = arith.index_cast %mul3A_670 : i32 to index
        %swap3A_918 = arith.constant 64 : index
        %swap3A_919 = tpu.vector_load %arg13[%swap3A_917, %swap3A_918] {strides = array<i32>} : memref<64x128xf32, #tpu.memory_space<vmem>>, vector<1x16xf32>,
        %swap3A_920 = vector.shape_cast %swap3A_919 : vector<1x16xf32> to vector<16xf32>
        %swap3A_921 = vector.shape_cast %add3A_915 : vector<16xf32> to vector<1x16xf32>
        tpu.vector_store %arg13[%swap3A_917, %swap3A_918], %swap3A_921 {add = true, strides = array<i32>} : memref<64x128xf32, #tpu.memory_space<vmem>>, vector<1x16xf32>,
        %swap3A_922 = arith.index_cast %mul3A_670 : i32 to index
        %swap3A_923 = arith.constant 80 : index
        %swap3A_924 = tpu.vector_load %arg13[%swap3A_922, %swap3A_923] {strides = array<i32>} : memref<64x128xf32, #tpu.memory_space<vmem>>, vector<1x16xf32>,
        %swap3A_925 = vector.shape_cast %swap3A_924 : vector<1x16xf32> to vector<16xf32>
        %swap3A_926 = vector.shape_cast %add3A_916 : vector<16xf32> to vector<1x16xf32>
        tpu.vector_store %arg13[%swap3A_922, %swap3A_923], %swap3A_926 {add = true, strides = array<i32>} : memref<64x128xf32, #tpu.memory_space<vmem>>, vector<1x16xf32>,
        %get3A_927 = arith.constant 0 : i32
        %get3A_928 = arith.index_cast %get3A_927 : i32 to index
        %get3A_929 = arith.index_cast %mul3A_670 : i32 to index
        %get3A_930 = arith.constant 48 : index
        %get3A_931 = tpu.vector_load %arg17[%get3A_928, %get3A_929, %get3A_930] {strides = array<i32>} : memref<4x64x64xi32, #tpu.memory_space<vmem>>, vector<1x1x16xi32>,
        %get3A_932 = vector.shape_cast %get3A_931 : vector<1x1x16xi32> to vector<16xi32>
        %shift_left3A_933 = arith.constant 16 : i32
        %shift_left3A_934 = vector.broadcast %shift_left3A_933 : i32 to vector<16xi32>
        %shift_left3A_935 = arith.shli %get3A_932, %shift_left3A_934 : vector<16xi32>
        %bitcast_convert_type3A_936 = tpu.bitcast %shift_left3A_935 : vector<16xi32> -> vector<16xf32>
        %and3A_937 = arith.constant -65536 : i32
        %and3A_938 = vector.broadcast %and3A_937 : i32 to vector<16xi32>
        %and3A_939 = arith.andi %get3A_932, %and3A_938 : vector<16xi32>
        %bitcast_convert_type3A_940 = tpu.bitcast %and3A_939 : vector<16xi32> -> vector<16xf32>
        %get3A_941 = arith.constant 1 : i32
        %get3A_942 = arith.index_cast %get3A_941 : i32 to index
        %get3A_943 = arith.index_cast %mul3A_670 : i32 to index
        %get3A_944 = arith.constant 48 : index
        %get3A_945 = tpu.vector_load %arg17[%get3A_942, %get3A_943, %get3A_944] {strides = array<i32>} : memref<4x64x64xi32, #tpu.memory_space<vmem>>, vector<1x1x16xi32>,
        %get3A_946 = vector.shape_cast %get3A_945 : vector<1x1x16xi32> to vector<16xi32>
        %shift_left3A_947 = arith.constant 16 : i32
        %shift_left3A_948 = vector.broadcast %shift_left3A_947 : i32 to vector<16xi32>
        %shift_left3A_949 = arith.shli %get3A_946, %shift_left3A_948 : vector<16xi32>
        %bitcast_convert_type3A_950 = tpu.bitcast %shift_left3A_949 : vector<16xi32> -> vector<16xf32>
        %and3A_951 = arith.constant -65536 : i32
        %and3A_952 = vector.broadcast %and3A_951 : i32 to vector<16xi32>
        %and3A_953 = arith.andi %get3A_946, %and3A_952 : vector<16xi32>
        %bitcast_convert_type3A_954 = tpu.bitcast %and3A_953 : vector<16xi32> -> vector<16xf32>
        %add3A_955 = arith.addf %bitcast_convert_type3A_936, %bitcast_convert_type3A_950 : vector<16xf32>
        %add3A_956 = arith.addf %bitcast_convert_type3A_940, %bitcast_convert_type3A_954 : vector<16xf32>
        %get3A_957 = arith.constant 2 : i32
        %get3A_958 = arith.index_cast %get3A_957 : i32 to index
        %get3A_959 = arith.index_cast %mul3A_670 : i32 to index
        %get3A_960 = arith.constant 48 : index
        %get3A_961 = tpu.vector_load %arg17[%get3A_958, %get3A_959, %get3A_960] {strides = array<i32>} : memref<4x64x64xi32, #tpu.memory_space<vmem>>, vector<1x1x16xi32>,
        %get3A_962 = vector.shape_cast %get3A_961 : vector<1x1x16xi32> to vector<16xi32>
        %shift_left3A_963 = arith.constant 16 : i32
        %shift_left3A_964 = vector.broadcast %shift_left3A_963 : i32 to vector<16xi32>
        %shift_left3A_965 = arith.shli %get3A_962, %shift_left3A_964 : vector<16xi32>
        %bitcast_convert_type3A_966 = tpu.bitcast %shift_left3A_965 : vector<16xi32> -> vector<16xf32>
        %and3A_967 = arith.constant -65536 : i32
        %and3A_968 = vector.broadcast %and3A_967 : i32 to vector<16xi32>
        %and3A_969 = arith.andi %get3A_962, %and3A_968 : vector<16xi32>
        %bitcast_convert_type3A_970 = tpu.bitcast %and3A_969 : vector<16xi32> -> vector<16xf32>
        %add3A_971 = arith.addf %add3A_955, %bitcast_convert_type3A_966 : vector<16xf32>
        %add3A_972 = arith.addf %add3A_956, %bitcast_convert_type3A_970 : vector<16xf32>
        %get3A_973 = arith.constant 3 : i32
        %get3A_974 = arith.index_cast %get3A_973 : i32 to index
        %get3A_975 = arith.index_cast %mul3A_670 : i32 to index
        %get3A_976 = arith.constant 48 : index
        %get3A_977 = tpu.vector_load %arg17[%get3A_974, %get3A_975, %get3A_976] {strides = array<i32>} : memref<4x64x64xi32, #tpu.memory_space<vmem>>, vector<1x1x16xi32>,
        %get3A_978 = vector.shape_cast %get3A_977 : vector<1x1x16xi32> to vector<16xi32>
        %shift_left3A_979 = arith.constant 16 : i32
        %shift_left3A_980 = vector.broadcast %shift_left3A_979 : i32 to vector<16xi32>
        %shift_left3A_981 = arith.shli %get3A_978, %shift_left3A_980 : vector<16xi32>
        %bitcast_convert_type3A_982 = tpu.bitcast %shift_left3A_981 : vector<16xi32> -> vector<16xf32>
        %and3A_983 = arith.constant -65536 : i32
        %and3A_984 = vector.broadcast %and3A_983 : i32 to vector<16xi32>
        %and3A_985 = arith.andi %get3A_978, %and3A_984 : vector<16xi32>
        %bitcast_convert_type3A_986 = tpu.bitcast %and3A_985 : vector<16xi32> -> vector<16xf32>
        %add3A_987 = arith.addf %add3A_971, %bitcast_convert_type3A_982 : vector<16xf32>
        %add3A_988 = arith.addf %add3A_972, %bitcast_convert_type3A_986 : vector<16xf32>
        %get3A_989 = arith.index_cast %select_n3A : i32 to index
        %get3A_990 = arith.constant 48 : index
        %get3A_991 = tpu.vector_load %arg7[%get3A_989, %get3A_990] {strides = array<i32>} : memref<200x64xi32, #tpu.memory_space<vmem>>, vector<1x16xi32>,
        %get3A_992 = vector.shape_cast %get3A_991 : vector<1x16xi32> to vector<16xi32>
        %shift_left3A_993 = arith.constant 16 : i32
        %shift_left3A_994 = vector.broadcast %shift_left3A_993 : i32 to vector<16xi32>
        %shift_left3A_995 = arith.shli %get3A_992, %shift_left3A_994 : vector<16xi32>
        %bitcast_convert_type3A_996 = tpu.bitcast %shift_left3A_995 : vector<16xi32> -> vector<16xf32>
        %and3A_997 = arith.constant -65536 : i32
        %and3A_998 = vector.broadcast %and3A_997 : i32 to vector<16xi32>
        %and3A_999 = arith.andi %get3A_992, %and3A_998 : vector<16xi32>
        %bitcast_convert_type3A_1000 = tpu.bitcast %and3A_999 : vector<16xi32> -> vector<16xf32>
        %add3A_1001 = arith.addf %add3A_987, %bitcast_convert_type3A_996 : vector<16xf32>
        %add3A_1002 = arith.addf %add3A_988, %bitcast_convert_type3A_1000 : vector<16xf32>
        %swap3A_1003 = arith.index_cast %mul3A_670 : i32 to index
        %swap3A_1004 = arith.constant 96 : index
        %swap3A_1005 = tpu.vector_load %arg13[%swap3A_1003, %swap3A_1004] {strides = array<i32>} : memref<64x128xf32, #tpu.memory_space<vmem>>, vector<1x16xf32>,
        %swap3A_1006 = vector.shape_cast %swap3A_1005 : vector<1x16xf32> to vector<16xf32>
        %swap3A_1007 = vector.shape_cast %add3A_1001 : vector<16xf32> to vector<1x16xf32>
        tpu.vector_store %arg13[%swap3A_1003, %swap3A_1004], %swap3A_1007 {add = true, strides = array<i32>} : memref<64x128xf32, #tpu.memory_space<vmem>>, vector<1x16xf32>,
        %swap3A_1008 = arith.index_cast %mul3A_670 : i32 to index
        %swap3A_1009 = arith.constant 112 : index
        %swap3A_1010 = tpu.vector_load %arg13[%swap3A_1008, %swap3A_1009] {strides = array<i32>} : memref<64x128xf32, #tpu.memory_space<vmem>>, vector<1x16xf32>,
        %swap3A_1011 = vector.shape_cast %swap3A_1010 : vector<1x16xf32> to vector<16xf32>
        %swap3A_1012 = vector.shape_cast %add3A_1002 : vector<16xf32> to vector<1x16xf32>
        tpu.vector_store %arg13[%swap3A_1008, %swap3A_1009], %swap3A_1012 {add = true, strides = array<i32>} : memref<64x128xf32, #tpu.memory_space<vmem>>, vector<1x16xf32>,
        %mul3A_1013 = arith.constant 2 : i32
        %mul3A_1014 = arith.muli %mul3A_1013, %scan3A_667 : i32
        %add3A_1015 = arith.constant 1 : i32
        %add3A_1016 = arith.addi %mul3A_1014, %add3A_1015 : i32
        %add3A_1017 = arith.addi %rem3A_411, %add3A_1016 : i32
        %ge3A_1018 = arith.constant 200 : i32
        %ge3A_1019 = arith.cmpi sge, %add3A_1017, %ge3A_1018 : i32
        %sub3A_1020 = arith.constant 200 : i32
        %sub3A_1021 = arith.subi %add3A_1017, %sub3A_1020 : i32
        %select_n3A_1022 = arith.select %ge3A_1019, %sub3A_1021, %add3A_1017 : i32
        %get3A_1023 = arith.constant 0 : i32
        %get3A_1024 = arith.index_cast %get3A_1023 : i32 to index
        %get3A_1025 = arith.index_cast %add3A_1016 : i32 to index
        %get3A_1026 = arith.constant 0 : index
        %get3A_1027 = tpu.vector_load %arg17[%get3A_1024, %get3A_1025, %get3A_1026] {strides = array<i32>} : memref<4x64x64xi32, #tpu.memory_space<vmem>>, vector<1x1x16xi32>,
        %get3A_1028 = vector.shape_cast %get3A_1027 : vector<1x1x16xi32> to vector<16xi32>
        %shift_left3A_1029 = arith.constant 16 : i32
        %shift_left3A_1030 = vector.broadcast %shift_left3A_1029 : i32 to vector<16xi32>
        %shift_left3A_1031 = arith.shli %get3A_1028, %shift_left3A_1030 : vector<16xi32>
        %bitcast_convert_type3A_1032 = tpu.bitcast %shift_left3A_1031 : vector<16xi32> -> vector<16xf32>
        %and3A_1033 = arith.constant -65536 : i32
        %and3A_1034 = vector.broadcast %and3A_1033 : i32 to vector<16xi32>
        %and3A_1035 = arith.andi %get3A_1028, %and3A_1034 : vector<16xi32>
        %bitcast_convert_type3A_1036 = tpu.bitcast %and3A_1035 : vector<16xi32> -> vector<16xf32>
        %get3A_1037 = arith.constant 1 : i32
        %get3A_1038 = arith.index_cast %get3A_1037 : i32 to index
        %get3A_1039 = arith.index_cast %add3A_1016 : i32 to index
        %get3A_1040 = arith.constant 0 : index
        %get3A_1041 = tpu.vector_load %arg17[%get3A_1038, %get3A_1039, %get3A_1040] {strides = array<i32>} : memref<4x64x64xi32, #tpu.memory_space<vmem>>, vector<1x1x16xi32>,
        %get3A_1042 = vector.shape_cast %get3A_1041 : vector<1x1x16xi32> to vector<16xi32>
        %shift_left3A_1043 = arith.constant 16 : i32
        %shift_left3A_1044 = vector.broadcast %shift_left3A_1043 : i32 to vector<16xi32>
        %shift_left3A_1045 = arith.shli %get3A_1042, %shift_left3A_1044 : vector<16xi32>
        %bitcast_convert_type3A_1046 = tpu.bitcast %shift_left3A_1045 : vector<16xi32> -> vector<16xf32>
        %and3A_1047 = arith.constant -65536 : i32
        %and3A_1048 = vector.broadcast %and3A_1047 : i32 to vector<16xi32>
        %and3A_1049 = arith.andi %get3A_1042, %and3A_1048 : vector<16xi32>
        %bitcast_convert_type3A_1050 = tpu.bitcast %and3A_1049 : vector<16xi32> -> vector<16xf32>
        %add3A_1051 = arith.addf %bitcast_convert_type3A_1032, %bitcast_convert_type3A_1046 : vector<16xf32>
        %add3A_1052 = arith.addf %bitcast_convert_type3A_1036, %bitcast_convert_type3A_1050 : vector<16xf32>
        %get3A_1053 = arith.constant 2 : i32
        %get3A_1054 = arith.index_cast %get3A_1053 : i32 to index
        %get3A_1055 = arith.index_cast %add3A_1016 : i32 to index
        %get3A_1056 = arith.constant 0 : index
        %get3A_1057 = tpu.vector_load %arg17[%get3A_1054, %get3A_1055, %get3A_1056] {strides = array<i32>} : memref<4x64x64xi32, #tpu.memory_space<vmem>>, vector<1x1x16xi32>,
        %get3A_1058 = vector.shape_cast %get3A_1057 : vector<1x1x16xi32> to vector<16xi32>
        %shift_left3A_1059 = arith.constant 16 : i32
        %shift_left3A_1060 = vector.broadcast %shift_left3A_1059 : i32 to vector<16xi32>
        %shift_left3A_1061 = arith.shli %get3A_1058, %shift_left3A_1060 : vector<16xi32>
        %bitcast_convert_type3A_1062 = tpu.bitcast %shift_left3A_1061 : vector<16xi32> -> vector<16xf32>
        %and3A_1063 = arith.constant -65536 : i32
        %and3A_1064 = vector.broadcast %and3A_1063 : i32 to vector<16xi32>
        %and3A_1065 = arith.andi %get3A_1058, %and3A_1064 : vector<16xi32>
        %bitcast_convert_type3A_1066 = tpu.bitcast %and3A_1065 : vector<16xi32> -> vector<16xf32>
        %add3A_1067 = arith.addf %add3A_1051, %bitcast_convert_type3A_1062 : vector<16xf32>
        %add3A_1068 = arith.addf %add3A_1052, %bitcast_convert_type3A_1066 : vector<16xf32>
        %get3A_1069 = arith.constant 3 : i32
        %get3A_1070 = arith.index_cast %get3A_1069 : i32 to index
        %get3A_1071 = arith.index_cast %add3A_1016 : i32 to index
        %get3A_1072 = arith.constant 0 : index
        %get3A_1073 = tpu.vector_load %arg17[%get3A_1070, %get3A_1071, %get3A_1072] {strides = array<i32>} : memref<4x64x64xi32, #tpu.memory_space<vmem>>, vector<1x1x16xi32>,
        %get3A_1074 = vector.shape_cast %get3A_1073 : vector<1x1x16xi32> to vector<16xi32>
        %shift_left3A_1075 = arith.constant 16 : i32
        %shift_left3A_1076 = vector.broadcast %shift_left3A_1075 : i32 to vector<16xi32>
        %shift_left3A_1077 = arith.shli %get3A_1074, %shift_left3A_1076 : vector<16xi32>
        %bitcast_convert_type3A_1078 = tpu.bitcast %shift_left3A_1077 : vector<16xi32> -> vector<16xf32>
        %and3A_1079 = arith.constant -65536 : i32
        %and3A_1080 = vector.broadcast %and3A_1079 : i32 to vector<16xi32>
        %and3A_1081 = arith.andi %get3A_1074, %and3A_1080 : vector<16xi32>
        %bitcast_convert_type3A_1082 = tpu.bitcast %and3A_1081 : vector<16xi32> -> vector<16xf32>
        %add3A_1083 = arith.addf %add3A_1067, %bitcast_convert_type3A_1078 : vector<16xf32>
        %add3A_1084 = arith.addf %add3A_1068, %bitcast_convert_type3A_1082 : vector<16xf32>
        %get3A_1085 = arith.index_cast %select_n3A_1022 : i32 to index
        %get3A_1086 = arith.constant 0 : index
        %get3A_1087 = tpu.vector_load %arg7[%get3A_1085, %get3A_1086] {strides = array<i32>} : memref<200x64xi32, #tpu.memory_space<vmem>>, vector<1x16xi32>,
        %get3A_1088 = vector.shape_cast %get3A_1087 : vector<1x16xi32> to vector<16xi32>
        %shift_left3A_1089 = arith.constant 16 : i32
        %shift_left3A_1090 = vector.broadcast %shift_left3A_1089 : i32 to vector<16xi32>
        %shift_left3A_1091 = arith.shli %get3A_1088, %shift_left3A_1090 : vector<16xi32>
        %bitcast_convert_type3A_1092 = tpu.bitcast %shift_left3A_1091 : vector<16xi32> -> vector<16xf32>
        %and3A_1093 = arith.constant -65536 : i32
        %and3A_1094 = vector.broadcast %and3A_1093 : i32 to vector<16xi32>
        %and3A_1095 = arith.andi %get3A_1088, %and3A_1094 : vector<16xi32>
        %bitcast_convert_type3A_1096 = tpu.bitcast %and3A_1095 : vector<16xi32> -> vector<16xf32>
        %add3A_1097 = arith.addf %add3A_1083, %bitcast_convert_type3A_1092 : vector<16xf32>
        %add3A_1098 = arith.addf %add3A_1084, %bitcast_convert_type3A_1096 : vector<16xf32>
        %swap3A_1099 = arith.index_cast %add3A_1016 : i32 to index
        %swap3A_1100 = arith.constant 0 : index
        %swap3A_1101 = tpu.vector_load %arg13[%swap3A_1099, %swap3A_1100] {strides = array<i32>} : memref<64x128xf32, #tpu.memory_space<vmem>>, vector<1x16xf32>,
        %swap3A_1102 = vector.shape_cast %swap3A_1101 : vector<1x16xf32> to vector<16xf32>
        %swap3A_1103 = vector.shape_cast %add3A_1097 : vector<16xf32> to vector<1x16xf32>
        tpu.vector_store %arg13[%swap3A_1099, %swap3A_1100], %swap3A_1103 {add = true, strides = array<i32>} : memref<64x128xf32, #tpu.memory_space<vmem>>, vector<1x16xf32>,
        %swap3A_1104 = arith.index_cast %add3A_1016 : i32 to index
        %swap3A_1105 = arith.constant 16 : index
        %swap3A_1106 = tpu.vector_load %arg13[%swap3A_1104, %swap3A_1105] {strides = array<i32>} : memref<64x128xf32, #tpu.memory_space<vmem>>, vector<1x16xf32>,
        %swap3A_1107 = vector.shape_cast %swap3A_1106 : vector<1x16xf32> to vector<16xf32>
        %swap3A_1108 = vector.shape_cast %add3A_1098 : vector<16xf32> to vector<1x16xf32>
        tpu.vector_store %arg13[%swap3A_1104, %swap3A_1105], %swap3A_1108 {add = true, strides = array<i32>} : memref<64x128xf32, #tpu.memory_space<vmem>>, vector<1x16xf32>,
        %get3A_1109 = arith.constant 0 : i32
        %get3A_1110 = arith.index_cast %get3A_1109 : i32 to index
        %get3A_1111 = arith.index_cast %add3A_1016 : i32 to index
        %get3A_1112 = arith.constant 16 : index
        %get3A_1113 = tpu.vector_load %arg17[%get3A_1110, %get3A_1111, %get3A_1112] {strides = array<i32>} : memref<4x64x64xi32, #tpu.memory_space<vmem>>, vector<1x1x16xi32>,
        %get3A_1114 = vector.shape_cast %get3A_1113 : vector<1x1x16xi32> to vector<16xi32>
        %shift_left3A_1115 = arith.constant 16 : i32
        %shift_left3A_1116 = vector.broadcast %shift_left3A_1115 : i32 to vector<16xi32>
        %shift_left3A_1117 = arith.shli %get3A_1114, %shift_left3A_1116 : vector<16xi32>
        %bitcast_convert_type3A_1118 = tpu.bitcast %shift_left3A_1117 : vector<16xi32> -> vector<16xf32>
        %and3A_1119 = arith.constant -65536 : i32
        %and3A_1120 = vector.broadcast %and3A_1119 : i32 to vector<16xi32>
        %and3A_1121 = arith.andi %get3A_1114, %and3A_1120 : vector<16xi32>
        %bitcast_convert_type3A_1122 = tpu.bitcast %and3A_1121 : vector<16xi32> -> vector<16xf32>
        %get3A_1123 = arith.constant 1 : i32
        %get3A_1124 = arith.index_cast %get3A_1123 : i32 to index
        %get3A_1125 = arith.index_cast %add3A_1016 : i32 to index
        %get3A_1126 = arith.constant 16 : index
        %get3A_1127 = tpu.vector_load %arg17[%get3A_1124, %get3A_1125, %get3A_1126] {strides = array<i32>} : memref<4x64x64xi32, #tpu.memory_space<vmem>>, vector<1x1x16xi32>,
        %get3A_1128 = vector.shape_cast %get3A_1127 : vector<1x1x16xi32> to vector<16xi32>
        %shift_left3A_1129 = arith.constant 16 : i32
        %shift_left3A_1130 = vector.broadcast %shift_left3A_1129 : i32 to vector<16xi32>
        %shift_left3A_1131 = arith.shli %get3A_1128, %shift_left3A_1130 : vector<16xi32>
        %bitcast_convert_type3A_1132 = tpu.bitcast %shift_left3A_1131 : vector<16xi32> -> vector<16xf32>
        %and3A_1133 = arith.constant -65536 : i32
        %and3A_1134 = vector.broadcast %and3A_1133 : i32 to vector<16xi32>
        %and3A_1135 = arith.andi %get3A_1128, %and3A_1134 : vector<16xi32>
        %bitcast_convert_type3A_1136 = tpu.bitcast %and3A_1135 : vector<16xi32> -> vector<16xf32>
        %add3A_1137 = arith.addf %bitcast_convert_type3A_1118, %bitcast_convert_type3A_1132 : vector<16xf32>
        %add3A_1138 = arith.addf %bitcast_convert_type3A_1122, %bitcast_convert_type3A_1136 : vector<16xf32>
        %get3A_1139 = arith.constant 2 : i32
        %get3A_1140 = arith.index_cast %get3A_1139 : i32 to index
        %get3A_1141 = arith.index_cast %add3A_1016 : i32 to index
        %get3A_1142 = arith.constant 16 : index
        %get3A_1143 = tpu.vector_load %arg17[%get3A_1140, %get3A_1141, %get3A_1142] {strides = array<i32>} : memref<4x64x64xi32, #tpu.memory_space<vmem>>, vector<1x1x16xi32>,
        %get3A_1144 = vector.shape_cast %get3A_1143 : vector<1x1x16xi32> to vector<16xi32>
        %shift_left3A_1145 = arith.constant 16 : i32
        %shift_left3A_1146 = vector.broadcast %shift_left3A_1145 : i32 to vector<16xi32>
        %shift_left3A_1147 = arith.shli %get3A_1144, %shift_left3A_1146 : vector<16xi32>
        %bitcast_convert_type3A_1148 = tpu.bitcast %shift_left3A_1147 : vector<16xi32> -> vector<16xf32>
        %and3A_1149 = arith.constant -65536 : i32
        %and3A_1150 = vector.broadcast %and3A_1149 : i32 to vector<16xi32>
        %and3A_1151 = arith.andi %get3A_1144, %and3A_1150 : vector<16xi32>
        %bitcast_convert_type3A_1152 = tpu.bitcast %and3A_1151 : vector<16xi32> -> vector<16xf32>
        %add3A_1153 = arith.addf %add3A_1137, %bitcast_convert_type3A_1148 : vector<16xf32>
        %add3A_1154 = arith.addf %add3A_1138, %bitcast_convert_type3A_1152 : vector<16xf32>
        %get3A_1155 = arith.constant 3 : i32
        %get3A_1156 = arith.index_cast %get3A_1155 : i32 to index
        %get3A_1157 = arith.index_cast %add3A_1016 : i32 to index
        %get3A_1158 = arith.constant 16 : index
        %get3A_1159 = tpu.vector_load %arg17[%get3A_1156, %get3A_1157, %get3A_1158] {strides = array<i32>} : memref<4x64x64xi32, #tpu.memory_space<vmem>>, vector<1x1x16xi32>,
        %get3A_1160 = vector.shape_cast %get3A_1159 : vector<1x1x16xi32> to vector<16xi32>
        %shift_left3A_1161 = arith.constant 16 : i32
        %shift_left3A_1162 = vector.broadcast %shift_left3A_1161 : i32 to vector<16xi32>
        %shift_left3A_1163 = arith.shli %get3A_1160, %shift_left3A_1162 : vector<16xi32>
        %bitcast_convert_type3A_1164 = tpu.bitcast %shift_left3A_1163 : vector<16xi32> -> vector<16xf32>
        %and3A_1165 = arith.constant -65536 : i32
        %and3A_1166 = vector.broadcast %and3A_1165 : i32 to vector<16xi32>
        %and3A_1167 = arith.andi %get3A_1160, %and3A_1166 : vector<16xi32>
        %bitcast_convert_type3A_1168 = tpu.bitcast %and3A_1167 : vector<16xi32> -> vector<16xf32>
        %add3A_1169 = arith.addf %add3A_1153, %bitcast_convert_type3A_1164 : vector<16xf32>
        %add3A_1170 = arith.addf %add3A_1154, %bitcast_convert_type3A_1168 : vector<16xf32>
        %get3A_1171 = arith.index_cast %select_n3A_1022 : i32 to index
        %get3A_1172 = arith.constant 16 : index
        %get3A_1173 = tpu.vector_load %arg7[%get3A_1171, %get3A_1172] {strides = array<i32>} : memref<200x64xi32, #tpu.memory_space<vmem>>, vector<1x16xi32>,
        %get3A_1174 = vector.shape_cast %get3A_1173 : vector<1x16xi32> to vector<16xi32>
        %shift_left3A_1175 = arith.constant 16 : i32
        %shift_left3A_1176 = vector.broadcast %shift_left3A_1175 : i32 to vector<16xi32>
        %shift_left3A_1177 = arith.shli %get3A_1174, %shift_left3A_1176 : vector<16xi32>
        %bitcast_convert_type3A_1178 = tpu.bitcast %shift_left3A_1177 : vector<16xi32> -> vector<16xf32>
        %and3A_1179 = arith.constant -65536 : i32
        %and3A_1180 = vector.broadcast %and3A_1179 : i32 to vector<16xi32>
        %and3A_1181 = arith.andi %get3A_1174, %and3A_1180 : vector<16xi32>
        %bitcast_convert_type3A_1182 = tpu.bitcast %and3A_1181 : vector<16xi32> -> vector<16xf32>
        %add3A_1183 = arith.addf %add3A_1169, %bitcast_convert_type3A_1178 : vector<16xf32>
        %add3A_1184 = arith.addf %add3A_1170, %bitcast_convert_type3A_1182 : vector<16xf32>
        %swap3A_1185 = arith.index_cast %add3A_1016 : i32 to index
        %swap3A_1186 = arith.constant 32 : index
        %swap3A_1187 = tpu.vector_load %arg13[%swap3A_1185, %swap3A_1186] {strides = array<i32>} : memref<64x128xf32, #tpu.memory_space<vmem>>, vector<1x16xf32>,
        %swap3A_1188 = vector.shape_cast %swap3A_1187 : vector<1x16xf32> to vector<16xf32>
        %swap3A_1189 = vector.shape_cast %add3A_1183 : vector<16xf32> to vector<1x16xf32>
        tpu.vector_store %arg13[%swap3A_1185, %swap3A_1186], %swap3A_1189 {add = true, strides = array<i32>} : memref<64x128xf32, #tpu.memory_space<vmem>>, vector<1x16xf32>,
        %swap3A_1190 = arith.index_cast %add3A_1016 : i32 to index
        %swap3A_1191 = arith.constant 48 : index
        %swap3A_1192 = tpu.vector_load %arg13[%swap3A_1190, %swap3A_1191] {strides = array<i32>} : memref<64x128xf32, #tpu.memory_space<vmem>>, vector<1x16xf32>,
        %swap3A_1193 = vector.shape_cast %swap3A_1192 : vector<1x16xf32> to vector<16xf32>
        %swap3A_1194 = vector.shape_cast %add3A_1184 : vector<16xf32> to vector<1x16xf32>
        tpu.vector_store %arg13[%swap3A_1190, %swap3A_1191], %swap3A_1194 {add = true, strides = array<i32>} : memref<64x128xf32, #tpu.memory_space<vmem>>, vector<1x16xf32>,
        %get3A_1195 = arith.constant 0 : i32
        %get3A_1196 = arith.index_cast %get3A_1195 : i32 to index
        %get3A_1197 = arith.index_cast %add3A_1016 : i32 to index
        %get3A_1198 = arith.constant 32 : index
        %get3A_1199 = tpu.vector_load %arg17[%get3A_1196, %get3A_1197, %get3A_1198] {strides = array<i32>} : memref<4x64x64xi32, #tpu.memory_space<vmem>>, vector<1x1x16xi32>,
        %get3A_1200 = vector.shape_cast %get3A_1199 : vector<1x1x16xi32> to vector<16xi32>
        %shift_left3A_1201 = arith.constant 16 : i32
        %shift_left3A_1202 = vector.broadcast %shift_left3A_1201 : i32 to vector<16xi32>
        %shift_left3A_1203 = arith.shli %get3A_1200, %shift_left3A_1202 : vector<16xi32>
        %bitcast_convert_type3A_1204 = tpu.bitcast %shift_left3A_1203 : vector<16xi32> -> vector<16xf32>
        %and3A_1205 = arith.constant -65536 : i32
        %and3A_1206 = vector.broadcast %and3A_1205 : i32 to vector<16xi32>
        %and3A_1207 = arith.andi %get3A_1200, %and3A_1206 : vector<16xi32>
        %bitcast_convert_type3A_1208 = tpu.bitcast %and3A_1207 : vector<16xi32> -> vector<16xf32>
        %get3A_1209 = arith.constant 1 : i32
        %get3A_1210 = arith.index_cast %get3A_1209 : i32 to index
        %get3A_1211 = arith.index_cast %add3A_1016 : i32 to index
        %get3A_1212 = arith.constant 32 : index
        %get3A_1213 = tpu.vector_load %arg17[%get3A_1210, %get3A_1211, %get3A_1212] {strides = array<i32>} : memref<4x64x64xi32, #tpu.memory_space<vmem>>, vector<1x1x16xi32>,
        %get3A_1214 = vector.shape_cast %get3A_1213 : vector<1x1x16xi32> to vector<16xi32>
        %shift_left3A_1215 = arith.constant 16 : i32
        %shift_left3A_1216 = vector.broadcast %shift_left3A_1215 : i32 to vector<16xi32>
        %shift_left3A_1217 = arith.shli %get3A_1214, %shift_left3A_1216 : vector<16xi32>
        %bitcast_convert_type3A_1218 = tpu.bitcast %shift_left3A_1217 : vector<16xi32> -> vector<16xf32>
        %and3A_1219 = arith.constant -65536 : i32
        %and3A_1220 = vector.broadcast %and3A_1219 : i32 to vector<16xi32>
        %and3A_1221 = arith.andi %get3A_1214, %and3A_1220 : vector<16xi32>
        %bitcast_convert_type3A_1222 = tpu.bitcast %and3A_1221 : vector<16xi32> -> vector<16xf32>
        %add3A_1223 = arith.addf %bitcast_convert_type3A_1204, %bitcast_convert_type3A_1218 : vector<16xf32>
        %add3A_1224 = arith.addf %bitcast_convert_type3A_1208, %bitcast_convert_type3A_1222 : vector<16xf32>
        %get3A_1225 = arith.constant 2 : i32
        %get3A_1226 = arith.index_cast %get3A_1225 : i32 to index
        %get3A_1227 = arith.index_cast %add3A_1016 : i32 to index
        %get3A_1228 = arith.constant 32 : index
        %get3A_1229 = tpu.vector_load %arg17[%get3A_1226, %get3A_1227, %get3A_1228] {strides = array<i32>} : memref<4x64x64xi32, #tpu.memory_space<vmem>>, vector<1x1x16xi32>,
        %get3A_1230 = vector.shape_cast %get3A_1229 : vector<1x1x16xi32> to vector<16xi32>
        %shift_left3A_1231 = arith.constant 16 : i32
        %shift_left3A_1232 = vector.broadcast %shift_left3A_1231 : i32 to vector<16xi32>
        %shift_left3A_1233 = arith.shli %get3A_1230, %shift_left3A_1232 : vector<16xi32>
        %bitcast_convert_type3A_1234 = tpu.bitcast %shift_left3A_1233 : vector<16xi32> -> vector<16xf32>
        %and3A_1235 = arith.constant -65536 : i32
        %and3A_1236 = vector.broadcast %and3A_1235 : i32 to vector<16xi32>
        %and3A_1237 = arith.andi %get3A_1230, %and3A_1236 : vector<16xi32>
        %bitcast_convert_type3A_1238 = tpu.bitcast %and3A_1237 : vector<16xi32> -> vector<16xf32>
        %add3A_1239 = arith.addf %add3A_1223, %bitcast_convert_type3A_1234 : vector<16xf32>
        %add3A_1240 = arith.addf %add3A_1224, %bitcast_convert_type3A_1238 : vector<16xf32>
        %get3A_1241 = arith.constant 3 : i32
        %get3A_1242 = arith.index_cast %get3A_1241 : i32 to index
        %get3A_1243 = arith.index_cast %add3A_1016 : i32 to index
        %get3A_1244 = arith.constant 32 : index
        %get3A_1245 = tpu.vector_load %arg17[%get3A_1242, %get3A_1243, %get3A_1244] {strides = array<i32>} : memref<4x64x64xi32, #tpu.memory_space<vmem>>, vector<1x1x16xi32>,
        %get3A_1246 = vector.shape_cast %get3A_1245 : vector<1x1x16xi32> to vector<16xi32>
        %shift_left3A_1247 = arith.constant 16 : i32
        %shift_left3A_1248 = vector.broadcast %shift_left3A_1247 : i32 to vector<16xi32>
        %shift_left3A_1249 = arith.shli %get3A_1246, %shift_left3A_1248 : vector<16xi32>
        %bitcast_convert_type3A_1250 = tpu.bitcast %shift_left3A_1249 : vector<16xi32> -> vector<16xf32>
        %and3A_1251 = arith.constant -65536 : i32
        %and3A_1252 = vector.broadcast %and3A_1251 : i32 to vector<16xi32>
        %and3A_1253 = arith.andi %get3A_1246, %and3A_1252 : vector<16xi32>
        %bitcast_convert_type3A_1254 = tpu.bitcast %and3A_1253 : vector<16xi32> -> vector<16xf32>
        %add3A_1255 = arith.addf %add3A_1239, %bitcast_convert_type3A_1250 : vector<16xf32>
        %add3A_1256 = arith.addf %add3A_1240, %bitcast_convert_type3A_1254 : vector<16xf32>
        %get3A_1257 = arith.index_cast %select_n3A_1022 : i32 to index
        %get3A_1258 = arith.constant 32 : index
        %get3A_1259 = tpu.vector_load %arg7[%get3A_1257, %get3A_1258] {strides = array<i32>} : memref<200x64xi32, #tpu.memory_space<vmem>>, vector<1x16xi32>,
        %get3A_1260 = vector.shape_cast %get3A_1259 : vector<1x16xi32> to vector<16xi32>
        %shift_left3A_1261 = arith.constant 16 : i32
        %shift_left3A_1262 = vector.broadcast %shift_left3A_1261 : i32 to vector<16xi32>
        %shift_left3A_1263 = arith.shli %get3A_1260, %shift_left3A_1262 : vector<16xi32>
        %bitcast_convert_type3A_1264 = tpu.bitcast %shift_left3A_1263 : vector<16xi32> -> vector<16xf32>
        %and3A_1265 = arith.constant -65536 : i32
        %and3A_1266 = vector.broadcast %and3A_1265 : i32 to vector<16xi32>
        %and3A_1267 = arith.andi %get3A_1260, %and3A_1266 : vector<16xi32>
        %bitcast_convert_type3A_1268 = tpu.bitcast %and3A_1267 : vector<16xi32> -> vector<16xf32>
        %add3A_1269 = arith.addf %add3A_1255, %bitcast_convert_type3A_1264 : vector<16xf32>
        %add3A_1270 = arith.addf %add3A_1256, %bitcast_convert_type3A_1268 : vector<16xf32>
        %swap3A_1271 = arith.index_cast %add3A_1016 : i32 to index
        %swap3A_1272 = arith.constant 64 : index
        %swap3A_1273 = tpu.vector_load %arg13[%swap3A_1271, %swap3A_1272] {strides = array<i32>} : memref<64x128xf32, #tpu.memory_space<vmem>>, vector<1x16xf32>,
        %swap3A_1274 = vector.shape_cast %swap3A_1273 : vector<1x16xf32> to vector<16xf32>
        %swap3A_1275 = vector.shape_cast %add3A_1269 : vector<16xf32> to vector<1x16xf32>
        tpu.vector_store %arg13[%swap3A_1271, %swap3A_1272], %swap3A_1275 {add = true, strides = array<i32>} : memref<64x128xf32, #tpu.memory_space<vmem>>, vector<1x16xf32>,
        %swap3A_1276 = arith.index_cast %add3A_1016 : i32 to index
        %swap3A_1277 = arith.constant 80 : index
        %swap3A_1278 = tpu.vector_load %arg13[%swap3A_1276, %swap3A_1277] {strides = array<i32>} : memref<64x128xf32, #tpu.memory_space<vmem>>, vector<1x16xf32>,
        %swap3A_1279 = vector.shape_cast %swap3A_1278 : vector<1x16xf32> to vector<16xf32>
        %swap3A_1280 = vector.shape_cast %add3A_1270 : vector<16xf32> to vector<1x16xf32>
        tpu.vector_store %arg13[%swap3A_1276, %swap3A_1277], %swap3A_1280 {add = true, strides = array<i32>} : memref<64x128xf32, #tpu.memory_space<vmem>>, vector<1x16xf32>,
        %get3A_1281 = arith.constant 0 : i32
        %get3A_1282 = arith.index_cast %get3A_1281 : i32 to index
        %get3A_1283 = arith.index_cast %add3A_1016 : i32 to index
        %get3A_1284 = arith.constant 48 : index
        %get3A_1285 = tpu.vector_load %arg17[%get3A_1282, %get3A_1283, %get3A_1284] {strides = array<i32>} : memref<4x64x64xi32, #tpu.memory_space<vmem>>, vector<1x1x16xi32>,
        %get3A_1286 = vector.shape_cast %get3A_1285 : vector<1x1x16xi32> to vector<16xi32>
        %shift_left3A_1287 = arith.constant 16 : i32
        %shift_left3A_1288 = vector.broadcast %shift_left3A_1287 : i32 to vector<16xi32>
        %shift_left3A_1289 = arith.shli %get3A_1286, %shift_left3A_1288 : vector<16xi32>
        %bitcast_convert_type3A_1290 = tpu.bitcast %shift_left3A_1289 : vector<16xi32> -> vector<16xf32>
        %and3A_1291 = arith.constant -65536 : i32
        %and3A_1292 = vector.broadcast %and3A_1291 : i32 to vector<16xi32>
        %and3A_1293 = arith.andi %get3A_1286, %and3A_1292 : vector<16xi32>
        %bitcast_convert_type3A_1294 = tpu.bitcast %and3A_1293 : vector<16xi32> -> vector<16xf32>
        %get3A_1295 = arith.constant 1 : i32
        %get3A_1296 = arith.index_cast %get3A_1295 : i32 to index
        %get3A_1297 = arith.index_cast %add3A_1016 : i32 to index
        %get3A_1298 = arith.constant 48 : index
        %get3A_1299 = tpu.vector_load %arg17[%get3A_1296, %get3A_1297, %get3A_1298] {strides = array<i32>} : memref<4x64x64xi32, #tpu.memory_space<vmem>>, vector<1x1x16xi32>,
        %get3A_1300 = vector.shape_cast %get3A_1299 : vector<1x1x16xi32> to vector<16xi32>
        %shift_left3A_1301 = arith.constant 16 : i32
        %shift_left3A_1302 = vector.broadcast %shift_left3A_1301 : i32 to vector<16xi32>
        %shift_left3A_1303 = arith.shli %get3A_1300, %shift_left3A_1302 : vector<16xi32>
        %bitcast_convert_type3A_1304 = tpu.bitcast %shift_left3A_1303 : vector<16xi32> -> vector<16xf32>
        %and3A_1305 = arith.constant -65536 : i32
        %and3A_1306 = vector.broadcast %and3A_1305 : i32 to vector<16xi32>
        %and3A_1307 = arith.andi %get3A_1300, %and3A_1306 : vector<16xi32>
        %bitcast_convert_type3A_1308 = tpu.bitcast %and3A_1307 : vector<16xi32> -> vector<16xf32>
        %add3A_1309 = arith.addf %bitcast_convert_type3A_1290, %bitcast_convert_type3A_1304 : vector<16xf32>
        %add3A_1310 = arith.addf %bitcast_convert_type3A_1294, %bitcast_convert_type3A_1308 : vector<16xf32>
        %get3A_1311 = arith.constant 2 : i32
        %get3A_1312 = arith.index_cast %get3A_1311 : i32 to index
        %get3A_1313 = arith.index_cast %add3A_1016 : i32 to index
        %get3A_1314 = arith.constant 48 : index
        %get3A_1315 = tpu.vector_load %arg17[%get3A_1312, %get3A_1313, %get3A_1314] {strides = array<i32>} : memref<4x64x64xi32, #tpu.memory_space<vmem>>, vector<1x1x16xi32>,
        %get3A_1316 = vector.shape_cast %get3A_1315 : vector<1x1x16xi32> to vector<16xi32>
        %shift_left3A_1317 = arith.constant 16 : i32
        %shift_left3A_1318 = vector.broadcast %shift_left3A_1317 : i32 to vector<16xi32>
        %shift_left3A_1319 = arith.shli %get3A_1316, %shift_left3A_1318 : vector<16xi32>
        %bitcast_convert_type3A_1320 = tpu.bitcast %shift_left3A_1319 : vector<16xi32> -> vector<16xf32>
        %and3A_1321 = arith.constant -65536 : i32
        %and3A_1322 = vector.broadcast %and3A_1321 : i32 to vector<16xi32>
        %and3A_1323 = arith.andi %get3A_1316, %and3A_1322 : vector<16xi32>
        %bitcast_convert_type3A_1324 = tpu.bitcast %and3A_1323 : vector<16xi32> -> vector<16xf32>
        %add3A_1325 = arith.addf %add3A_1309, %bitcast_convert_type3A_1320 : vector<16xf32>
        %add3A_1326 = arith.addf %add3A_1310, %bitcast_convert_type3A_1324 : vector<16xf32>
        %get3A_1327 = arith.constant 3 : i32
        %get3A_1328 = arith.index_cast %get3A_1327 : i32 to index
        %get3A_1329 = arith.index_cast %add3A_1016 : i32 to index
        %get3A_1330 = arith.constant 48 : index
        %get3A_1331 = tpu.vector_load %arg17[%get3A_1328, %get3A_1329, %get3A_1330] {strides = array<i32>} : memref<4x64x64xi32, #tpu.memory_space<vmem>>, vector<1x1x16xi32>,
        %get3A_1332 = vector.shape_cast %get3A_1331 : vector<1x1x16xi32> to vector<16xi32>
        %shift_left3A_1333 = arith.constant 16 : i32
        %shift_left3A_1334 = vector.broadcast %shift_left3A_1333 : i32 to vector<16xi32>
        %shift_left3A_1335 = arith.shli %get3A_1332, %shift_left3A_1334 : vector<16xi32>
        %bitcast_convert_type3A_1336 = tpu.bitcast %shift_left3A_1335 : vector<16xi32> -> vector<16xf32>
        %and3A_1337 = arith.constant -65536 : i32
        %and3A_1338 = vector.broadcast %and3A_1337 : i32 to vector<16xi32>
        %and3A_1339 = arith.andi %get3A_1332, %and3A_1338 : vector<16xi32>
        %bitcast_convert_type3A_1340 = tpu.bitcast %and3A_1339 : vector<16xi32> -> vector<16xf32>
        %add3A_1341 = arith.addf %add3A_1325, %bitcast_convert_type3A_1336 : vector<16xf32>
        %add3A_1342 = arith.addf %add3A_1326, %bitcast_convert_type3A_1340 : vector<16xf32>
        %get3A_1343 = arith.index_cast %select_n3A_1022 : i32 to index
        %get3A_1344 = arith.constant 48 : index
        %get3A_1345 = tpu.vector_load %arg7[%get3A_1343, %get3A_1344] {strides = array<i32>} : memref<200x64xi32, #tpu.memory_space<vmem>>, vector<1x16xi32>,
        %get3A_1346 = vector.shape_cast %get3A_1345 : vector<1x16xi32> to vector<16xi32>
        %shift_left3A_1347 = arith.constant 16 : i32
        %shift_left3A_1348 = vector.broadcast %shift_left3A_1347 : i32 to vector<16xi32>
        %shift_left3A_1349 = arith.shli %get3A_1346, %shift_left3A_1348 : vector<16xi32>
        %bitcast_convert_type3A_1350 = tpu.bitcast %shift_left3A_1349 : vector<16xi32> -> vector<16xf32>
        %and3A_1351 = arith.constant -65536 : i32
        %and3A_1352 = vector.broadcast %and3A_1351 : i32 to vector<16xi32>
        %and3A_1353 = arith.andi %get3A_1346, %and3A_1352 : vector<16xi32>
        %bitcast_convert_type3A_1354 = tpu.bitcast %and3A_1353 : vector<16xi32> -> vector<16xf32>
        %add3A_1355 = arith.addf %add3A_1341, %bitcast_convert_type3A_1350 : vector<16xf32>
        %add3A_1356 = arith.addf %add3A_1342, %bitcast_convert_type3A_1354 : vector<16xf32>
        %swap3A_1357 = arith.index_cast %add3A_1016 : i32 to index
        %swap3A_1358 = arith.constant 96 : index
        %swap3A_1359 = tpu.vector_load %arg13[%swap3A_1357, %swap3A_1358] {strides = array<i32>} : memref<64x128xf32, #tpu.memory_space<vmem>>, vector<1x16xf32>,
        %swap3A_1360 = vector.shape_cast %swap3A_1359 : vector<1x16xf32> to vector<16xf32>
        %swap3A_1361 = vector.shape_cast %add3A_1355 : vector<16xf32> to vector<1x16xf32>
        tpu.vector_store %arg13[%swap3A_1357, %swap3A_1358], %swap3A_1361 {add = true, strides = array<i32>} : memref<64x128xf32, #tpu.memory_space<vmem>>, vector<1x16xf32>,
        %swap3A_1362 = arith.index_cast %add3A_1016 : i32 to index
        %swap3A_1363 = arith.constant 112 : index
        %swap3A_1364 = tpu.vector_load %arg13[%swap3A_1362, %swap3A_1363] {strides = array<i32>} : memref<64x128xf32, #tpu.memory_space<vmem>>, vector<1x16xf32>,
        %swap3A_1365 = vector.shape_cast %swap3A_1364 : vector<1x16xf32> to vector<16xf32>
        %swap3A_1366 = vector.shape_cast %add3A_1356 : vector<16xf32> to vector<1x16xf32>
        tpu.vector_store %arg13[%swap3A_1362, %swap3A_1363], %swap3A_1366 {add = true, strides = array<i32>} : memref<64x128xf32, #tpu.memory_space<vmem>>, vector<1x16xf32>,
        %scan3A_1367 = arith.constant 0 : i32
        scf.yield %scan3A_1367 : i32
      }
      %scan3A_418 = arith.constant 32 : i32
      %dma_start3A_419 = arith.constant 0 : i32
      %dma_start3A_420 = tpu.memref_slice %arg6[%add3A_352, %dma_start3A_419] : memref<204800x128xf32, #tpu.memory_space<hbm>> -> memref<64x128xf32, #tpu.memory_space<hbm>>
      %dma_start3A_421 = arith.constant 0 : i32
      %dma_start3A_422 = tpu.memref_slice %arg6[%add3A_352, %dma_start3A_421] : memref<204800x128xf32, #tpu.memory_space<hbm>> -> memref<64x128xf32, #tpu.memory_space<hbm>>
      tpu.enqueue_dma source(%arg13 : memref<64x128xf32, #tpu.memory_space<vmem>>) target(%dma_start3A_422 : memref<64x128xf32, #tpu.memory_space<hbm>>) target_semaphore(%arg25 : memref<!tpu.dma_semaphore, #tpu.memory_space<semaphore_mem>>)
      %gt3A_423 = arith.constant 0 : i32
      %gt3A_424 = arith.cmpi sgt, %scan3A_193, %gt3A_423 : i32
      %convert_element_type3A_425 = arith.extui %gt3A_424 : i1 to i32
      %cond3A_426 = arith.constant 0 : i32
      %cond3A_427 = arith.cmpi ne, %convert_element_type3A_425, %cond3A_426 : i32
      scf.if %cond3A_427 {
        %dma_wait3A_667 = arith.constant 0 : i32
        %dma_wait3A_668 = tpu.memref_slice %arg6[%add3A_352, %dma_wait3A_667] : memref<204800x128xf32, #tpu.memory_space<hbm>> -> memref<64x128xf32, #tpu.memory_space<hbm>>
        %dma_wait3A_669 = arith.constant 0 : i32
        %dma_wait3A_670 = tpu.memref_slice %arg6[%add3A_352, %dma_wait3A_669] : memref<204800x128xf32, #tpu.memory_space<hbm>> -> memref<64x128xf32, #tpu.memory_space<hbm>>
        tpu.wait_dma2 semaphore(%arg27 : memref<!tpu.dma_semaphore, #tpu.memory_space<semaphore_mem>>) src(%arg15 : memref<64x128xf32, #tpu.memory_space<vmem>>) dst(%dma_wait3A_670 : memref<64x128xf32, #tpu.memory_space<hbm>>)
      } else {
      }
      %add3A_428 = arith.constant 2 : i32
      %add3A_429 = arith.addi %add3A_347, %add3A_428 : i32
      %dma_wait3A_430 = arith.constant 0 : i32
      %dma_wait3A_431 = arith.constant 0 : i32
      %dma_wait3A_432 = tpu.memref_slice %arg2[%add3A, %add3A_429, %dma_wait3A_430, %dma_wait3A_431] : memref<32x100x5x64xi32, #tpu.memory_space<hbm>> -> memref<1x1x5x64xi32, #tpu.memory_space<hbm>>
      %dma_wait3A_433 = tpu.memref_squeeze %dma_wait3A_432 : memref<1x1x5x64xi32, #tpu.memory_space<hbm>> -> memref<5x64xi32, #tpu.memory_space<hbm>>
      %dma_wait3A_434 = arith.constant 0 : i32
      %dma_wait3A_435 = arith.constant 0 : i32
      %dma_wait3A_436 = tpu.memref_slice %arg2[%add3A, %add3A_429, %dma_wait3A_434, %dma_wait3A_435] : memref<32x100x5x64xi32, #tpu.memory_space<hbm>> -> memref<1x1x5x64xi32, #tpu.memory_space<hbm>>
      %dma_wait3A_437 = tpu.memref_squeeze %dma_wait3A_436 : memref<1x1x5x64xi32, #tpu.memory_space<hbm>> -> memref<5x64xi32, #tpu.memory_space<hbm>>
      tpu.wait_dma2 semaphore(%arg31 : memref<!tpu.dma_semaphore, #tpu.memory_space<semaphore_mem>>) src(%dma_wait3A_437 : memref<5x64xi32, #tpu.memory_space<hbm>>) dst(%arg11 : memref<5x64xi32, #tpu.memory_space<vmem>>)
      %dma_start3A_438 = arith.constant 0 : i32
      %dma_start3A_439 = arith.constant 0 : i32
      %dma_start3A_440 = tpu.memref_slice %arg11[%dma_start3A_438, %dma_start3A_439] : memref<5x64xi32, #tpu.memory_space<vmem>> -> memref<1x64xi32, #tpu.memory_space<vmem>>
      %dma_start3A_441 = tpu.memref_squeeze %dma_start3A_440 : memref<1x64xi32, #tpu.memory_space<vmem>> -> memref<64xi32, #tpu.memory_space<vmem>>
      %dma_start3A_442 = arith.constant 0 : i32
      %dma_start3A_443 = arith.constant 0 : i32
      %dma_start3A_444 = tpu.memref_slice %arg3[%dma_start3A_442, %dma_start3A_443] : memref<100000x128xf32, #tpu.memory_space<hbm>> -> memref<100000x128xf32, #tpu.memory_space<hbm>>
      tpu.enqueue_indirect_dma source(%dma_start3A_444 : memref<100000x128xf32, #tpu.memory_space<hbm>>) target(%arg15 : memref<64x128xf32, #tpu.memory_space<vmem>>) offsets(%dma_start3A_441 : memref<64xi32, #tpu.memory_space<vmem>>) semaphore(%arg23 : memref<!tpu.dma_semaphore, #tpu.memory_space<semaphore_mem>>)
      %dma_start3A_445 = arith.constant 1 : i32
      %dma_start3A_446 = arith.constant 0 : i32
      %dma_start3A_447 = arith.constant 0 : i32
      %dma_start3A_448 = arith.constant 0 : i32
      %dma_start3A_449 = tpu.memref_slice %arg19[%dma_start3A_446, %dma_start3A_447, %dma_start3A_448] : memref<4x64x64xi32, #tpu.memory_space<vmem>> -> memref<1x64x64xi32, #tpu.memory_space<vmem>>
      %dma_start3A_450 = tpu.memref_squeeze %dma_start3A_449 : memref<1x64x64xi32, #tpu.memory_space<vmem>> -> memref<64x64xi32, #tpu.memory_space<vmem>>
      %dma_start3A_451 = arith.constant 0 : i32
      %dma_start3A_452 = tpu.memref_slice %arg11[%dma_start3A_445, %dma_start3A_451] : memref<5x64xi32, #tpu.memory_space<vmem>> -> memref<1x64xi32, #tpu.memory_space<vmem>>
      %dma_start3A_453 = tpu.memref_squeeze %dma_start3A_452 : memref<1x64xi32, #tpu.memory_space<vmem>> -> memref<64xi32, #tpu.memory_space<vmem>>
      %dma_start3A_454 = arith.constant 0 : i32
      %dma_start3A_455 = arith.constant 0 : i32
      %dma_start3A_456 = tpu.memref_slice %arg4[%dma_start3A_454, %dma_start3A_455] : memref<1000x64xi32, #tpu.memory_space<hbm>> -> memref<1000x64xi32, #tpu.memory_space<hbm>>
      tpu.enqueue_indirect_dma source(%dma_start3A_456 : memref<1000x64xi32, #tpu.memory_space<hbm>>) target(%dma_start3A_450 : memref<64x64xi32, #tpu.memory_space<vmem>>) offsets(%dma_start3A_453 : memref<64xi32, #tpu.memory_space<vmem>>) semaphore(%arg23 : memref<!tpu.dma_semaphore, #tpu.memory_space<semaphore_mem>>)
      %dma_start3A_457 = arith.constant 2 : i32
      %dma_start3A_458 = arith.constant 1 : i32
      %dma_start3A_459 = arith.constant 0 : i32
      %dma_start3A_460 = arith.constant 0 : i32
      %dma_start3A_461 = tpu.memref_slice %arg19[%dma_start3A_458, %dma_start3A_459, %dma_start3A_460] : memref<4x64x64xi32, #tpu.memory_space<vmem>> -> memref<1x64x64xi32, #tpu.memory_space<vmem>>
      %dma_start3A_462 = tpu.memref_squeeze %dma_start3A_461 : memref<1x64x64xi32, #tpu.memory_space<vmem>> -> memref<64x64xi32, #tpu.memory_space<vmem>>
      %dma_start3A_463 = arith.constant 0 : i32
      %dma_start3A_464 = tpu.memref_slice %arg11[%dma_start3A_457, %dma_start3A_463] : memref<5x64xi32, #tpu.memory_space<vmem>> -> memref<1x64xi32, #tpu.memory_space<vmem>>
      %dma_start3A_465 = tpu.memref_squeeze %dma_start3A_464 : memref<1x64xi32, #tpu.memory_space<vmem>> -> memref<64xi32, #tpu.memory_space<vmem>>
      %dma_start3A_466 = arith.constant 0 : i32
      %dma_start3A_467 = arith.constant 0 : i32
      %dma_start3A_468 = tpu.memref_slice %arg4[%dma_start3A_466, %dma_start3A_467] : memref<1000x64xi32, #tpu.memory_space<hbm>> -> memref<1000x64xi32, #tpu.memory_space<hbm>>
      tpu.enqueue_indirect_dma source(%dma_start3A_468 : memref<1000x64xi32, #tpu.memory_space<hbm>>) target(%dma_start3A_462 : memref<64x64xi32, #tpu.memory_space<vmem>>) offsets(%dma_start3A_465 : memref<64xi32, #tpu.memory_space<vmem>>) semaphore(%arg23 : memref<!tpu.dma_semaphore, #tpu.memory_space<semaphore_mem>>)
      %dma_start3A_469 = arith.constant 3 : i32
      %dma_start3A_470 = arith.constant 2 : i32
      %dma_start3A_471 = arith.constant 0 : i32
      %dma_start3A_472 = arith.constant 0 : i32
      %dma_start3A_473 = tpu.memref_slice %arg19[%dma_start3A_470, %dma_start3A_471, %dma_start3A_472] : memref<4x64x64xi32, #tpu.memory_space<vmem>> -> memref<1x64x64xi32, #tpu.memory_space<vmem>>
      %dma_start3A_474 = tpu.memref_squeeze %dma_start3A_473 : memref<1x64x64xi32, #tpu.memory_space<vmem>> -> memref<64x64xi32, #tpu.memory_space<vmem>>
      %dma_start3A_475 = arith.constant 0 : i32
      %dma_start3A_476 = tpu.memref_slice %arg11[%dma_start3A_469, %dma_start3A_475] : memref<5x64xi32, #tpu.memory_space<vmem>> -> memref<1x64xi32, #tpu.memory_space<vmem>>
      %dma_start3A_477 = tpu.memref_squeeze %dma_start3A_476 : memref<1x64xi32, #tpu.memory_space<vmem>> -> memref<64xi32, #tpu.memory_space<vmem>>
      %dma_start3A_478 = arith.constant 0 : i32
      %dma_start3A_479 = arith.constant 0 : i32
      %dma_start3A_480 = tpu.memref_slice %arg4[%dma_start3A_478, %dma_start3A_479] : memref<1000x64xi32, #tpu.memory_space<hbm>> -> memref<1000x64xi32, #tpu.memory_space<hbm>>
      tpu.enqueue_indirect_dma source(%dma_start3A_480 : memref<1000x64xi32, #tpu.memory_space<hbm>>) target(%dma_start3A_474 : memref<64x64xi32, #tpu.memory_space<vmem>>) offsets(%dma_start3A_477 : memref<64xi32, #tpu.memory_space<vmem>>) semaphore(%arg23 : memref<!tpu.dma_semaphore, #tpu.memory_space<semaphore_mem>>)
      %dma_start3A_481 = arith.constant 4 : i32
      %dma_start3A_482 = arith.constant 3 : i32
      %dma_start3A_483 = arith.constant 0 : i32
      %dma_start3A_484 = arith.constant 0 : i32
      %dma_start3A_485 = tpu.memref_slice %arg19[%dma_start3A_482, %dma_start3A_483, %dma_start3A_484] : memref<4x64x64xi32, #tpu.memory_space<vmem>> -> memref<1x64x64xi32, #tpu.memory_space<vmem>>
      %dma_start3A_486 = tpu.memref_squeeze %dma_start3A_485 : memref<1x64x64xi32, #tpu.memory_space<vmem>> -> memref<64x64xi32, #tpu.memory_space<vmem>>
      %dma_start3A_487 = arith.constant 0 : i32
      %dma_start3A_488 = tpu.memref_slice %arg11[%dma_start3A_481, %dma_start3A_487] : memref<5x64xi32, #tpu.memory_space<vmem>> -> memref<1x64xi32, #tpu.memory_space<vmem>>
      %dma_start3A_489 = tpu.memref_squeeze %dma_start3A_488 : memref<1x64xi32, #tpu.memory_space<vmem>> -> memref<64xi32, #tpu.memory_space<vmem>>
      %dma_start3A_490 = arith.constant 0 : i32
      %dma_start3A_491 = arith.constant 0 : i32
      %dma_start3A_492 = tpu.memref_slice %arg4[%dma_start3A_490, %dma_start3A_491] : memref<1000x64xi32, #tpu.memory_space<hbm>> -> memref<1000x64xi32, #tpu.memory_space<hbm>>
      tpu.enqueue_indirect_dma source(%dma_start3A_492 : memref<1000x64xi32, #tpu.memory_space<hbm>>) target(%dma_start3A_486 : memref<64x64xi32, #tpu.memory_space<vmem>>) offsets(%dma_start3A_489 : memref<64xi32, #tpu.memory_space<vmem>>) semaphore(%arg23 : memref<!tpu.dma_semaphore, #tpu.memory_space<semaphore_mem>>)
      %lt3A_493 = arith.constant 24 : i32
      %lt3A_494 = arith.cmpi slt, %scan3A_193, %lt3A_493 : i32
      %convert_element_type3A_495 = arith.extui %lt3A_494 : i1 to i32
      %cond3A_496 = arith.constant 0 : i32
      %cond3A_497 = arith.cmpi ne, %convert_element_type3A_495, %cond3A_496 : i32
      scf.if %cond3A_497 {
        %add3A_667 = arith.constant 4 : i32
        %add3A_668 = arith.addi %add3A_347, %add3A_667 : i32
        %dma_start3A_669 = arith.constant 0 : i32
        %dma_start3A_670 = arith.constant 0 : i32
        %dma_start3A_671 = tpu.memref_slice %arg2[%add3A, %add3A_668, %dma_start3A_669, %dma_start3A_670] : memref<32x100x5x64xi32, #tpu.memory_space<hbm>> -> memref<1x1x5x64xi32, #tpu.memory_space<hbm>>
        %dma_start3A_672 = tpu.memref_squeeze %dma_start3A_671 : memref<1x1x5x64xi32, #tpu.memory_space<hbm>> -> memref<5x64xi32, #tpu.memory_space<hbm>>
        %dma_start3A_673 = arith.constant 0 : i32
        %dma_start3A_674 = arith.constant 0 : i32
        %dma_start3A_675 = tpu.memref_slice %arg2[%add3A, %add3A_668, %dma_start3A_673, %dma_start3A_674] : memref<32x100x5x64xi32, #tpu.memory_space<hbm>> -> memref<1x1x5x64xi32, #tpu.memory_space<hbm>>
        %dma_start3A_676 = tpu.memref_squeeze %dma_start3A_675 : memref<1x1x5x64xi32, #tpu.memory_space<hbm>> -> memref<5x64xi32, #tpu.memory_space<hbm>>
        tpu.enqueue_dma source(%dma_start3A_676 : memref<5x64xi32, #tpu.memory_space<hbm>>) target(%arg9 : memref<5x64xi32, #tpu.memory_space<vmem>>) target_semaphore(%arg29 : memref<!tpu.dma_semaphore, #tpu.memory_space<semaphore_mem>>)
      } else {
      }
      %mul3A_498 = arith.constant 4 : i32
      %mul3A_499 = arith.muli %mul3A_498, %scan3A_193 : i32
      %add3A_500 = arith.constant 2 : i32
      %add3A_501 = arith.addi %mul3A_499, %add3A_500 : i32
      %mul3A_502 = arith.constant 6400 : i32
      %mul3A_503 = arith.muli %add3A, %mul3A_502 : i32
      %mul3A_504 = arith.constant 64 : i32
      %mul3A_505 = arith.muli %add3A_501, %mul3A_504 : i32
      %add3A_506 = arith.addi %mul3A_503, %mul3A_505 : i32
      %dma_wait3A_507 = arith.constant 0 : i32
      %dma_wait3A_508 = arith.constant 0 : i32
      %dma_wait3A_509 = tpu.memref_slice %arg10[%dma_wait3A_507, %dma_wait3A_508] : memref<5x64xi32, #tpu.memory_space<vmem>> -> memref<1x64xi32, #tpu.memory_space<vmem>>
      %dma_wait3A_510 = tpu.memref_squeeze %dma_wait3A_509 : memref<1x64xi32, #tpu.memory_space<vmem>> -> memref<64xi32, #tpu.memory_space<vmem>>
      %dma_wait3A_511 = arith.constant 0 : i32
      %dma_wait3A_512 = arith.constant 0 : i32
      %dma_wait3A_513 = tpu.memref_slice %arg3[%dma_wait3A_511, %dma_wait3A_512] : memref<100000x128xf32, #tpu.memory_space<hbm>> -> memref<100000x128xf32, #tpu.memory_space<hbm>>
      tpu.wait_indirect_dma semaphore(%arg22 : memref<!tpu.dma_semaphore, #tpu.memory_space<semaphore_mem>>) src(%dma_wait3A_513 : memref<100000x128xf32, #tpu.memory_space<hbm>>) dst(%arg14 : memref<64x128xf32, #tpu.memory_space<vmem>>)
      %dma_wait3A_514 = arith.constant 1 : i32
      %dma_wait3A_515 = arith.constant 0 : i32
      %dma_wait3A_516 = arith.constant 0 : i32
      %dma_wait3A_517 = arith.constant 0 : i32
      %dma_wait3A_518 = tpu.memref_slice %arg18[%dma_wait3A_515, %dma_wait3A_516, %dma_wait3A_517] : memref<4x64x64xi32, #tpu.memory_space<vmem>> -> memref<1x64x64xi32, #tpu.memory_space<vmem>>
      %dma_wait3A_519 = tpu.memref_squeeze %dma_wait3A_518 : memref<1x64x64xi32, #tpu.memory_space<vmem>> -> memref<64x64xi32, #tpu.memory_space<vmem>>
      %dma_wait3A_520 = arith.constant 0 : i32
      %dma_wait3A_521 = tpu.memref_slice %arg10[%dma_wait3A_514, %dma_wait3A_520] : memref<5x64xi32, #tpu.memory_space<vmem>> -> memref<1x64xi32, #tpu.memory_space<vmem>>
      %dma_wait3A_522 = tpu.memref_squeeze %dma_wait3A_521 : memref<1x64xi32, #tpu.memory_space<vmem>> -> memref<64xi32, #tpu.memory_space<vmem>>
      %dma_wait3A_523 = arith.constant 0 : i32
      %dma_wait3A_524 = arith.constant 0 : i32
      %dma_wait3A_525 = tpu.memref_slice %arg4[%dma_wait3A_523, %dma_wait3A_524] : memref<1000x64xi32, #tpu.memory_space<hbm>> -> memref<1000x64xi32, #tpu.memory_space<hbm>>
      tpu.wait_indirect_dma semaphore(%arg22 : memref<!tpu.dma_semaphore, #tpu.memory_space<semaphore_mem>>) src(%dma_wait3A_525 : memref<1000x64xi32, #tpu.memory_space<hbm>>) dst(%dma_wait3A_519 : memref<64x64xi32, #tpu.memory_space<vmem>>)
      %dma_wait3A_526 = arith.constant 2 : i32
      %dma_wait3A_527 = arith.constant 1 : i32
      %dma_wait3A_528 = arith.constant 0 : i32
      %dma_wait3A_529 = arith.constant 0 : i32
      %dma_wait3A_530 = tpu.memref_slice %arg18[%dma_wait3A_527, %dma_wait3A_528, %dma_wait3A_529] : memref<4x64x64xi32, #tpu.memory_space<vmem>> -> memref<1x64x64xi32, #tpu.memory_space<vmem>>
      %dma_wait3A_531 = tpu.memref_squeeze %dma_wait3A_530 : memref<1x64x64xi32, #tpu.memory_space<vmem>> -> memref<64x64xi32, #tpu.memory_space<vmem>>
      %dma_wait3A_532 = arith.constant 0 : i32
      %dma_wait3A_533 = tpu.memref_slice %arg10[%dma_wait3A_526, %dma_wait3A_532] : memref<5x64xi32, #tpu.memory_space<vmem>> -> memref<1x64xi32, #tpu.memory_space<vmem>>
      %dma_wait3A_534 = tpu.memref_squeeze %dma_wait3A_533 : memref<1x64xi32, #tpu.memory_space<vmem>> -> memref<64xi32, #tpu.memory_space<vmem>>
      %dma_wait3A_535 = arith.constant 0 : i32
      %dma_wait3A_536 = arith.constant 0 : i32
      %dma_wait3A_537 = tpu.memref_slice %arg4[%dma_wait3A_535, %dma_wait3A_536] : memref<1000x64xi32, #tpu.memory_space<hbm>> -> memref<1000x64xi32, #tpu.memory_space<hbm>>
      tpu.wait_indirect_dma semaphore(%arg22 : memref<!tpu.dma_semaphore, #tpu.memory_space<semaphore_mem>>) src(%dma_wait3A_537 : memref<1000x64xi32, #tpu.memory_space<hbm>>) dst(%dma_wait3A_531 : memref<64x64xi32, #tpu.memory_space<vmem>>)
      %dma_wait3A_538 = arith.constant 3 : i32
      %dma_wait3A_539 = arith.constant 2 : i32
      %dma_wait3A_540 = arith.constant 0 : i32
      %dma_wait3A_541 = arith.constant 0 : i32
      %dma_wait3A_542 = tpu.memref_slice %arg18[%dma_wait3A_539, %dma_wait3A_540, %dma_wait3A_541] : memref<4x64x64xi32, #tpu.memory_space<vmem>> -> memref<1x64x64xi32, #tpu.memory_space<vmem>>
      %dma_wait3A_543 = tpu.memref_squeeze %dma_wait3A_542 : memref<1x64x64xi32, #tpu.memory_space<vmem>> -> memref<64x64xi32, #tpu.memory_space<vmem>>
      %dma_wait3A_544 = arith.constant 0 : i32
      %dma_wait3A_545 = tpu.memref_slice %arg10[%dma_wait3A_538, %dma_wait3A_544] : memref<5x64xi32, #tpu.memory_space<vmem>> -> memref<1x64xi32, #tpu.memory_space<vmem>>
      %dma_wait3A_546 = tpu.memref_squeeze %dma_wait3A_545 : memref<1x64xi32, #tpu.memory_space<vmem>> -> memref<64xi32, #tpu.memory_space<vmem>>
      %dma_wait3A_547 = arith.constant 0 : i32
      %dma_wait3A_548 = arith.constant 0 : i32
      %dma_wait3A_549 = tpu.memref_slice %arg4[%dma_wait3A_547, %dma_wait3A_548] : memref<1000x64xi32, #tpu.memory_space<hbm>> -> memref<1000x64xi32, #tpu.memory_space<hbm>>
      tpu.wait_indirect_dma semaphore(%arg22 : memref<!tpu.dma_semaphore, #tpu.memory_space<semaphore_mem>>) src(%dma_wait3A_549 : memref<1000x64xi32, #tpu.memory_space<hbm>>) dst(%dma_wait3A_543 : memref<64x64xi32, #tpu.memory_space<vmem>>)
      %dma_wait3A_550 = arith.constant 4 : i32
      %dma_wait3A_551 = arith.constant 3 : i32
      %dma_wait3A_552 = arith.constant 0 : i32
      %dma_wait3A_553 = arith.constant 0 : i32
      %dma_wait3A_554 = tpu.memref_slice %arg18[%dma_wait3A_551, %dma_wait3A_552, %dma_wait3A_553] : memref<4x64x64xi32, #tpu.memory_space<vmem>> -> memref<1x64x64xi32, #tpu.memory_space<vmem>>
      %dma_wait3A_555 = tpu.memref_squeeze %dma_wait3A_554 : memref<1x64x64xi32, #tpu.memory_space<vmem>> -> memref<64x64xi32, #tpu.memory_space<vmem>>
      %dma_wait3A_556 = arith.constant 0 : i32
      %dma_wait3A_557 = tpu.memref_slice %arg10[%dma_wait3A_550, %dma_wait3A_556] : memref<5x64xi32, #tpu.memory_space<vmem>> -> memref<1x64xi32, #tpu.memory_space<vmem>>
      %dma_wait3A_558 = tpu.memref_squeeze %dma_wait3A_557 : memref<1x64xi32, #tpu.memory_space<vmem>> -> memref<64xi32, #tpu.memory_space<vmem>>
      %dma_wait3A_559 = arith.constant 0 : i32
      %dma_wait3A_560 = arith.constant 0 : i32
      %dma_wait3A_561 = tpu.memref_slice %arg4[%dma_wait3A_559, %dma_wait3A_560] : memref<1000x64xi32, #tpu.memory_space<hbm>> -> memref<1000x64xi32, #tpu.memory_space<hbm>>
      tpu.wait_indirect_dma semaphore(%arg22 : memref<!tpu.dma_semaphore, #tpu.memory_space<semaphore_mem>>) src(%dma_wait3A_561 : memref<1000x64xi32, #tpu.memory_space<hbm>>) dst(%dma_wait3A_555 : memref<64x64xi32, #tpu.memory_space<vmem>>)
      %mul3A_562 = arith.constant 64 : i32
      %mul3A_563 = arith.muli %add3A_501, %mul3A_562 : i32
      %rem3A_564 = arith.constant 200 : i32
      %rem3A_565 = arith.remsi %mul3A_563, %rem3A_564 : i32
      %scan3A_566 = arith.constant 0 : i32
      %scan3A_567 = arith.constant 0 : i32
      %scan3A_568 = arith.constant 32 : i32
      %scan3A_569 = arith.addi %scan3A_567, %scan3A_568 : i32
      %scan3A_570 = arith.constant 1 : i32
      %scan3A_571 = scf.for %scan3A_667 = %scan3A_567 to %scan3A_569 step %scan3A_570 iter_args(%scan3A_668 = %scan3A_566) -> (i32)  : i32 {
        %mul3A_669 = arith.constant 2 : i32
        %mul3A_670 = arith.muli %mul3A_669, %scan3A_667 : i32
        %add3A_671 = arith.addi %rem3A_565, %mul3A_670 : i32
        %ge3A = arith.constant 200 : i32
        %ge3A_672 = arith.cmpi sge, %add3A_671, %ge3A : i32
        %sub3A = arith.constant 200 : i32
        %sub3A_673 = arith.subi %add3A_671, %sub3A : i32
        %select_n3A = arith.select %ge3A_672, %sub3A_673, %add3A_671 : i32
        %get3A = arith.constant 0 : i32
        %get3A_674 = arith.index_cast %get3A : i32 to index
        %get3A_675 = arith.index_cast %mul3A_670 : i32 to index
        %get3A_676 = arith.constant 0 : index
        %get3A_677 = tpu.vector_load %arg18[%get3A_674, %get3A_675, %get3A_676] {strides = array<i32>} : memref<4x64x64xi32, #tpu.memory_space<vmem>>, vector<1x1x16xi32>,
        %get3A_678 = vector.shape_cast %get3A_677 : vector<1x1x16xi32> to vector<16xi32>
        %shift_left3A = arith.constant 16 : i32
        %shift_left3A_679 = vector.broadcast %shift_left3A : i32 to vector<16xi32>
        %shift_left3A_680 = arith.shli %get3A_678, %shift_left3A_679 : vector<16xi32>
        %bitcast_convert_type3A = tpu.bitcast %shift_left3A_680 : vector<16xi32> -> vector<16xf32>
        %and3A = arith.constant -65536 : i32
        %and3A_681 = vector.broadcast %and3A : i32 to vector<16xi32>
        %and3A_682 = arith.andi %get3A_678, %and3A_681 : vector<16xi32>
        %bitcast_convert_type3A_683 = tpu.bitcast %and3A_682 : vector<16xi32> -> vector<16xf32>
        %get3A_684 = arith.constant 1 : i32
        %get3A_685 = arith.index_cast %get3A_684 : i32 to index
        %get3A_686 = arith.index_cast %mul3A_670 : i32 to index
        %get3A_687 = arith.constant 0 : index
        %get3A_688 = tpu.vector_load %arg18[%get3A_685, %get3A_686, %get3A_687] {strides = array<i32>} : memref<4x64x64xi32, #tpu.memory_space<vmem>>, vector<1x1x16xi32>,
        %get3A_689 = vector.shape_cast %get3A_688 : vector<1x1x16xi32> to vector<16xi32>
        %shift_left3A_690 = arith.constant 16 : i32
        %shift_left3A_691 = vector.broadcast %shift_left3A_690 : i32 to vector<16xi32>
        %shift_left3A_692 = arith.shli %get3A_689, %shift_left3A_691 : vector<16xi32>
        %bitcast_convert_type3A_693 = tpu.bitcast %shift_left3A_692 : vector<16xi32> -> vector<16xf32>
        %and3A_694 = arith.constant -65536 : i32
        %and3A_695 = vector.broadcast %and3A_694 : i32 to vector<16xi32>
        %and3A_696 = arith.andi %get3A_689, %and3A_695 : vector<16xi32>
        %bitcast_convert_type3A_697 = tpu.bitcast %and3A_696 : vector<16xi32> -> vector<16xf32>
        %add3A_698 = arith.addf %bitcast_convert_type3A, %bitcast_convert_type3A_693 : vector<16xf32>
        %add3A_699 = arith.addf %bitcast_convert_type3A_683, %bitcast_convert_type3A_697 : vector<16xf32>
        %get3A_700 = arith.constant 2 : i32
        %get3A_701 = arith.index_cast %get3A_700 : i32 to index
        %get3A_702 = arith.index_cast %mul3A_670 : i32 to index
        %get3A_703 = arith.constant 0 : index
        %get3A_704 = tpu.vector_load %arg18[%get3A_701, %get3A_702, %get3A_703] {strides = array<i32>} : memref<4x64x64xi32, #tpu.memory_space<vmem>>, vector<1x1x16xi32>,
        %get3A_705 = vector.shape_cast %get3A_704 : vector<1x1x16xi32> to vector<16xi32>
        %shift_left3A_706 = arith.constant 16 : i32
        %shift_left3A_707 = vector.broadcast %shift_left3A_706 : i32 to vector<16xi32>
        %shift_left3A_708 = arith.shli %get3A_705, %shift_left3A_707 : vector<16xi32>
        %bitcast_convert_type3A_709 = tpu.bitcast %shift_left3A_708 : vector<16xi32> -> vector<16xf32>
        %and3A_710 = arith.constant -65536 : i32
        %and3A_711 = vector.broadcast %and3A_710 : i32 to vector<16xi32>
        %and3A_712 = arith.andi %get3A_705, %and3A_711 : vector<16xi32>
        %bitcast_convert_type3A_713 = tpu.bitcast %and3A_712 : vector<16xi32> -> vector<16xf32>
        %add3A_714 = arith.addf %add3A_698, %bitcast_convert_type3A_709 : vector<16xf32>
        %add3A_715 = arith.addf %add3A_699, %bitcast_convert_type3A_713 : vector<16xf32>
        %get3A_716 = arith.constant 3 : i32
        %get3A_717 = arith.index_cast %get3A_716 : i32 to index
        %get3A_718 = arith.index_cast %mul3A_670 : i32 to index
        %get3A_719 = arith.constant 0 : index
        %get3A_720 = tpu.vector_load %arg18[%get3A_717, %get3A_718, %get3A_719] {strides = array<i32>} : memref<4x64x64xi32, #tpu.memory_space<vmem>>, vector<1x1x16xi32>,
        %get3A_721 = vector.shape_cast %get3A_720 : vector<1x1x16xi32> to vector<16xi32>
        %shift_left3A_722 = arith.constant 16 : i32
        %shift_left3A_723 = vector.broadcast %shift_left3A_722 : i32 to vector<16xi32>
        %shift_left3A_724 = arith.shli %get3A_721, %shift_left3A_723 : vector<16xi32>
        %bitcast_convert_type3A_725 = tpu.bitcast %shift_left3A_724 : vector<16xi32> -> vector<16xf32>
        %and3A_726 = arith.constant -65536 : i32
        %and3A_727 = vector.broadcast %and3A_726 : i32 to vector<16xi32>
        %and3A_728 = arith.andi %get3A_721, %and3A_727 : vector<16xi32>
        %bitcast_convert_type3A_729 = tpu.bitcast %and3A_728 : vector<16xi32> -> vector<16xf32>
        %add3A_730 = arith.addf %add3A_714, %bitcast_convert_type3A_725 : vector<16xf32>
        %add3A_731 = arith.addf %add3A_715, %bitcast_convert_type3A_729 : vector<16xf32>
        %get3A_732 = arith.index_cast %select_n3A : i32 to index
        %get3A_733 = arith.constant 0 : index
        %get3A_734 = tpu.vector_load %arg7[%get3A_732, %get3A_733] {strides = array<i32>} : memref<200x64xi32, #tpu.memory_space<vmem>>, vector<1x16xi32>,
        %get3A_735 = vector.shape_cast %get3A_734 : vector<1x16xi32> to vector<16xi32>
        %shift_left3A_736 = arith.constant 16 : i32
        %shift_left3A_737 = vector.broadcast %shift_left3A_736 : i32 to vector<16xi32>
        %shift_left3A_738 = arith.shli %get3A_735, %shift_left3A_737 : vector<16xi32>
        %bitcast_convert_type3A_739 = tpu.bitcast %shift_left3A_738 : vector<16xi32> -> vector<16xf32>
        %and3A_740 = arith.constant -65536 : i32
        %and3A_741 = vector.broadcast %and3A_740 : i32 to vector<16xi32>
        %and3A_742 = arith.andi %get3A_735, %and3A_741 : vector<16xi32>
        %bitcast_convert_type3A_743 = tpu.bitcast %and3A_742 : vector<16xi32> -> vector<16xf32>
        %add3A_744 = arith.addf %add3A_730, %bitcast_convert_type3A_739 : vector<16xf32>
        %add3A_745 = arith.addf %add3A_731, %bitcast_convert_type3A_743 : vector<16xf32>
        %swap3A = arith.index_cast %mul3A_670 : i32 to index
        %swap3A_746 = arith.constant 0 : index
        %swap3A_747 = tpu.vector_load %arg14[%swap3A, %swap3A_746] {strides = array<i32>} : memref<64x128xf32, #tpu.memory_space<vmem>>, vector<1x16xf32>,
        %swap3A_748 = vector.shape_cast %swap3A_747 : vector<1x16xf32> to vector<16xf32>
        %swap3A_749 = vector.shape_cast %add3A_744 : vector<16xf32> to vector<1x16xf32>
        tpu.vector_store %arg14[%swap3A, %swap3A_746], %swap3A_749 {add = true, strides = array<i32>} : memref<64x128xf32, #tpu.memory_space<vmem>>, vector<1x16xf32>,
        %swap3A_750 = arith.index_cast %mul3A_670 : i32 to index
        %swap3A_751 = arith.constant 16 : index
        %swap3A_752 = tpu.vector_load %arg14[%swap3A_750, %swap3A_751] {strides = array<i32>} : memref<64x128xf32, #tpu.memory_space<vmem>>, vector<1x16xf32>,
        %swap3A_753 = vector.shape_cast %swap3A_752 : vector<1x16xf32> to vector<16xf32>
        %swap3A_754 = vector.shape_cast %add3A_745 : vector<16xf32> to vector<1x16xf32>
        tpu.vector_store %arg14[%swap3A_750, %swap3A_751], %swap3A_754 {add = true, strides = array<i32>} : memref<64x128xf32, #tpu.memory_space<vmem>>, vector<1x16xf32>,
        %get3A_755 = arith.constant 0 : i32
        %get3A_756 = arith.index_cast %get3A_755 : i32 to index
        %get3A_757 = arith.index_cast %mul3A_670 : i32 to index
        %get3A_758 = arith.constant 16 : index
        %get3A_759 = tpu.vector_load %arg18[%get3A_756, %get3A_757, %get3A_758] {strides = array<i32>} : memref<4x64x64xi32, #tpu.memory_space<vmem>>, vector<1x1x16xi32>,
        %get3A_760 = vector.shape_cast %get3A_759 : vector<1x1x16xi32> to vector<16xi32>
        %shift_left3A_761 = arith.constant 16 : i32
        %shift_left3A_762 = vector.broadcast %shift_left3A_761 : i32 to vector<16xi32>
        %shift_left3A_763 = arith.shli %get3A_760, %shift_left3A_762 : vector<16xi32>
        %bitcast_convert_type3A_764 = tpu.bitcast %shift_left3A_763 : vector<16xi32> -> vector<16xf32>
        %and3A_765 = arith.constant -65536 : i32
        %and3A_766 = vector.broadcast %and3A_765 : i32 to vector<16xi32>
        %and3A_767 = arith.andi %get3A_760, %and3A_766 : vector<16xi32>
        %bitcast_convert_type3A_768 = tpu.bitcast %and3A_767 : vector<16xi32> -> vector<16xf32>
        %get3A_769 = arith.constant 1 : i32
        %get3A_770 = arith.index_cast %get3A_769 : i32 to index
        %get3A_771 = arith.index_cast %mul3A_670 : i32 to index
        %get3A_772 = arith.constant 16 : index
        %get3A_773 = tpu.vector_load %arg18[%get3A_770, %get3A_771, %get3A_772] {strides = array<i32>} : memref<4x64x64xi32, #tpu.memory_space<vmem>>, vector<1x1x16xi32>,
        %get3A_774 = vector.shape_cast %get3A_773 : vector<1x1x16xi32> to vector<16xi32>
        %shift_left3A_775 = arith.constant 16 : i32
        %shift_left3A_776 = vector.broadcast %shift_left3A_775 : i32 to vector<16xi32>
        %shift_left3A_777 = arith.shli %get3A_774, %shift_left3A_776 : vector<16xi32>
        %bitcast_convert_type3A_778 = tpu.bitcast %shift_left3A_777 : vector<16xi32> -> vector<16xf32>
        %and3A_779 = arith.constant -65536 : i32
        %and3A_780 = vector.broadcast %and3A_779 : i32 to vector<16xi32>
        %and3A_781 = arith.andi %get3A_774, %and3A_780 : vector<16xi32>
        %bitcast_convert_type3A_782 = tpu.bitcast %and3A_781 : vector<16xi32> -> vector<16xf32>
        %add3A_783 = arith.addf %bitcast_convert_type3A_764, %bitcast_convert_type3A_778 : vector<16xf32>
        %add3A_784 = arith.addf %bitcast_convert_type3A_768, %bitcast_convert_type3A_782 : vector<16xf32>
        %get3A_785 = arith.constant 2 : i32
        %get3A_786 = arith.index_cast %get3A_785 : i32 to index
        %get3A_787 = arith.index_cast %mul3A_670 : i32 to index
        %get3A_788 = arith.constant 16 : index
        %get3A_789 = tpu.vector_load %arg18[%get3A_786, %get3A_787, %get3A_788] {strides = array<i32>} : memref<4x64x64xi32, #tpu.memory_space<vmem>>, vector<1x1x16xi32>,
        %get3A_790 = vector.shape_cast %get3A_789 : vector<1x1x16xi32> to vector<16xi32>
        %shift_left3A_791 = arith.constant 16 : i32
        %shift_left3A_792 = vector.broadcast %shift_left3A_791 : i32 to vector<16xi32>
        %shift_left3A_793 = arith.shli %get3A_790, %shift_left3A_792 : vector<16xi32>
        %bitcast_convert_type3A_794 = tpu.bitcast %shift_left3A_793 : vector<16xi32> -> vector<16xf32>
        %and3A_795 = arith.constant -65536 : i32
        %and3A_796 = vector.broadcast %and3A_795 : i32 to vector<16xi32>
        %and3A_797 = arith.andi %get3A_790, %and3A_796 : vector<16xi32>
        %bitcast_convert_type3A_798 = tpu.bitcast %and3A_797 : vector<16xi32> -> vector<16xf32>
        %add3A_799 = arith.addf %add3A_783, %bitcast_convert_type3A_794 : vector<16xf32>
        %add3A_800 = arith.addf %add3A_784, %bitcast_convert_type3A_798 : vector<16xf32>
        %get3A_801 = arith.constant 3 : i32
        %get3A_802 = arith.index_cast %get3A_801 : i32 to index
        %get3A_803 = arith.index_cast %mul3A_670 : i32 to index
        %get3A_804 = arith.constant 16 : index
        %get3A_805 = tpu.vector_load %arg18[%get3A_802, %get3A_803, %get3A_804] {strides = array<i32>} : memref<4x64x64xi32, #tpu.memory_space<vmem>>, vector<1x1x16xi32>,
        %get3A_806 = vector.shape_cast %get3A_805 : vector<1x1x16xi32> to vector<16xi32>
        %shift_left3A_807 = arith.constant 16 : i32
        %shift_left3A_808 = vector.broadcast %shift_left3A_807 : i32 to vector<16xi32>
        %shift_left3A_809 = arith.shli %get3A_806, %shift_left3A_808 : vector<16xi32>
        %bitcast_convert_type3A_810 = tpu.bitcast %shift_left3A_809 : vector<16xi32> -> vector<16xf32>
        %and3A_811 = arith.constant -65536 : i32
        %and3A_812 = vector.broadcast %and3A_811 : i32 to vector<16xi32>
        %and3A_813 = arith.andi %get3A_806, %and3A_812 : vector<16xi32>
        %bitcast_convert_type3A_814 = tpu.bitcast %and3A_813 : vector<16xi32> -> vector<16xf32>
        %add3A_815 = arith.addf %add3A_799, %bitcast_convert_type3A_810 : vector<16xf32>
        %add3A_816 = arith.addf %add3A_800, %bitcast_convert_type3A_814 : vector<16xf32>
        %get3A_817 = arith.index_cast %select_n3A : i32 to index
        %get3A_818 = arith.constant 16 : index
        %get3A_819 = tpu.vector_load %arg7[%get3A_817, %get3A_818] {strides = array<i32>} : memref<200x64xi32, #tpu.memory_space<vmem>>, vector<1x16xi32>,
        %get3A_820 = vector.shape_cast %get3A_819 : vector<1x16xi32> to vector<16xi32>
        %shift_left3A_821 = arith.constant 16 : i32
        %shift_left3A_822 = vector.broadcast %shift_left3A_821 : i32 to vector<16xi32>
        %shift_left3A_823 = arith.shli %get3A_820, %shift_left3A_822 : vector<16xi32>
        %bitcast_convert_type3A_824 = tpu.bitcast %shift_left3A_823 : vector<16xi32> -> vector<16xf32>
        %and3A_825 = arith.constant -65536 : i32
        %and3A_826 = vector.broadcast %and3A_825 : i32 to vector<16xi32>
        %and3A_827 = arith.andi %get3A_820, %and3A_826 : vector<16xi32>
        %bitcast_convert_type3A_828 = tpu.bitcast %and3A_827 : vector<16xi32> -> vector<16xf32>
        %add3A_829 = arith.addf %add3A_815, %bitcast_convert_type3A_824 : vector<16xf32>
        %add3A_830 = arith.addf %add3A_816, %bitcast_convert_type3A_828 : vector<16xf32>
        %swap3A_831 = arith.index_cast %mul3A_670 : i32 to index
        %swap3A_832 = arith.constant 32 : index
        %swap3A_833 = tpu.vector_load %arg14[%swap3A_831, %swap3A_832] {strides = array<i32>} : memref<64x128xf32, #tpu.memory_space<vmem>>, vector<1x16xf32>,
        %swap3A_834 = vector.shape_cast %swap3A_833 : vector<1x16xf32> to vector<16xf32>
        %swap3A_835 = vector.shape_cast %add3A_829 : vector<16xf32> to vector<1x16xf32>
        tpu.vector_store %arg14[%swap3A_831, %swap3A_832], %swap3A_835 {add = true, strides = array<i32>} : memref<64x128xf32, #tpu.memory_space<vmem>>, vector<1x16xf32>,
        %swap3A_836 = arith.index_cast %mul3A_670 : i32 to index
        %swap3A_837 = arith.constant 48 : index
        %swap3A_838 = tpu.vector_load %arg14[%swap3A_836, %swap3A_837] {strides = array<i32>} : memref<64x128xf32, #tpu.memory_space<vmem>>, vector<1x16xf32>,
        %swap3A_839 = vector.shape_cast %swap3A_838 : vector<1x16xf32> to vector<16xf32>
        %swap3A_840 = vector.shape_cast %add3A_830 : vector<16xf32> to vector<1x16xf32>
        tpu.vector_store %arg14[%swap3A_836, %swap3A_837], %swap3A_840 {add = true, strides = array<i32>} : memref<64x128xf32, #tpu.memory_space<vmem>>, vector<1x16xf32>,
        %get3A_841 = arith.constant 0 : i32
        %get3A_842 = arith.index_cast %get3A_841 : i32 to index
        %get3A_843 = arith.index_cast %mul3A_670 : i32 to index
        %get3A_844 = arith.constant 32 : index
        %get3A_845 = tpu.vector_load %arg18[%get3A_842, %get3A_843, %get3A_844] {strides = array<i32>} : memref<4x64x64xi32, #tpu.memory_space<vmem>>, vector<1x1x16xi32>,
        %get3A_846 = vector.shape_cast %get3A_845 : vector<1x1x16xi32> to vector<16xi32>
        %shift_left3A_847 = arith.constant 16 : i32
        %shift_left3A_848 = vector.broadcast %shift_left3A_847 : i32 to vector<16xi32>
        %shift_left3A_849 = arith.shli %get3A_846, %shift_left3A_848 : vector<16xi32>
        %bitcast_convert_type3A_850 = tpu.bitcast %shift_left3A_849 : vector<16xi32> -> vector<16xf32>
        %and3A_851 = arith.constant -65536 : i32
        %and3A_852 = vector.broadcast %and3A_851 : i32 to vector<16xi32>
        %and3A_853 = arith.andi %get3A_846, %and3A_852 : vector<16xi32>
        %bitcast_convert_type3A_854 = tpu.bitcast %and3A_853 : vector<16xi32> -> vector<16xf32>
        %get3A_855 = arith.constant 1 : i32
        %get3A_856 = arith.index_cast %get3A_855 : i32 to index
        %get3A_857 = arith.index_cast %mul3A_670 : i32 to index
        %get3A_858 = arith.constant 32 : index
        %get3A_859 = tpu.vector_load %arg18[%get3A_856, %get3A_857, %get3A_858] {strides = array<i32>} : memref<4x64x64xi32, #tpu.memory_space<vmem>>, vector<1x1x16xi32>,
        %get3A_860 = vector.shape_cast %get3A_859 : vector<1x1x16xi32> to vector<16xi32>
        %shift_left3A_861 = arith.constant 16 : i32
        %shift_left3A_862 = vector.broadcast %shift_left3A_861 : i32 to vector<16xi32>
        %shift_left3A_863 = arith.shli %get3A_860, %shift_left3A_862 : vector<16xi32>
        %bitcast_convert_type3A_864 = tpu.bitcast %shift_left3A_863 : vector<16xi32> -> vector<16xf32>
        %and3A_865 = arith.constant -65536 : i32
        %and3A_866 = vector.broadcast %and3A_865 : i32 to vector<16xi32>
        %and3A_867 = arith.andi %get3A_860, %and3A_866 : vector<16xi32>
        %bitcast_convert_type3A_868 = tpu.bitcast %and3A_867 : vector<16xi32> -> vector<16xf32>
        %add3A_869 = arith.addf %bitcast_convert_type3A_850, %bitcast_convert_type3A_864 : vector<16xf32>
        %add3A_870 = arith.addf %bitcast_convert_type3A_854, %bitcast_convert_type3A_868 : vector<16xf32>
        %get3A_871 = arith.constant 2 : i32
        %get3A_872 = arith.index_cast %get3A_871 : i32 to index
        %get3A_873 = arith.index_cast %mul3A_670 : i32 to index
        %get3A_874 = arith.constant 32 : index
        %get3A_875 = tpu.vector_load %arg18[%get3A_872, %get3A_873, %get3A_874] {strides = array<i32>} : memref<4x64x64xi32, #tpu.memory_space<vmem>>, vector<1x1x16xi32>,
        %get3A_876 = vector.shape_cast %get3A_875 : vector<1x1x16xi32> to vector<16xi32>
        %shift_left3A_877 = arith.constant 16 : i32
        %shift_left3A_878 = vector.broadcast %shift_left3A_877 : i32 to vector<16xi32>
        %shift_left3A_879 = arith.shli %get3A_876, %shift_left3A_878 : vector<16xi32>
        %bitcast_convert_type3A_880 = tpu.bitcast %shift_left3A_879 : vector<16xi32> -> vector<16xf32>
        %and3A_881 = arith.constant -65536 : i32
        %and3A_882 = vector.broadcast %and3A_881 : i32 to vector<16xi32>
        %and3A_883 = arith.andi %get3A_876, %and3A_882 : vector<16xi32>
        %bitcast_convert_type3A_884 = tpu.bitcast %and3A_883 : vector<16xi32> -> vector<16xf32>
        %add3A_885 = arith.addf %add3A_869, %bitcast_convert_type3A_880 : vector<16xf32>
        %add3A_886 = arith.addf %add3A_870, %bitcast_convert_type3A_884 : vector<16xf32>
        %get3A_887 = arith.constant 3 : i32
        %get3A_888 = arith.index_cast %get3A_887 : i32 to index
        %get3A_889 = arith.index_cast %mul3A_670 : i32 to index
        %get3A_890 = arith.constant 32 : index
        %get3A_891 = tpu.vector_load %arg18[%get3A_888, %get3A_889, %get3A_890] {strides = array<i32>} : memref<4x64x64xi32, #tpu.memory_space<vmem>>, vector<1x1x16xi32>,
        %get3A_892 = vector.shape_cast %get3A_891 : vector<1x1x16xi32> to vector<16xi32>
        %shift_left3A_893 = arith.constant 16 : i32
        %shift_left3A_894 = vector.broadcast %shift_left3A_893 : i32 to vector<16xi32>
        %shift_left3A_895 = arith.shli %get3A_892, %shift_left3A_894 : vector<16xi32>
        %bitcast_convert_type3A_896 = tpu.bitcast %shift_left3A_895 : vector<16xi32> -> vector<16xf32>
        %and3A_897 = arith.constant -65536 : i32
        %and3A_898 = vector.broadcast %and3A_897 : i32 to vector<16xi32>
        %and3A_899 = arith.andi %get3A_892, %and3A_898 : vector<16xi32>
        %bitcast_convert_type3A_900 = tpu.bitcast %and3A_899 : vector<16xi32> -> vector<16xf32>
        %add3A_901 = arith.addf %add3A_885, %bitcast_convert_type3A_896 : vector<16xf32>
        %add3A_902 = arith.addf %add3A_886, %bitcast_convert_type3A_900 : vector<16xf32>
        %get3A_903 = arith.index_cast %select_n3A : i32 to index
        %get3A_904 = arith.constant 32 : index
        %get3A_905 = tpu.vector_load %arg7[%get3A_903, %get3A_904] {strides = array<i32>} : memref<200x64xi32, #tpu.memory_space<vmem>>, vector<1x16xi32>,
        %get3A_906 = vector.shape_cast %get3A_905 : vector<1x16xi32> to vector<16xi32>
        %shift_left3A_907 = arith.constant 16 : i32
        %shift_left3A_908 = vector.broadcast %shift_left3A_907 : i32 to vector<16xi32>
        %shift_left3A_909 = arith.shli %get3A_906, %shift_left3A_908 : vector<16xi32>
        %bitcast_convert_type3A_910 = tpu.bitcast %shift_left3A_909 : vector<16xi32> -> vector<16xf32>
        %and3A_911 = arith.constant -65536 : i32
        %and3A_912 = vector.broadcast %and3A_911 : i32 to vector<16xi32>
        %and3A_913 = arith.andi %get3A_906, %and3A_912 : vector<16xi32>
        %bitcast_convert_type3A_914 = tpu.bitcast %and3A_913 : vector<16xi32> -> vector<16xf32>
        %add3A_915 = arith.addf %add3A_901, %bitcast_convert_type3A_910 : vector<16xf32>
        %add3A_916 = arith.addf %add3A_902, %bitcast_convert_type3A_914 : vector<16xf32>
        %swap3A_917 = arith.index_cast %mul3A_670 : i32 to index
        %swap3A_918 = arith.constant 64 : index
        %swap3A_919 = tpu.vector_load %arg14[%swap3A_917, %swap3A_918] {strides = array<i32>} : memref<64x128xf32, #tpu.memory_space<vmem>>, vector<1x16xf32>,
        %swap3A_920 = vector.shape_cast %swap3A_919 : vector<1x16xf32> to vector<16xf32>
        %swap3A_921 = vector.shape_cast %add3A_915 : vector<16xf32> to vector<1x16xf32>
        tpu.vector_store %arg14[%swap3A_917, %swap3A_918], %swap3A_921 {add = true, strides = array<i32>} : memref<64x128xf32, #tpu.memory_space<vmem>>, vector<1x16xf32>,
        %swap3A_922 = arith.index_cast %mul3A_670 : i32 to index
        %swap3A_923 = arith.constant 80 : index
        %swap3A_924 = tpu.vector_load %arg14[%swap3A_922, %swap3A_923] {strides = array<i32>} : memref<64x128xf32, #tpu.memory_space<vmem>>, vector<1x16xf32>,
        %swap3A_925 = vector.shape_cast %swap3A_924 : vector<1x16xf32> to vector<16xf32>
        %swap3A_926 = vector.shape_cast %add3A_916 : vector<16xf32> to vector<1x16xf32>
        tpu.vector_store %arg14[%swap3A_922, %swap3A_923], %swap3A_926 {add = true, strides = array<i32>} : memref<64x128xf32, #tpu.memory_space<vmem>>, vector<1x16xf32>,
        %get3A_927 = arith.constant 0 : i32
        %get3A_928 = arith.index_cast %get3A_927 : i32 to index
        %get3A_929 = arith.index_cast %mul3A_670 : i32 to index
        %get3A_930 = arith.constant 48 : index
        %get3A_931 = tpu.vector_load %arg18[%get3A_928, %get3A_929, %get3A_930] {strides = array<i32>} : memref<4x64x64xi32, #tpu.memory_space<vmem>>, vector<1x1x16xi32>,
        %get3A_932 = vector.shape_cast %get3A_931 : vector<1x1x16xi32> to vector<16xi32>
        %shift_left3A_933 = arith.constant 16 : i32
        %shift_left3A_934 = vector.broadcast %shift_left3A_933 : i32 to vector<16xi32>
        %shift_left3A_935 = arith.shli %get3A_932, %shift_left3A_934 : vector<16xi32>
        %bitcast_convert_type3A_936 = tpu.bitcast %shift_left3A_935 : vector<16xi32> -> vector<16xf32>
        %and3A_937 = arith.constant -65536 : i32
        %and3A_938 = vector.broadcast %and3A_937 : i32 to vector<16xi32>
        %and3A_939 = arith.andi %get3A_932, %and3A_938 : vector<16xi32>
        %bitcast_convert_type3A_940 = tpu.bitcast %and3A_939 : vector<16xi32> -> vector<16xf32>
        %get3A_941 = arith.constant 1 : i32
        %get3A_942 = arith.index_cast %get3A_941 : i32 to index
        %get3A_943 = arith.index_cast %mul3A_670 : i32 to index
        %get3A_944 = arith.constant 48 : index
        %get3A_945 = tpu.vector_load %arg18[%get3A_942, %get3A_943, %get3A_944] {strides = array<i32>} : memref<4x64x64xi32, #tpu.memory_space<vmem>>, vector<1x1x16xi32>,
        %get3A_946 = vector.shape_cast %get3A_945 : vector<1x1x16xi32> to vector<16xi32>
        %shift_left3A_947 = arith.constant 16 : i32
        %shift_left3A_948 = vector.broadcast %shift_left3A_947 : i32 to vector<16xi32>
        %shift_left3A_949 = arith.shli %get3A_946, %shift_left3A_948 : vector<16xi32>
        %bitcast_convert_type3A_950 = tpu.bitcast %shift_left3A_949 : vector<16xi32> -> vector<16xf32>
        %and3A_951 = arith.constant -65536 : i32
        %and3A_952 = vector.broadcast %and3A_951 : i32 to vector<16xi32>
        %and3A_953 = arith.andi %get3A_946, %and3A_952 : vector<16xi32>
        %bitcast_convert_type3A_954 = tpu.bitcast %and3A_953 : vector<16xi32> -> vector<16xf32>
        %add3A_955 = arith.addf %bitcast_convert_type3A_936, %bitcast_convert_type3A_950 : vector<16xf32>
        %add3A_956 = arith.addf %bitcast_convert_type3A_940, %bitcast_convert_type3A_954 : vector<16xf32>
        %get3A_957 = arith.constant 2 : i32
        %get3A_958 = arith.index_cast %get3A_957 : i32 to index
        %get3A_959 = arith.index_cast %mul3A_670 : i32 to index
        %get3A_960 = arith.constant 48 : index
        %get3A_961 = tpu.vector_load %arg18[%get3A_958, %get3A_959, %get3A_960] {strides = array<i32>} : memref<4x64x64xi32, #tpu.memory_space<vmem>>, vector<1x1x16xi32>,
        %get3A_962 = vector.shape_cast %get3A_961 : vector<1x1x16xi32> to vector<16xi32>
        %shift_left3A_963 = arith.constant 16 : i32
        %shift_left3A_964 = vector.broadcast %shift_left3A_963 : i32 to vector<16xi32>
        %shift_left3A_965 = arith.shli %get3A_962, %shift_left3A_964 : vector<16xi32>
        %bitcast_convert_type3A_966 = tpu.bitcast %shift_left3A_965 : vector<16xi32> -> vector<16xf32>
        %and3A_967 = arith.constant -65536 : i32
        %and3A_968 = vector.broadcast %and3A_967 : i32 to vector<16xi32>
        %and3A_969 = arith.andi %get3A_962, %and3A_968 : vector<16xi32>
        %bitcast_convert_type3A_970 = tpu.bitcast %and3A_969 : vector<16xi32> -> vector<16xf32>
        %add3A_971 = arith.addf %add3A_955, %bitcast_convert_type3A_966 : vector<16xf32>
        %add3A_972 = arith.addf %add3A_956, %bitcast_convert_type3A_970 : vector<16xf32>
        %get3A_973 = arith.constant 3 : i32
        %get3A_974 = arith.index_cast %get3A_973 : i32 to index
        %get3A_975 = arith.index_cast %mul3A_670 : i32 to index
        %get3A_976 = arith.constant 48 : index
        %get3A_977 = tpu.vector_load %arg18[%get3A_974, %get3A_975, %get3A_976] {strides = array<i32>} : memref<4x64x64xi32, #tpu.memory_space<vmem>>, vector<1x1x16xi32>,
        %get3A_978 = vector.shape_cast %get3A_977 : vector<1x1x16xi32> to vector<16xi32>
        %shift_left3A_979 = arith.constant 16 : i32
        %shift_left3A_980 = vector.broadcast %shift_left3A_979 : i32 to vector<16xi32>
        %shift_left3A_981 = arith.shli %get3A_978, %shift_left3A_980 : vector<16xi32>
        %bitcast_convert_type3A_982 = tpu.bitcast %shift_left3A_981 : vector<16xi32> -> vector<16xf32>
        %and3A_983 = arith.constant -65536 : i32
        %and3A_984 = vector.broadcast %and3A_983 : i32 to vector<16xi32>
        %and3A_985 = arith.andi %get3A_978, %and3A_984 : vector<16xi32>
        %bitcast_convert_type3A_986 = tpu.bitcast %and3A_985 : vector<16xi32> -> vector<16xf32>
        %add3A_987 = arith.addf %add3A_971, %bitcast_convert_type3A_982 : vector<16xf32>
        %add3A_988 = arith.addf %add3A_972, %bitcast_convert_type3A_986 : vector<16xf32>
        %get3A_989 = arith.index_cast %select_n3A : i32 to index
        %get3A_990 = arith.constant 48 : index
        %get3A_991 = tpu.vector_load %arg7[%get3A_989, %get3A_990] {strides = array<i32>} : memref<200x64xi32, #tpu.memory_space<vmem>>, vector<1x16xi32>,
        %get3A_992 = vector.shape_cast %get3A_991 : vector<1x16xi32> to vector<16xi32>
        %shift_left3A_993 = arith.constant 16 : i32
        %shift_left3A_994 = vector.broadcast %shift_left3A_993 : i32 to vector<16xi32>
        %shift_left3A_995 = arith.shli %get3A_992, %shift_left3A_994 : vector<16xi32>
        %bitcast_convert_type3A_996 = tpu.bitcast %shift_left3A_995 : vector<16xi32> -> vector<16xf32>
        %and3A_997 = arith.constant -65536 : i32
        %and3A_998 = vector.broadcast %and3A_997 : i32 to vector<16xi32>
        %and3A_999 = arith.andi %get3A_992, %and3A_998 : vector<16xi32>
        %bitcast_convert_type3A_1000 = tpu.bitcast %and3A_999 : vector<16xi32> -> vector<16xf32>
        %add3A_1001 = arith.addf %add3A_987, %bitcast_convert_type3A_996 : vector<16xf32>
        %add3A_1002 = arith.addf %add3A_988, %bitcast_convert_type3A_1000 : vector<16xf32>
        %swap3A_1003 = arith.index_cast %mul3A_670 : i32 to index
        %swap3A_1004 = arith.constant 96 : index
        %swap3A_1005 = tpu.vector_load %arg14[%swap3A_1003, %swap3A_1004] {strides = array<i32>} : memref<64x128xf32, #tpu.memory_space<vmem>>, vector<1x16xf32>,
        %swap3A_1006 = vector.shape_cast %swap3A_1005 : vector<1x16xf32> to vector<16xf32>
        %swap3A_1007 = vector.shape_cast %add3A_1001 : vector<16xf32> to vector<1x16xf32>
        tpu.vector_store %arg14[%swap3A_1003, %swap3A_1004], %swap3A_1007 {add = true, strides = array<i32>} : memref<64x128xf32, #tpu.memory_space<vmem>>, vector<1x16xf32>,
        %swap3A_1008 = arith.index_cast %mul3A_670 : i32 to index
        %swap3A_1009 = arith.constant 112 : index
        %swap3A_1010 = tpu.vector_load %arg14[%swap3A_1008, %swap3A_1009] {strides = array<i32>} : memref<64x128xf32, #tpu.memory_space<vmem>>, vector<1x16xf32>,
        %swap3A_1011 = vector.shape_cast %swap3A_1010 : vector<1x16xf32> to vector<16xf32>
        %swap3A_1012 = vector.shape_cast %add3A_1002 : vector<16xf32> to vector<1x16xf32>
        tpu.vector_store %arg14[%swap3A_1008, %swap3A_1009], %swap3A_1012 {add = true, strides = array<i32>} : memref<64x128xf32, #tpu.memory_space<vmem>>, vector<1x16xf32>,
        %mul3A_1013 = arith.constant 2 : i32
        %mul3A_1014 = arith.muli %mul3A_1013, %scan3A_667 : i32
        %add3A_1015 = arith.constant 1 : i32
        %add3A_1016 = arith.addi %mul3A_1014, %add3A_1015 : i32
        %add3A_1017 = arith.addi %rem3A_565, %add3A_1016 : i32
        %ge3A_1018 = arith.constant 200 : i32
        %ge3A_1019 = arith.cmpi sge, %add3A_1017, %ge3A_1018 : i32
        %sub3A_1020 = arith.constant 200 : i32
        %sub3A_1021 = arith.subi %add3A_1017, %sub3A_1020 : i32
        %select_n3A_1022 = arith.select %ge3A_1019, %sub3A_1021, %add3A_1017 : i32
        %get3A_1023 = arith.constant 0 : i32
        %get3A_1024 = arith.index_cast %get3A_1023 : i32 to index
        %get3A_1025 = arith.index_cast %add3A_1016 : i32 to index
        %get3A_1026 = arith.constant 0 : index
        %get3A_1027 = tpu.vector_load %arg18[%get3A_1024, %get3A_1025, %get3A_1026] {strides = array<i32>} : memref<4x64x64xi32, #tpu.memory_space<vmem>>, vector<1x1x16xi32>,
        %get3A_1028 = vector.shape_cast %get3A_1027 : vector<1x1x16xi32> to vector<16xi32>
        %shift_left3A_1029 = arith.constant 16 : i32
        %shift_left3A_1030 = vector.broadcast %shift_left3A_1029 : i32 to vector<16xi32>
        %shift_left3A_1031 = arith.shli %get3A_1028, %shift_left3A_1030 : vector<16xi32>
        %bitcast_convert_type3A_1032 = tpu.bitcast %shift_left3A_1031 : vector<16xi32> -> vector<16xf32>
        %and3A_1033 = arith.constant -65536 : i32
        %and3A_1034 = vector.broadcast %and3A_1033 : i32 to vector<16xi32>
        %and3A_1035 = arith.andi %get3A_1028, %and3A_1034 : vector<16xi32>
        %bitcast_convert_type3A_1036 = tpu.bitcast %and3A_1035 : vector<16xi32> -> vector<16xf32>
        %get3A_1037 = arith.constant 1 : i32
        %get3A_1038 = arith.index_cast %get3A_1037 : i32 to index
        %get3A_1039 = arith.index_cast %add3A_1016 : i32 to index
        %get3A_1040 = arith.constant 0 : index
        %get3A_1041 = tpu.vector_load %arg18[%get3A_1038, %get3A_1039, %get3A_1040] {strides = array<i32>} : memref<4x64x64xi32, #tpu.memory_space<vmem>>, vector<1x1x16xi32>,
        %get3A_1042 = vector.shape_cast %get3A_1041 : vector<1x1x16xi32> to vector<16xi32>
        %shift_left3A_1043 = arith.constant 16 : i32
        %shift_left3A_1044 = vector.broadcast %shift_left3A_1043 : i32 to vector<16xi32>
        %shift_left3A_1045 = arith.shli %get3A_1042, %shift_left3A_1044 : vector<16xi32>
        %bitcast_convert_type3A_1046 = tpu.bitcast %shift_left3A_1045 : vector<16xi32> -> vector<16xf32>
        %and3A_1047 = arith.constant -65536 : i32
        %and3A_1048 = vector.broadcast %and3A_1047 : i32 to vector<16xi32>
        %and3A_1049 = arith.andi %get3A_1042, %and3A_1048 : vector<16xi32>
        %bitcast_convert_type3A_1050 = tpu.bitcast %and3A_1049 : vector<16xi32> -> vector<16xf32>
        %add3A_1051 = arith.addf %bitcast_convert_type3A_1032, %bitcast_convert_type3A_1046 : vector<16xf32>
        %add3A_1052 = arith.addf %bitcast_convert_type3A_1036, %bitcast_convert_type3A_1050 : vector<16xf32>
        %get3A_1053 = arith.constant 2 : i32
        %get3A_1054 = arith.index_cast %get3A_1053 : i32 to index
        %get3A_1055 = arith.index_cast %add3A_1016 : i32 to index
        %get3A_1056 = arith.constant 0 : index
        %get3A_1057 = tpu.vector_load %arg18[%get3A_1054, %get3A_1055, %get3A_1056] {strides = array<i32>} : memref<4x64x64xi32, #tpu.memory_space<vmem>>, vector<1x1x16xi32>,
        %get3A_1058 = vector.shape_cast %get3A_1057 : vector<1x1x16xi32> to vector<16xi32>
        %shift_left3A_1059 = arith.constant 16 : i32
        %shift_left3A_1060 = vector.broadcast %shift_left3A_1059 : i32 to vector<16xi32>
        %shift_left3A_1061 = arith.shli %get3A_1058, %shift_left3A_1060 : vector<16xi32>
        %bitcast_convert_type3A_1062 = tpu.bitcast %shift_left3A_1061 : vector<16xi32> -> vector<16xf32>
        %and3A_1063 = arith.constant -65536 : i32
        %and3A_1064 = vector.broadcast %and3A_1063 : i32 to vector<16xi32>
        %and3A_1065 = arith.andi %get3A_1058, %and3A_1064 : vector<16xi32>
        %bitcast_convert_type3A_1066 = tpu.bitcast %and3A_1065 : vector<16xi32> -> vector<16xf32>
        %add3A_1067 = arith.addf %add3A_1051, %bitcast_convert_type3A_1062 : vector<16xf32>
        %add3A_1068 = arith.addf %add3A_1052, %bitcast_convert_type3A_1066 : vector<16xf32>
        %get3A_1069 = arith.constant 3 : i32
        %get3A_1070 = arith.index_cast %get3A_1069 : i32 to index
        %get3A_1071 = arith.index_cast %add3A_1016 : i32 to index
        %get3A_1072 = arith.constant 0 : index
        %get3A_1073 = tpu.vector_load %arg18[%get3A_1070, %get3A_1071, %get3A_1072] {strides = array<i32>} : memref<4x64x64xi32, #tpu.memory_space<vmem>>, vector<1x1x16xi32>,
        %get3A_1074 = vector.shape_cast %get3A_1073 : vector<1x1x16xi32> to vector<16xi32>
        %shift_left3A_1075 = arith.constant 16 : i32
        %shift_left3A_1076 = vector.broadcast %shift_left3A_1075 : i32 to vector<16xi32>
        %shift_left3A_1077 = arith.shli %get3A_1074, %shift_left3A_1076 : vector<16xi32>
        %bitcast_convert_type3A_1078 = tpu.bitcast %shift_left3A_1077 : vector<16xi32> -> vector<16xf32>
        %and3A_1079 = arith.constant -65536 : i32
        %and3A_1080 = vector.broadcast %and3A_1079 : i32 to vector<16xi32>
        %and3A_1081 = arith.andi %get3A_1074, %and3A_1080 : vector<16xi32>
        %bitcast_convert_type3A_1082 = tpu.bitcast %and3A_1081 : vector<16xi32> -> vector<16xf32>
        %add3A_1083 = arith.addf %add3A_1067, %bitcast_convert_type3A_1078 : vector<16xf32>
        %add3A_1084 = arith.addf %add3A_1068, %bitcast_convert_type3A_1082 : vector<16xf32>
        %get3A_1085 = arith.index_cast %select_n3A_1022 : i32 to index
        %get3A_1086 = arith.constant 0 : index
        %get3A_1087 = tpu.vector_load %arg7[%get3A_1085, %get3A_1086] {strides = array<i32>} : memref<200x64xi32, #tpu.memory_space<vmem>>, vector<1x16xi32>,
        %get3A_1088 = vector.shape_cast %get3A_1087 : vector<1x16xi32> to vector<16xi32>
        %shift_left3A_1089 = arith.constant 16 : i32
        %shift_left3A_1090 = vector.broadcast %shift_left3A_1089 : i32 to vector<16xi32>
        %shift_left3A_1091 = arith.shli %get3A_1088, %shift_left3A_1090 : vector<16xi32>
        %bitcast_convert_type3A_1092 = tpu.bitcast %shift_left3A_1091 : vector<16xi32> -> vector<16xf32>
        %and3A_1093 = arith.constant -65536 : i32
        %and3A_1094 = vector.broadcast %and3A_1093 : i32 to vector<16xi32>
        %and3A_1095 = arith.andi %get3A_1088, %and3A_1094 : vector<16xi32>
        %bitcast_convert_type3A_1096 = tpu.bitcast %and3A_1095 : vector<16xi32> -> vector<16xf32>
        %add3A_1097 = arith.addf %add3A_1083, %bitcast_convert_type3A_1092 : vector<16xf32>
        %add3A_1098 = arith.addf %add3A_1084, %bitcast_convert_type3A_1096 : vector<16xf32>
        %swap3A_1099 = arith.index_cast %add3A_1016 : i32 to index
        %swap3A_1100 = arith.constant 0 : index
        %swap3A_1101 = tpu.vector_load %arg14[%swap3A_1099, %swap3A_1100] {strides = array<i32>} : memref<64x128xf32, #tpu.memory_space<vmem>>, vector<1x16xf32>,
        %swap3A_1102 = vector.shape_cast %swap3A_1101 : vector<1x16xf32> to vector<16xf32>
        %swap3A_1103 = vector.shape_cast %add3A_1097 : vector<16xf32> to vector<1x16xf32>
        tpu.vector_store %arg14[%swap3A_1099, %swap3A_1100], %swap3A_1103 {add = true, strides = array<i32>} : memref<64x128xf32, #tpu.memory_space<vmem>>, vector<1x16xf32>,
        %swap3A_1104 = arith.index_cast %add3A_1016 : i32 to index
        %swap3A_1105 = arith.constant 16 : index
        %swap3A_1106 = tpu.vector_load %arg14[%swap3A_1104, %swap3A_1105] {strides = array<i32>} : memref<64x128xf32, #tpu.memory_space<vmem>>, vector<1x16xf32>,
        %swap3A_1107 = vector.shape_cast %swap3A_1106 : vector<1x16xf32> to vector<16xf32>
        %swap3A_1108 = vector.shape_cast %add3A_1098 : vector<16xf32> to vector<1x16xf32>
        tpu.vector_store %arg14[%swap3A_1104, %swap3A_1105], %swap3A_1108 {add = true, strides = array<i32>} : memref<64x128xf32, #tpu.memory_space<vmem>>, vector<1x16xf32>,
        %get3A_1109 = arith.constant 0 : i32
        %get3A_1110 = arith.index_cast %get3A_1109 : i32 to index
        %get3A_1111 = arith.index_cast %add3A_1016 : i32 to index
        %get3A_1112 = arith.constant 16 : index
        %get3A_1113 = tpu.vector_load %arg18[%get3A_1110, %get3A_1111, %get3A_1112] {strides = array<i32>} : memref<4x64x64xi32, #tpu.memory_space<vmem>>, vector<1x1x16xi32>,
        %get3A_1114 = vector.shape_cast %get3A_1113 : vector<1x1x16xi32> to vector<16xi32>
        %shift_left3A_1115 = arith.constant 16 : i32
        %shift_left3A_1116 = vector.broadcast %shift_left3A_1115 : i32 to vector<16xi32>
        %shift_left3A_1117 = arith.shli %get3A_1114, %shift_left3A_1116 : vector<16xi32>
        %bitcast_convert_type3A_1118 = tpu.bitcast %shift_left3A_1117 : vector<16xi32> -> vector<16xf32>
        %and3A_1119 = arith.constant -65536 : i32
        %and3A_1120 = vector.broadcast %and3A_1119 : i32 to vector<16xi32>
        %and3A_1121 = arith.andi %get3A_1114, %and3A_1120 : vector<16xi32>
        %bitcast_convert_type3A_1122 = tpu.bitcast %and3A_1121 : vector<16xi32> -> vector<16xf32>
        %get3A_1123 = arith.constant 1 : i32
        %get3A_1124 = arith.index_cast %get3A_1123 : i32 to index
        %get3A_1125 = arith.index_cast %add3A_1016 : i32 to index
        %get3A_1126 = arith.constant 16 : index
        %get3A_1127 = tpu.vector_load %arg18[%get3A_1124, %get3A_1125, %get3A_1126] {strides = array<i32>} : memref<4x64x64xi32, #tpu.memory_space<vmem>>, vector<1x1x16xi32>,
        %get3A_1128 = vector.shape_cast %get3A_1127 : vector<1x1x16xi32> to vector<16xi32>
        %shift_left3A_1129 = arith.constant 16 : i32
        %shift_left3A_1130 = vector.broadcast %shift_left3A_1129 : i32 to vector<16xi32>
        %shift_left3A_1131 = arith.shli %get3A_1128, %shift_left3A_1130 : vector<16xi32>
        %bitcast_convert_type3A_1132 = tpu.bitcast %shift_left3A_1131 : vector<16xi32> -> vector<16xf32>
        %and3A_1133 = arith.constant -65536 : i32
        %and3A_1134 = vector.broadcast %and3A_1133 : i32 to vector<16xi32>
        %and3A_1135 = arith.andi %get3A_1128, %and3A_1134 : vector<16xi32>
        %bitcast_convert_type3A_1136 = tpu.bitcast %and3A_1135 : vector<16xi32> -> vector<16xf32>
        %add3A_1137 = arith.addf %bitcast_convert_type3A_1118, %bitcast_convert_type3A_1132 : vector<16xf32>
        %add3A_1138 = arith.addf %bitcast_convert_type3A_1122, %bitcast_convert_type3A_1136 : vector<16xf32>
        %get3A_1139 = arith.constant 2 : i32
        %get3A_1140 = arith.index_cast %get3A_1139 : i32 to index
        %get3A_1141 = arith.index_cast %add3A_1016 : i32 to index
        %get3A_1142 = arith.constant 16 : index
        %get3A_1143 = tpu.vector_load %arg18[%get3A_1140, %get3A_1141, %get3A_1142] {strides = array<i32>} : memref<4x64x64xi32, #tpu.memory_space<vmem>>, vector<1x1x16xi32>,
        %get3A_1144 = vector.shape_cast %get3A_1143 : vector<1x1x16xi32> to vector<16xi32>
        %shift_left3A_1145 = arith.constant 16 : i32
        %shift_left3A_1146 = vector.broadcast %shift_left3A_1145 : i32 to vector<16xi32>
        %shift_left3A_1147 = arith.shli %get3A_1144, %shift_left3A_1146 : vector<16xi32>
        %bitcast_convert_type3A_1148 = tpu.bitcast %shift_left3A_1147 : vector<16xi32> -> vector<16xf32>
        %and3A_1149 = arith.constant -65536 : i32
        %and3A_1150 = vector.broadcast %and3A_1149 : i32 to vector<16xi32>
        %and3A_1151 = arith.andi %get3A_1144, %and3A_1150 : vector<16xi32>
        %bitcast_convert_type3A_1152 = tpu.bitcast %and3A_1151 : vector<16xi32> -> vector<16xf32>
        %add3A_1153 = arith.addf %add3A_1137, %bitcast_convert_type3A_1148 : vector<16xf32>
        %add3A_1154 = arith.addf %add3A_1138, %bitcast_convert_type3A_1152 : vector<16xf32>
        %get3A_1155 = arith.constant 3 : i32
        %get3A_1156 = arith.index_cast %get3A_1155 : i32 to index
        %get3A_1157 = arith.index_cast %add3A_1016 : i32 to index
        %get3A_1158 = arith.constant 16 : index
        %get3A_1159 = tpu.vector_load %arg18[%get3A_1156, %get3A_1157, %get3A_1158] {strides = array<i32>} : memref<4x64x64xi32, #tpu.memory_space<vmem>>, vector<1x1x16xi32>,
        %get3A_1160 = vector.shape_cast %get3A_1159 : vector<1x1x16xi32> to vector<16xi32>
        %shift_left3A_1161 = arith.constant 16 : i32
        %shift_left3A_1162 = vector.broadcast %shift_left3A_1161 : i32 to vector<16xi32>
        %shift_left3A_1163 = arith.shli %get3A_1160, %shift_left3A_1162 : vector<16xi32>
        %bitcast_convert_type3A_1164 = tpu.bitcast %shift_left3A_1163 : vector<16xi32> -> vector<16xf32>
        %and3A_1165 = arith.constant -65536 : i32
        %and3A_1166 = vector.broadcast %and3A_1165 : i32 to vector<16xi32>
        %and3A_1167 = arith.andi %get3A_1160, %and3A_1166 : vector<16xi32>
        %bitcast_convert_type3A_1168 = tpu.bitcast %and3A_1167 : vector<16xi32> -> vector<16xf32>
        %add3A_1169 = arith.addf %add3A_1153, %bitcast_convert_type3A_1164 : vector<16xf32>
        %add3A_1170 = arith.addf %add3A_1154, %bitcast_convert_type3A_1168 : vector<16xf32>
        %get3A_1171 = arith.index_cast %select_n3A_1022 : i32 to index
        %get3A_1172 = arith.constant 16 : index
        %get3A_1173 = tpu.vector_load %arg7[%get3A_1171, %get3A_1172] {strides = array<i32>} : memref<200x64xi32, #tpu.memory_space<vmem>>, vector<1x16xi32>,
        %get3A_1174 = vector.shape_cast %get3A_1173 : vector<1x16xi32> to vector<16xi32>
        %shift_left3A_1175 = arith.constant 16 : i32
        %shift_left3A_1176 = vector.broadcast %shift_left3A_1175 : i32 to vector<16xi32>
        %shift_left3A_1177 = arith.shli %get3A_1174, %shift_left3A_1176 : vector<16xi32>
        %bitcast_convert_type3A_1178 = tpu.bitcast %shift_left3A_1177 : vector<16xi32> -> vector<16xf32>
        %and3A_1179 = arith.constant -65536 : i32
        %and3A_1180 = vector.broadcast %and3A_1179 : i32 to vector<16xi32>
        %and3A_1181 = arith.andi %get3A_1174, %and3A_1180 : vector<16xi32>
        %bitcast_convert_type3A_1182 = tpu.bitcast %and3A_1181 : vector<16xi32> -> vector<16xf32>
        %add3A_1183 = arith.addf %add3A_1169, %bitcast_convert_type3A_1178 : vector<16xf32>
        %add3A_1184 = arith.addf %add3A_1170, %bitcast_convert_type3A_1182 : vector<16xf32>
        %swap3A_1185 = arith.index_cast %add3A_1016 : i32 to index
        %swap3A_1186 = arith.constant 32 : index
        %swap3A_1187 = tpu.vector_load %arg14[%swap3A_1185, %swap3A_1186] {strides = array<i32>} : memref<64x128xf32, #tpu.memory_space<vmem>>, vector<1x16xf32>,
        %swap3A_1188 = vector.shape_cast %swap3A_1187 : vector<1x16xf32> to vector<16xf32>
        %swap3A_1189 = vector.shape_cast %add3A_1183 : vector<16xf32> to vector<1x16xf32>
        tpu.vector_store %arg14[%swap3A_1185, %swap3A_1186], %swap3A_1189 {add = true, strides = array<i32>} : memref<64x128xf32, #tpu.memory_space<vmem>>, vector<1x16xf32>,
        %swap3A_1190 = arith.index_cast %add3A_1016 : i32 to index
        %swap3A_1191 = arith.constant 48 : index
        %swap3A_1192 = tpu.vector_load %arg14[%swap3A_1190, %swap3A_1191] {strides = array<i32>} : memref<64x128xf32, #tpu.memory_space<vmem>>, vector<1x16xf32>,
        %swap3A_1193 = vector.shape_cast %swap3A_1192 : vector<1x16xf32> to vector<16xf32>
        %swap3A_1194 = vector.shape_cast %add3A_1184 : vector<16xf32> to vector<1x16xf32>
        tpu.vector_store %arg14[%swap3A_1190, %swap3A_1191], %swap3A_1194 {add = true, strides = array<i32>} : memref<64x128xf32, #tpu.memory_space<vmem>>, vector<1x16xf32>,
        %get3A_1195 = arith.constant 0 : i32
        %get3A_1196 = arith.index_cast %get3A_1195 : i32 to index
        %get3A_1197 = arith.index_cast %add3A_1016 : i32 to index
        %get3A_1198 = arith.constant 32 : index
        %get3A_1199 = tpu.vector_load %arg18[%get3A_1196, %get3A_1197, %get3A_1198] {strides = array<i32>} : memref<4x64x64xi32, #tpu.memory_space<vmem>>, vector<1x1x16xi32>,
        %get3A_1200 = vector.shape_cast %get3A_1199 : vector<1x1x16xi32> to vector<16xi32>
        %shift_left3A_1201 = arith.constant 16 : i32
        %shift_left3A_1202 = vector.broadcast %shift_left3A_1201 : i32 to vector<16xi32>
        %shift_left3A_1203 = arith.shli %get3A_1200, %shift_left3A_1202 : vector<16xi32>
        %bitcast_convert_type3A_1204 = tpu.bitcast %shift_left3A_1203 : vector<16xi32> -> vector<16xf32>
        %and3A_1205 = arith.constant -65536 : i32
        %and3A_1206 = vector.broadcast %and3A_1205 : i32 to vector<16xi32>
        %and3A_1207 = arith.andi %get3A_1200, %and3A_1206 : vector<16xi32>
        %bitcast_convert_type3A_1208 = tpu.bitcast %and3A_1207 : vector<16xi32> -> vector<16xf32>
        %get3A_1209 = arith.constant 1 : i32
        %get3A_1210 = arith.index_cast %get3A_1209 : i32 to index
        %get3A_1211 = arith.index_cast %add3A_1016 : i32 to index
        %get3A_1212 = arith.constant 32 : index
        %get3A_1213 = tpu.vector_load %arg18[%get3A_1210, %get3A_1211, %get3A_1212] {strides = array<i32>} : memref<4x64x64xi32, #tpu.memory_space<vmem>>, vector<1x1x16xi32>,
        %get3A_1214 = vector.shape_cast %get3A_1213 : vector<1x1x16xi32> to vector<16xi32>
        %shift_left3A_1215 = arith.constant 16 : i32
        %shift_left3A_1216 = vector.broadcast %shift_left3A_1215 : i32 to vector<16xi32>
        %shift_left3A_1217 = arith.shli %get3A_1214, %shift_left3A_1216 : vector<16xi32>
        %bitcast_convert_type3A_1218 = tpu.bitcast %shift_left3A_1217 : vector<16xi32> -> vector<16xf32>
        %and3A_1219 = arith.constant -65536 : i32
        %and3A_1220 = vector.broadcast %and3A_1219 : i32 to vector<16xi32>
        %and3A_1221 = arith.andi %get3A_1214, %and3A_1220 : vector<16xi32>
        %bitcast_convert_type3A_1222 = tpu.bitcast %and3A_1221 : vector<16xi32> -> vector<16xf32>
        %add3A_1223 = arith.addf %bitcast_convert_type3A_1204, %bitcast_convert_type3A_1218 : vector<16xf32>
        %add3A_1224 = arith.addf %bitcast_convert_type3A_1208, %bitcast_convert_type3A_1222 : vector<16xf32>
        %get3A_1225 = arith.constant 2 : i32
        %get3A_1226 = arith.index_cast %get3A_1225 : i32 to index
        %get3A_1227 = arith.index_cast %add3A_1016 : i32 to index
        %get3A_1228 = arith.constant 32 : index
        %get3A_1229 = tpu.vector_load %arg18[%get3A_1226, %get3A_1227, %get3A_1228] {strides = array<i32>} : memref<4x64x64xi32, #tpu.memory_space<vmem>>, vector<1x1x16xi32>,
        %get3A_1230 = vector.shape_cast %get3A_1229 : vector<1x1x16xi32> to vector<16xi32>
        %shift_left3A_1231 = arith.constant 16 : i32
        %shift_left3A_1232 = vector.broadcast %shift_left3A_1231 : i32 to vector<16xi32>
        %shift_left3A_1233 = arith.shli %get3A_1230, %shift_left3A_1232 : vector<16xi32>
        %bitcast_convert_type3A_1234 = tpu.bitcast %shift_left3A_1233 : vector<16xi32> -> vector<16xf32>
        %and3A_1235 = arith.constant -65536 : i32
        %and3A_1236 = vector.broadcast %and3A_1235 : i32 to vector<16xi32>
        %and3A_1237 = arith.andi %get3A_1230, %and3A_1236 : vector<16xi32>
        %bitcast_convert_type3A_1238 = tpu.bitcast %and3A_1237 : vector<16xi32> -> vector<16xf32>
        %add3A_1239 = arith.addf %add3A_1223, %bitcast_convert_type3A_1234 : vector<16xf32>
        %add3A_1240 = arith.addf %add3A_1224, %bitcast_convert_type3A_1238 : vector<16xf32>
        %get3A_1241 = arith.constant 3 : i32
        %get3A_1242 = arith.index_cast %get3A_1241 : i32 to index
        %get3A_1243 = arith.index_cast %add3A_1016 : i32 to index
        %get3A_1244 = arith.constant 32 : index
        %get3A_1245 = tpu.vector_load %arg18[%get3A_1242, %get3A_1243, %get3A_1244] {strides = array<i32>} : memref<4x64x64xi32, #tpu.memory_space<vmem>>, vector<1x1x16xi32>,
        %get3A_1246 = vector.shape_cast %get3A_1245 : vector<1x1x16xi32> to vector<16xi32>
        %shift_left3A_1247 = arith.constant 16 : i32
        %shift_left3A_1248 = vector.broadcast %shift_left3A_1247 : i32 to vector<16xi32>
        %shift_left3A_1249 = arith.shli %get3A_1246, %shift_left3A_1248 : vector<16xi32>
        %bitcast_convert_type3A_1250 = tpu.bitcast %shift_left3A_1249 : vector<16xi32> -> vector<16xf32>
        %and3A_1251 = arith.constant -65536 : i32
        %and3A_1252 = vector.broadcast %and3A_1251 : i32 to vector<16xi32>
        %and3A_1253 = arith.andi %get3A_1246, %and3A_1252 : vector<16xi32>
        %bitcast_convert_type3A_1254 = tpu.bitcast %and3A_1253 : vector<16xi32> -> vector<16xf32>
        %add3A_1255 = arith.addf %add3A_1239, %bitcast_convert_type3A_1250 : vector<16xf32>
        %add3A_1256 = arith.addf %add3A_1240, %bitcast_convert_type3A_1254 : vector<16xf32>
        %get3A_1257 = arith.index_cast %select_n3A_1022 : i32 to index
        %get3A_1258 = arith.constant 32 : index
        %get3A_1259 = tpu.vector_load %arg7[%get3A_1257, %get3A_1258] {strides = array<i32>} : memref<200x64xi32, #tpu.memory_space<vmem>>, vector<1x16xi32>,
        %get3A_1260 = vector.shape_cast %get3A_1259 : vector<1x16xi32> to vector<16xi32>
        %shift_left3A_1261 = arith.constant 16 : i32
        %shift_left3A_1262 = vector.broadcast %shift_left3A_1261 : i32 to vector<16xi32>
        %shift_left3A_1263 = arith.shli %get3A_1260, %shift_left3A_1262 : vector<16xi32>
        %bitcast_convert_type3A_1264 = tpu.bitcast %shift_left3A_1263 : vector<16xi32> -> vector<16xf32>
        %and3A_1265 = arith.constant -65536 : i32
        %and3A_1266 = vector.broadcast %and3A_1265 : i32 to vector<16xi32>
        %and3A_1267 = arith.andi %get3A_1260, %and3A_1266 : vector<16xi32>
        %bitcast_convert_type3A_1268 = tpu.bitcast %and3A_1267 : vector<16xi32> -> vector<16xf32>
        %add3A_1269 = arith.addf %add3A_1255, %bitcast_convert_type3A_1264 : vector<16xf32>
        %add3A_1270 = arith.addf %add3A_1256, %bitcast_convert_type3A_1268 : vector<16xf32>
        %swap3A_1271 = arith.index_cast %add3A_1016 : i32 to index
        %swap3A_1272 = arith.constant 64 : index
        %swap3A_1273 = tpu.vector_load %arg14[%swap3A_1271, %swap3A_1272] {strides = array<i32>} : memref<64x128xf32, #tpu.memory_space<vmem>>, vector<1x16xf32>,
        %swap3A_1274 = vector.shape_cast %swap3A_1273 : vector<1x16xf32> to vector<16xf32>
        %swap3A_1275 = vector.shape_cast %add3A_1269 : vector<16xf32> to vector<1x16xf32>
        tpu.vector_store %arg14[%swap3A_1271, %swap3A_1272], %swap3A_1275 {add = true, strides = array<i32>} : memref<64x128xf32, #tpu.memory_space<vmem>>, vector<1x16xf32>,
        %swap3A_1276 = arith.index_cast %add3A_1016 : i32 to index
        %swap3A_1277 = arith.constant 80 : index
        %swap3A_1278 = tpu.vector_load %arg14[%swap3A_1276, %swap3A_1277] {strides = array<i32>} : memref<64x128xf32, #tpu.memory_space<vmem>>, vector<1x16xf32>,
        %swap3A_1279 = vector.shape_cast %swap3A_1278 : vector<1x16xf32> to vector<16xf32>
        %swap3A_1280 = vector.shape_cast %add3A_1270 : vector<16xf32> to vector<1x16xf32>
        tpu.vector_store %arg14[%swap3A_1276, %swap3A_1277], %swap3A_1280 {add = true, strides = array<i32>} : memref<64x128xf32, #tpu.memory_space<vmem>>, vector<1x16xf32>,
        %get3A_1281 = arith.constant 0 : i32
        %get3A_1282 = arith.index_cast %get3A_1281 : i32 to index
        %get3A_1283 = arith.index_cast %add3A_1016 : i32 to index
        %get3A_1284 = arith.constant 48 : index
        %get3A_1285 = tpu.vector_load %arg18[%get3A_1282, %get3A_1283, %get3A_1284] {strides = array<i32>} : memref<4x64x64xi32, #tpu.memory_space<vmem>>, vector<1x1x16xi32>,
        %get3A_1286 = vector.shape_cast %get3A_1285 : vector<1x1x16xi32> to vector<16xi32>
        %shift_left3A_1287 = arith.constant 16 : i32
        %shift_left3A_1288 = vector.broadcast %shift_left3A_1287 : i32 to vector<16xi32>
        %shift_left3A_1289 = arith.shli %get3A_1286, %shift_left3A_1288 : vector<16xi32>
        %bitcast_convert_type3A_1290 = tpu.bitcast %shift_left3A_1289 : vector<16xi32> -> vector<16xf32>
        %and3A_1291 = arith.constant -65536 : i32
        %and3A_1292 = vector.broadcast %and3A_1291 : i32 to vector<16xi32>
        %and3A_1293 = arith.andi %get3A_1286, %and3A_1292 : vector<16xi32>
        %bitcast_convert_type3A_1294 = tpu.bitcast %and3A_1293 : vector<16xi32> -> vector<16xf32>
        %get3A_1295 = arith.constant 1 : i32
        %get3A_1296 = arith.index_cast %get3A_1295 : i32 to index
        %get3A_1297 = arith.index_cast %add3A_1016 : i32 to index
        %get3A_1298 = arith.constant 48 : index
        %get3A_1299 = tpu.vector_load %arg18[%get3A_1296, %get3A_1297, %get3A_1298] {strides = array<i32>} : memref<4x64x64xi32, #tpu.memory_space<vmem>>, vector<1x1x16xi32>,
        %get3A_1300 = vector.shape_cast %get3A_1299 : vector<1x1x16xi32> to vector<16xi32>
        %shift_left3A_1301 = arith.constant 16 : i32
        %shift_left3A_1302 = vector.broadcast %shift_left3A_1301 : i32 to vector<16xi32>
        %shift_left3A_1303 = arith.shli %get3A_1300, %shift_left3A_1302 : vector<16xi32>
        %bitcast_convert_type3A_1304 = tpu.bitcast %shift_left3A_1303 : vector<16xi32> -> vector<16xf32>
        %and3A_1305 = arith.constant -65536 : i32
        %and3A_1306 = vector.broadcast %and3A_1305 : i32 to vector<16xi32>
        %and3A_1307 = arith.andi %get3A_1300, %and3A_1306 : vector<16xi32>
        %bitcast_convert_type3A_1308 = tpu.bitcast %and3A_1307 : vector<16xi32> -> vector<16xf32>
        %add3A_1309 = arith.addf %bitcast_convert_type3A_1290, %bitcast_convert_type3A_1304 : vector<16xf32>
        %add3A_1310 = arith.addf %bitcast_convert_type3A_1294, %bitcast_convert_type3A_1308 : vector<16xf32>
        %get3A_1311 = arith.constant 2 : i32
        %get3A_1312 = arith.index_cast %get3A_1311 : i32 to index
        %get3A_1313 = arith.index_cast %add3A_1016 : i32 to index
        %get3A_1314 = arith.constant 48 : index
        %get3A_1315 = tpu.vector_load %arg18[%get3A_1312, %get3A_1313, %get3A_1314] {strides = array<i32>} : memref<4x64x64xi32, #tpu.memory_space<vmem>>, vector<1x1x16xi32>,
        %get3A_1316 = vector.shape_cast %get3A_1315 : vector<1x1x16xi32> to vector<16xi32>
        %shift_left3A_1317 = arith.constant 16 : i32
        %shift_left3A_1318 = vector.broadcast %shift_left3A_1317 : i32 to vector<16xi32>
        %shift_left3A_1319 = arith.shli %get3A_1316, %shift_left3A_1318 : vector<16xi32>
        %bitcast_convert_type3A_1320 = tpu.bitcast %shift_left3A_1319 : vector<16xi32> -> vector<16xf32>
        %and3A_1321 = arith.constant -65536 : i32
        %and3A_1322 = vector.broadcast %and3A_1321 : i32 to vector<16xi32>
        %and3A_1323 = arith.andi %get3A_1316, %and3A_1322 : vector<16xi32>
        %bitcast_convert_type3A_1324 = tpu.bitcast %and3A_1323 : vector<16xi32> -> vector<16xf32>
        %add3A_1325 = arith.addf %add3A_1309, %bitcast_convert_type3A_1320 : vector<16xf32>
        %add3A_1326 = arith.addf %add3A_1310, %bitcast_convert_type3A_1324 : vector<16xf32>
        %get3A_1327 = arith.constant 3 : i32
        %get3A_1328 = arith.index_cast %get3A_1327 : i32 to index
        %get3A_1329 = arith.index_cast %add3A_1016 : i32 to index
        %get3A_1330 = arith.constant 48 : index
        %get3A_1331 = tpu.vector_load %arg18[%get3A_1328, %get3A_1329, %get3A_1330] {strides = array<i32>} : memref<4x64x64xi32, #tpu.memory_space<vmem>>, vector<1x1x16xi32>,
        %get3A_1332 = vector.shape_cast %get3A_1331 : vector<1x1x16xi32> to vector<16xi32>
        %shift_left3A_1333 = arith.constant 16 : i32
        %shift_left3A_1334 = vector.broadcast %shift_left3A_1333 : i32 to vector<16xi32>
        %shift_left3A_1335 = arith.shli %get3A_1332, %shift_left3A_1334 : vector<16xi32>
        %bitcast_convert_type3A_1336 = tpu.bitcast %shift_left3A_1335 : vector<16xi32> -> vector<16xf32>
        %and3A_1337 = arith.constant -65536 : i32
        %and3A_1338 = vector.broadcast %and3A_1337 : i32 to vector<16xi32>
        %and3A_1339 = arith.andi %get3A_1332, %and3A_1338 : vector<16xi32>
        %bitcast_convert_type3A_1340 = tpu.bitcast %and3A_1339 : vector<16xi32> -> vector<16xf32>
        %add3A_1341 = arith.addf %add3A_1325, %bitcast_convert_type3A_1336 : vector<16xf32>
        %add3A_1342 = arith.addf %add3A_1326, %bitcast_convert_type3A_1340 : vector<16xf32>
        %get3A_1343 = arith.index_cast %select_n3A_1022 : i32 to index
        %get3A_1344 = arith.constant 48 : index
        %get3A_1345 = tpu.vector_load %arg7[%get3A_1343, %get3A_1344] {strides = array<i32>} : memref<200x64xi32, #tpu.memory_space<vmem>>, vector<1x16xi32>,
        %get3A_1346 = vector.shape_cast %get3A_1345 : vector<1x16xi32> to vector<16xi32>
        %shift_left3A_1347 = arith.constant 16 : i32
        %shift_left3A_1348 = vector.broadcast %shift_left3A_1347 : i32 to vector<16xi32>
        %shift_left3A_1349 = arith.shli %get3A_1346, %shift_left3A_1348 : vector<16xi32>
        %bitcast_convert_type3A_1350 = tpu.bitcast %shift_left3A_1349 : vector<16xi32> -> vector<16xf32>
        %and3A_1351 = arith.constant -65536 : i32
        %and3A_1352 = vector.broadcast %and3A_1351 : i32 to vector<16xi32>
        %and3A_1353 = arith.andi %get3A_1346, %and3A_1352 : vector<16xi32>
        %bitcast_convert_type3A_1354 = tpu.bitcast %and3A_1353 : vector<16xi32> -> vector<16xf32>
        %add3A_1355 = arith.addf %add3A_1341, %bitcast_convert_type3A_1350 : vector<16xf32>
        %add3A_1356 = arith.addf %add3A_1342, %bitcast_convert_type3A_1354 : vector<16xf32>
        %swap3A_1357 = arith.index_cast %add3A_1016 : i32 to index
        %swap3A_1358 = arith.constant 96 : index
        %swap3A_1359 = tpu.vector_load %arg14[%swap3A_1357, %swap3A_1358] {strides = array<i32>} : memref<64x128xf32, #tpu.memory_space<vmem>>, vector<1x16xf32>,
        %swap3A_1360 = vector.shape_cast %swap3A_1359 : vector<1x16xf32> to vector<16xf32>
        %swap3A_1361 = vector.shape_cast %add3A_1355 : vector<16xf32> to vector<1x16xf32>
        tpu.vector_store %arg14[%swap3A_1357, %swap3A_1358], %swap3A_1361 {add = true, strides = array<i32>} : memref<64x128xf32, #tpu.memory_space<vmem>>, vector<1x16xf32>,
        %swap3A_1362 = arith.index_cast %add3A_1016 : i32 to index
        %swap3A_1363 = arith.constant 112 : index
        %swap3A_1364 = tpu.vector_load %arg14[%swap3A_1362, %swap3A_1363] {strides = array<i32>} : memref<64x128xf32, #tpu.memory_space<vmem>>, vector<1x16xf32>,
        %swap3A_1365 = vector.shape_cast %swap3A_1364 : vector<1x16xf32> to vector<16xf32>
        %swap3A_1366 = vector.shape_cast %add3A_1356 : vector<16xf32> to vector<1x16xf32>
        tpu.vector_store %arg14[%swap3A_1362, %swap3A_1363], %swap3A_1366 {add = true, strides = array<i32>} : memref<64x128xf32, #tpu.memory_space<vmem>>, vector<1x16xf32>,
        %scan3A_1367 = arith.constant 0 : i32
        scf.yield %scan3A_1367 : i32
      }
      %scan3A_572 = arith.constant 32 : i32
      %dma_start3A_573 = arith.constant 0 : i32
      %dma_start3A_574 = tpu.memref_slice %arg6[%add3A_506, %dma_start3A_573] : memref<204800x128xf32, #tpu.memory_space<hbm>> -> memref<64x128xf32, #tpu.memory_space<hbm>>
      %dma_start3A_575 = arith.constant 0 : i32
      %dma_start3A_576 = tpu.memref_slice %arg6[%add3A_506, %dma_start3A_575] : memref<204800x128xf32, #tpu.memory_space<hbm>> -> memref<64x128xf32, #tpu.memory_space<hbm>>
      tpu.enqueue_dma source(%arg14 : memref<64x128xf32, #tpu.memory_space<vmem>>) target(%dma_start3A_576 : memref<64x128xf32, #tpu.memory_space<hbm>>) target_semaphore(%arg26 : memref<!tpu.dma_semaphore, #tpu.memory_space<semaphore_mem>>)
      %lt3A_577 = arith.constant 24 : i32
      %lt3A_578 = arith.cmpi slt, %scan3A_193, %lt3A_577 : i32
      %convert_element_type3A_579 = arith.extui %lt3A_578 : i1 to i32
      %cond3A_580 = arith.constant 0 : i32
      %cond3A_581 = arith.cmpi ne, %convert_element_type3A_579, %cond3A_580 : i32
      scf.if %cond3A_581 {
        %dma_wait3A_667 = arith.constant 0 : i32
        %dma_wait3A_668 = tpu.memref_slice %arg6[%add3A_506, %dma_wait3A_667] : memref<204800x128xf32, #tpu.memory_space<hbm>> -> memref<64x128xf32, #tpu.memory_space<hbm>>
        %dma_wait3A_669 = arith.constant 0 : i32
        %dma_wait3A_670 = tpu.memref_slice %arg6[%add3A_506, %dma_wait3A_669] : memref<204800x128xf32, #tpu.memory_space<hbm>> -> memref<64x128xf32, #tpu.memory_space<hbm>>
        tpu.wait_dma2 semaphore(%arg24 : memref<!tpu.dma_semaphore, #tpu.memory_space<semaphore_mem>>) src(%arg12 : memref<64x128xf32, #tpu.memory_space<vmem>>) dst(%dma_wait3A_670 : memref<64x128xf32, #tpu.memory_space<hbm>>)
        %add3A_671 = arith.constant 2 : i32
        %add3A_672 = arith.addi %add3A_501, %add3A_671 : i32
        %dma_wait3A_673 = arith.constant 0 : i32
        %dma_wait3A_674 = arith.constant 0 : i32
        %dma_wait3A_675 = tpu.memref_slice %arg2[%add3A, %add3A_672, %dma_wait3A_673, %dma_wait3A_674] : memref<32x100x5x64xi32, #tpu.memory_space<hbm>> -> memref<1x1x5x64xi32, #tpu.memory_space<hbm>>
        %dma_wait3A_676 = tpu.memref_squeeze %dma_wait3A_675 : memref<1x1x5x64xi32, #tpu.memory_space<hbm>> -> memref<5x64xi32, #tpu.memory_space<hbm>>
        %dma_wait3A_677 = arith.constant 0 : i32
        %dma_wait3A_678 = arith.constant 0 : i32
        %dma_wait3A_679 = tpu.memref_slice %arg2[%add3A, %add3A_672, %dma_wait3A_677, %dma_wait3A_678] : memref<32x100x5x64xi32, #tpu.memory_space<hbm>> -> memref<1x1x5x64xi32, #tpu.memory_space<hbm>>
        %dma_wait3A_680 = tpu.memref_squeeze %dma_wait3A_679 : memref<1x1x5x64xi32, #tpu.memory_space<hbm>> -> memref<5x64xi32, #tpu.memory_space<hbm>>
        tpu.wait_dma2 semaphore(%arg28 : memref<!tpu.dma_semaphore, #tpu.memory_space<semaphore_mem>>) src(%dma_wait3A_680 : memref<5x64xi32, #tpu.memory_space<hbm>>) dst(%arg8 : memref<5x64xi32, #tpu.memory_space<vmem>>)
        %dma_start3A_681 = arith.constant 0 : i32
        %dma_start3A_682 = arith.constant 0 : i32
        %dma_start3A_683 = tpu.memref_slice %arg8[%dma_start3A_681, %dma_start3A_682] : memref<5x64xi32, #tpu.memory_space<vmem>> -> memref<1x64xi32, #tpu.memory_space<vmem>>
        %dma_start3A_684 = tpu.memref_squeeze %dma_start3A_683 : memref<1x64xi32, #tpu.memory_space<vmem>> -> memref<64xi32, #tpu.memory_space<vmem>>
        %dma_start3A_685 = arith.constant 0 : i32
        %dma_start3A_686 = arith.constant 0 : i32
        %dma_start3A_687 = tpu.memref_slice %arg3[%dma_start3A_685, %dma_start3A_686] : memref<100000x128xf32, #tpu.memory_space<hbm>> -> memref<100000x128xf32, #tpu.memory_space<hbm>>
        tpu.enqueue_indirect_dma source(%dma_start3A_687 : memref<100000x128xf32, #tpu.memory_space<hbm>>) target(%arg12 : memref<64x128xf32, #tpu.memory_space<vmem>>) offsets(%dma_start3A_684 : memref<64xi32, #tpu.memory_space<vmem>>) semaphore(%arg20 : memref<!tpu.dma_semaphore, #tpu.memory_space<semaphore_mem>>)
        %dma_start3A_688 = arith.constant 1 : i32
        %dma_start3A_689 = arith.constant 0 : i32
        %dma_start3A_690 = arith.constant 0 : i32
        %dma_start3A_691 = arith.constant 0 : i32
        %dma_start3A_692 = tpu.memref_slice %arg16[%dma_start3A_689, %dma_start3A_690, %dma_start3A_691] : memref<4x64x64xi32, #tpu.memory_space<vmem>> -> memref<1x64x64xi32, #tpu.memory_space<vmem>>
        %dma_start3A_693 = tpu.memref_squeeze %dma_start3A_692 : memref<1x64x64xi32, #tpu.memory_space<vmem>> -> memref<64x64xi32, #tpu.memory_space<vmem>>
        %dma_start3A_694 = arith.constant 0 : i32
        %dma_start3A_695 = tpu.memref_slice %arg8[%dma_start3A_688, %dma_start3A_694] : memref<5x64xi32, #tpu.memory_space<vmem>> -> memref<1x64xi32, #tpu.memory_space<vmem>>
        %dma_start3A_696 = tpu.memref_squeeze %dma_start3A_695 : memref<1x64xi32, #tpu.memory_space<vmem>> -> memref<64xi32, #tpu.memory_space<vmem>>
        %dma_start3A_697 = arith.constant 0 : i32
        %dma_start3A_698 = arith.constant 0 : i32
        %dma_start3A_699 = tpu.memref_slice %arg4[%dma_start3A_697, %dma_start3A_698] : memref<1000x64xi32, #tpu.memory_space<hbm>> -> memref<1000x64xi32, #tpu.memory_space<hbm>>
        tpu.enqueue_indirect_dma source(%dma_start3A_699 : memref<1000x64xi32, #tpu.memory_space<hbm>>) target(%dma_start3A_693 : memref<64x64xi32, #tpu.memory_space<vmem>>) offsets(%dma_start3A_696 : memref<64xi32, #tpu.memory_space<vmem>>) semaphore(%arg20 : memref<!tpu.dma_semaphore, #tpu.memory_space<semaphore_mem>>)
        %dma_start3A_700 = arith.constant 2 : i32
        %dma_start3A_701 = arith.constant 1 : i32
        %dma_start3A_702 = arith.constant 0 : i32
        %dma_start3A_703 = arith.constant 0 : i32
        %dma_start3A_704 = tpu.memref_slice %arg16[%dma_start3A_701, %dma_start3A_702, %dma_start3A_703] : memref<4x64x64xi32, #tpu.memory_space<vmem>> -> memref<1x64x64xi32, #tpu.memory_space<vmem>>
        %dma_start3A_705 = tpu.memref_squeeze %dma_start3A_704 : memref<1x64x64xi32, #tpu.memory_space<vmem>> -> memref<64x64xi32, #tpu.memory_space<vmem>>
        %dma_start3A_706 = arith.constant 0 : i32
        %dma_start3A_707 = tpu.memref_slice %arg8[%dma_start3A_700, %dma_start3A_706] : memref<5x64xi32, #tpu.memory_space<vmem>> -> memref<1x64xi32, #tpu.memory_space<vmem>>
        %dma_start3A_708 = tpu.memref_squeeze %dma_start3A_707 : memref<1x64xi32, #tpu.memory_space<vmem>> -> memref<64xi32, #tpu.memory_space<vmem>>
        %dma_start3A_709 = arith.constant 0 : i32
        %dma_start3A_710 = arith.constant 0 : i32
        %dma_start3A_711 = tpu.memref_slice %arg4[%dma_start3A_709, %dma_start3A_710] : memref<1000x64xi32, #tpu.memory_space<hbm>> -> memref<1000x64xi32, #tpu.memory_space<hbm>>
        tpu.enqueue_indirect_dma source(%dma_start3A_711 : memref<1000x64xi32, #tpu.memory_space<hbm>>) target(%dma_start3A_705 : memref<64x64xi32, #tpu.memory_space<vmem>>) offsets(%dma_start3A_708 : memref<64xi32, #tpu.memory_space<vmem>>) semaphore(%arg20 : memref<!tpu.dma_semaphore, #tpu.memory_space<semaphore_mem>>)
        %dma_start3A_712 = arith.constant 3 : i32
        %dma_start3A_713 = arith.constant 2 : i32
        %dma_start3A_714 = arith.constant 0 : i32
        %dma_start3A_715 = arith.constant 0 : i32
        %dma_start3A_716 = tpu.memref_slice %arg16[%dma_start3A_713, %dma_start3A_714, %dma_start3A_715] : memref<4x64x64xi32, #tpu.memory_space<vmem>> -> memref<1x64x64xi32, #tpu.memory_space<vmem>>
        %dma_start3A_717 = tpu.memref_squeeze %dma_start3A_716 : memref<1x64x64xi32, #tpu.memory_space<vmem>> -> memref<64x64xi32, #tpu.memory_space<vmem>>
        %dma_start3A_718 = arith.constant 0 : i32
        %dma_start3A_719 = tpu.memref_slice %arg8[%dma_start3A_712, %dma_start3A_718] : memref<5x64xi32, #tpu.memory_space<vmem>> -> memref<1x64xi32, #tpu.memory_space<vmem>>
        %dma_start3A_720 = tpu.memref_squeeze %dma_start3A_719 : memref<1x64xi32, #tpu.memory_space<vmem>> -> memref<64xi32, #tpu.memory_space<vmem>>
        %dma_start3A_721 = arith.constant 0 : i32
        %dma_start3A_722 = arith.constant 0 : i32
        %dma_start3A_723 = tpu.memref_slice %arg4[%dma_start3A_721, %dma_start3A_722] : memref<1000x64xi32, #tpu.memory_space<hbm>> -> memref<1000x64xi32, #tpu.memory_space<hbm>>
        tpu.enqueue_indirect_dma source(%dma_start3A_723 : memref<1000x64xi32, #tpu.memory_space<hbm>>) target(%dma_start3A_717 : memref<64x64xi32, #tpu.memory_space<vmem>>) offsets(%dma_start3A_720 : memref<64xi32, #tpu.memory_space<vmem>>) semaphore(%arg20 : memref<!tpu.dma_semaphore, #tpu.memory_space<semaphore_mem>>)
        %dma_start3A_724 = arith.constant 4 : i32
        %dma_start3A_725 = arith.constant 3 : i32
        %dma_start3A_726 = arith.constant 0 : i32
        %dma_start3A_727 = arith.constant 0 : i32
        %dma_start3A_728 = tpu.memref_slice %arg16[%dma_start3A_725, %dma_start3A_726, %dma_start3A_727] : memref<4x64x64xi32, #tpu.memory_space<vmem>> -> memref<1x64x64xi32, #tpu.memory_space<vmem>>
        %dma_start3A_729 = tpu.memref_squeeze %dma_start3A_728 : memref<1x64x64xi32, #tpu.memory_space<vmem>> -> memref<64x64xi32, #tpu.memory_space<vmem>>
        %dma_start3A_730 = arith.constant 0 : i32
        %dma_start3A_731 = tpu.memref_slice %arg8[%dma_start3A_724, %dma_start3A_730] : memref<5x64xi32, #tpu.memory_space<vmem>> -> memref<1x64xi32, #tpu.memory_space<vmem>>
        %dma_start3A_732 = tpu.memref_squeeze %dma_start3A_731 : memref<1x64xi32, #tpu.memory_space<vmem>> -> memref<64xi32, #tpu.memory_space<vmem>>
        %dma_start3A_733 = arith.constant 0 : i32
        %dma_start3A_734 = arith.constant 0 : i32
        %dma_start3A_735 = tpu.memref_slice %arg4[%dma_start3A_733, %dma_start3A_734] : memref<1000x64xi32, #tpu.memory_space<hbm>> -> memref<1000x64xi32, #tpu.memory_space<hbm>>
        tpu.enqueue_indirect_dma source(%dma_start3A_735 : memref<1000x64xi32, #tpu.memory_space<hbm>>) target(%dma_start3A_729 : memref<64x64xi32, #tpu.memory_space<vmem>>) offsets(%dma_start3A_732 : memref<64xi32, #tpu.memory_space<vmem>>) semaphore(%arg20 : memref<!tpu.dma_semaphore, #tpu.memory_space<semaphore_mem>>)
        %add3A_736 = arith.constant 4 : i32
        %add3A_737 = arith.addi %add3A_501, %add3A_736 : i32
        %dma_start3A_738 = arith.constant 0 : i32
        %dma_start3A_739 = arith.constant 0 : i32
        %dma_start3A_740 = tpu.memref_slice %arg2[%add3A, %add3A_737, %dma_start3A_738, %dma_start3A_739] : memref<32x100x5x64xi32, #tpu.memory_space<hbm>> -> memref<1x1x5x64xi32, #tpu.memory_space<hbm>>
        %dma_start3A_741 = tpu.memref_squeeze %dma_start3A_740 : memref<1x1x5x64xi32, #tpu.memory_space<hbm>> -> memref<5x64xi32, #tpu.memory_space<hbm>>
        %dma_start3A_742 = arith.constant 0 : i32
        %dma_start3A_743 = arith.constant 0 : i32
        %dma_start3A_744 = tpu.memref_slice %arg2[%add3A, %add3A_737, %dma_start3A_742, %dma_start3A_743] : memref<32x100x5x64xi32, #tpu.memory_space<hbm>> -> memref<1x1x5x64xi32, #tpu.memory_space<hbm>>
        %dma_start3A_745 = tpu.memref_squeeze %dma_start3A_744 : memref<1x1x5x64xi32, #tpu.memory_space<hbm>> -> memref<5x64xi32, #tpu.memory_space<hbm>>
        tpu.enqueue_dma source(%dma_start3A_745 : memref<5x64xi32, #tpu.memory_space<hbm>>) target(%arg10 : memref<5x64xi32, #tpu.memory_space<vmem>>) target_semaphore(%arg30 : memref<!tpu.dma_semaphore, #tpu.memory_space<semaphore_mem>>)
      } else {
      }
      %mul3A_582 = arith.constant 4 : i32
      %mul3A_583 = arith.muli %mul3A_582, %scan3A_193 : i32
      %add3A_584 = arith.constant 3 : i32
      %add3A_585 = arith.addi %mul3A_583, %add3A_584 : i32
      %mul3A_586 = arith.constant 6400 : i32
      %mul3A_587 = arith.muli %add3A, %mul3A_586 : i32
      %mul3A_588 = arith.constant 64 : i32
      %mul3A_589 = arith.muli %add3A_585, %mul3A_588 : i32
      %add3A_590 = arith.addi %mul3A_587, %mul3A_589 : i32
      %dma_wait3A_591 = arith.constant 0 : i32
      %dma_wait3A_592 = arith.constant 0 : i32
      %dma_wait3A_593 = tpu.memref_slice %arg11[%dma_wait3A_591, %dma_wait3A_592] : memref<5x64xi32, #tpu.memory_space<vmem>> -> memref<1x64xi32, #tpu.memory_space<vmem>>
      %dma_wait3A_594 = tpu.memref_squeeze %dma_wait3A_593 : memref<1x64xi32, #tpu.memory_space<vmem>> -> memref<64xi32, #tpu.memory_space<vmem>>
      %dma_wait3A_595 = arith.constant 0 : i32
      %dma_wait3A_596 = arith.constant 0 : i32
      %dma_wait3A_597 = tpu.memref_slice %arg3[%dma_wait3A_595, %dma_wait3A_596] : memref<100000x128xf32, #tpu.memory_space<hbm>> -> memref<100000x128xf32, #tpu.memory_space<hbm>>
      tpu.wait_indirect_dma semaphore(%arg23 : memref<!tpu.dma_semaphore, #tpu.memory_space<semaphore_mem>>) src(%dma_wait3A_597 : memref<100000x128xf32, #tpu.memory_space<hbm>>) dst(%arg15 : memref<64x128xf32, #tpu.memory_space<vmem>>)
      %dma_wait3A_598 = arith.constant 1 : i32
      %dma_wait3A_599 = arith.constant 0 : i32
      %dma_wait3A_600 = arith.constant 0 : i32
      %dma_wait3A_601 = arith.constant 0 : i32
      %dma_wait3A_602 = tpu.memref_slice %arg19[%dma_wait3A_599, %dma_wait3A_600, %dma_wait3A_601] : memref<4x64x64xi32, #tpu.memory_space<vmem>> -> memref<1x64x64xi32, #tpu.memory_space<vmem>>
      %dma_wait3A_603 = tpu.memref_squeeze %dma_wait3A_602 : memref<1x64x64xi32, #tpu.memory_space<vmem>> -> memref<64x64xi32, #tpu.memory_space<vmem>>
      %dma_wait3A_604 = arith.constant 0 : i32
      %dma_wait3A_605 = tpu.memref_slice %arg11[%dma_wait3A_598, %dma_wait3A_604] : memref<5x64xi32, #tpu.memory_space<vmem>> -> memref<1x64xi32, #tpu.memory_space<vmem>>
      %dma_wait3A_606 = tpu.memref_squeeze %dma_wait3A_605 : memref<1x64xi32, #tpu.memory_space<vmem>> -> memref<64xi32, #tpu.memory_space<vmem>>
      %dma_wait3A_607 = arith.constant 0 : i32
      %dma_wait3A_608 = arith.constant 0 : i32
      %dma_wait3A_609 = tpu.memref_slice %arg4[%dma_wait3A_607, %dma_wait3A_608] : memref<1000x64xi32, #tpu.memory_space<hbm>> -> memref<1000x64xi32, #tpu.memory_space<hbm>>
      tpu.wait_indirect_dma semaphore(%arg23 : memref<!tpu.dma_semaphore, #tpu.memory_space<semaphore_mem>>) src(%dma_wait3A_609 : memref<1000x64xi32, #tpu.memory_space<hbm>>) dst(%dma_wait3A_603 : memref<64x64xi32, #tpu.memory_space<vmem>>)
      %dma_wait3A_610 = arith.constant 2 : i32
      %dma_wait3A_611 = arith.constant 1 : i32
      %dma_wait3A_612 = arith.constant 0 : i32
      %dma_wait3A_613 = arith.constant 0 : i32
      %dma_wait3A_614 = tpu.memref_slice %arg19[%dma_wait3A_611, %dma_wait3A_612, %dma_wait3A_613] : memref<4x64x64xi32, #tpu.memory_space<vmem>> -> memref<1x64x64xi32, #tpu.memory_space<vmem>>
      %dma_wait3A_615 = tpu.memref_squeeze %dma_wait3A_614 : memref<1x64x64xi32, #tpu.memory_space<vmem>> -> memref<64x64xi32, #tpu.memory_space<vmem>>
      %dma_wait3A_616 = arith.constant 0 : i32
      %dma_wait3A_617 = tpu.memref_slice %arg11[%dma_wait3A_610, %dma_wait3A_616] : memref<5x64xi32, #tpu.memory_space<vmem>> -> memref<1x64xi32, #tpu.memory_space<vmem>>
      %dma_wait3A_618 = tpu.memref_squeeze %dma_wait3A_617 : memref<1x64xi32, #tpu.memory_space<vmem>> -> memref<64xi32, #tpu.memory_space<vmem>>
      %dma_wait3A_619 = arith.constant 0 : i32
      %dma_wait3A_620 = arith.constant 0 : i32
      %dma_wait3A_621 = tpu.memref_slice %arg4[%dma_wait3A_619, %dma_wait3A_620] : memref<1000x64xi32, #tpu.memory_space<hbm>> -> memref<1000x64xi32, #tpu.memory_space<hbm>>
      tpu.wait_indirect_dma semaphore(%arg23 : memref<!tpu.dma_semaphore, #tpu.memory_space<semaphore_mem>>) src(%dma_wait3A_621 : memref<1000x64xi32, #tpu.memory_space<hbm>>) dst(%dma_wait3A_615 : memref<64x64xi32, #tpu.memory_space<vmem>>)
      %dma_wait3A_622 = arith.constant 3 : i32
      %dma_wait3A_623 = arith.constant 2 : i32
      %dma_wait3A_624 = arith.constant 0 : i32
      %dma_wait3A_625 = arith.constant 0 : i32
      %dma_wait3A_626 = tpu.memref_slice %arg19[%dma_wait3A_623, %dma_wait3A_624, %dma_wait3A_625] : memref<4x64x64xi32, #tpu.memory_space<vmem>> -> memref<1x64x64xi32, #tpu.memory_space<vmem>>
      %dma_wait3A_627 = tpu.memref_squeeze %dma_wait3A_626 : memref<1x64x64xi32, #tpu.memory_space<vmem>> -> memref<64x64xi32, #tpu.memory_space<vmem>>
      %dma_wait3A_628 = arith.constant 0 : i32
      %dma_wait3A_629 = tpu.memref_slice %arg11[%dma_wait3A_622, %dma_wait3A_628] : memref<5x64xi32, #tpu.memory_space<vmem>> -> memref<1x64xi32, #tpu.memory_space<vmem>>
      %dma_wait3A_630 = tpu.memref_squeeze %dma_wait3A_629 : memref<1x64xi32, #tpu.memory_space<vmem>> -> memref<64xi32, #tpu.memory_space<vmem>>
      %dma_wait3A_631 = arith.constant 0 : i32
      %dma_wait3A_632 = arith.constant 0 : i32
      %dma_wait3A_633 = tpu.memref_slice %arg4[%dma_wait3A_631, %dma_wait3A_632] : memref<1000x64xi32, #tpu.memory_space<hbm>> -> memref<1000x64xi32, #tpu.memory_space<hbm>>
      tpu.wait_indirect_dma semaphore(%arg23 : memref<!tpu.dma_semaphore, #tpu.memory_space<semaphore_mem>>) src(%dma_wait3A_633 : memref<1000x64xi32, #tpu.memory_space<hbm>>) dst(%dma_wait3A_627 : memref<64x64xi32, #tpu.memory_space<vmem>>)
      %dma_wait3A_634 = arith.constant 4 : i32
      %dma_wait3A_635 = arith.constant 3 : i32
      %dma_wait3A_636 = arith.constant 0 : i32
      %dma_wait3A_637 = arith.constant 0 : i32
      %dma_wait3A_638 = tpu.memref_slice %arg19[%dma_wait3A_635, %dma_wait3A_636, %dma_wait3A_637] : memref<4x64x64xi32, #tpu.memory_space<vmem>> -> memref<1x64x64xi32, #tpu.memory_space<vmem>>
      %dma_wait3A_639 = tpu.memref_squeeze %dma_wait3A_638 : memref<1x64x64xi32, #tpu.memory_space<vmem>> -> memref<64x64xi32, #tpu.memory_space<vmem>>
      %dma_wait3A_640 = arith.constant 0 : i32
      %dma_wait3A_641 = tpu.memref_slice %arg11[%dma_wait3A_634, %dma_wait3A_640] : memref<5x64xi32, #tpu.memory_space<vmem>> -> memref<1x64xi32, #tpu.memory_space<vmem>>
      %dma_wait3A_642 = tpu.memref_squeeze %dma_wait3A_641 : memref<1x64xi32, #tpu.memory_space<vmem>> -> memref<64xi32, #tpu.memory_space<vmem>>
      %dma_wait3A_643 = arith.constant 0 : i32
      %dma_wait3A_644 = arith.constant 0 : i32
      %dma_wait3A_645 = tpu.memref_slice %arg4[%dma_wait3A_643, %dma_wait3A_644] : memref<1000x64xi32, #tpu.memory_space<hbm>> -> memref<1000x64xi32, #tpu.memory_space<hbm>>
      tpu.wait_indirect_dma semaphore(%arg23 : memref<!tpu.dma_semaphore, #tpu.memory_space<semaphore_mem>>) src(%dma_wait3A_645 : memref<1000x64xi32, #tpu.memory_space<hbm>>) dst(%dma_wait3A_639 : memref<64x64xi32, #tpu.memory_space<vmem>>)
      %mul3A_646 = arith.constant 64 : i32
      %mul3A_647 = arith.muli %add3A_585, %mul3A_646 : i32
      %rem3A_648 = arith.constant 200 : i32
      %rem3A_649 = arith.remsi %mul3A_647, %rem3A_648 : i32
      %scan3A_650 = arith.constant 0 : i32
      %scan3A_651 = arith.constant 0 : i32
      %scan3A_652 = arith.constant 32 : i32
      %scan3A_653 = arith.addi %scan3A_651, %scan3A_652 : i32
      %scan3A_654 = arith.constant 1 : i32
      %scan3A_655 = scf.for %scan3A_667 = %scan3A_651 to %scan3A_653 step %scan3A_654 iter_args(%scan3A_668 = %scan3A_650) -> (i32)  : i32 {
        %mul3A_669 = arith.constant 2 : i32
        %mul3A_670 = arith.muli %mul3A_669, %scan3A_667 : i32
        %add3A_671 = arith.addi %rem3A_649, %mul3A_670 : i32
        %ge3A = arith.constant 200 : i32
        %ge3A_672 = arith.cmpi sge, %add3A_671, %ge3A : i32
        %sub3A = arith.constant 200 : i32
        %sub3A_673 = arith.subi %add3A_671, %sub3A : i32
        %select_n3A = arith.select %ge3A_672, %sub3A_673, %add3A_671 : i32
        %get3A = arith.constant 0 : i32
        %get3A_674 = arith.index_cast %get3A : i32 to index
        %get3A_675 = arith.index_cast %mul3A_670 : i32 to index
        %get3A_676 = arith.constant 0 : index
        %get3A_677 = tpu.vector_load %arg19[%get3A_674, %get3A_675, %get3A_676] {strides = array<i32>} : memref<4x64x64xi32, #tpu.memory_space<vmem>>, vector<1x1x16xi32>,
        %get3A_678 = vector.shape_cast %get3A_677 : vector<1x1x16xi32> to vector<16xi32>
        %shift_left3A = arith.constant 16 : i32
        %shift_left3A_679 = vector.broadcast %shift_left3A : i32 to vector<16xi32>
        %shift_left3A_680 = arith.shli %get3A_678, %shift_left3A_679 : vector<16xi32>
        %bitcast_convert_type3A = tpu.bitcast %shift_left3A_680 : vector<16xi32> -> vector<16xf32>
        %and3A = arith.constant -65536 : i32
        %and3A_681 = vector.broadcast %and3A : i32 to vector<16xi32>
        %and3A_682 = arith.andi %get3A_678, %and3A_681 : vector<16xi32>
        %bitcast_convert_type3A_683 = tpu.bitcast %and3A_682 : vector<16xi32> -> vector<16xf32>
        %get3A_684 = arith.constant 1 : i32
        %get3A_685 = arith.index_cast %get3A_684 : i32 to index
        %get3A_686 = arith.index_cast %mul3A_670 : i32 to index
        %get3A_687 = arith.constant 0 : index
        %get3A_688 = tpu.vector_load %arg19[%get3A_685, %get3A_686, %get3A_687] {strides = array<i32>} : memref<4x64x64xi32, #tpu.memory_space<vmem>>, vector<1x1x16xi32>,
        %get3A_689 = vector.shape_cast %get3A_688 : vector<1x1x16xi32> to vector<16xi32>
        %shift_left3A_690 = arith.constant 16 : i32
        %shift_left3A_691 = vector.broadcast %shift_left3A_690 : i32 to vector<16xi32>
        %shift_left3A_692 = arith.shli %get3A_689, %shift_left3A_691 : vector<16xi32>
        %bitcast_convert_type3A_693 = tpu.bitcast %shift_left3A_692 : vector<16xi32> -> vector<16xf32>
        %and3A_694 = arith.constant -65536 : i32
        %and3A_695 = vector.broadcast %and3A_694 : i32 to vector<16xi32>
        %and3A_696 = arith.andi %get3A_689, %and3A_695 : vector<16xi32>
        %bitcast_convert_type3A_697 = tpu.bitcast %and3A_696 : vector<16xi32> -> vector<16xf32>
        %add3A_698 = arith.addf %bitcast_convert_type3A, %bitcast_convert_type3A_693 : vector<16xf32>
        %add3A_699 = arith.addf %bitcast_convert_type3A_683, %bitcast_convert_type3A_697 : vector<16xf32>
        %get3A_700 = arith.constant 2 : i32
        %get3A_701 = arith.index_cast %get3A_700 : i32 to index
        %get3A_702 = arith.index_cast %mul3A_670 : i32 to index
        %get3A_703 = arith.constant 0 : index
        %get3A_704 = tpu.vector_load %arg19[%get3A_701, %get3A_702, %get3A_703] {strides = array<i32>} : memref<4x64x64xi32, #tpu.memory_space<vmem>>, vector<1x1x16xi32>,
        %get3A_705 = vector.shape_cast %get3A_704 : vector<1x1x16xi32> to vector<16xi32>
        %shift_left3A_706 = arith.constant 16 : i32
        %shift_left3A_707 = vector.broadcast %shift_left3A_706 : i32 to vector<16xi32>
        %shift_left3A_708 = arith.shli %get3A_705, %shift_left3A_707 : vector<16xi32>
        %bitcast_convert_type3A_709 = tpu.bitcast %shift_left3A_708 : vector<16xi32> -> vector<16xf32>
        %and3A_710 = arith.constant -65536 : i32
        %and3A_711 = vector.broadcast %and3A_710 : i32 to vector<16xi32>
        %and3A_712 = arith.andi %get3A_705, %and3A_711 : vector<16xi32>
        %bitcast_convert_type3A_713 = tpu.bitcast %and3A_712 : vector<16xi32> -> vector<16xf32>
        %add3A_714 = arith.addf %add3A_698, %bitcast_convert_type3A_709 : vector<16xf32>
        %add3A_715 = arith.addf %add3A_699, %bitcast_convert_type3A_713 : vector<16xf32>
        %get3A_716 = arith.constant 3 : i32
        %get3A_717 = arith.index_cast %get3A_716 : i32 to index
        %get3A_718 = arith.index_cast %mul3A_670 : i32 to index
        %get3A_719 = arith.constant 0 : index
        %get3A_720 = tpu.vector_load %arg19[%get3A_717, %get3A_718, %get3A_719] {strides = array<i32>} : memref<4x64x64xi32, #tpu.memory_space<vmem>>, vector<1x1x16xi32>,
        %get3A_721 = vector.shape_cast %get3A_720 : vector<1x1x16xi32> to vector<16xi32>
        %shift_left3A_722 = arith.constant 16 : i32
        %shift_left3A_723 = vector.broadcast %shift_left3A_722 : i32 to vector<16xi32>
        %shift_left3A_724 = arith.shli %get3A_721, %shift_left3A_723 : vector<16xi32>
        %bitcast_convert_type3A_725 = tpu.bitcast %shift_left3A_724 : vector<16xi32> -> vector<16xf32>
        %and3A_726 = arith.constant -65536 : i32
        %and3A_727 = vector.broadcast %and3A_726 : i32 to vector<16xi32>
        %and3A_728 = arith.andi %get3A_721, %and3A_727 : vector<16xi32>
        %bitcast_convert_type3A_729 = tpu.bitcast %and3A_728 : vector<16xi32> -> vector<16xf32>
        %add3A_730 = arith.addf %add3A_714, %bitcast_convert_type3A_725 : vector<16xf32>
        %add3A_731 = arith.addf %add3A_715, %bitcast_convert_type3A_729 : vector<16xf32>
        %get3A_732 = arith.index_cast %select_n3A : i32 to index
        %get3A_733 = arith.constant 0 : index
        %get3A_734 = tpu.vector_load %arg7[%get3A_732, %get3A_733] {strides = array<i32>} : memref<200x64xi32, #tpu.memory_space<vmem>>, vector<1x16xi32>,
        %get3A_735 = vector.shape_cast %get3A_734 : vector<1x16xi32> to vector<16xi32>
        %shift_left3A_736 = arith.constant 16 : i32
        %shift_left3A_737 = vector.broadcast %shift_left3A_736 : i32 to vector<16xi32>
        %shift_left3A_738 = arith.shli %get3A_735, %shift_left3A_737 : vector<16xi32>
        %bitcast_convert_type3A_739 = tpu.bitcast %shift_left3A_738 : vector<16xi32> -> vector<16xf32>
        %and3A_740 = arith.constant -65536 : i32
        %and3A_741 = vector.broadcast %and3A_740 : i32 to vector<16xi32>
        %and3A_742 = arith.andi %get3A_735, %and3A_741 : vector<16xi32>
        %bitcast_convert_type3A_743 = tpu.bitcast %and3A_742 : vector<16xi32> -> vector<16xf32>
        %add3A_744 = arith.addf %add3A_730, %bitcast_convert_type3A_739 : vector<16xf32>
        %add3A_745 = arith.addf %add3A_731, %bitcast_convert_type3A_743 : vector<16xf32>
        %swap3A = arith.index_cast %mul3A_670 : i32 to index
        %swap3A_746 = arith.constant 0 : index
        %swap3A_747 = tpu.vector_load %arg15[%swap3A, %swap3A_746] {strides = array<i32>} : memref<64x128xf32, #tpu.memory_space<vmem>>, vector<1x16xf32>,
        %swap3A_748 = vector.shape_cast %swap3A_747 : vector<1x16xf32> to vector<16xf32>
        %swap3A_749 = vector.shape_cast %add3A_744 : vector<16xf32> to vector<1x16xf32>
        tpu.vector_store %arg15[%swap3A, %swap3A_746], %swap3A_749 {add = true, strides = array<i32>} : memref<64x128xf32, #tpu.memory_space<vmem>>, vector<1x16xf32>,
        %swap3A_750 = arith.index_cast %mul3A_670 : i32 to index
        %swap3A_751 = arith.constant 16 : index
        %swap3A_752 = tpu.vector_load %arg15[%swap3A_750, %swap3A_751] {strides = array<i32>} : memref<64x128xf32, #tpu.memory_space<vmem>>, vector<1x16xf32>,
        %swap3A_753 = vector.shape_cast %swap3A_752 : vector<1x16xf32> to vector<16xf32>
        %swap3A_754 = vector.shape_cast %add3A_745 : vector<16xf32> to vector<1x16xf32>
        tpu.vector_store %arg15[%swap3A_750, %swap3A_751], %swap3A_754 {add = true, strides = array<i32>} : memref<64x128xf32, #tpu.memory_space<vmem>>, vector<1x16xf32>,
        %get3A_755 = arith.constant 0 : i32
        %get3A_756 = arith.index_cast %get3A_755 : i32 to index
        %get3A_757 = arith.index_cast %mul3A_670 : i32 to index
        %get3A_758 = arith.constant 16 : index
        %get3A_759 = tpu.vector_load %arg19[%get3A_756, %get3A_757, %get3A_758] {strides = array<i32>} : memref<4x64x64xi32, #tpu.memory_space<vmem>>, vector<1x1x16xi32>,
        %get3A_760 = vector.shape_cast %get3A_759 : vector<1x1x16xi32> to vector<16xi32>
        %shift_left3A_761 = arith.constant 16 : i32
        %shift_left3A_762 = vector.broadcast %shift_left3A_761 : i32 to vector<16xi32>
        %shift_left3A_763 = arith.shli %get3A_760, %shift_left3A_762 : vector<16xi32>
        %bitcast_convert_type3A_764 = tpu.bitcast %shift_left3A_763 : vector<16xi32> -> vector<16xf32>
        %and3A_765 = arith.constant -65536 : i32
        %and3A_766 = vector.broadcast %and3A_765 : i32 to vector<16xi32>
        %and3A_767 = arith.andi %get3A_760, %and3A_766 : vector<16xi32>
        %bitcast_convert_type3A_768 = tpu.bitcast %and3A_767 : vector<16xi32> -> vector<16xf32>
        %get3A_769 = arith.constant 1 : i32
        %get3A_770 = arith.index_cast %get3A_769 : i32 to index
        %get3A_771 = arith.index_cast %mul3A_670 : i32 to index
        %get3A_772 = arith.constant 16 : index
        %get3A_773 = tpu.vector_load %arg19[%get3A_770, %get3A_771, %get3A_772] {strides = array<i32>} : memref<4x64x64xi32, #tpu.memory_space<vmem>>, vector<1x1x16xi32>,
        %get3A_774 = vector.shape_cast %get3A_773 : vector<1x1x16xi32> to vector<16xi32>
        %shift_left3A_775 = arith.constant 16 : i32
        %shift_left3A_776 = vector.broadcast %shift_left3A_775 : i32 to vector<16xi32>
        %shift_left3A_777 = arith.shli %get3A_774, %shift_left3A_776 : vector<16xi32>
        %bitcast_convert_type3A_778 = tpu.bitcast %shift_left3A_777 : vector<16xi32> -> vector<16xf32>
        %and3A_779 = arith.constant -65536 : i32
        %and3A_780 = vector.broadcast %and3A_779 : i32 to vector<16xi32>
        %and3A_781 = arith.andi %get3A_774, %and3A_780 : vector<16xi32>
        %bitcast_convert_type3A_782 = tpu.bitcast %and3A_781 : vector<16xi32> -> vector<16xf32>
        %add3A_783 = arith.addf %bitcast_convert_type3A_764, %bitcast_convert_type3A_778 : vector<16xf32>
        %add3A_784 = arith.addf %bitcast_convert_type3A_768, %bitcast_convert_type3A_782 : vector<16xf32>
        %get3A_785 = arith.constant 2 : i32
        %get3A_786 = arith.index_cast %get3A_785 : i32 to index
        %get3A_787 = arith.index_cast %mul3A_670 : i32 to index
        %get3A_788 = arith.constant 16 : index
        %get3A_789 = tpu.vector_load %arg19[%get3A_786, %get3A_787, %get3A_788] {strides = array<i32>} : memref<4x64x64xi32, #tpu.memory_space<vmem>>, vector<1x1x16xi32>,
        %get3A_790 = vector.shape_cast %get3A_789 : vector<1x1x16xi32> to vector<16xi32>
        %shift_left3A_791 = arith.constant 16 : i32
        %shift_left3A_792 = vector.broadcast %shift_left3A_791 : i32 to vector<16xi32>
        %shift_left3A_793 = arith.shli %get3A_790, %shift_left3A_792 : vector<16xi32>
        %bitcast_convert_type3A_794 = tpu.bitcast %shift_left3A_793 : vector<16xi32> -> vector<16xf32>
        %and3A_795 = arith.constant -65536 : i32
        %and3A_796 = vector.broadcast %and3A_795 : i32 to vector<16xi32>
        %and3A_797 = arith.andi %get3A_790, %and3A_796 : vector<16xi32>
        %bitcast_convert_type3A_798 = tpu.bitcast %and3A_797 : vector<16xi32> -> vector<16xf32>
        %add3A_799 = arith.addf %add3A_783, %bitcast_convert_type3A_794 : vector<16xf32>
        %add3A_800 = arith.addf %add3A_784, %bitcast_convert_type3A_798 : vector<16xf32>
        %get3A_801 = arith.constant 3 : i32
        %get3A_802 = arith.index_cast %get3A_801 : i32 to index
        %get3A_803 = arith.index_cast %mul3A_670 : i32 to index
        %get3A_804 = arith.constant 16 : index
        %get3A_805 = tpu.vector_load %arg19[%get3A_802, %get3A_803, %get3A_804] {strides = array<i32>} : memref<4x64x64xi32, #tpu.memory_space<vmem>>, vector<1x1x16xi32>,
        %get3A_806 = vector.shape_cast %get3A_805 : vector<1x1x16xi32> to vector<16xi32>
        %shift_left3A_807 = arith.constant 16 : i32
        %shift_left3A_808 = vector.broadcast %shift_left3A_807 : i32 to vector<16xi32>
        %shift_left3A_809 = arith.shli %get3A_806, %shift_left3A_808 : vector<16xi32>
        %bitcast_convert_type3A_810 = tpu.bitcast %shift_left3A_809 : vector<16xi32> -> vector<16xf32>
        %and3A_811 = arith.constant -65536 : i32
        %and3A_812 = vector.broadcast %and3A_811 : i32 to vector<16xi32>
        %and3A_813 = arith.andi %get3A_806, %and3A_812 : vector<16xi32>
        %bitcast_convert_type3A_814 = tpu.bitcast %and3A_813 : vector<16xi32> -> vector<16xf32>
        %add3A_815 = arith.addf %add3A_799, %bitcast_convert_type3A_810 : vector<16xf32>
        %add3A_816 = arith.addf %add3A_800, %bitcast_convert_type3A_814 : vector<16xf32>
        %get3A_817 = arith.index_cast %select_n3A : i32 to index
        %get3A_818 = arith.constant 16 : index
        %get3A_819 = tpu.vector_load %arg7[%get3A_817, %get3A_818] {strides = array<i32>} : memref<200x64xi32, #tpu.memory_space<vmem>>, vector<1x16xi32>,
        %get3A_820 = vector.shape_cast %get3A_819 : vector<1x16xi32> to vector<16xi32>
        %shift_left3A_821 = arith.constant 16 : i32
        %shift_left3A_822 = vector.broadcast %shift_left3A_821 : i32 to vector<16xi32>
        %shift_left3A_823 = arith.shli %get3A_820, %shift_left3A_822 : vector<16xi32>
        %bitcast_convert_type3A_824 = tpu.bitcast %shift_left3A_823 : vector<16xi32> -> vector<16xf32>
        %and3A_825 = arith.constant -65536 : i32
        %and3A_826 = vector.broadcast %and3A_825 : i32 to vector<16xi32>
        %and3A_827 = arith.andi %get3A_820, %and3A_826 : vector<16xi32>
        %bitcast_convert_type3A_828 = tpu.bitcast %and3A_827 : vector<16xi32> -> vector<16xf32>
        %add3A_829 = arith.addf %add3A_815, %bitcast_convert_type3A_824 : vector<16xf32>
        %add3A_830 = arith.addf %add3A_816, %bitcast_convert_type3A_828 : vector<16xf32>
        %swap3A_831 = arith.index_cast %mul3A_670 : i32 to index
        %swap3A_832 = arith.constant 32 : index
        %swap3A_833 = tpu.vector_load %arg15[%swap3A_831, %swap3A_832] {strides = array<i32>} : memref<64x128xf32, #tpu.memory_space<vmem>>, vector<1x16xf32>,
        %swap3A_834 = vector.shape_cast %swap3A_833 : vector<1x16xf32> to vector<16xf32>
        %swap3A_835 = vector.shape_cast %add3A_829 : vector<16xf32> to vector<1x16xf32>
        tpu.vector_store %arg15[%swap3A_831, %swap3A_832], %swap3A_835 {add = true, strides = array<i32>} : memref<64x128xf32, #tpu.memory_space<vmem>>, vector<1x16xf32>,
        %swap3A_836 = arith.index_cast %mul3A_670 : i32 to index
        %swap3A_837 = arith.constant 48 : index
        %swap3A_838 = tpu.vector_load %arg15[%swap3A_836, %swap3A_837] {strides = array<i32>} : memref<64x128xf32, #tpu.memory_space<vmem>>, vector<1x16xf32>,
        %swap3A_839 = vector.shape_cast %swap3A_838 : vector<1x16xf32> to vector<16xf32>
        %swap3A_840 = vector.shape_cast %add3A_830 : vector<16xf32> to vector<1x16xf32>
        tpu.vector_store %arg15[%swap3A_836, %swap3A_837], %swap3A_840 {add = true, strides = array<i32>} : memref<64x128xf32, #tpu.memory_space<vmem>>, vector<1x16xf32>,
        %get3A_841 = arith.constant 0 : i32
        %get3A_842 = arith.index_cast %get3A_841 : i32 to index
        %get3A_843 = arith.index_cast %mul3A_670 : i32 to index
        %get3A_844 = arith.constant 32 : index
        %get3A_845 = tpu.vector_load %arg19[%get3A_842, %get3A_843, %get3A_844] {strides = array<i32>} : memref<4x64x64xi32, #tpu.memory_space<vmem>>, vector<1x1x16xi32>,
        %get3A_846 = vector.shape_cast %get3A_845 : vector<1x1x16xi32> to vector<16xi32>
        %shift_left3A_847 = arith.constant 16 : i32
        %shift_left3A_848 = vector.broadcast %shift_left3A_847 : i32 to vector<16xi32>
        %shift_left3A_849 = arith.shli %get3A_846, %shift_left3A_848 : vector<16xi32>
        %bitcast_convert_type3A_850 = tpu.bitcast %shift_left3A_849 : vector<16xi32> -> vector<16xf32>
        %and3A_851 = arith.constant -65536 : i32
        %and3A_852 = vector.broadcast %and3A_851 : i32 to vector<16xi32>
        %and3A_853 = arith.andi %get3A_846, %and3A_852 : vector<16xi32>
        %bitcast_convert_type3A_854 = tpu.bitcast %and3A_853 : vector<16xi32> -> vector<16xf32>
        %get3A_855 = arith.constant 1 : i32
        %get3A_856 = arith.index_cast %get3A_855 : i32 to index
        %get3A_857 = arith.index_cast %mul3A_670 : i32 to index
        %get3A_858 = arith.constant 32 : index
        %get3A_859 = tpu.vector_load %arg19[%get3A_856, %get3A_857, %get3A_858] {strides = array<i32>} : memref<4x64x64xi32, #tpu.memory_space<vmem>>, vector<1x1x16xi32>,
        %get3A_860 = vector.shape_cast %get3A_859 : vector<1x1x16xi32> to vector<16xi32>
        %shift_left3A_861 = arith.constant 16 : i32
        %shift_left3A_862 = vector.broadcast %shift_left3A_861 : i32 to vector<16xi32>
        %shift_left3A_863 = arith.shli %get3A_860, %shift_left3A_862 : vector<16xi32>
        %bitcast_convert_type3A_864 = tpu.bitcast %shift_left3A_863 : vector<16xi32> -> vector<16xf32>
        %and3A_865 = arith.constant -65536 : i32
        %and3A_866 = vector.broadcast %and3A_865 : i32 to vector<16xi32>
        %and3A_867 = arith.andi %get3A_860, %and3A_866 : vector<16xi32>
        %bitcast_convert_type3A_868 = tpu.bitcast %and3A_867 : vector<16xi32> -> vector<16xf32>
        %add3A_869 = arith.addf %bitcast_convert_type3A_850, %bitcast_convert_type3A_864 : vector<16xf32>
        %add3A_870 = arith.addf %bitcast_convert_type3A_854, %bitcast_convert_type3A_868 : vector<16xf32>
        %get3A_871 = arith.constant 2 : i32
        %get3A_872 = arith.index_cast %get3A_871 : i32 to index
        %get3A_873 = arith.index_cast %mul3A_670 : i32 to index
        %get3A_874 = arith.constant 32 : index
        %get3A_875 = tpu.vector_load %arg19[%get3A_872, %get3A_873, %get3A_874] {strides = array<i32>} : memref<4x64x64xi32, #tpu.memory_space<vmem>>, vector<1x1x16xi32>,
        %get3A_876 = vector.shape_cast %get3A_875 : vector<1x1x16xi32> to vector<16xi32>
        %shift_left3A_877 = arith.constant 16 : i32
        %shift_left3A_878 = vector.broadcast %shift_left3A_877 : i32 to vector<16xi32>
        %shift_left3A_879 = arith.shli %get3A_876, %shift_left3A_878 : vector<16xi32>
        %bitcast_convert_type3A_880 = tpu.bitcast %shift_left3A_879 : vector<16xi32> -> vector<16xf32>
        %and3A_881 = arith.constant -65536 : i32
        %and3A_882 = vector.broadcast %and3A_881 : i32 to vector<16xi32>
        %and3A_883 = arith.andi %get3A_876, %and3A_882 : vector<16xi32>
        %bitcast_convert_type3A_884 = tpu.bitcast %and3A_883 : vector<16xi32> -> vector<16xf32>
        %add3A_885 = arith.addf %add3A_869, %bitcast_convert_type3A_880 : vector<16xf32>
        %add3A_886 = arith.addf %add3A_870, %bitcast_convert_type3A_884 : vector<16xf32>
        %get3A_887 = arith.constant 3 : i32
        %get3A_888 = arith.index_cast %get3A_887 : i32 to index
        %get3A_889 = arith.index_cast %mul3A_670 : i32 to index
        %get3A_890 = arith.constant 32 : index
        %get3A_891 = tpu.vector_load %arg19[%get3A_888, %get3A_889, %get3A_890] {strides = array<i32>} : memref<4x64x64xi32, #tpu.memory_space<vmem>>, vector<1x1x16xi32>,
        %get3A_892 = vector.shape_cast %get3A_891 : vector<1x1x16xi32> to vector<16xi32>
        %shift_left3A_893 = arith.constant 16 : i32
        %shift_left3A_894 = vector.broadcast %shift_left3A_893 : i32 to vector<16xi32>
        %shift_left3A_895 = arith.shli %get3A_892, %shift_left3A_894 : vector<16xi32>
        %bitcast_convert_type3A_896 = tpu.bitcast %shift_left3A_895 : vector<16xi32> -> vector<16xf32>
        %and3A_897 = arith.constant -65536 : i32
        %and3A_898 = vector.broadcast %and3A_897 : i32 to vector<16xi32>
        %and3A_899 = arith.andi %get3A_892, %and3A_898 : vector<16xi32>
        %bitcast_convert_type3A_900 = tpu.bitcast %and3A_899 : vector<16xi32> -> vector<16xf32>
        %add3A_901 = arith.addf %add3A_885, %bitcast_convert_type3A_896 : vector<16xf32>
        %add3A_902 = arith.addf %add3A_886, %bitcast_convert_type3A_900 : vector<16xf32>
        %get3A_903 = arith.index_cast %select_n3A : i32 to index
        %get3A_904 = arith.constant 32 : index
        %get3A_905 = tpu.vector_load %arg7[%get3A_903, %get3A_904] {strides = array<i32>} : memref<200x64xi32, #tpu.memory_space<vmem>>, vector<1x16xi32>,
        %get3A_906 = vector.shape_cast %get3A_905 : vector<1x16xi32> to vector<16xi32>
        %shift_left3A_907 = arith.constant 16 : i32
        %shift_left3A_908 = vector.broadcast %shift_left3A_907 : i32 to vector<16xi32>
        %shift_left3A_909 = arith.shli %get3A_906, %shift_left3A_908 : vector<16xi32>
        %bitcast_convert_type3A_910 = tpu.bitcast %shift_left3A_909 : vector<16xi32> -> vector<16xf32>
        %and3A_911 = arith.constant -65536 : i32
        %and3A_912 = vector.broadcast %and3A_911 : i32 to vector<16xi32>
        %and3A_913 = arith.andi %get3A_906, %and3A_912 : vector<16xi32>
        %bitcast_convert_type3A_914 = tpu.bitcast %and3A_913 : vector<16xi32> -> vector<16xf32>
        %add3A_915 = arith.addf %add3A_901, %bitcast_convert_type3A_910 : vector<16xf32>
        %add3A_916 = arith.addf %add3A_902, %bitcast_convert_type3A_914 : vector<16xf32>
        %swap3A_917 = arith.index_cast %mul3A_670 : i32 to index
        %swap3A_918 = arith.constant 64 : index
        %swap3A_919 = tpu.vector_load %arg15[%swap3A_917, %swap3A_918] {strides = array<i32>} : memref<64x128xf32, #tpu.memory_space<vmem>>, vector<1x16xf32>,
        %swap3A_920 = vector.shape_cast %swap3A_919 : vector<1x16xf32> to vector<16xf32>
        %swap3A_921 = vector.shape_cast %add3A_915 : vector<16xf32> to vector<1x16xf32>
        tpu.vector_store %arg15[%swap3A_917, %swap3A_918], %swap3A_921 {add = true, strides = array<i32>} : memref<64x128xf32, #tpu.memory_space<vmem>>, vector<1x16xf32>,
        %swap3A_922 = arith.index_cast %mul3A_670 : i32 to index
        %swap3A_923 = arith.constant 80 : index
        %swap3A_924 = tpu.vector_load %arg15[%swap3A_922, %swap3A_923] {strides = array<i32>} : memref<64x128xf32, #tpu.memory_space<vmem>>, vector<1x16xf32>,
        %swap3A_925 = vector.shape_cast %swap3A_924 : vector<1x16xf32> to vector<16xf32>
        %swap3A_926 = vector.shape_cast %add3A_916 : vector<16xf32> to vector<1x16xf32>
        tpu.vector_store %arg15[%swap3A_922, %swap3A_923], %swap3A_926 {add = true, strides = array<i32>} : memref<64x128xf32, #tpu.memory_space<vmem>>, vector<1x16xf32>,
        %get3A_927 = arith.constant 0 : i32
        %get3A_928 = arith.index_cast %get3A_927 : i32 to index
        %get3A_929 = arith.index_cast %mul3A_670 : i32 to index
        %get3A_930 = arith.constant 48 : index
        %get3A_931 = tpu.vector_load %arg19[%get3A_928, %get3A_929, %get3A_930] {strides = array<i32>} : memref<4x64x64xi32, #tpu.memory_space<vmem>>, vector<1x1x16xi32>,
        %get3A_932 = vector.shape_cast %get3A_931 : vector<1x1x16xi32> to vector<16xi32>
        %shift_left3A_933 = arith.constant 16 : i32
        %shift_left3A_934 = vector.broadcast %shift_left3A_933 : i32 to vector<16xi32>
        %shift_left3A_935 = arith.shli %get3A_932, %shift_left3A_934 : vector<16xi32>
        %bitcast_convert_type3A_936 = tpu.bitcast %shift_left3A_935 : vector<16xi32> -> vector<16xf32>
        %and3A_937 = arith.constant -65536 : i32
        %and3A_938 = vector.broadcast %and3A_937 : i32 to vector<16xi32>
        %and3A_939 = arith.andi %get3A_932, %and3A_938 : vector<16xi32>
        %bitcast_convert_type3A_940 = tpu.bitcast %and3A_939 : vector<16xi32> -> vector<16xf32>
        %get3A_941 = arith.constant 1 : i32
        %get3A_942 = arith.index_cast %get3A_941 : i32 to index
        %get3A_943 = arith.index_cast %mul3A_670 : i32 to index
        %get3A_944 = arith.constant 48 : index
        %get3A_945 = tpu.vector_load %arg19[%get3A_942, %get3A_943, %get3A_944] {strides = array<i32>} : memref<4x64x64xi32, #tpu.memory_space<vmem>>, vector<1x1x16xi32>,
        %get3A_946 = vector.shape_cast %get3A_945 : vector<1x1x16xi32> to vector<16xi32>
        %shift_left3A_947 = arith.constant 16 : i32
        %shift_left3A_948 = vector.broadcast %shift_left3A_947 : i32 to vector<16xi32>
        %shift_left3A_949 = arith.shli %get3A_946, %shift_left3A_948 : vector<16xi32>
        %bitcast_convert_type3A_950 = tpu.bitcast %shift_left3A_949 : vector<16xi32> -> vector<16xf32>
        %and3A_951 = arith.constant -65536 : i32
        %and3A_952 = vector.broadcast %and3A_951 : i32 to vector<16xi32>
        %and3A_953 = arith.andi %get3A_946, %and3A_952 : vector<16xi32>
        %bitcast_convert_type3A_954 = tpu.bitcast %and3A_953 : vector<16xi32> -> vector<16xf32>
        %add3A_955 = arith.addf %bitcast_convert_type3A_936, %bitcast_convert_type3A_950 : vector<16xf32>
        %add3A_956 = arith.addf %bitcast_convert_type3A_940, %bitcast_convert_type3A_954 : vector<16xf32>
        %get3A_957 = arith.constant 2 : i32
        %get3A_958 = arith.index_cast %get3A_957 : i32 to index
        %get3A_959 = arith.index_cast %mul3A_670 : i32 to index
        %get3A_960 = arith.constant 48 : index
        %get3A_961 = tpu.vector_load %arg19[%get3A_958, %get3A_959, %get3A_960] {strides = array<i32>} : memref<4x64x64xi32, #tpu.memory_space<vmem>>, vector<1x1x16xi32>,
        %get3A_962 = vector.shape_cast %get3A_961 : vector<1x1x16xi32> to vector<16xi32>
        %shift_left3A_963 = arith.constant 16 : i32
        %shift_left3A_964 = vector.broadcast %shift_left3A_963 : i32 to vector<16xi32>
        %shift_left3A_965 = arith.shli %get3A_962, %shift_left3A_964 : vector<16xi32>
        %bitcast_convert_type3A_966 = tpu.bitcast %shift_left3A_965 : vector<16xi32> -> vector<16xf32>
        %and3A_967 = arith.constant -65536 : i32
        %and3A_968 = vector.broadcast %and3A_967 : i32 to vector<16xi32>
        %and3A_969 = arith.andi %get3A_962, %and3A_968 : vector<16xi32>
        %bitcast_convert_type3A_970 = tpu.bitcast %and3A_969 : vector<16xi32> -> vector<16xf32>
        %add3A_971 = arith.addf %add3A_955, %bitcast_convert_type3A_966 : vector<16xf32>
        %add3A_972 = arith.addf %add3A_956, %bitcast_convert_type3A_970 : vector<16xf32>
        %get3A_973 = arith.constant 3 : i32
        %get3A_974 = arith.index_cast %get3A_973 : i32 to index
        %get3A_975 = arith.index_cast %mul3A_670 : i32 to index
        %get3A_976 = arith.constant 48 : index
        %get3A_977 = tpu.vector_load %arg19[%get3A_974, %get3A_975, %get3A_976] {strides = array<i32>} : memref<4x64x64xi32, #tpu.memory_space<vmem>>, vector<1x1x16xi32>,
        %get3A_978 = vector.shape_cast %get3A_977 : vector<1x1x16xi32> to vector<16xi32>
        %shift_left3A_979 = arith.constant 16 : i32
        %shift_left3A_980 = vector.broadcast %shift_left3A_979 : i32 to vector<16xi32>
        %shift_left3A_981 = arith.shli %get3A_978, %shift_left3A_980 : vector<16xi32>
        %bitcast_convert_type3A_982 = tpu.bitcast %shift_left3A_981 : vector<16xi32> -> vector<16xf32>
        %and3A_983 = arith.constant -65536 : i32
        %and3A_984 = vector.broadcast %and3A_983 : i32 to vector<16xi32>
        %and3A_985 = arith.andi %get3A_978, %and3A_984 : vector<16xi32>
        %bitcast_convert_type3A_986 = tpu.bitcast %and3A_985 : vector<16xi32> -> vector<16xf32>
        %add3A_987 = arith.addf %add3A_971, %bitcast_convert_type3A_982 : vector<16xf32>
        %add3A_988 = arith.addf %add3A_972, %bitcast_convert_type3A_986 : vector<16xf32>
        %get3A_989 = arith.index_cast %select_n3A : i32 to index
        %get3A_990 = arith.constant 48 : index
        %get3A_991 = tpu.vector_load %arg7[%get3A_989, %get3A_990] {strides = array<i32>} : memref<200x64xi32, #tpu.memory_space<vmem>>, vector<1x16xi32>,
        %get3A_992 = vector.shape_cast %get3A_991 : vector<1x16xi32> to vector<16xi32>
        %shift_left3A_993 = arith.constant 16 : i32
        %shift_left3A_994 = vector.broadcast %shift_left3A_993 : i32 to vector<16xi32>
        %shift_left3A_995 = arith.shli %get3A_992, %shift_left3A_994 : vector<16xi32>
        %bitcast_convert_type3A_996 = tpu.bitcast %shift_left3A_995 : vector<16xi32> -> vector<16xf32>
        %and3A_997 = arith.constant -65536 : i32
        %and3A_998 = vector.broadcast %and3A_997 : i32 to vector<16xi32>
        %and3A_999 = arith.andi %get3A_992, %and3A_998 : vector<16xi32>
        %bitcast_convert_type3A_1000 = tpu.bitcast %and3A_999 : vector<16xi32> -> vector<16xf32>
        %add3A_1001 = arith.addf %add3A_987, %bitcast_convert_type3A_996 : vector<16xf32>
        %add3A_1002 = arith.addf %add3A_988, %bitcast_convert_type3A_1000 : vector<16xf32>
        %swap3A_1003 = arith.index_cast %mul3A_670 : i32 to index
        %swap3A_1004 = arith.constant 96 : index
        %swap3A_1005 = tpu.vector_load %arg15[%swap3A_1003, %swap3A_1004] {strides = array<i32>} : memref<64x128xf32, #tpu.memory_space<vmem>>, vector<1x16xf32>,
        %swap3A_1006 = vector.shape_cast %swap3A_1005 : vector<1x16xf32> to vector<16xf32>
        %swap3A_1007 = vector.shape_cast %add3A_1001 : vector<16xf32> to vector<1x16xf32>
        tpu.vector_store %arg15[%swap3A_1003, %swap3A_1004], %swap3A_1007 {add = true, strides = array<i32>} : memref<64x128xf32, #tpu.memory_space<vmem>>, vector<1x16xf32>,
        %swap3A_1008 = arith.index_cast %mul3A_670 : i32 to index
        %swap3A_1009 = arith.constant 112 : index
        %swap3A_1010 = tpu.vector_load %arg15[%swap3A_1008, %swap3A_1009] {strides = array<i32>} : memref<64x128xf32, #tpu.memory_space<vmem>>, vector<1x16xf32>,
        %swap3A_1011 = vector.shape_cast %swap3A_1010 : vector<1x16xf32> to vector<16xf32>
        %swap3A_1012 = vector.shape_cast %add3A_1002 : vector<16xf32> to vector<1x16xf32>
        tpu.vector_store %arg15[%swap3A_1008, %swap3A_1009], %swap3A_1012 {add = true, strides = array<i32>} : memref<64x128xf32, #tpu.memory_space<vmem>>, vector<1x16xf32>,
        %mul3A_1013 = arith.constant 2 : i32
        %mul3A_1014 = arith.muli %mul3A_1013, %scan3A_667 : i32
        %add3A_1015 = arith.constant 1 : i32
        %add3A_1016 = arith.addi %mul3A_1014, %add3A_1015 : i32
        %add3A_1017 = arith.addi %rem3A_649, %add3A_1016 : i32
        %ge3A_1018 = arith.constant 200 : i32
        %ge3A_1019 = arith.cmpi sge, %add3A_1017, %ge3A_1018 : i32
        %sub3A_1020 = arith.constant 200 : i32
        %sub3A_1021 = arith.subi %add3A_1017, %sub3A_1020 : i32
        %select_n3A_1022 = arith.select %ge3A_1019, %sub3A_1021, %add3A_1017 : i32
        %get3A_1023 = arith.constant 0 : i32
        %get3A_1024 = arith.index_cast %get3A_1023 : i32 to index
        %get3A_1025 = arith.index_cast %add3A_1016 : i32 to index
        %get3A_1026 = arith.constant 0 : index
        %get3A_1027 = tpu.vector_load %arg19[%get3A_1024, %get3A_1025, %get3A_1026] {strides = array<i32>} : memref<4x64x64xi32, #tpu.memory_space<vmem>>, vector<1x1x16xi32>,
        %get3A_1028 = vector.shape_cast %get3A_1027 : vector<1x1x16xi32> to vector<16xi32>
        %shift_left3A_1029 = arith.constant 16 : i32
        %shift_left3A_1030 = vector.broadcast %shift_left3A_1029 : i32 to vector<16xi32>
        %shift_left3A_1031 = arith.shli %get3A_1028, %shift_left3A_1030 : vector<16xi32>
        %bitcast_convert_type3A_1032 = tpu.bitcast %shift_left3A_1031 : vector<16xi32> -> vector<16xf32>
        %and3A_1033 = arith.constant -65536 : i32
        %and3A_1034 = vector.broadcast %and3A_1033 : i32 to vector<16xi32>
        %and3A_1035 = arith.andi %get3A_1028, %and3A_1034 : vector<16xi32>
        %bitcast_convert_type3A_1036 = tpu.bitcast %and3A_1035 : vector<16xi32> -> vector<16xf32>
        %get3A_1037 = arith.constant 1 : i32
        %get3A_1038 = arith.index_cast %get3A_1037 : i32 to index
        %get3A_1039 = arith.index_cast %add3A_1016 : i32 to index
        %get3A_1040 = arith.constant 0 : index
        %get3A_1041 = tpu.vector_load %arg19[%get3A_1038, %get3A_1039, %get3A_1040] {strides = array<i32>} : memref<4x64x64xi32, #tpu.memory_space<vmem>>, vector<1x1x16xi32>,
        %get3A_1042 = vector.shape_cast %get3A_1041 : vector<1x1x16xi32> to vector<16xi32>
        %shift_left3A_1043 = arith.constant 16 : i32
        %shift_left3A_1044 = vector.broadcast %shift_left3A_1043 : i32 to vector<16xi32>
        %shift_left3A_1045 = arith.shli %get3A_1042, %shift_left3A_1044 : vector<16xi32>
        %bitcast_convert_type3A_1046 = tpu.bitcast %shift_left3A_1045 : vector<16xi32> -> vector<16xf32>
        %and3A_1047 = arith.constant -65536 : i32
        %and3A_1048 = vector.broadcast %and3A_1047 : i32 to vector<16xi32>
        %and3A_1049 = arith.andi %get3A_1042, %and3A_1048 : vector<16xi32>
        %bitcast_convert_type3A_1050 = tpu.bitcast %and3A_1049 : vector<16xi32> -> vector<16xf32>
        %add3A_1051 = arith.addf %bitcast_convert_type3A_1032, %bitcast_convert_type3A_1046 : vector<16xf32>
        %add3A_1052 = arith.addf %bitcast_convert_type3A_1036, %bitcast_convert_type3A_1050 : vector<16xf32>
        %get3A_1053 = arith.constant 2 : i32
        %get3A_1054 = arith.index_cast %get3A_1053 : i32 to index
        %get3A_1055 = arith.index_cast %add3A_1016 : i32 to index
        %get3A_1056 = arith.constant 0 : index
        %get3A_1057 = tpu.vector_load %arg19[%get3A_1054, %get3A_1055, %get3A_1056] {strides = array<i32>} : memref<4x64x64xi32, #tpu.memory_space<vmem>>, vector<1x1x16xi32>,
        %get3A_1058 = vector.shape_cast %get3A_1057 : vector<1x1x16xi32> to vector<16xi32>
        %shift_left3A_1059 = arith.constant 16 : i32
        %shift_left3A_1060 = vector.broadcast %shift_left3A_1059 : i32 to vector<16xi32>
        %shift_left3A_1061 = arith.shli %get3A_1058, %shift_left3A_1060 : vector<16xi32>
        %bitcast_convert_type3A_1062 = tpu.bitcast %shift_left3A_1061 : vector<16xi32> -> vector<16xf32>
        %and3A_1063 = arith.constant -65536 : i32
        %and3A_1064 = vector.broadcast %and3A_1063 : i32 to vector<16xi32>
        %and3A_1065 = arith.andi %get3A_1058, %and3A_1064 : vector<16xi32>
        %bitcast_convert_type3A_1066 = tpu.bitcast %and3A_1065 : vector<16xi32> -> vector<16xf32>
        %add3A_1067 = arith.addf %add3A_1051, %bitcast_convert_type3A_1062 : vector<16xf32>
        %add3A_1068 = arith.addf %add3A_1052, %bitcast_convert_type3A_1066 : vector<16xf32>
        %get3A_1069 = arith.constant 3 : i32
        %get3A_1070 = arith.index_cast %get3A_1069 : i32 to index
        %get3A_1071 = arith.index_cast %add3A_1016 : i32 to index
        %get3A_1072 = arith.constant 0 : index
        %get3A_1073 = tpu.vector_load %arg19[%get3A_1070, %get3A_1071, %get3A_1072] {strides = array<i32>} : memref<4x64x64xi32, #tpu.memory_space<vmem>>, vector<1x1x16xi32>,
        %get3A_1074 = vector.shape_cast %get3A_1073 : vector<1x1x16xi32> to vector<16xi32>
        %shift_left3A_1075 = arith.constant 16 : i32
        %shift_left3A_1076 = vector.broadcast %shift_left3A_1075 : i32 to vector<16xi32>
        %shift_left3A_1077 = arith.shli %get3A_1074, %shift_left3A_1076 : vector<16xi32>
        %bitcast_convert_type3A_1078 = tpu.bitcast %shift_left3A_1077 : vector<16xi32> -> vector<16xf32>
        %and3A_1079 = arith.constant -65536 : i32
        %and3A_1080 = vector.broadcast %and3A_1079 : i32 to vector<16xi32>
        %and3A_1081 = arith.andi %get3A_1074, %and3A_1080 : vector<16xi32>
        %bitcast_convert_type3A_1082 = tpu.bitcast %and3A_1081 : vector<16xi32> -> vector<16xf32>
        %add3A_1083 = arith.addf %add3A_1067, %bitcast_convert_type3A_1078 : vector<16xf32>
        %add3A_1084 = arith.addf %add3A_1068, %bitcast_convert_type3A_1082 : vector<16xf32>
        %get3A_1085 = arith.index_cast %select_n3A_1022 : i32 to index
        %get3A_1086 = arith.constant 0 : index
        %get3A_1087 = tpu.vector_load %arg7[%get3A_1085, %get3A_1086] {strides = array<i32>} : memref<200x64xi32, #tpu.memory_space<vmem>>, vector<1x16xi32>,
        %get3A_1088 = vector.shape_cast %get3A_1087 : vector<1x16xi32> to vector<16xi32>
        %shift_left3A_1089 = arith.constant 16 : i32
        %shift_left3A_1090 = vector.broadcast %shift_left3A_1089 : i32 to vector<16xi32>
        %shift_left3A_1091 = arith.shli %get3A_1088, %shift_left3A_1090 : vector<16xi32>
        %bitcast_convert_type3A_1092 = tpu.bitcast %shift_left3A_1091 : vector<16xi32> -> vector<16xf32>
        %and3A_1093 = arith.constant -65536 : i32
        %and3A_1094 = vector.broadcast %and3A_1093 : i32 to vector<16xi32>
        %and3A_1095 = arith.andi %get3A_1088, %and3A_1094 : vector<16xi32>
        %bitcast_convert_type3A_1096 = tpu.bitcast %and3A_1095 : vector<16xi32> -> vector<16xf32>
        %add3A_1097 = arith.addf %add3A_1083, %bitcast_convert_type3A_1092 : vector<16xf32>
        %add3A_1098 = arith.addf %add3A_1084, %bitcast_convert_type3A_1096 : vector<16xf32>
        %swap3A_1099 = arith.index_cast %add3A_1016 : i32 to index
        %swap3A_1100 = arith.constant 0 : index
        %swap3A_1101 = tpu.vector_load %arg15[%swap3A_1099, %swap3A_1100] {strides = array<i32>} : memref<64x128xf32, #tpu.memory_space<vmem>>, vector<1x16xf32>,
        %swap3A_1102 = vector.shape_cast %swap3A_1101 : vector<1x16xf32> to vector<16xf32>
        %swap3A_1103 = vector.shape_cast %add3A_1097 : vector<16xf32> to vector<1x16xf32>
        tpu.vector_store %arg15[%swap3A_1099, %swap3A_1100], %swap3A_1103 {add = true, strides = array<i32>} : memref<64x128xf32, #tpu.memory_space<vmem>>, vector<1x16xf32>,
        %swap3A_1104 = arith.index_cast %add3A_1016 : i32 to index
        %swap3A_1105 = arith.constant 16 : index
        %swap3A_1106 = tpu.vector_load %arg15[%swap3A_1104, %swap3A_1105] {strides = array<i32>} : memref<64x128xf32, #tpu.memory_space<vmem>>, vector<1x16xf32>,
        %swap3A_1107 = vector.shape_cast %swap3A_1106 : vector<1x16xf32> to vector<16xf32>
        %swap3A_1108 = vector.shape_cast %add3A_1098 : vector<16xf32> to vector<1x16xf32>
        tpu.vector_store %arg15[%swap3A_1104, %swap3A_1105], %swap3A_1108 {add = true, strides = array<i32>} : memref<64x128xf32, #tpu.memory_space<vmem>>, vector<1x16xf32>,
        %get3A_1109 = arith.constant 0 : i32
        %get3A_1110 = arith.index_cast %get3A_1109 : i32 to index
        %get3A_1111 = arith.index_cast %add3A_1016 : i32 to index
        %get3A_1112 = arith.constant 16 : index
        %get3A_1113 = tpu.vector_load %arg19[%get3A_1110, %get3A_1111, %get3A_1112] {strides = array<i32>} : memref<4x64x64xi32, #tpu.memory_space<vmem>>, vector<1x1x16xi32>,
        %get3A_1114 = vector.shape_cast %get3A_1113 : vector<1x1x16xi32> to vector<16xi32>
        %shift_left3A_1115 = arith.constant 16 : i32
        %shift_left3A_1116 = vector.broadcast %shift_left3A_1115 : i32 to vector<16xi32>
        %shift_left3A_1117 = arith.shli %get3A_1114, %shift_left3A_1116 : vector<16xi32>
        %bitcast_convert_type3A_1118 = tpu.bitcast %shift_left3A_1117 : vector<16xi32> -> vector<16xf32>
        %and3A_1119 = arith.constant -65536 : i32
        %and3A_1120 = vector.broadcast %and3A_1119 : i32 to vector<16xi32>
        %and3A_1121 = arith.andi %get3A_1114, %and3A_1120 : vector<16xi32>
        %bitcast_convert_type3A_1122 = tpu.bitcast %and3A_1121 : vector<16xi32> -> vector<16xf32>
        %get3A_1123 = arith.constant 1 : i32
        %get3A_1124 = arith.index_cast %get3A_1123 : i32 to index
        %get3A_1125 = arith.index_cast %add3A_1016 : i32 to index
        %get3A_1126 = arith.constant 16 : index
        %get3A_1127 = tpu.vector_load %arg19[%get3A_1124, %get3A_1125, %get3A_1126] {strides = array<i32>} : memref<4x64x64xi32, #tpu.memory_space<vmem>>, vector<1x1x16xi32>,
        %get3A_1128 = vector.shape_cast %get3A_1127 : vector<1x1x16xi32> to vector<16xi32>
        %shift_left3A_1129 = arith.constant 16 : i32
        %shift_left3A_1130 = vector.broadcast %shift_left3A_1129 : i32 to vector<16xi32>
        %shift_left3A_1131 = arith.shli %get3A_1128, %shift_left3A_1130 : vector<16xi32>
        %bitcast_convert_type3A_1132 = tpu.bitcast %shift_left3A_1131 : vector<16xi32> -> vector<16xf32>
        %and3A_1133 = arith.constant -65536 : i32
        %and3A_1134 = vector.broadcast %and3A_1133 : i32 to vector<16xi32>
        %and3A_1135 = arith.andi %get3A_1128, %and3A_1134 : vector<16xi32>
        %bitcast_convert_type3A_1136 = tpu.bitcast %and3A_1135 : vector<16xi32> -> vector<16xf32>
        %add3A_1137 = arith.addf %bitcast_convert_type3A_1118, %bitcast_convert_type3A_1132 : vector<16xf32>
        %add3A_1138 = arith.addf %bitcast_convert_type3A_1122, %bitcast_convert_type3A_1136 : vector<16xf32>
        %get3A_1139 = arith.constant 2 : i32
        %get3A_1140 = arith.index_cast %get3A_1139 : i32 to index
        %get3A_1141 = arith.index_cast %add3A_1016 : i32 to index
        %get3A_1142 = arith.constant 16 : index
        %get3A_1143 = tpu.vector_load %arg19[%get3A_1140, %get3A_1141, %get3A_1142] {strides = array<i32>} : memref<4x64x64xi32, #tpu.memory_space<vmem>>, vector<1x1x16xi32>,
        %get3A_1144 = vector.shape_cast %get3A_1143 : vector<1x1x16xi32> to vector<16xi32>
        %shift_left3A_1145 = arith.constant 16 : i32
        %shift_left3A_1146 = vector.broadcast %shift_left3A_1145 : i32 to vector<16xi32>
        %shift_left3A_1147 = arith.shli %get3A_1144, %shift_left3A_1146 : vector<16xi32>
        %bitcast_convert_type3A_1148 = tpu.bitcast %shift_left3A_1147 : vector<16xi32> -> vector<16xf32>
        %and3A_1149 = arith.constant -65536 : i32
        %and3A_1150 = vector.broadcast %and3A_1149 : i32 to vector<16xi32>
        %and3A_1151 = arith.andi %get3A_1144, %and3A_1150 : vector<16xi32>
        %bitcast_convert_type3A_1152 = tpu.bitcast %and3A_1151 : vector<16xi32> -> vector<16xf32>
        %add3A_1153 = arith.addf %add3A_1137, %bitcast_convert_type3A_1148 : vector<16xf32>
        %add3A_1154 = arith.addf %add3A_1138, %bitcast_convert_type3A_1152 : vector<16xf32>
        %get3A_1155 = arith.constant 3 : i32
        %get3A_1156 = arith.index_cast %get3A_1155 : i32 to index
        %get3A_1157 = arith.index_cast %add3A_1016 : i32 to index
        %get3A_1158 = arith.constant 16 : index
        %get3A_1159 = tpu.vector_load %arg19[%get3A_1156, %get3A_1157, %get3A_1158] {strides = array<i32>} : memref<4x64x64xi32, #tpu.memory_space<vmem>>, vector<1x1x16xi32>,
        %get3A_1160 = vector.shape_cast %get3A_1159 : vector<1x1x16xi32> to vector<16xi32>
        %shift_left3A_1161 = arith.constant 16 : i32
        %shift_left3A_1162 = vector.broadcast %shift_left3A_1161 : i32 to vector<16xi32>
        %shift_left3A_1163 = arith.shli %get3A_1160, %shift_left3A_1162 : vector<16xi32>
        %bitcast_convert_type3A_1164 = tpu.bitcast %shift_left3A_1163 : vector<16xi32> -> vector<16xf32>
        %and3A_1165 = arith.constant -65536 : i32
        %and3A_1166 = vector.broadcast %and3A_1165 : i32 to vector<16xi32>
        %and3A_1167 = arith.andi %get3A_1160, %and3A_1166 : vector<16xi32>
        %bitcast_convert_type3A_1168 = tpu.bitcast %and3A_1167 : vector<16xi32> -> vector<16xf32>
        %add3A_1169 = arith.addf %add3A_1153, %bitcast_convert_type3A_1164 : vector<16xf32>
        %add3A_1170 = arith.addf %add3A_1154, %bitcast_convert_type3A_1168 : vector<16xf32>
        %get3A_1171 = arith.index_cast %select_n3A_1022 : i32 to index
        %get3A_1172 = arith.constant 16 : index
        %get3A_1173 = tpu.vector_load %arg7[%get3A_1171, %get3A_1172] {strides = array<i32>} : memref<200x64xi32, #tpu.memory_space<vmem>>, vector<1x16xi32>,
        %get3A_1174 = vector.shape_cast %get3A_1173 : vector<1x16xi32> to vector<16xi32>
        %shift_left3A_1175 = arith.constant 16 : i32
        %shift_left3A_1176 = vector.broadcast %shift_left3A_1175 : i32 to vector<16xi32>
        %shift_left3A_1177 = arith.shli %get3A_1174, %shift_left3A_1176 : vector<16xi32>
        %bitcast_convert_type3A_1178 = tpu.bitcast %shift_left3A_1177 : vector<16xi32> -> vector<16xf32>
        %and3A_1179 = arith.constant -65536 : i32
        %and3A_1180 = vector.broadcast %and3A_1179 : i32 to vector<16xi32>
        %and3A_1181 = arith.andi %get3A_1174, %and3A_1180 : vector<16xi32>
        %bitcast_convert_type3A_1182 = tpu.bitcast %and3A_1181 : vector<16xi32> -> vector<16xf32>
        %add3A_1183 = arith.addf %add3A_1169, %bitcast_convert_type3A_1178 : vector<16xf32>
        %add3A_1184 = arith.addf %add3A_1170, %bitcast_convert_type3A_1182 : vector<16xf32>
        %swap3A_1185 = arith.index_cast %add3A_1016 : i32 to index
        %swap3A_1186 = arith.constant 32 : index
        %swap3A_1187 = tpu.vector_load %arg15[%swap3A_1185, %swap3A_1186] {strides = array<i32>} : memref<64x128xf32, #tpu.memory_space<vmem>>, vector<1x16xf32>,
        %swap3A_1188 = vector.shape_cast %swap3A_1187 : vector<1x16xf32> to vector<16xf32>
        %swap3A_1189 = vector.shape_cast %add3A_1183 : vector<16xf32> to vector<1x16xf32>
        tpu.vector_store %arg15[%swap3A_1185, %swap3A_1186], %swap3A_1189 {add = true, strides = array<i32>} : memref<64x128xf32, #tpu.memory_space<vmem>>, vector<1x16xf32>,
        %swap3A_1190 = arith.index_cast %add3A_1016 : i32 to index
        %swap3A_1191 = arith.constant 48 : index
        %swap3A_1192 = tpu.vector_load %arg15[%swap3A_1190, %swap3A_1191] {strides = array<i32>} : memref<64x128xf32, #tpu.memory_space<vmem>>, vector<1x16xf32>,
        %swap3A_1193 = vector.shape_cast %swap3A_1192 : vector<1x16xf32> to vector<16xf32>
        %swap3A_1194 = vector.shape_cast %add3A_1184 : vector<16xf32> to vector<1x16xf32>
        tpu.vector_store %arg15[%swap3A_1190, %swap3A_1191], %swap3A_1194 {add = true, strides = array<i32>} : memref<64x128xf32, #tpu.memory_space<vmem>>, vector<1x16xf32>,
        %get3A_1195 = arith.constant 0 : i32
        %get3A_1196 = arith.index_cast %get3A_1195 : i32 to index
        %get3A_1197 = arith.index_cast %add3A_1016 : i32 to index
        %get3A_1198 = arith.constant 32 : index
        %get3A_1199 = tpu.vector_load %arg19[%get3A_1196, %get3A_1197, %get3A_1198] {strides = array<i32>} : memref<4x64x64xi32, #tpu.memory_space<vmem>>, vector<1x1x16xi32>,
        %get3A_1200 = vector.shape_cast %get3A_1199 : vector<1x1x16xi32> to vector<16xi32>
        %shift_left3A_1201 = arith.constant 16 : i32
        %shift_left3A_1202 = vector.broadcast %shift_left3A_1201 : i32 to vector<16xi32>
        %shift_left3A_1203 = arith.shli %get3A_1200, %shift_left3A_1202 : vector<16xi32>
        %bitcast_convert_type3A_1204 = tpu.bitcast %shift_left3A_1203 : vector<16xi32> -> vector<16xf32>
        %and3A_1205 = arith.constant -65536 : i32
        %and3A_1206 = vector.broadcast %and3A_1205 : i32 to vector<16xi32>
        %and3A_1207 = arith.andi %get3A_1200, %and3A_1206 : vector<16xi32>
        %bitcast_convert_type3A_1208 = tpu.bitcast %and3A_1207 : vector<16xi32> -> vector<16xf32>
        %get3A_1209 = arith.constant 1 : i32
        %get3A_1210 = arith.index_cast %get3A_1209 : i32 to index
        %get3A_1211 = arith.index_cast %add3A_1016 : i32 to index
        %get3A_1212 = arith.constant 32 : index
        %get3A_1213 = tpu.vector_load %arg19[%get3A_1210, %get3A_1211, %get3A_1212] {strides = array<i32>} : memref<4x64x64xi32, #tpu.memory_space<vmem>>, vector<1x1x16xi32>,
        %get3A_1214 = vector.shape_cast %get3A_1213 : vector<1x1x16xi32> to vector<16xi32>
        %shift_left3A_1215 = arith.constant 16 : i32
        %shift_left3A_1216 = vector.broadcast %shift_left3A_1215 : i32 to vector<16xi32>
        %shift_left3A_1217 = arith.shli %get3A_1214, %shift_left3A_1216 : vector<16xi32>
        %bitcast_convert_type3A_1218 = tpu.bitcast %shift_left3A_1217 : vector<16xi32> -> vector<16xf32>
        %and3A_1219 = arith.constant -65536 : i32
        %and3A_1220 = vector.broadcast %and3A_1219 : i32 to vector<16xi32>
        %and3A_1221 = arith.andi %get3A_1214, %and3A_1220 : vector<16xi32>
        %bitcast_convert_type3A_1222 = tpu.bitcast %and3A_1221 : vector<16xi32> -> vector<16xf32>
        %add3A_1223 = arith.addf %bitcast_convert_type3A_1204, %bitcast_convert_type3A_1218 : vector<16xf32>
        %add3A_1224 = arith.addf %bitcast_convert_type3A_1208, %bitcast_convert_type3A_1222 : vector<16xf32>
        %get3A_1225 = arith.constant 2 : i32
        %get3A_1226 = arith.index_cast %get3A_1225 : i32 to index
        %get3A_1227 = arith.index_cast %add3A_1016 : i32 to index
        %get3A_1228 = arith.constant 32 : index
        %get3A_1229 = tpu.vector_load %arg19[%get3A_1226, %get3A_1227, %get3A_1228] {strides = array<i32>} : memref<4x64x64xi32, #tpu.memory_space<vmem>>, vector<1x1x16xi32>,
        %get3A_1230 = vector.shape_cast %get3A_1229 : vector<1x1x16xi32> to vector<16xi32>
        %shift_left3A_1231 = arith.constant 16 : i32
        %shift_left3A_1232 = vector.broadcast %shift_left3A_1231 : i32 to vector<16xi32>
        %shift_left3A_1233 = arith.shli %get3A_1230, %shift_left3A_1232 : vector<16xi32>
        %bitcast_convert_type3A_1234 = tpu.bitcast %shift_left3A_1233 : vector<16xi32> -> vector<16xf32>
        %and3A_1235 = arith.constant -65536 : i32
        %and3A_1236 = vector.broadcast %and3A_1235 : i32 to vector<16xi32>
        %and3A_1237 = arith.andi %get3A_1230, %and3A_1236 : vector<16xi32>
        %bitcast_convert_type3A_1238 = tpu.bitcast %and3A_1237 : vector<16xi32> -> vector<16xf32>
        %add3A_1239 = arith.addf %add3A_1223, %bitcast_convert_type3A_1234 : vector<16xf32>
        %add3A_1240 = arith.addf %add3A_1224, %bitcast_convert_type3A_1238 : vector<16xf32>
        %get3A_1241 = arith.constant 3 : i32
        %get3A_1242 = arith.index_cast %get3A_1241 : i32 to index
        %get3A_1243 = arith.index_cast %add3A_1016 : i32 to index
        %get3A_1244 = arith.constant 32 : index
        %get3A_1245 = tpu.vector_load %arg19[%get3A_1242, %get3A_1243, %get3A_1244] {strides = array<i32>} : memref<4x64x64xi32, #tpu.memory_space<vmem>>, vector<1x1x16xi32>,
        %get3A_1246 = vector.shape_cast %get3A_1245 : vector<1x1x16xi32> to vector<16xi32>
        %shift_left3A_1247 = arith.constant 16 : i32
        %shift_left3A_1248 = vector.broadcast %shift_left3A_1247 : i32 to vector<16xi32>
        %shift_left3A_1249 = arith.shli %get3A_1246, %shift_left3A_1248 : vector<16xi32>
        %bitcast_convert_type3A_1250 = tpu.bitcast %shift_left3A_1249 : vector<16xi32> -> vector<16xf32>
        %and3A_1251 = arith.constant -65536 : i32
        %and3A_1252 = vector.broadcast %and3A_1251 : i32 to vector<16xi32>
        %and3A_1253 = arith.andi %get3A_1246, %and3A_1252 : vector<16xi32>
        %bitcast_convert_type3A_1254 = tpu.bitcast %and3A_1253 : vector<16xi32> -> vector<16xf32>
        %add3A_1255 = arith.addf %add3A_1239, %bitcast_convert_type3A_1250 : vector<16xf32>
        %add3A_1256 = arith.addf %add3A_1240, %bitcast_convert_type3A_1254 : vector<16xf32>
        %get3A_1257 = arith.index_cast %select_n3A_1022 : i32 to index
        %get3A_1258 = arith.constant 32 : index
        %get3A_1259 = tpu.vector_load %arg7[%get3A_1257, %get3A_1258] {strides = array<i32>} : memref<200x64xi32, #tpu.memory_space<vmem>>, vector<1x16xi32>,
        %get3A_1260 = vector.shape_cast %get3A_1259 : vector<1x16xi32> to vector<16xi32>
        %shift_left3A_1261 = arith.constant 16 : i32
        %shift_left3A_1262 = vector.broadcast %shift_left3A_1261 : i32 to vector<16xi32>
        %shift_left3A_1263 = arith.shli %get3A_1260, %shift_left3A_1262 : vector<16xi32>
        %bitcast_convert_type3A_1264 = tpu.bitcast %shift_left3A_1263 : vector<16xi32> -> vector<16xf32>
        %and3A_1265 = arith.constant -65536 : i32
        %and3A_1266 = vector.broadcast %and3A_1265 : i32 to vector<16xi32>
        %and3A_1267 = arith.andi %get3A_1260, %and3A_1266 : vector<16xi32>
        %bitcast_convert_type3A_1268 = tpu.bitcast %and3A_1267 : vector<16xi32> -> vector<16xf32>
        %add3A_1269 = arith.addf %add3A_1255, %bitcast_convert_type3A_1264 : vector<16xf32>
        %add3A_1270 = arith.addf %add3A_1256, %bitcast_convert_type3A_1268 : vector<16xf32>
        %swap3A_1271 = arith.index_cast %add3A_1016 : i32 to index
        %swap3A_1272 = arith.constant 64 : index
        %swap3A_1273 = tpu.vector_load %arg15[%swap3A_1271, %swap3A_1272] {strides = array<i32>} : memref<64x128xf32, #tpu.memory_space<vmem>>, vector<1x16xf32>,
        %swap3A_1274 = vector.shape_cast %swap3A_1273 : vector<1x16xf32> to vector<16xf32>
        %swap3A_1275 = vector.shape_cast %add3A_1269 : vector<16xf32> to vector<1x16xf32>
        tpu.vector_store %arg15[%swap3A_1271, %swap3A_1272], %swap3A_1275 {add = true, strides = array<i32>} : memref<64x128xf32, #tpu.memory_space<vmem>>, vector<1x16xf32>,
        %swap3A_1276 = arith.index_cast %add3A_1016 : i32 to index
        %swap3A_1277 = arith.constant 80 : index
        %swap3A_1278 = tpu.vector_load %arg15[%swap3A_1276, %swap3A_1277] {strides = array<i32>} : memref<64x128xf32, #tpu.memory_space<vmem>>, vector<1x16xf32>,
        %swap3A_1279 = vector.shape_cast %swap3A_1278 : vector<1x16xf32> to vector<16xf32>
        %swap3A_1280 = vector.shape_cast %add3A_1270 : vector<16xf32> to vector<1x16xf32>
        tpu.vector_store %arg15[%swap3A_1276, %swap3A_1277], %swap3A_1280 {add = true, strides = array<i32>} : memref<64x128xf32, #tpu.memory_space<vmem>>, vector<1x16xf32>,
        %get3A_1281 = arith.constant 0 : i32
        %get3A_1282 = arith.index_cast %get3A_1281 : i32 to index
        %get3A_1283 = arith.index_cast %add3A_1016 : i32 to index
        %get3A_1284 = arith.constant 48 : index
        %get3A_1285 = tpu.vector_load %arg19[%get3A_1282, %get3A_1283, %get3A_1284] {strides = array<i32>} : memref<4x64x64xi32, #tpu.memory_space<vmem>>, vector<1x1x16xi32>,
        %get3A_1286 = vector.shape_cast %get3A_1285 : vector<1x1x16xi32> to vector<16xi32>
        %shift_left3A_1287 = arith.constant 16 : i32
        %shift_left3A_1288 = vector.broadcast %shift_left3A_1287 : i32 to vector<16xi32>
        %shift_left3A_1289 = arith.shli %get3A_1286, %shift_left3A_1288 : vector<16xi32>
        %bitcast_convert_type3A_1290 = tpu.bitcast %shift_left3A_1289 : vector<16xi32> -> vector<16xf32>
        %and3A_1291 = arith.constant -65536 : i32
        %and3A_1292 = vector.broadcast %and3A_1291 : i32 to vector<16xi32>
        %and3A_1293 = arith.andi %get3A_1286, %and3A_1292 : vector<16xi32>
        %bitcast_convert_type3A_1294 = tpu.bitcast %and3A_1293 : vector<16xi32> -> vector<16xf32>
        %get3A_1295 = arith.constant 1 : i32
        %get3A_1296 = arith.index_cast %get3A_1295 : i32 to index
        %get3A_1297 = arith.index_cast %add3A_1016 : i32 to index
        %get3A_1298 = arith.constant 48 : index
        %get3A_1299 = tpu.vector_load %arg19[%get3A_1296, %get3A_1297, %get3A_1298] {strides = array<i32>} : memref<4x64x64xi32, #tpu.memory_space<vmem>>, vector<1x1x16xi32>,
        %get3A_1300 = vector.shape_cast %get3A_1299 : vector<1x1x16xi32> to vector<16xi32>
        %shift_left3A_1301 = arith.constant 16 : i32
        %shift_left3A_1302 = vector.broadcast %shift_left3A_1301 : i32 to vector<16xi32>
        %shift_left3A_1303 = arith.shli %get3A_1300, %shift_left3A_1302 : vector<16xi32>
        %bitcast_convert_type3A_1304 = tpu.bitcast %shift_left3A_1303 : vector<16xi32> -> vector<16xf32>
        %and3A_1305 = arith.constant -65536 : i32
        %and3A_1306 = vector.broadcast %and3A_1305 : i32 to vector<16xi32>
        %and3A_1307 = arith.andi %get3A_1300, %and3A_1306 : vector<16xi32>
        %bitcast_convert_type3A_1308 = tpu.bitcast %and3A_1307 : vector<16xi32> -> vector<16xf32>
        %add3A_1309 = arith.addf %bitcast_convert_type3A_1290, %bitcast_convert_type3A_1304 : vector<16xf32>
        %add3A_1310 = arith.addf %bitcast_convert_type3A_1294, %bitcast_convert_type3A_1308 : vector<16xf32>
        %get3A_1311 = arith.constant 2 : i32
        %get3A_1312 = arith.index_cast %get3A_1311 : i32 to index
        %get3A_1313 = arith.index_cast %add3A_1016 : i32 to index
        %get3A_1314 = arith.constant 48 : index
        %get3A_1315 = tpu.vector_load %arg19[%get3A_1312, %get3A_1313, %get3A_1314] {strides = array<i32>} : memref<4x64x64xi32, #tpu.memory_space<vmem>>, vector<1x1x16xi32>,
        %get3A_1316 = vector.shape_cast %get3A_1315 : vector<1x1x16xi32> to vector<16xi32>
        %shift_left3A_1317 = arith.constant 16 : i32
        %shift_left3A_1318 = vector.broadcast %shift_left3A_1317 : i32 to vector<16xi32>
        %shift_left3A_1319 = arith.shli %get3A_1316, %shift_left3A_1318 : vector<16xi32>
        %bitcast_convert_type3A_1320 = tpu.bitcast %shift_left3A_1319 : vector<16xi32> -> vector<16xf32>
        %and3A_1321 = arith.constant -65536 : i32
        %and3A_1322 = vector.broadcast %and3A_1321 : i32 to vector<16xi32>
        %and3A_1323 = arith.andi %get3A_1316, %and3A_1322 : vector<16xi32>
        %bitcast_convert_type3A_1324 = tpu.bitcast %and3A_1323 : vector<16xi32> -> vector<16xf32>
        %add3A_1325 = arith.addf %add3A_1309, %bitcast_convert_type3A_1320 : vector<16xf32>
        %add3A_1326 = arith.addf %add3A_1310, %bitcast_convert_type3A_1324 : vector<16xf32>
        %get3A_1327 = arith.constant 3 : i32
        %get3A_1328 = arith.index_cast %get3A_1327 : i32 to index
        %get3A_1329 = arith.index_cast %add3A_1016 : i32 to index
        %get3A_1330 = arith.constant 48 : index
        %get3A_1331 = tpu.vector_load %arg19[%get3A_1328, %get3A_1329, %get3A_1330] {strides = array<i32>} : memref<4x64x64xi32, #tpu.memory_space<vmem>>, vector<1x1x16xi32>,
        %get3A_1332 = vector.shape_cast %get3A_1331 : vector<1x1x16xi32> to vector<16xi32>
        %shift_left3A_1333 = arith.constant 16 : i32
        %shift_left3A_1334 = vector.broadcast %shift_left3A_1333 : i32 to vector<16xi32>
        %shift_left3A_1335 = arith.shli %get3A_1332, %shift_left3A_1334 : vector<16xi32>
        %bitcast_convert_type3A_1336 = tpu.bitcast %shift_left3A_1335 : vector<16xi32> -> vector<16xf32>
        %and3A_1337 = arith.constant -65536 : i32
        %and3A_1338 = vector.broadcast %and3A_1337 : i32 to vector<16xi32>
        %and3A_1339 = arith.andi %get3A_1332, %and3A_1338 : vector<16xi32>
        %bitcast_convert_type3A_1340 = tpu.bitcast %and3A_1339 : vector<16xi32> -> vector<16xf32>
        %add3A_1341 = arith.addf %add3A_1325, %bitcast_convert_type3A_1336 : vector<16xf32>
        %add3A_1342 = arith.addf %add3A_1326, %bitcast_convert_type3A_1340 : vector<16xf32>
        %get3A_1343 = arith.index_cast %select_n3A_1022 : i32 to index
        %get3A_1344 = arith.constant 48 : index
        %get3A_1345 = tpu.vector_load %arg7[%get3A_1343, %get3A_1344] {strides = array<i32>} : memref<200x64xi32, #tpu.memory_space<vmem>>, vector<1x16xi32>,
        %get3A_1346 = vector.shape_cast %get3A_1345 : vector<1x16xi32> to vector<16xi32>
        %shift_left3A_1347 = arith.constant 16 : i32
        %shift_left3A_1348 = vector.broadcast %shift_left3A_1347 : i32 to vector<16xi32>
        %shift_left3A_1349 = arith.shli %get3A_1346, %shift_left3A_1348 : vector<16xi32>
        %bitcast_convert_type3A_1350 = tpu.bitcast %shift_left3A_1349 : vector<16xi32> -> vector<16xf32>
        %and3A_1351 = arith.constant -65536 : i32
        %and3A_1352 = vector.broadcast %and3A_1351 : i32 to vector<16xi32>
        %and3A_1353 = arith.andi %get3A_1346, %and3A_1352 : vector<16xi32>
        %bitcast_convert_type3A_1354 = tpu.bitcast %and3A_1353 : vector<16xi32> -> vector<16xf32>
        %add3A_1355 = arith.addf %add3A_1341, %bitcast_convert_type3A_1350 : vector<16xf32>
        %add3A_1356 = arith.addf %add3A_1342, %bitcast_convert_type3A_1354 : vector<16xf32>
        %swap3A_1357 = arith.index_cast %add3A_1016 : i32 to index
        %swap3A_1358 = arith.constant 96 : index
        %swap3A_1359 = tpu.vector_load %arg15[%swap3A_1357, %swap3A_1358] {strides = array<i32>} : memref<64x128xf32, #tpu.memory_space<vmem>>, vector<1x16xf32>,
        %swap3A_1360 = vector.shape_cast %swap3A_1359 : vector<1x16xf32> to vector<16xf32>
        %swap3A_1361 = vector.shape_cast %add3A_1355 : vector<16xf32> to vector<1x16xf32>
        tpu.vector_store %arg15[%swap3A_1357, %swap3A_1358], %swap3A_1361 {add = true, strides = array<i32>} : memref<64x128xf32, #tpu.memory_space<vmem>>, vector<1x16xf32>,
        %swap3A_1362 = arith.index_cast %add3A_1016 : i32 to index
        %swap3A_1363 = arith.constant 112 : index
        %swap3A_1364 = tpu.vector_load %arg15[%swap3A_1362, %swap3A_1363] {strides = array<i32>} : memref<64x128xf32, #tpu.memory_space<vmem>>, vector<1x16xf32>,
        %swap3A_1365 = vector.shape_cast %swap3A_1364 : vector<1x16xf32> to vector<16xf32>
        %swap3A_1366 = vector.shape_cast %add3A_1356 : vector<16xf32> to vector<1x16xf32>
        tpu.vector_store %arg15[%swap3A_1362, %swap3A_1363], %swap3A_1366 {add = true, strides = array<i32>} : memref<64x128xf32, #tpu.memory_space<vmem>>, vector<1x16xf32>,
        %scan3A_1367 = arith.constant 0 : i32
        scf.yield %scan3A_1367 : i32
      }
      %scan3A_656 = arith.constant 32 : i32
      %dma_start3A_657 = arith.constant 0 : i32
      %dma_start3A_658 = tpu.memref_slice %arg6[%add3A_590, %dma_start3A_657] : memref<204800x128xf32, #tpu.memory_space<hbm>> -> memref<64x128xf32, #tpu.memory_space<hbm>>
      %dma_start3A_659 = arith.constant 0 : i32
      %dma_start3A_660 = tpu.memref_slice %arg6[%add3A_590, %dma_start3A_659] : memref<204800x128xf32, #tpu.memory_space<hbm>> -> memref<64x128xf32, #tpu.memory_space<hbm>>
      tpu.enqueue_dma source(%arg15 : memref<64x128xf32, #tpu.memory_space<vmem>>) target(%dma_start3A_660 : memref<64x128xf32, #tpu.memory_space<hbm>>) target_semaphore(%arg27 : memref<!tpu.dma_semaphore, #tpu.memory_space<semaphore_mem>>)
      %lt3A_661 = arith.constant 24 : i32
      %lt3A_662 = arith.cmpi slt, %scan3A_193, %lt3A_661 : i32
      %convert_element_type3A_663 = arith.extui %lt3A_662 : i1 to i32
      %cond3A_664 = arith.constant 0 : i32
      %cond3A_665 = arith.cmpi ne, %convert_element_type3A_663, %cond3A_664 : i32
      scf.if %cond3A_665 {
        %dma_wait3A_667 = arith.constant 0 : i32
        %dma_wait3A_668 = tpu.memref_slice %arg6[%add3A_590, %dma_wait3A_667] : memref<204800x128xf32, #tpu.memory_space<hbm>> -> memref<64x128xf32, #tpu.memory_space<hbm>>
        %dma_wait3A_669 = arith.constant 0 : i32
        %dma_wait3A_670 = tpu.memref_slice %arg6[%add3A_590, %dma_wait3A_669] : memref<204800x128xf32, #tpu.memory_space<hbm>> -> memref<64x128xf32, #tpu.memory_space<hbm>>
        tpu.wait_dma2 semaphore(%arg25 : memref<!tpu.dma_semaphore, #tpu.memory_space<semaphore_mem>>) src(%arg13 : memref<64x128xf32, #tpu.memory_space<vmem>>) dst(%dma_wait3A_670 : memref<64x128xf32, #tpu.memory_space<hbm>>)
        %add3A_671 = arith.constant 2 : i32
        %add3A_672 = arith.addi %add3A_585, %add3A_671 : i32
        %dma_wait3A_673 = arith.constant 0 : i32
        %dma_wait3A_674 = arith.constant 0 : i32
        %dma_wait3A_675 = tpu.memref_slice %arg2[%add3A, %add3A_672, %dma_wait3A_673, %dma_wait3A_674] : memref<32x100x5x64xi32, #tpu.memory_space<hbm>> -> memref<1x1x5x64xi32, #tpu.memory_space<hbm>>
        %dma_wait3A_676 = tpu.memref_squeeze %dma_wait3A_675 : memref<1x1x5x64xi32, #tpu.memory_space<hbm>> -> memref<5x64xi32, #tpu.memory_space<hbm>>
        %dma_wait3A_677 = arith.constant 0 : i32
        %dma_wait3A_678 = arith.constant 0 : i32
        %dma_wait3A_679 = tpu.memref_slice %arg2[%add3A, %add3A_672, %dma_wait3A_677, %dma_wait3A_678] : memref<32x100x5x64xi32, #tpu.memory_space<hbm>> -> memref<1x1x5x64xi32, #tpu.memory_space<hbm>>
        %dma_wait3A_680 = tpu.memref_squeeze %dma_wait3A_679 : memref<1x1x5x64xi32, #tpu.memory_space<hbm>> -> memref<5x64xi32, #tpu.memory_space<hbm>>
        tpu.wait_dma2 semaphore(%arg29 : memref<!tpu.dma_semaphore, #tpu.memory_space<semaphore_mem>>) src(%dma_wait3A_680 : memref<5x64xi32, #tpu.memory_space<hbm>>) dst(%arg9 : memref<5x64xi32, #tpu.memory_space<vmem>>)
        %dma_start3A_681 = arith.constant 0 : i32
        %dma_start3A_682 = arith.constant 0 : i32
        %dma_start3A_683 = tpu.memref_slice %arg9[%dma_start3A_681, %dma_start3A_682] : memref<5x64xi32, #tpu.memory_space<vmem>> -> memref<1x64xi32, #tpu.memory_space<vmem>>
        %dma_start3A_684 = tpu.memref_squeeze %dma_start3A_683 : memref<1x64xi32, #tpu.memory_space<vmem>> -> memref<64xi32, #tpu.memory_space<vmem>>
        %dma_start3A_685 = arith.constant 0 : i32
        %dma_start3A_686 = arith.constant 0 : i32
        %dma_start3A_687 = tpu.memref_slice %arg3[%dma_start3A_685, %dma_start3A_686] : memref<100000x128xf32, #tpu.memory_space<hbm>> -> memref<100000x128xf32, #tpu.memory_space<hbm>>
        tpu.enqueue_indirect_dma source(%dma_start3A_687 : memref<100000x128xf32, #tpu.memory_space<hbm>>) target(%arg13 : memref<64x128xf32, #tpu.memory_space<vmem>>) offsets(%dma_start3A_684 : memref<64xi32, #tpu.memory_space<vmem>>) semaphore(%arg21 : memref<!tpu.dma_semaphore, #tpu.memory_space<semaphore_mem>>)
        %dma_start3A_688 = arith.constant 1 : i32
        %dma_start3A_689 = arith.constant 0 : i32
        %dma_start3A_690 = arith.constant 0 : i32
        %dma_start3A_691 = arith.constant 0 : i32
        %dma_start3A_692 = tpu.memref_slice %arg17[%dma_start3A_689, %dma_start3A_690, %dma_start3A_691] : memref<4x64x64xi32, #tpu.memory_space<vmem>> -> memref<1x64x64xi32, #tpu.memory_space<vmem>>
        %dma_start3A_693 = tpu.memref_squeeze %dma_start3A_692 : memref<1x64x64xi32, #tpu.memory_space<vmem>> -> memref<64x64xi32, #tpu.memory_space<vmem>>
        %dma_start3A_694 = arith.constant 0 : i32
        %dma_start3A_695 = tpu.memref_slice %arg9[%dma_start3A_688, %dma_start3A_694] : memref<5x64xi32, #tpu.memory_space<vmem>> -> memref<1x64xi32, #tpu.memory_space<vmem>>
        %dma_start3A_696 = tpu.memref_squeeze %dma_start3A_695 : memref<1x64xi32, #tpu.memory_space<vmem>> -> memref<64xi32, #tpu.memory_space<vmem>>
        %dma_start3A_697 = arith.constant 0 : i32
        %dma_start3A_698 = arith.constant 0 : i32
        %dma_start3A_699 = tpu.memref_slice %arg4[%dma_start3A_697, %dma_start3A_698] : memref<1000x64xi32, #tpu.memory_space<hbm>> -> memref<1000x64xi32, #tpu.memory_space<hbm>>
        tpu.enqueue_indirect_dma source(%dma_start3A_699 : memref<1000x64xi32, #tpu.memory_space<hbm>>) target(%dma_start3A_693 : memref<64x64xi32, #tpu.memory_space<vmem>>) offsets(%dma_start3A_696 : memref<64xi32, #tpu.memory_space<vmem>>) semaphore(%arg21 : memref<!tpu.dma_semaphore, #tpu.memory_space<semaphore_mem>>)
        %dma_start3A_700 = arith.constant 2 : i32
        %dma_start3A_701 = arith.constant 1 : i32
        %dma_start3A_702 = arith.constant 0 : i32
        %dma_start3A_703 = arith.constant 0 : i32
        %dma_start3A_704 = tpu.memref_slice %arg17[%dma_start3A_701, %dma_start3A_702, %dma_start3A_703] : memref<4x64x64xi32, #tpu.memory_space<vmem>> -> memref<1x64x64xi32, #tpu.memory_space<vmem>>
        %dma_start3A_705 = tpu.memref_squeeze %dma_start3A_704 : memref<1x64x64xi32, #tpu.memory_space<vmem>> -> memref<64x64xi32, #tpu.memory_space<vmem>>
        %dma_start3A_706 = arith.constant 0 : i32
        %dma_start3A_707 = tpu.memref_slice %arg9[%dma_start3A_700, %dma_start3A_706] : memref<5x64xi32, #tpu.memory_space<vmem>> -> memref<1x64xi32, #tpu.memory_space<vmem>>
        %dma_start3A_708 = tpu.memref_squeeze %dma_start3A_707 : memref<1x64xi32, #tpu.memory_space<vmem>> -> memref<64xi32, #tpu.memory_space<vmem>>
        %dma_start3A_709 = arith.constant 0 : i32
        %dma_start3A_710 = arith.constant 0 : i32
        %dma_start3A_711 = tpu.memref_slice %arg4[%dma_start3A_709, %dma_start3A_710] : memref<1000x64xi32, #tpu.memory_space<hbm>> -> memref<1000x64xi32, #tpu.memory_space<hbm>>
        tpu.enqueue_indirect_dma source(%dma_start3A_711 : memref<1000x64xi32, #tpu.memory_space<hbm>>) target(%dma_start3A_705 : memref<64x64xi32, #tpu.memory_space<vmem>>) offsets(%dma_start3A_708 : memref<64xi32, #tpu.memory_space<vmem>>) semaphore(%arg21 : memref<!tpu.dma_semaphore, #tpu.memory_space<semaphore_mem>>)
        %dma_start3A_712 = arith.constant 3 : i32
        %dma_start3A_713 = arith.constant 2 : i32
        %dma_start3A_714 = arith.constant 0 : i32
        %dma_start3A_715 = arith.constant 0 : i32
        %dma_start3A_716 = tpu.memref_slice %arg17[%dma_start3A_713, %dma_start3A_714, %dma_start3A_715] : memref<4x64x64xi32, #tpu.memory_space<vmem>> -> memref<1x64x64xi32, #tpu.memory_space<vmem>>
        %dma_start3A_717 = tpu.memref_squeeze %dma_start3A_716 : memref<1x64x64xi32, #tpu.memory_space<vmem>> -> memref<64x64xi32, #tpu.memory_space<vmem>>
        %dma_start3A_718 = arith.constant 0 : i32
        %dma_start3A_719 = tpu.memref_slice %arg9[%dma_start3A_712, %dma_start3A_718] : memref<5x64xi32, #tpu.memory_space<vmem>> -> memref<1x64xi32, #tpu.memory_space<vmem>>
        %dma_start3A_720 = tpu.memref_squeeze %dma_start3A_719 : memref<1x64xi32, #tpu.memory_space<vmem>> -> memref<64xi32, #tpu.memory_space<vmem>>
        %dma_start3A_721 = arith.constant 0 : i32
        %dma_start3A_722 = arith.constant 0 : i32
        %dma_start3A_723 = tpu.memref_slice %arg4[%dma_start3A_721, %dma_start3A_722] : memref<1000x64xi32, #tpu.memory_space<hbm>> -> memref<1000x64xi32, #tpu.memory_space<hbm>>
        tpu.enqueue_indirect_dma source(%dma_start3A_723 : memref<1000x64xi32, #tpu.memory_space<hbm>>) target(%dma_start3A_717 : memref<64x64xi32, #tpu.memory_space<vmem>>) offsets(%dma_start3A_720 : memref<64xi32, #tpu.memory_space<vmem>>) semaphore(%arg21 : memref<!tpu.dma_semaphore, #tpu.memory_space<semaphore_mem>>)
        %dma_start3A_724 = arith.constant 4 : i32
        %dma_start3A_725 = arith.constant 3 : i32
        %dma_start3A_726 = arith.constant 0 : i32
        %dma_start3A_727 = arith.constant 0 : i32
        %dma_start3A_728 = tpu.memref_slice %arg17[%dma_start3A_725, %dma_start3A_726, %dma_start3A_727] : memref<4x64x64xi32, #tpu.memory_space<vmem>> -> memref<1x64x64xi32, #tpu.memory_space<vmem>>
        %dma_start3A_729 = tpu.memref_squeeze %dma_start3A_728 : memref<1x64x64xi32, #tpu.memory_space<vmem>> -> memref<64x64xi32, #tpu.memory_space<vmem>>
        %dma_start3A_730 = arith.constant 0 : i32
        %dma_start3A_731 = tpu.memref_slice %arg9[%dma_start3A_724, %dma_start3A_730] : memref<5x64xi32, #tpu.memory_space<vmem>> -> memref<1x64xi32, #tpu.memory_space<vmem>>
        %dma_start3A_732 = tpu.memref_squeeze %dma_start3A_731 : memref<1x64xi32, #tpu.memory_space<vmem>> -> memref<64xi32, #tpu.memory_space<vmem>>
        %dma_start3A_733 = arith.constant 0 : i32
        %dma_start3A_734 = arith.constant 0 : i32
        %dma_start3A_735 = tpu.memref_slice %arg4[%dma_start3A_733, %dma_start3A_734] : memref<1000x64xi32, #tpu.memory_space<hbm>> -> memref<1000x64xi32, #tpu.memory_space<hbm>>
        tpu.enqueue_indirect_dma source(%dma_start3A_735 : memref<1000x64xi32, #tpu.memory_space<hbm>>) target(%dma_start3A_729 : memref<64x64xi32, #tpu.memory_space<vmem>>) offsets(%dma_start3A_732 : memref<64xi32, #tpu.memory_space<vmem>>) semaphore(%arg21 : memref<!tpu.dma_semaphore, #tpu.memory_space<semaphore_mem>>)
        %add3A_736 = arith.constant 4 : i32
        %add3A_737 = arith.addi %add3A_585, %add3A_736 : i32
        %dma_start3A_738 = arith.constant 0 : i32
        %dma_start3A_739 = arith.constant 0 : i32
        %dma_start3A_740 = tpu.memref_slice %arg2[%add3A, %add3A_737, %dma_start3A_738, %dma_start3A_739] : memref<32x100x5x64xi32, #tpu.memory_space<hbm>> -> memref<1x1x5x64xi32, #tpu.memory_space<hbm>>
        %dma_start3A_741 = tpu.memref_squeeze %dma_start3A_740 : memref<1x1x5x64xi32, #tpu.memory_space<hbm>> -> memref<5x64xi32, #tpu.memory_space<hbm>>
        %dma_start3A_742 = arith.constant 0 : i32
        %dma_start3A_743 = arith.constant 0 : i32
        %dma_start3A_744 = tpu.memref_slice %arg2[%add3A, %add3A_737, %dma_start3A_742, %dma_start3A_743] : memref<32x100x5x64xi32, #tpu.memory_space<hbm>> -> memref<1x1x5x64xi32, #tpu.memory_space<hbm>>
        %dma_start3A_745 = tpu.memref_squeeze %dma_start3A_744 : memref<1x1x5x64xi32, #tpu.memory_space<hbm>> -> memref<5x64xi32, #tpu.memory_space<hbm>>
        tpu.enqueue_dma source(%dma_start3A_745 : memref<5x64xi32, #tpu.memory_space<hbm>>) target(%arg11 : memref<5x64xi32, #tpu.memory_space<vmem>>) target_semaphore(%arg31 : memref<!tpu.dma_semaphore, #tpu.memory_space<semaphore_mem>>)
      } else {
      }
      %scan3A_666 = arith.constant 0 : i32
      scf.yield %scan3A_666 : i32
    }
    %scan3A_168 = arith.constant 25 : i32
    %mul3A_169 = arith.constant 6400 : i32
    %mul3A_170 = arith.muli %add3A, %mul3A_169 : i32
    %dma_wait3A_171 = arith.constant 0 : i32
    %dma_wait3A_172 = tpu.memref_slice %arg6[%mul3A_170, %dma_wait3A_171] : memref<204800x128xf32, #tpu.memory_space<hbm>> -> memref<64x128xf32, #tpu.memory_space<hbm>>
    %dma_wait3A_173 = arith.constant 0 : i32
    %dma_wait3A_174 = tpu.memref_slice %arg6[%mul3A_170, %dma_wait3A_173] : memref<204800x128xf32, #tpu.memory_space<hbm>> -> memref<64x128xf32, #tpu.memory_space<hbm>>
    tpu.wait_dma2 semaphore(%arg24 : memref<!tpu.dma_semaphore, #tpu.memory_space<semaphore_mem>>) src(%arg12 : memref<64x128xf32, #tpu.memory_space<vmem>>) dst(%dma_wait3A_174 : memref<64x128xf32, #tpu.memory_space<hbm>>)
    %mul3A_175 = arith.constant 6400 : i32
    %mul3A_176 = arith.muli %add3A, %mul3A_175 : i32
    %dma_wait3A_177 = arith.constant 0 : i32
    %dma_wait3A_178 = tpu.memref_slice %arg6[%mul3A_176, %dma_wait3A_177] : memref<204800x128xf32, #tpu.memory_space<hbm>> -> memref<64x128xf32, #tpu.memory_space<hbm>>
    %dma_wait3A_179 = arith.constant 0 : i32
    %dma_wait3A_180 = tpu.memref_slice %arg6[%mul3A_176, %dma_wait3A_179] : memref<204800x128xf32, #tpu.memory_space<hbm>> -> memref<64x128xf32, #tpu.memory_space<hbm>>
    tpu.wait_dma2 semaphore(%arg25 : memref<!tpu.dma_semaphore, #tpu.memory_space<semaphore_mem>>) src(%arg13 : memref<64x128xf32, #tpu.memory_space<vmem>>) dst(%dma_wait3A_180 : memref<64x128xf32, #tpu.memory_space<hbm>>)
    %mul3A_181 = arith.constant 6400 : i32
    %mul3A_182 = arith.muli %add3A, %mul3A_181 : i32
    %dma_wait3A_183 = arith.constant 0 : i32
    %dma_wait3A_184 = tpu.memref_slice %arg6[%mul3A_182, %dma_wait3A_183] : memref<204800x128xf32, #tpu.memory_space<hbm>> -> memref<64x128xf32, #tpu.memory_space<hbm>>
    %dma_wait3A_185 = arith.constant 0 : i32
    %dma_wait3A_186 = tpu.memref_slice %arg6[%mul3A_182, %dma_wait3A_185] : memref<204800x128xf32, #tpu.memory_space<hbm>> -> memref<64x128xf32, #tpu.memory_space<hbm>>
    tpu.wait_dma2 semaphore(%arg26 : memref<!tpu.dma_semaphore, #tpu.memory_space<semaphore_mem>>) src(%arg14 : memref<64x128xf32, #tpu.memory_space<vmem>>) dst(%dma_wait3A_186 : memref<64x128xf32, #tpu.memory_space<hbm>>)
    %mul3A_187 = arith.constant 6400 : i32
    %mul3A_188 = arith.muli %add3A, %mul3A_187 : i32
    %dma_wait3A_189 = arith.constant 0 : i32
    %dma_wait3A_190 = tpu.memref_slice %arg6[%mul3A_188, %dma_wait3A_189] : memref<204800x128xf32, #tpu.memory_space<hbm>> -> memref<64x128xf32, #tpu.memory_space<hbm>>
    %dma_wait3A_191 = arith.constant 0 : i32
    %dma_wait3A_192 = tpu.memref_slice %arg6[%mul3A_188, %dma_wait3A_191] : memref<204800x128xf32, #tpu.memory_space<hbm>> -> memref<64x128xf32, #tpu.memory_space<hbm>>
    tpu.wait_dma2 semaphore(%arg27 : memref<!tpu.dma_semaphore, #tpu.memory_space<semaphore_mem>>) src(%arg15 : memref<64x128xf32, #tpu.memory_space<vmem>>) dst(%dma_wait3A_192 : memref<64x128xf32, #tpu.memory_space<hbm>>)
    return
  }
}

</mosaic_0001>

<sc_bundles>
// kernel: _run.3.cloned.1.call-start
scs
__scs_entry_jumppad:
0x0: {  	(pc) =	sbr.rel $0x88, $3  }
0x1: {  	(tag) =	ssettag $0x0;
	lr =	simm.s32 $0x1  }
0x2: {  	[smem:$0x3F9D] =	sst lr;
	_ =	strace $0xD0000000  }
0x3: {  	_ = 	snop  }
0x4: {  	_ = 	snop  }
0x5: {  	_ = 	snop  }
0x6: {  	_ = 	snop  }
0x7: {  	_ = 	snop  }
__scs_overlays_trampoline_lowered:
0x8: {  	[smem:$0x3FAC] =	sst s0  }
0x9: {  	[smem:$0x3FAD] =	sst s1  }
0xa: {  	[smem:$0x3FAE] =	sst s2  }
0xb: {  	[smem:$0x3FAF] =	sst s3  }
0xc: {  	[smem:$0x3FB0] =	sst s4  }
0xd: {  	[smem:$0x3FB1] =	sst s5  }
0xe: {  	[smem:$0x3FB2] =	sst s6  }
0xf: {  	[smem:$0x3FB3] =	sst s7  }
0x10: {  	[smem:$0x3FB4] =	sst s8  }
0x11: {  	[smem:$0x3FB5] =	sst s9;
	s0 =	simm.s32 @!p0 $0x0  }
0x12: {  	s1 =	sld [smem:$0x3F9B];
	s0 =	simm.s32 @p0 $0x1  }
0x13: {  	[smem:$0x3FB6] =	sst s0;
	s0 =	simm.s32 @!p1 $0x0  }
0x14: {  	s2 =	sld [smem:$0x3F9A];
	s0 =	simm.s32 @p1 $0x1  }
0x15: {  	[smem:$0x3FB7] =	sst s0;
	s0 =	simm.s32 @!p2 $0x0  }
0x16: {  	s3 =	sld [smem:$0x3FDB];
	s0 =	simm.s32 @p2 $0x1  }
0x17: {  	s4 =	simm.s32 $0x1BF5;
	[smem:$0x3FB9] =	sst s0  }
0x18: {  	s0 =	sld [smem:$0x3F9C];
	_ =	swait.ge [sflag:s4], $0x0  }
0x19: {  	s7 =	sld [smem:$0x3F9D]  }
0x1a: {  	s8 =	sadd.s32 $0xFFFFE003, lr  }
0x1b: {  	s9 =	sadd.s32 $0xFFFFFEF7, lr;
	s5 =	simm.s32 $0xFFFFFFFF;
	p2 =	slt.u32 s8, $0xFFFFF086  }
0x1c: {  	p1 =	slt.u32 s9, $0xF7A;
	s5 =	simm.s32 @!p2 $0x0  }
0x1d: {  	s5 =	simm.s32 @p1 $0x1;
	p0 =	seq.s32 s7, s2  }
0x1e: {  	s7 =	smul.u32 @!p0 $0xF7A, s2;
	p2 =	seq.s32 @!p0 s5, $0x0  }
0x1f: {  	s9 =	smul.u32 $0xF7A, s1;
	s8 =	simm.s32 @!p0 $0x1BF5;
	p2 =	por !p2, p0  }
0x20: {  	[sflag:s8] =	ssyncset.s32 @!p0 $0xFFFFF086;
	s6 =	sadd.s32 @!p0 s3, s7;
	s7 =	simm.s32 @!p0 $0x108  }
0x21: {  	s3 =	sadd.s32 s3, s9;
	s6 =	sadd.s32 @!p0 $0x88, s6;
	s7 =	simm.s32 @p2 $0x1082  }
0x22: {  	[simem:s7], [sflag:s8] =	dma.local @!p0 [hbm:s6], $0xF7A  }
0x23: {  	s9 =	sor.u32 $0xD0000000, s2;
	s6 =	simm.s32 $0x108;
	_ =	swait.ge @!p0 [sflag:s8], $0x0  }
0x24: {  	s3 =	sadd.s32 $0x88, s3;
	s6 =	simm.s32 @!p1 $0x1082;
	[sflag:s4] =	ssyncset.s32 $0xFFFFF086  }
0x25: {  	[simem:s6], [sflag:s4] =	dma.local [hbm:s3], $0xF7A  }
0x26: {  	[smem:$0x3F9D] =	sst s1;
	(tag) =	ssettag s2;
	_ =	strace s9  }
0x27: {  	s1 =	sld [smem:$0x3FAD]  }
0x28: {  	s2 =	sld [smem:$0x3FAE]  }
0x29: {  	s4 =	sld [smem:$0x3FB0]  }
0x2a: {  	p0 =	seq.s32 s5, $0x0;
	s5 =	sld [smem:$0x3FB1]  }
0x2b: {  	s6 =	sld [smem:$0x3FB2]  }
0x2c: {  	s7 =	sld [smem:$0x3FB3]  }
0x2d: {  	s3 =	simm.s32 $0x108;
	s8 =	sld [smem:$0x3FB4]  }
0x2e: {  	s3 =	simm.s32 @!p0 $0x1082;
	s9 =	sld [smem:$0x3FB5]  }
0x2f: {  	lr =	sadd.s32 s0, s3;
	s0 =	sld [smem:$0x3FAC]  }
0x30: {  	s3 =	sld [smem:$0x3FAF]  }
0x31: {  	[smem:$0x3FB8] =	sst s10  }
0x32: {  	s10 =	sld [smem:$0x3FB6];
	_ =	sdelay $0x3  }
0x33: {  	p0 =	seq.s32 s10, $0x1;
	s10 =	sld [smem:$0x3FB8];
	_ =	sdelay $0x3  }
0x34: {  	[smem:$0x3FB8] =	sst s10  }
0x35: {  	s10 =	sld [smem:$0x3FB7];
	_ =	sdelay $0x3  }
0x36: {  	p1 =	seq.s32 s10, $0x1;
	s10 =	sld [smem:$0x3FB8];
	_ =	sdelay $0x3  }
0x37: {  	[smem:$0x3FB8] =	sst s10  }
0x38: {  	s10 =	sld [smem:$0x3FB9]  }
0x39: {  	_ = 	snop;
	(pc) =	sbr.ind lr, $3  }
0x3a: {  	_ = 	snop  }
0x3b: {  	_ = 	snop  }
0x3c: {  	p2 =	seq.s32 s10, $0x1;
	s10 =	sld [smem:$0x3FB8]  }
0x3d: {  	_ =	shalt  }
0x3e: {  	_ =	shalt  }
0x3f: {  	_ =	shalt  }
0x40: {  	_ =	shalt  }
0x41: {  	_ =	shalt  }
0x42: {  	_ =	shalt  }
0x43: {  	_ =	shalt  }
0x44: {  	_ =	shalt  }
0x45: {  	_ =	shalt  }
0x46: {  	_ =	shalt  }
0x47: {  	_ =	shalt  }
0x48: {  	_ =	shalt  }
0x49: {  	_ =	shalt  }
0x4a: {  	_ =	shalt  }
0x4b: {  	_ =	shalt  }
0x4c: {  	_ =	shalt  }
0x4d: {  	_ =	shalt  }
0x4e: {  	_ =	shalt  }
0x4f: {  	_ =	shalt  }
0x50: {  	_ =	shalt  }
0x51: {  	_ =	shalt  }
0x52: {  	_ =	shalt  }
0x53: {  	_ =	shalt  }
0x54: {  	_ =	shalt  }
0x55: {  	_ =	shalt  }
0x56: {  	_ =	shalt  }
0x57: {  	_ =	shalt  }
0x58: {  	_ =	shalt  }
0x59: {  	_ =	shalt  }
0x5a: {  	_ =	shalt  }
0x5b: {  	_ =	shalt  }
0x5c: {  	_ =	shalt  }
0x5d: {  	_ =	shalt  }
0x5e: {  	_ =	shalt  }
0x5f: {  	_ =	shalt  }
0x60: {  	_ =	shalt  }
0x61: {  	_ =	shalt  }
0x62: {  	_ =	shalt  }
0x63: {  	_ =	shalt  }
0x64: {  	_ =	shalt  }
0x65: {  	_ =	shalt  }
0x66: {  	_ =	shalt  }
0x67: {  	_ =	shalt  }
0x68: {  	_ =	shalt  }
0x69: {  	_ =	shalt  }
0x6a: {  	_ =	shalt  }
0x6b: {  	_ =	shalt  }
0x6c: {  	_ =	shalt  }
0x6d: {  	_ =	shalt  }
0x6e: {  	_ =	shalt  }
0x6f: {  	_ =	shalt  }
0x70: {  	_ =	shalt  }
0x71: {  	_ =	shalt  }
0x72: {  	_ =	shalt  }
0x73: {  	_ =	shalt  }
0x74: {  	_ =	shalt  }
0x75: {  	_ =	shalt  }
0x76: {  	_ =	shalt  }
0x77: {  	_ =	shalt  }
0x78: {  	_ =	shalt  }
0x79: {  	_ =	shalt  }
0x7a: {  	_ =	shalt  }
0x7b: {  	_ =	shalt  }
0x7c: {  	_ =	shalt  }
0x7d: {  	_ =	shalt  }
0x7e: {  	_ =	shalt  }
0x7f: {  	_ =	shalt  }
0x80: {  	_ =	shalt  }
0x81: {  	_ =	shalt  }
0x82: {  	_ =	shalt  }
0x83: {  	_ =	shalt  }
0x84: {  	_ =	shalt  }
0x85: {  	_ =	shalt  }
0x86: {  	_ =	shalt  }
0x87: {  	_ =	shalt  }
.Lfunc_end0:
.L_simem_size_0:
called_computation_lowered:
.L_overlay_start_0:
0x88: {  	s2 =	sld [smem:$0x3FD9]  }
0x89: {  	s3 =	sld [smem:$0x3FFE];
	_ =	sdelay $0x1  }
0x8a: {  	s1 =	srdreg.scid  }
0x8b: {  	s0 =	sand.u32 $0x1, s1  }
0x8c: {  	s17 =	sshll.u32 s0, $0xA;
	s2 =	sadd.s32 s3, s2  }
0x8d: {  	s2 =	sadd.s32 s2, s17  }
0x8e: {  	[smem:$0x3FC4] =	sst s2  }
0x8f: {  	_ = 	snop  }
0x90: {  	s2 =	sld [smem:$0x3FC8]  }
0x91: {  	s18 =	sld [smem:$0x3FD0];
	(tm) =	ssettm $0x1  }
0x92: {  	s4 =	sld [smem:$0x3FFB];
	_ =	sdelay $0x3  }
0x93: {  	_ =	strace s4  }
0x94: {  	s4 =	sld [smem:$0x3FFC];
	_ =	sdelay $0x3  }
0x95: {  	_ =	strace s4  }
0x96: {  	s4 =	sld [smem:$0x3FFD];
	_ =	sdelay $0x3  }
0x97: {  	_ =	strace s4  }
0x98: {  	_ =	strace $0x8FFFFFFF  }
0x99: {  	s19 =	sld [smem:$0x3FDB];
	_ =	sdelay $0x1  }
0x9a: {  	s5 =	simm.s32 $_scs_section_size  }
0x9b: {  	s6 =	simm.s32 $_size__tile_overlayer_lowered;
	s7 =	simm.s32 $_tile_overlayer_lowered  }
0x9c: {  	s22 =	simm.s32 $0x1BFF;
	s21 =	sshll.u32 s7, $0x1;
	s4 =	sadd.s32 s5, s19  }
0x9d: {  	s8 =	simm.s32 $0x0;
	s20 =	sshll.u32 s6, $0x1;
	s6 =	sadd.s32 s21, s4  }
0x9e: {  	[timem:s8], [sflag:s22] =	dma.local [hbm:s6], s20  }
0x9f: {  	_ =	swait.ge [sflag:s22], s20  }
0xa0: {  	s5 =	ssub.s32 $0x0, s20;
	[sflag:s22] =	ssyncset.done $0x0  }
0xa1: {  	[sflag:s22] =	ssyncadd.s32 s5;
	_ =	sdelay $0x1  }
0xa2: {  	s23 =	simm.s32 $0x1B8B  }
0xa3: {  	_ =	swait.ge [sflag:s23], $0x1  }
0xa4: {  	[sflag:s23] =	ssyncset.done $0x0  }
0xa5: {  	s25 =	simm.s32 $0x1B8E;
	s24 =	sld [smem:$0x3FFE];
	[sflag:s23] =	ssyncadd.s32 $0xFFFFFFFF  }
0xa6: {  	s26 =	simm.s32 $execute0_lowered;
	[smem:$0x3FD2] =	sst s25  }
0xa7: {  	s6 =	sshll.u32 s26, $0x1;
	_ =	strace $0x80000046;
	[dreg:$0x1] =	wrdreg $0xFFFFFFFF  }
0xa8: {  	s28 =	simm.s32 $_size_execute0_lowered;
	s4 =	sadd.s32 s4, s6;
	[dreg:$0x0] =	wrdreg $0x0  }
0xa9: {  	s6 =	sshll.u32 s28, $0x1;
	[dreg:$0x2] =	wrdreg s4  }
0xaa: {  	[dreg:$0x3] =	wrdreg s6  }
0xab: {  	[dreg:$0x4] =	wrdreg $0xC0  }
0xac: {  	_ =	task [dreg:s8], $0x5FFFF  }
0xad: {  	[dreg:$0x1] =	wrdreg $0xFFFFFFFF  }
0xae: {  	[dreg:$0x0] =	wrdreg $0x60  }
0xaf: {  	[dreg:$0x2] =	wrdreg s24  }
0xb0: {  	[dreg:$0x3] =	wrdreg s2  }
0xb1: {  	[dreg:$0x4] =	wrdreg s18  }
0xb2: {  	[dreg:$0x5] =	wrdreg $0x9  }
0xb3: {  	_ =	task.clear_ibuf [dreg:s8], $0x6FFFF;
	_ =	strace $0x90000046  }
0xb4: {  	s29 =	simm.s32 $0x9;
	_ =	strace $0x80000048  }
0xb5: {  	_ =	swait.ge [sflag:s29], $0x1  }
0xb6: {  	[sflag:s29] =	ssyncadd.s32 $0xFFFFFFFF  }
0xb7: {  	_ =	strace $0x90000048  }
0xb8: {  	_ =	sfence  }
0xb9: {  	s30 =	sld [smem:$0x0];
	_ =	sdelay $0x2  }
0xba: {  	s31 =	sshll.u32 s1, $0xD;
	s1 =	sshrl.u32 s1, $0x2  }
0xbb: {  	s3 =	sand.u32 $0x4000, s31;
	s1 =	sadd.s32 s1, s30  }
0xbc: {  	s0 =	sor.u32 s3, s0;
	s1 =	sshll.u32 s1, $0x11  }
0xbd: {  	s0 =	sor.u32 s1, s0  }
0xbe: {  	s0 =	sadd.s32 $0x8F2B, s0  }
0xbf: {  	[sflag:s0] =	ssyncadd.remote.s32 $0x1  }
0xc0: {  	_ =	sfence.sel $0xFFFF  }
0xc1: {  	[dreg:$0x0] =	wrdreg $0xFFFFFFFF;
	(pc) =	sbr.abs _section_cstart, $3  }
0xc2: {  	[dreg:$0x1] =	wrdreg $0xFFFFFFFF  }
0xc3: {  	_ =	task.clear_ibuf [dreg:s8], $0x2FFFF;
	_ =	strace $0x9FFFFFFF  }
0xc4: {  	(tm) =	ssettm $0x7FFFFFFF  }
0xc5: {  	_ =	shalt  }
tec
execute0_lowered:
.L_overlay_start_1:
0x0: {  	(tag) =	ssettag $0x1  }
0x1: {  	s0 =	rddreg [dreg:$0x0]  }
0x2: {  	s28 =	rddreg [dreg:$0x1];
	s1 =	srdreg.scid  }
0x3: {  	s2 =	stileid.u32;
	s31 =	rddreg [dreg:$0x2]  }
0x4: {  	s5 =	simm.s32 $0x0;
	s1 =	sand.u32 $0x1, s1;
	s2 =	sshll.u32 s2, $0x1  }
0x5: {  	s9 =	simm.s32 $0x1;
	[smem:$0x7FF] =	sst s5;
	s2 =	sor.u32 s1, s2  }
0x6: {  	s8 =	sadd.s32 $0x2C00, s0;
	s6 =	sadd.s32 $0xC00, s0;
	s3 =	smul.u32 $0x7D00, s2  }
0x7: {  	s0 =	sadd.s32 $0x400, s0;
	_ =	strace $0x80000047;
	[dreg:$0x4] =	wrdreg s8  }
0x8: {  	s11 =	simm.s32 $0x40;
	[dreg:$0x6] =	wrdreg s0;
	s25 =	sadd.s32 $0x500, s3  }
0x9: {  	s1 =	ssub.s32 $0x2, s1;
	s26 =	sadd.s32 $0x640, s3;
	[dreg:$0xa] =	wrdreg s25  }
0xa: {  	s7 =	sshrl.u32 s1, $0x1;
	s29 =	sadd.s32 $0x780, s3;
	[dreg:$0xb] =	wrdreg s26  }
0xb: {  	s21 =	ssub.s32 s1, s7;
	s30 =	sadd.s32 $0x8C0, s3;
	[dreg:$0xc] =	wrdreg s29  }
0xc: {  	s4 =	sshrl.u32 s3, $0x3;
	s0 =	smax.u32 s21, $0x1;
	[dreg:$0xd] =	wrdreg s30  }
.Ltmp0:
0xd: {  	s4 =	sadd.s32 s8, s4;
	[dreg:$0xe] =	wrdreg s0;
	(pc) =	sbr.rel .LBB2_1-.Ltmp0, $4  }
0xe: {  	s18 =	simm.s32 $0x4;
	s22 =	sadd.s32 $0x28, s4;
	[dreg:$0x5] =	wrdreg s4  }
0xf: {  	s12 =	smul.u32 $0x1900, s2;
	s23 =	sadd.s32 $0x50, s4;
	[dreg:$0x7] =	wrdreg s22  }
0x10: {  	s7 =	simm.s32 $0x3;
	s24 =	sadd.s32 $0x78, s4;
	[dreg:$0x8] =	wrdreg s23  }
0x11: {  	s3 =	simm.s32 $0x0;
	s0 =	simm.s32 $0x2;
	[dreg:$0x9] =	wrdreg s24  }
.LBB2_12:
0x12: {  	s1 =	simm.s32 $0x5  }
0x13: {  	_ =	swait.ge [sflag:s1], $0x2000  }
0x14: {  	[sflag:s1] =	ssyncset.done $0x0  }
0x15: {  	s26 =	simm.s32 $0x6;
	[sflag:s1] =	ssyncadd.s32 $0xFFFFE000  }
0x16: {  	_ =	swait.ge [sflag:s26], $0x2000  }
0x17: {  	[sflag:s26] =	ssyncset.done $0x0  }
0x18: {  	s29 =	simm.s32 $0x7;
	[sflag:s26] =	ssyncadd.s32 $0xFFFFE000  }
0x19: {  	_ =	swait.ge [sflag:s29], $0x2000  }
0x1a: {  	[sflag:s29] =	ssyncset.done $0x0  }
0x1b: {  	s2 =	simm.s32 $0x8;
	[sflag:s29] =	ssyncadd.s32 $0xFFFFE000  }
0x1c: {  	_ =	swait.ge [sflag:s2], $0x2000  }
0x1d: {  	s3 =	rddreg [dreg:$0xf]  }
0x1e: {  	s30 =	rddreg [dreg:$0xe];
	s3 =	sadd.s32 $0x1, s3  }
0x1f: {  	p0 =	sne.s32 s3, s30  }
.Ltmp1:
0x20: {  	_ = 	snop;
	(pc) =	sbr.rel @!p0 .LBB2_13-.Ltmp1, $3  }
0x21: {  	_ =	sdelay $0x1  }
0x22: {  	[sflag:s2] =	ssyncset.done $0x0  }
0x23: {  	[sflag:s2] =	ssyncadd.s32 $0xFFFFE000  }
.LBB2_1:
0x24: {  	[dreg:$0xf] =	wrdreg s3  }
0x25: {  	s1 =	rddreg [dreg:$0x6];
	s16 =	simm.s32 $0xD  }
0x26: {  	[tilespmem:s5], [sflag:$0xD] =	stream.linear.gather [hbm4b:s1+s5], $0x3200, $0x38;
	[tilespmem:$0x1B700] =	vst v63  }
0x27: {  	_ =	swait.ge [sflag:s16], $0x3200  }
0x28: {  	[sflag:s16] =	ssyncset.done $0x0  }
0x29: {  	s2 =	simm.s32 $0x3200;
	s17 =	rddreg [dreg:$0x5];
	[sflag:s16] =	ssyncadd.s32 $0xFFFFCE00  }
0x2a: {  	[tilespmem:s2], [sflag:$0x9] =	stream.linear.gather [hbm4b:s17+s5], $0x140, $0x38;
	[tilespmem:$0x1B700] =	vst v63  }
0x2b: {  	s20 =	simm.s32 $0x3340;
	s19 =	rddreg [dreg:$0x7]  }
0x2c: {  	[tilespmem:s20], [sflag:$0xA] =	stream.linear.gather [hbm4b:s19+s5], $0x140, $0x38;
	[tilespmem:$0x1B700] =	vst v63  }
0x2d: {  	s4 =	simm.s32 $0x3480;
	s21 =	rddreg [dreg:$0x8]  }
0x2e: {  	[tilespmem:s4], [sflag:$0xB] =	stream.linear.gather [hbm4b:s21+s5], $0x140, $0x38;
	[tilespmem:$0x1B700] =	vst v63  }
0x2f: {  	s23 =	simm.s32 $0x35C0;
	s24 =	simm.s32 $0x9;
	s22 =	rddreg [dreg:$0x9]  }
0x30: {  	[tilespmem:s23], [sflag:$0xC] =	stream.linear.gather [hbm4b:s22+s5], $0x140, $0x38;
	[tilespmem:$0x1B700] =	vst v63  }
0x31: {  	_ =	swait.ge [sflag:s24], $0x140  }
0x32: {  	[sflag:s24] =	ssyncset.done $0x0  }
0x33: {  	s25 =	simm.s32 $0x3700;
	[sflag:s24] =	ssyncadd.s32 $0xFFFFFEC0  }
0x34: {  	[tilespmem:s25], [sflag:$0x1] =	stream.indirect.gather [hbm4b:s28+s11], $0x80, s2, s11, $0xb8;
	[tilespmem:$0x1B700] =	vst v63  }
0x35: {  	s26 =	simm.s32 $0x3240;
	s29 =	simm.s32 $0xB700  }
0x36: {  	[tilespmem:s29], [sflag:$0x1] =	stream.indirect.gather [hbm4b:s6+s11], $0x40, s26, s11, $0xb8;
	[tilespmem:$0x1B700] =	vst v63  }
0x37: {  	s8 =	simm.s32 $0xC700;
	s4 =	simm.s32 $0x3280  }
0x38: {  	[tilespmem:s8], [sflag:$0x1] =	stream.indirect.gather [hbm4b:s6+s11], $0x40, s4, s11, $0xb8;
	[tilespmem:$0x1B700] =	vst v63  }
0x39: {  	s10 =	simm.s32 $0x32C0;
	s13 =	simm.s32 $0xD700;
	s14 =	simm.s32 $0x3300  }
0x3a: {  	[tilespmem:s13], [sflag:$0x1] =	stream.indirect.gather [hbm4b:s6+s11], $0x40, s10, s11, $0xb8;
	[tilespmem:$0x1B700] =	vst v63  }
0x3b: {  	s15 =	simm.s32 $0xE700;
	s30 =	simm.s32 $0x2040;
	s16 =	simm.s32 $0xA  }
0x3c: {  	[tilespmem:s15], [sflag:$0x1] =	stream.indirect.gather [hbm4b:s6+s11], $0x40, s14, s11, $0xb8;
	[tilespmem:$0x1B700] =	vst v63  }
0x3d: {  	s1 =	simm.s32 $0x3040;
	s17 =	simm.s32 $0x5700;
	_ =	swait.ge [sflag:s16], $0x140  }
0x3e: {  	s19 =	simm.s32 $0x3380;
	s21 =	simm.s32 $0x33C0;
	[sflag:s16] =	ssyncset.done $0x0  }
0x3f: {  	s22 =	simm.s32 $0x10700;
	s23 =	simm.s32 $0x3400;
	[sflag:s16] =	ssyncadd.s32 $0xFFFFFEC0  }
0x40: {  	[tilespmem:s17], [sflag:$0x2] =	stream.indirect.gather [hbm4b:s28+s11], $0x80, s20, s11, $0xb8;
	[tilespmem:$0x1B700] =	vst v63  }
0x41: {  	s24 =	simm.s32 $0x11700;
	s25 =	simm.s32 $0x3440;
	s20 =	simm.s32 $0xF700  }
0x42: {  	[tilespmem:s20], [sflag:$0x2] =	stream.indirect.gather [hbm4b:s6+s11], $0x40, s19, s11, $0xb8;
	[tilespmem:$0x1B700] =	vst v63  }
0x43: {  	s26 =	simm.s32 $0x12700;
	s29 =	simm.s32 $0x1040;
	s8 =	simm.s32 $0x80  }
0x44: {  	[tilespmem:s22], [sflag:$0x2] =	stream.indirect.gather [hbm4b:s6+s11], $0x40, s21, s11, $0xb8;
	[tilespmem:$0x1B700] =	vst v63  }
0x45: {  	s4 =	simm.s32 $0x0;
	s13 =	simm.s32 $0xC0;
	s14 =	simm.s32 $0x40  }
0x46: {  	[tilespmem:s24], [sflag:$0x2] =	stream.indirect.gather [hbm4b:s6+s11], $0x40, s23, s11, $0xb8;
	[tilespmem:$0x1B700] =	vst v63  }
0x47: {  	[dreg:$0x10] =	wrdreg s29;
	s16 =	simm.s32 $0x0;
	s24 =	simm.s32 $0x0  }
0x48: {  	[tilespmem:s26], [sflag:$0x2] =	stream.indirect.gather [hbm4b:s6+s11], $0x40, s25, s11, $0xb8;
	[tilespmem:$0x1B700] =	vst v63  }
.LBB2_2:
0x49: {  	_ =	swait.ge [sflag:s9], $0x2000  }
0x4a: {  	[sflag:s9] =	ssyncset.done $0x0  }
0x4b: {  	[sflag:s9] =	ssyncadd.s32 $0xFFFFE000  }
0x4c: {  	_ =	swait.ge [sflag:s9], $0x1000  }
0x4d: {  	[sflag:s9] =	ssyncset.done $0x0  }
0x4e: {  	[sflag:s9] =	ssyncadd.s32 $0xFFFFF000  }
0x4f: {  	_ =	swait.ge [sflag:s9], $0x1000  }
0x50: {  	[sflag:s9] =	ssyncset.done $0x0  }
0x51: {  	[sflag:s9] =	ssyncadd.s32 $0xFFFFF000  }
0x52: {  	_ =	swait.ge [sflag:s9], $0x1000  }
0x53: {  	[sflag:s9] =	ssyncset.done $0x0  }
0x54: {  	[sflag:s9] =	ssyncadd.s32 $0xFFFFF000  }
0x55: {  	_ =	swait.ge [sflag:s9], $0x1000  }
0x56: {  	s2 =	smulhi.u32 $0x51EB851F, s24;
	[sflag:s9] =	ssyncset.done $0x0  }
0x57: {  	s17 =	simm.s32 $0xD700;
	[sflag:s9] =	ssyncadd.s32 $0xFFFFF000  }
0x58: {  	s2 =	sshrl.u32 s2, $0x6;
	v0 =	vld [tilespmem:s17+$0xFFFFF000]  }
0x59: {  	s3 =	smul.u32 $0xC8, s2;
	v1 =	vld [tilespmem:s17+$0xFFFFE000]  }
0x5a: {  	s2 =	smul.u32 $0x3200, s2  }
0x5b: {  	v2 =	vld [tilespmem:s17+$0x0]  }
0x5c: {  	s10 =	ssub.s32 s24, s3;
	s19 =	ssub.s32 s4, s2  }
0x5d: {  	p0 =	sgt.u32 s10, $0xC7;
	s3 =	sadd.s32 $0xFFFFCE00, s19;
	s2 =	smov.u32 s19;
	v3 =	vld [tilespmem:s17+$0x1000]  }
0x5e: {  	s2 =	smov.u32 @p0 s3;
	v4 =	vshll.u32 v0, $0x10;
	v5 =	vshll.u32 v1, $0x10  }
0x5f: {  	v6 =	vld [tilespmem:s2+$0x0];
	v0 =	vand.u32 $0xFFFF0000, v0;
	v1 =	vand.u32 $0xFFFF0000, v1;
	v4 =	vadd.f32 v4, v5  }
0x60: {  	v0 =	vadd.f32 v0, v1;
	v1 =	vshll.u32 v2, $0x10  }
0x61: {  	v2 =	vand.u32 $0xFFFF0000, v2;
	v1 =	vadd.f32 v1, v4  }
0x62: {  	v4 =	vshll.u32 v3, $0x10;
	v0 =	vadd.f32 v2, v0  }
0x63: {  	v2 =	vand.u32 $0xFFFF0000, v3;
	v1 =	vadd.f32 v4, v1  }
0x64: {  	v3 =	vshll.u32 v6, $0x10;
	v0 =	vadd.f32 v2, v0  }
0x65: {  	v2 =	vand.u32 $0xFFFF0000, v6;
	v1 =	vadd.f32 v3, v1  }
0x66: {  	s23 =	simm.s32 $0x0;
	v0 =	vadd.f32 v2, v0  }
0x67: {  	[tilespmem:s23+$0x3700] =	vst.add.f32.msk $0xffff, v1  }
0x68: {  	[tilespmem:s23+$0x3710] =	vst.add.f32.msk $0xffff, v0  }
0x69: {  	v0 =	vld [tilespmem:s17+$0xFFFFE010]  }
0x6a: {  	v1 =	vld [tilespmem:s17+$0xFFFFF010];
	_ =	sdelay $0x1  }
0x6b: {  	v2 =	vld [tilespmem:s17+$0x10];
	_ =	sdelay $0x1  }
0x6c: {  	v3 =	vld [tilespmem:s17+$0x1010]  }
0x6d: {  	v4 =	vshll.u32 v0, $0x10;
	v5 =	vshll.u32 v1, $0x10  }
0x6e: {  	v0 =	vand.u32 $0xFFFF0000, v0;
	v1 =	vand.u32 $0xFFFF0000, v1;
	v4 =	vadd.f32 v5, v4;
	v5 =	vld [tilespmem:s2+$0x10]  }
0x6f: {  	v0 =	vadd.f32 v1, v0;
	v1 =	vshll.u32 v2, $0x10  }
0x70: {  	v2 =	vand.u32 $0xFFFF0000, v2;
	v1 =	vadd.f32 v1, v4  }
0x71: {  	v0 =	vadd.f32 v2, v0;
	v2 =	vshll.u32 v3, $0x10  }
0x72: {  	v3 =	vand.u32 $0xFFFF0000, v3;
	v1 =	vadd.f32 v2, v1  }
0x73: {  	v0 =	vadd.f32 v3, v0;
	v2 =	vshll.u32 v5, $0x10  }
0x74: {  	v3 =	vand.u32 $0xFFFF0000, v5;
	v1 =	vadd.f32 v2, v1  }
0x75: {  	v0 =	vadd.f32 v3, v0  }
0x76: {  	[tilespmem:s23+$0x3720] =	vst.add.f32.msk $0xffff, v1  }
0x77: {  	[tilespmem:s23+$0x3730] =	vst.add.f32.msk $0xffff, v0  }
0x78: {  	v0 =	vld [tilespmem:s17+$0xFFFFE020]  }
0x79: {  	v1 =	vld [tilespmem:s17+$0xFFFFF020];
	_ =	sdelay $0x1  }
0x7a: {  	v2 =	vld [tilespmem:s17+$0x20];
	_ =	sdelay $0x1  }
0x7b: {  	v3 =	vld [tilespmem:s17+$0x1020]  }
0x7c: {  	v4 =	vshll.u32 v0, $0x10;
	v5 =	vshll.u32 v1, $0x10  }
0x7d: {  	v0 =	vand.u32 $0xFFFF0000, v0;
	v1 =	vand.u32 $0xFFFF0000, v1;
	v4 =	vadd.f32 v5, v4;
	v5 =	vld [tilespmem:s2+$0x20]  }
0x7e: {  	v0 =	vadd.f32 v1, v0;
	v1 =	vshll.u32 v2, $0x10  }
0x7f: {  	v2 =	vand.u32 $0xFFFF0000, v2;
	v1 =	vadd.f32 v1, v4  }
0x80: {  	v0 =	vadd.f32 v2, v0;
	v2 =	vshll.u32 v3, $0x10  }
0x81: {  	v3 =	vand.u32 $0xFFFF0000, v3;
	v1 =	vadd.f32 v2, v1  }
0x82: {  	v0 =	vadd.f32 v3, v0;
	v2 =	vshll.u32 v5, $0x10  }
0x83: {  	v3 =	vand.u32 $0xFFFF0000, v5;
	v1 =	vadd.f32 v2, v1  }
0x84: {  	v0 =	vadd.f32 v3, v0  }
0x85: {  	[tilespmem:s23+$0x3740] =	vst.add.f32.msk $0xffff, v1  }
0x86: {  	[tilespmem:s23+$0x3750] =	vst.add.f32.msk $0xffff, v0  }
0x87: {  	v0 =	vld [tilespmem:s17+$0xFFFFE030]  }
0x88: {  	v1 =	vld [tilespmem:s17+$0xFFFFF030];
	_ =	sdelay $0x1  }
0x89: {  	v2 =	vld [tilespmem:s17+$0x30];
	_ =	sdelay $0x1  }
0x8a: {  	v3 =	vld [tilespmem:s17+$0x1030]  }
0x8b: {  	v4 =	vshll.u32 v0, $0x10;
	v5 =	vshll.u32 v1, $0x10  }
0x8c: {  	v6 =	vld [tilespmem:s2+$0x30];
	v0 =	vand.u32 $0xFFFF0000, v0;
	v1 =	vand.u32 $0xFFFF0000, v1;
	v4 =	vadd.f32 v5, v4  }
0x8d: {  	v0 =	vadd.f32 v1, v0;
	v1 =	vshll.u32 v2, $0x10  }
0x8e: {  	v2 =	vand.u32 $0xFFFF0000, v2;
	v1 =	vadd.f32 v1, v4  }
0x8f: {  	v0 =	vadd.f32 v2, v0;
	v2 =	vshll.u32 v3, $0x10  }
0x90: {  	v3 =	vand.u32 $0xFFFF0000, v3;
	v1 =	vadd.f32 v2, v1  }
0x91: {  	v0 =	vadd.f32 v3, v0;
	v2 =	vshll.u32 v6, $0x10  }
0x92: {  	v3 =	vand.u32 $0xFFFF0000, v6;
	v1 =	vadd.f32 v2, v1  }
0x93: {  	v0 =	vadd.f32 v3, v0  }
0x94: {  	[tilespmem:s23+$0x3760] =	vst.add.f32.msk $0xffff, v1  }
0x95: {  	[tilespmem:s23+$0x3770] =	vst.add.f32.msk $0xffff, v0  }
0x96: {  	v0 =	vld [tilespmem:s17+$0xFFFFE040]  }
0x97: {  	v1 =	vld [tilespmem:s17+$0xFFFFF040];
	_ =	sdelay $0x1  }
0x98: {  	s20 =	sadd.s32 $0x1, s10;
	v2 =	vld [tilespmem:s17+$0x40]  }
0x99: {  	p0 =	sgt.u32 s20, $0xC7;
	s2 =	simm.s32 $0xFFFFCE40  }
0x9a: {  	s2 =	simm.s32 @!p0 $0x40;
	v3 =	vld [tilespmem:s17+$0x1040]  }
0x9b: {  	[dreg:$0x14] =	wrdreg s4;
	s4 =	sadd.s32 s2, s19;
	v4 =	vshll.u32 v0, $0x10;
	v5 =	vshll.u32 v1, $0x10  }
0x9c: {  	v0 =	vand.u32 $0xFFFF0000, v0;
	v1 =	vand.u32 $0xFFFF0000, v1;
	v4 =	vadd.f32 v5, v4;
	v5 =	vld [tilespmem:s4+$0x0]  }
0x9d: {  	v0 =	vadd.f32 v1, v0;
	v1 =	vshll.u32 v2, $0x10  }
0x9e: {  	v2 =	vand.u32 $0xFFFF0000, v2;
	v1 =	vadd.f32 v1, v4  }
0x9f: {  	v0 =	vadd.f32 v2, v0;
	v2 =	vshll.u32 v3, $0x10  }
0xa0: {  	v3 =	vand.u32 $0xFFFF0000, v3;
	v1 =	vadd.f32 v2, v1  }
0xa1: {  	v0 =	vadd.f32 v3, v0;
	v2 =	vshll.u32 v5, $0x10  }
0xa2: {  	v3 =	vand.u32 $0xFFFF0000, v5;
	v1 =	vadd.f32 v2, v1  }
0xa3: {  	v0 =	vadd.f32 v3, v0  }
0xa4: {  	[tilespmem:s23+$0x3780] =	vst.add.f32.msk $0xffff, v1  }
0xa5: {  	[tilespmem:s23+$0x3790] =	vst.add.f32.msk $0xffff, v0  }
0xa6: {  	v0 =	vld [tilespmem:s17+$0xFFFFE050]  }
0xa7: {  	v1 =	vld [tilespmem:s17+$0xFFFFF050];
	_ =	sdelay $0x1  }
0xa8: {  	v2 =	vld [tilespmem:s17+$0x50];
	_ =	sdelay $0x1  }
0xa9: {  	v3 =	vld [tilespmem:s17+$0x1050]  }
0xaa: {  	v4 =	vshll.u32 v0, $0x10;
	v5 =	vshll.u32 v1, $0x10  }
0xab: {  	v6 =	vld [tilespmem:s4+$0x10];
	v0 =	vand.u32 $0xFFFF0000, v0;
	v1 =	vand.u32 $0xFFFF0000, v1;
	v4 =	vadd.f32 v5, v4  }
0xac: {  	v0 =	vadd.f32 v1, v0;
	v1 =	vshll.u32 v2, $0x10  }
0xad: {  	v2 =	vand.u32 $0xFFFF0000, v2;
	v1 =	vadd.f32 v1, v4  }
0xae: {  	v0 =	vadd.f32 v2, v0;
	v2 =	vshll.u32 v3, $0x10  }
0xaf: {  	v3 =	vand.u32 $0xFFFF0000, v3;
	v1 =	vadd.f32 v2, v1  }
0xb0: {  	v0 =	vadd.f32 v3, v0;
	v2 =	vshll.u32 v6, $0x10  }
0xb1: {  	v3 =	vand.u32 $0xFFFF0000, v6;
	v1 =	vadd.f32 v2, v1  }
0xb2: {  	v0 =	vadd.f32 v3, v0  }
0xb3: {  	[tilespmem:s23+$0x37A0] =	vst.add.f32.msk $0xffff, v1  }
0xb4: {  	s26 =	smulhi.u32 $0x51EB851F, s14;
	[tilespmem:s23+$0x37B0] =	vst.add.f32.msk $0xffff, v0  }
0xb5: {  	s25 =	smulhi.u32 $0x51EB851F, s8;
	v0 =	vld [tilespmem:s17+$0xFFFFE060]  }
0xb6: {  	s21 =	smulhi.u32 $0x51EB851F, s13;
	s15 =	sshrl.u32 s26, $0x6;
	v3 =	vld [tilespmem:s17+$0xFFFFF060]  }
0xb7: {  	s29 =	sshrl.u32 s25, $0x6;
	s25 =	smul.u32 $0xFFFFCE00, s15;
	v2 =	vld [tilespmem:s17+$0x60]  }
0xb8: {  	s20 =	smul.u32 $0xC8, s15;
	s15 =	sshll.u32 s16, $0x8;
	[dreg:$0x12] =	wrdreg s13  }
0xb9: {  	[dreg:$0x11] =	wrdreg s8;
	s8 =	smul.u32 $0xC8, s29;
	s2 =	sshrl.u32 s21, $0x6  }
0xba: {  	s3 =	simm.s32 $0xD700;
	[dreg:$0x13] =	wrdreg s14;
	s22 =	smul.u32 $0xC8, s2;
	v1 =	vld [tilespmem:s17+$0x1060];
	v4 =	vshll.u32 v0, $0x10  }
0xbb: {  	s26 =	ssub.s32 s24, s8;
	s8 =	ssub.s32 s24, s20;
	s13 =	smul.u32 $0xFFFFCE00, s2;
	v5 =	vand.u32 $0xFFFF0000, v0;
	v6 =	vshll.u32 v3, $0x10;
	v7 =	vand.u32 $0xFFFF0000, v3  }
0xbc: {  	s2 =	simm.s32 $0x400;
	s14 =	ssub.s32 s24, s22;
	s22 =	smul.u32 $0xFFFFCE00, s29;
	v0 =	vld [tilespmem:s4+$0x20];
	v3 =	vadd.f32 v6, v4;
	v4 =	vadd.f32 v7, v5;
	v5 =	vshll.u32 v2, $0x10  }
.LBB2_3:
0xbd: {  	v2 =	vand.u32 $0xFFFF0000, v2;
	s10 =	sadd.s32 $0x2, s10;
	s19 =	sadd.s32 $0x80, s19;
	s17 =	sadd.s32 $0x80, s17  }
0xbe: {  	p0 =	sne.s32 s2, $0x7C00;
	s20 =	smov.u32 s2;
	s2 =	sadd.s32 $0x400, s2;
	v3 =	vadd.f32 v5, v3;
	v2 =	vadd.f32 v2, v4  }
0xbf: {  	v4 =	vshll.u32 v1, $0x10;
	v1 =	vand.u32 $0xFFFF0000, v1  }
0xc0: {  	v3 =	vadd.f32 v4, v3;
	v1 =	vadd.f32 v1, v2  }
0xc1: {  	v2 =	vshll.u32 v0, $0x10;
	v0 =	vand.u32 $0xFFFF0000, v0  }
0xc2: {  	v2 =	vadd.f32 v2, v3;
	v0 =	vadd.f32 v0, v1;
	_ =	sdelay $0x1  }
0xc3: {  	[tilespmem:s23+$0x37C0] =	vst.add.f32.msk $0xffff, v2  }
0xc4: {  	[tilespmem:s23+$0x37D0] =	vst.add.f32.msk $0xffff, v0  }
0xc5: {  	v0 =	vld [tilespmem:s3+$0xFFFFE070]  }
0xc6: {  	v1 =	vld [tilespmem:s3+$0xFFFFF070]  }
0xc7: {  	v2 =	vld [tilespmem:s3+$0x70]  }
0xc8: {  	v3 =	vld [tilespmem:s3+$0x1070];
	s3 =	smov.u32 s17  }
0xc9: {  	v4 =	vld [tilespmem:s4+$0x30]  }
0xca: {  	v5 =	vshll.u32 v0, $0x10  }
0xcb: {  	v0 =	vand.u32 $0xFFFF0000, v0;
	v6 =	vshll.u32 v1, $0x10;
	v1 =	vand.u32 $0xFFFF0000, v1  }
0xcc: {  	v5 =	vadd.f32 v6, v5;
	v6 =	vshll.u32 v2, $0x10;
	v2 =	vand.u32 $0xFFFF0000, v2  }
0xcd: {  	v0 =	vadd.f32 v1, v0;
	v1 =	vshll.u32 v3, $0x10;
	v3 =	vand.u32 $0xFFFF0000, v3  }
0xce: {  	v5 =	vadd.f32 v6, v5  }
0xcf: {  	v0 =	vadd.f32 v2, v0;
	v2 =	vshll.u32 v4, $0x10;
	v4 =	vand.u32 $0xFFFF0000, v4  }
0xd0: {  	v1 =	vadd.f32 v1, v5  }
0xd1: {  	v0 =	vadd.f32 v3, v0  }
0xd2: {  	v1 =	vadd.f32 v2, v1  }
0xd3: {  	v0 =	vadd.f32 v4, v0  }
0xd4: {  	[tilespmem:s23+$0x37E0] =	vst.add.f32.msk $0xffff, v1  }
0xd5: {  	[tilespmem:s23+$0x37F0] =	vst.add.f32.msk $0xffff, v0  }
0xd6: {  	v0 =	vld [tilespmem:s17+$0xFFFFF000]  }
0xd7: {  	v1 =	vld [tilespmem:s17+$0xFFFFE000]  }
0xd8: {  	v2 =	vld [tilespmem:s17+$0x0];
	_ =	sdelay $0x1  }
0xd9: {  	p1 =	sgt.u32 s10, $0xC7;
	s21 =	sadd.s32 $0xFFFFCE00, s19;
	s4 =	smov.u32 s19;
	v3 =	vld [tilespmem:s17+$0x1000]  }
0xda: {  	s4 =	smov.u32 @p1 s21;
	v4 =	vshll.u32 v0, $0x10;
	v0 =	vand.u32 $0xFFFF0000, v0  }
0xdb: {  	v5 =	vshll.u32 v1, $0x10;
	v1 =	vand.u32 $0xFFFF0000, v1;
	v6 =	vld [tilespmem:s4+$0x0]  }
0xdc: {  	v4 =	vadd.f32 v4, v5;
	v0 =	vadd.f32 v0, v1;
	v1 =	vand.u32 $0xFFFF0000, v2  }
0xdd: {  	v2 =	vshll.u32 v2, $0x10  }
0xde: {  	v2 =	vadd.f32 v2, v4;
	v4 =	vshll.u32 v3, $0x10;
	v3 =	vand.u32 $0xFFFF0000, v3  }
0xdf: {  	v0 =	vadd.f32 v1, v0  }
0xe0: {  	v1 =	vadd.f32 v4, v2;
	v2 =	vshll.u32 v6, $0x10;
	v4 =	vand.u32 $0xFFFF0000, v6  }
0xe1: {  	v0 =	vadd.f32 v3, v0  }
0xe2: {  	v1 =	vadd.f32 v2, v1  }
0xe3: {  	s23 =	sshra.s32 s20, $0x2;
	v0 =	vadd.f32 v4, v0  }
0xe4: {  	[tilespmem:s23+$0x3700] =	vst.add.f32.msk $0xffff, v1  }
0xe5: {  	[tilespmem:s23+$0x3710] =	vst.add.f32.msk $0xffff, v0  }
0xe6: {  	v0 =	vld [tilespmem:s17+$0xFFFFE010]  }
0xe7: {  	v1 =	vld [tilespmem:s17+$0xFFFFF010];
	_ =	sdelay $0x1  }
0xe8: {  	v2 =	vld [tilespmem:s17+$0x10];
	_ =	sdelay $0x1  }
0xe9: {  	v3 =	vand.u32 $0xFFFF0000, v0;
	v4 =	vld [tilespmem:s17+$0x1010]  }
0xea: {  	v0 =	vshll.u32 v0, $0x10;
	v5 =	vshll.u32 v1, $0x10;
	v1 =	vand.u32 $0xFFFF0000, v1  }
0xeb: {  	v0 =	vadd.f32 v5, v0;
	v1 =	vadd.f32 v1, v3;
	v3 =	vld [tilespmem:s4+$0x10]  }
0xec: {  	v5 =	vshll.u32 v2, $0x10;
	v2 =	vand.u32 $0xFFFF0000, v2  }
0xed: {  	v0 =	vadd.f32 v5, v0;
	v1 =	vadd.f32 v2, v1  }
0xee: {  	v2 =	vshll.u32 v4, $0x10;
	v4 =	vand.u32 $0xFFFF0000, v4  }
0xef: {  	v0 =	vadd.f32 v2, v0;
	v1 =	vadd.f32 v4, v1  }
0xf0: {  	v2 =	vshll.u32 v3, $0x10;
	v3 =	vand.u32 $0xFFFF0000, v3  }
0xf1: {  	v0 =	vadd.f32 v2, v0;
	v1 =	vadd.f32 v3, v1;
	_ =	sdelay $0x1  }
0xf2: {  	[tilespmem:s23+$0x3720] =	vst.add.f32.msk $0xffff, v0  }
0xf3: {  	[tilespmem:s23+$0x3730] =	vst.add.f32.msk $0xffff, v1  }
0xf4: {  	v0 =	vld [tilespmem:s17+$0xFFFFE020]  }
0xf5: {  	v1 =	vld [tilespmem:s17+$0xFFFFF020];
	_ =	sdelay $0x1  }
0xf6: {  	v2 =	vld [tilespmem:s17+$0x20];
	_ =	sdelay $0x1  }
0xf7: {  	v3 =	vand.u32 $0xFFFF0000, v0;
	v4 =	vld [tilespmem:s17+$0x1020]  }
0xf8: {  	v0 =	vshll.u32 v0, $0x10;
	v5 =	vshll.u32 v1, $0x10;
	v1 =	vand.u32 $0xFFFF0000, v1  }
0xf9: {  	v0 =	vadd.f32 v5, v0;
	v1 =	vadd.f32 v1, v3;
	v3 =	vld [tilespmem:s4+$0x20]  }
0xfa: {  	v5 =	vshll.u32 v2, $0x10;
	v2 =	vand.u32 $0xFFFF0000, v2  }
0xfb: {  	v0 =	vadd.f32 v5, v0;
	v1 =	vadd.f32 v2, v1  }
0xfc: {  	v2 =	vshll.u32 v4, $0x10;
	v4 =	vand.u32 $0xFFFF0000, v4  }
0xfd: {  	v0 =	vadd.f32 v2, v0;
	v1 =	vadd.f32 v4, v1  }
0xfe: {  	v2 =	vshll.u32 v3, $0x10;
	v3 =	vand.u32 $0xFFFF0000, v3  }
0xff: {  	v0 =	vadd.f32 v2, v0;
	v1 =	vadd.f32 v3, v1;
	_ =	sdelay $0x1  }
0x100: {  	[tilespmem:s23+$0x3740] =	vst.add.f32.msk $0xffff, v0  }
0x101: {  	[tilespmem:s23+$0x3750] =	vst.add.f32.msk $0xffff, v1  }
0x102: {  	v0 =	vld [tilespmem:s17+$0xFFFFE030]  }
0x103: {  	v1 =	vld [tilespmem:s17+$0xFFFFF030]  }
0x104: {  	v2 =	vld [tilespmem:s17+$0x30]  }
0x105: {  	v3 =	vld [tilespmem:s17+$0x1030]  }
0x106: {  	v4 =	vld [tilespmem:s4+$0x30]  }
0x107: {  	v5 =	vshll.u32 v0, $0x10  }
0x108: {  	v0 =	vand.u32 $0xFFFF0000, v0;
	v6 =	vshll.u32 v1, $0x10;
	v1 =	vand.u32 $0xFFFF0000, v1  }
0x109: {  	v5 =	vadd.f32 v6, v5;
	v0 =	vadd.f32 v1, v0  }
0x10a: {  	v1 =	vshll.u32 v2, $0x10;
	v2 =	vand.u32 $0xFFFF0000, v2  }
0x10b: {  	v1 =	vadd.f32 v1, v5;
	v0 =	vadd.f32 v2, v0  }
0x10c: {  	v2 =	vshll.u32 v3, $0x10;
	v3 =	vand.u32 $0xFFFF0000, v3  }
0x10d: {  	v1 =	vadd.f32 v2, v1;
	v0 =	vadd.f32 v3, v0  }
0x10e: {  	v2 =	vshll.u32 v4, $0x10;
	v3 =	vand.u32 $0xFFFF0000, v4  }
0x10f: {  	v1 =	vadd.f32 v2, v1;
	v0 =	vadd.f32 v3, v0;
	_ =	sdelay $0x1  }
0x110: {  	[tilespmem:s23+$0x3760] =	vst.add.f32.msk $0xffff, v1  }
0x111: {  	[tilespmem:s23+$0x3770] =	vst.add.f32.msk $0xffff, v0  }
0x112: {  	v0 =	vld [tilespmem:s17+$0xFFFFE040]  }
0x113: {  	v1 =	vld [tilespmem:s17+$0xFFFFF040]  }
0x114: {  	v2 =	vld [tilespmem:s17+$0x40]  }
0x115: {  	s4 =	sadd.s32 $0x1, s10;
	v3 =	vld [tilespmem:s17+$0x1040]  }
0x116: {  	p1 =	sgt.u32 s4, $0xC7;
	s4 =	simm.s32 $0xFFFFCE40  }
0x117: {  	s4 =	simm.s32 @!p1 $0x40;
	v4 =	vshll.u32 v0, $0x10  }
0x118: {  	s4 =	sadd.s32 s4, s19;
	v0 =	vand.u32 $0xFFFF0000, v0;
	v5 =	vshll.u32 v1, $0x10;
	v1 =	vand.u32 $0xFFFF0000, v1  }
0x119: {  	v4 =	vadd.f32 v5, v4;
	v0 =	vadd.f32 v1, v0;
	v1 =	vld [tilespmem:s4+$0x0]  }
0x11a: {  	v5 =	vshll.u32 v2, $0x10;
	v2 =	vand.u32 $0xFFFF0000, v2  }
0x11b: {  	v4 =	vadd.f32 v5, v4;
	v0 =	vadd.f32 v2, v0  }
0x11c: {  	v2 =	vshll.u32 v3, $0x10;
	v3 =	vand.u32 $0xFFFF0000, v3  }
0x11d: {  	v2 =	vadd.f32 v2, v4;
	v0 =	vadd.f32 v3, v0  }
0x11e: {  	v3 =	vshll.u32 v1, $0x10;
	v1 =	vand.u32 $0xFFFF0000, v1  }
0x11f: {  	v2 =	vadd.f32 v3, v2;
	v0 =	vadd.f32 v1, v0;
	_ =	sdelay $0x1  }
0x120: {  	[tilespmem:s23+$0x3780] =	vst.add.f32.msk $0xffff, v2  }
0x121: {  	[tilespmem:s23+$0x3790] =	vst.add.f32.msk $0xffff, v0  }
0x122: {  	v0 =	vld [tilespmem:s17+$0xFFFFE050]  }
0x123: {  	v1 =	vld [tilespmem:s17+$0xFFFFF050]  }
0x124: {  	v2 =	vld [tilespmem:s17+$0x50]  }
0x125: {  	v3 =	vld [tilespmem:s17+$0x1050]  }
0x126: {  	v4 =	vld [tilespmem:s4+$0x10]  }
0x127: {  	v5 =	vand.u32 $0xFFFF0000, v0  }
0x128: {  	v0 =	vshll.u32 v0, $0x10;
	v6 =	vshll.u32 v1, $0x10;
	v1 =	vand.u32 $0xFFFF0000, v1  }
0x129: {  	v0 =	vadd.f32 v6, v0;
	v1 =	vadd.f32 v1, v5  }
0x12a: {  	v5 =	vshll.u32 v2, $0x10;
	v2 =	vand.u32 $0xFFFF0000, v2  }
0x12b: {  	v0 =	vadd.f32 v5, v0;
	v1 =	vadd.f32 v2, v1  }
0x12c: {  	v2 =	vshll.u32 v3, $0x10;
	v3 =	vand.u32 $0xFFFF0000, v3  }
0x12d: {  	v0 =	vadd.f32 v2, v0;
	v1 =	vadd.f32 v3, v1  }
0x12e: {  	v2 =	vshll.u32 v4, $0x10;
	v3 =	vand.u32 $0xFFFF0000, v4  }
0x12f: {  	v0 =	vadd.f32 v2, v0;
	v1 =	vadd.f32 v3, v1;
	_ =	sdelay $0x1  }
0x130: {  	[tilespmem:s23+$0x37A0] =	vst.add.f32.msk $0xffff, v0  }
0x131: {  	[tilespmem:s23+$0x37B0] =	vst.add.f32.msk $0xffff, v1  }
0x132: {  	v3 =	vld [tilespmem:s17+$0xFFFFE060]  }
0x133: {  	v4 =	vld [tilespmem:s17+$0xFFFFF060]  }
0x134: {  	v2 =	vld [tilespmem:s17+$0x60]  }
.Ltmp2:
0x135: {  	v1 =	vld [tilespmem:s17+$0x1060];
	(pc) =	sbr.rel @p0 .LBB2_3-.Ltmp2, $4  }
0x136: {  	v0 =	vld [tilespmem:s4+$0x20]  }
0x137: {  	v5 =	vshll.u32 v3, $0x10  }
0x138: {  	v6 =	vand.u32 $0xFFFF0000, v3;
	v3 =	vshll.u32 v4, $0x10;
	v4 =	vand.u32 $0xFFFF0000, v4  }
0x139: {  	v3 =	vadd.f32 v3, v5;
	v4 =	vadd.f32 v4, v6;
	v5 =	vshll.u32 v2, $0x10  }
0x13a: {  	_ = 	snop  }
0x13b: {  	v2 =	vand.u32 $0xFFFF0000, v2;
	v3 =	vadd.f32 v5, v3  }
0x13c: {  	v35 =	vshll.u32 v1, $0x10;
	v2 =	vadd.f32 v2, v4  }
0x13d: {  	v1 =	vand.u32 $0xFFFF0000, v1;
	v3 =	vadd.f32 v35, v3  }
0x13e: {  	v1 =	vadd.f32 v1, v2;
	v2 =	vshll.u32 v0, $0x10  }
0x13f: {  	v0 =	vand.u32 $0xFFFF0000, v0;
	v2 =	vadd.f32 v2, v3  }
0x140: {  	v0 =	vadd.f32 v0, v1  }
0x141: {  	[tilespmem:s23+$0x37C0] =	vst.add.f32.msk $0xffff, v2  }
0x142: {  	[tilespmem:s23+$0x37D0] =	vst.add.f32.msk $0xffff, v0  }
0x143: {  	v0 =	vld [tilespmem:s3+$0xFFFFE070]  }
0x144: {  	v1 =	vld [tilespmem:s3+$0xFFFFF070];
	_ =	sdelay $0x1  }
0x145: {  	v2 =	vld [tilespmem:s3+$0x70];
	_ =	sdelay $0x1  }
0x146: {  	v3 =	vld [tilespmem:s3+$0x1070]  }
0x147: {  	v36 =	vshll.u32 v0, $0x10;
	v37 =	vshll.u32 v1, $0x10  }
0x148: {  	v6 =	vld [tilespmem:s4+$0x30];
	v0 =	vand.u32 $0xFFFF0000, v0;
	v1 =	vand.u32 $0xFFFF0000, v1;
	v4 =	vadd.f32 v37, v36  }
0x149: {  	v38 =	vshll.u32 v2, $0x10;
	v0 =	vadd.f32 v1, v0  }
0x14a: {  	v1 =	vand.u32 $0xFFFF0000, v2;
	v2 =	vadd.f32 v38, v4  }
0x14b: {  	v39 =	vshll.u32 v3, $0x10;
	v0 =	vadd.f32 v1, v0  }
0x14c: {  	v1 =	vand.u32 $0xFFFF0000, v3;
	v2 =	vadd.f32 v39, v2  }
0x14d: {  	v3 =	vshll.u32 v6, $0x10;
	v0 =	vadd.f32 v1, v0  }
0x14e: {  	v1 =	vand.u32 $0xFFFF0000, v6;
	v2 =	vadd.f32 v3, v2  }
0x14f: {  	s2 =	sadd.s32 s12, s15;
	v0 =	vadd.f32 v1, v0  }
0x150: {  	s2 =	sshll.u32 s2, $0x4;
	[tilespmem:s23+$0x37E0] =	vst.add.f32.msk $0xffff, v2  }
0x151: {  	s17 =	simm.s32 $0x3700;
	p1 =	seq.s32 s16, $0x0;
	s2 =	sadd.s32 s31, s2;
	[tilespmem:s23+$0x37F0] =	vst.add.f32.msk $0xffff, v0  }
0x152: {  	[hbm4b:s2+s5] =	stream.linear.scatter [tilespmem:s17], [sflag:$0x5], $0x2000, $0x38;
	[tilespmem:$0x1B700] =	vst v63  }
0x153: {  	s2 =	simm.s32 @!p1 $0x7  }
0x154: {  	_ =	swait.ge @!p1 [sflag:s2], $0x2000  }
0x155: {  	[sflag:s2] =	ssyncset.done @!p1 $0x0  }
0x156: {  	s19 =	simm.s32 $0xB;
	[sflag:s2] =	ssyncadd.s32 @!p1 $0xFFFFE000  }
0x157: {  	_ =	swait.ge [sflag:s19], $0x140  }
0x158: {  	s29 =	smov.u32 s12;
	[sflag:s19] =	ssyncset.done $0x0  }
0x159: {  	s20 =	simm.s32 $0x3480;
	s21 =	simm.s32 $0x7700;
	[sflag:s19] =	ssyncadd.s32 $0xFFFFFEC0  }
0x15a: {  	[tilespmem:s21], [sflag:$0x3] =	stream.indirect.gather [hbm4b:s28+s11], $0x80, s20, s11, $0xb8;
	[tilespmem:$0x1B700] =	vst v63  }
0x15b: {  	s12 =	smov.u32 s31;
	s31 =	simm.s32 $0x13700;
	s23 =	simm.s32 $0x34C0  }
0x15c: {  	[tilespmem:s31], [sflag:$0x3] =	stream.indirect.gather [hbm4b:s6+s11], $0x40, s23, s11, $0xb8;
	[tilespmem:$0x1B700] =	vst v63  }
0x15d: {  	s10 =	simm.s32 $0x14700;
	p0 =	seq.s32 s16, $0x18;
	s4 =	simm.s32 $0x3500  }
0x15e: {  	[tilespmem:s10], [sflag:$0x3] =	stream.indirect.gather [hbm4b:s6+s11], $0x40, s4, s11, $0xb8;
	[tilespmem:$0x1B700] =	vst v63  }
0x15f: {  	s17 =	simm.s32 $0x3540;
	s2 =	rddreg [dreg:$0xa];
	s19 =	simm.s32 $0x15700  }
0x160: {  	[tilespmem:s19], [sflag:$0x3] =	stream.indirect.gather [hbm4b:s6+s11], $0x40, s17, s11, $0xb8;
	[tilespmem:$0x1B700] =	vst v63  }
0x161: {  	s20 =	simm.s32 $0x3580;
	s21 =	simm.s32 $0x16700;
	s17 =	smul.u32 @!p0 $0x500, s16  }
0x162: {  	[tilespmem:s21], [sflag:$0x3] =	stream.indirect.gather [hbm4b:s6+s11], $0x40, s20, s11, $0xb8;
	[tilespmem:$0x1B700] =	vst v63  }
0x163: {  	s2 =	sadd.s32 @!p0 s17, s2  }
0x164: {  	s3 =	rddreg [dreg:$0x4];
	s2 =	sshrl.u32 @!p0 s2, $0x3  }
0x165: {  	s4 =	simm.s32 @!p0 $0x3200;
	s2 =	sadd.s32 @!p0 s3, s2;
	s3 =	simm.s32 @!p0 $0x0  }
0x166: {  	[tilespmem:s4], [sflag:$0x9] =	stream.linear.gather @!p0 [hbm4b:s2+s3], $0x140, $0x38;
	[tilespmem:$0x1B700] =	vst v63  }
0x167: {  	_ =	swait.ge [sflag:s0], $0x2000  }
0x168: {  	[sflag:s0] =	ssyncset.done $0x0  }
0x169: {  	[sflag:s0] =	ssyncadd.s32 $0xFFFFE000  }
0x16a: {  	_ =	swait.ge [sflag:s0], $0x1000  }
0x16b: {  	[sflag:s0] =	ssyncset.done $0x0  }
0x16c: {  	[sflag:s0] =	ssyncadd.s32 $0xFFFFF000  }
0x16d: {  	_ =	swait.ge [sflag:s0], $0x1000  }
0x16e: {  	[sflag:s0] =	ssyncset.done $0x0  }
0x16f: {  	[sflag:s0] =	ssyncadd.s32 $0xFFFFF000  }
0x170: {  	_ =	swait.ge [sflag:s0], $0x1000  }
0x171: {  	[sflag:s0] =	ssyncset.done $0x0  }
0x172: {  	[sflag:s0] =	ssyncadd.s32 $0xFFFFF000  }
0x173: {  	_ =	swait.ge [sflag:s0], $0x1000  }
0x174: {  	[sflag:s0] =	ssyncset.done $0x0  }
0x175: {  	s10 =	simm.s32 $0x11700;
	[sflag:s0] =	ssyncadd.s32 $0xFFFFF000  }
0x176: {  	v0 =	vld [tilespmem:s10+$0xFFFFE000]  }
0x177: {  	v1 =	vld [tilespmem:s10+$0xFFFFF000];
	_ =	sdelay $0x1  }
0x178: {  	s5 =	smov.u32 s28;
	s23 =	sadd.s32 $0x40, s8;
	v2 =	vld [tilespmem:s10+$0x0]  }
0x179: {  	p2 =	sgt.u32 s23, $0xC7;
	s2 =	simm.s32 $0xFFFFCDC0;
	s28 =	rddreg [dreg:$0x10]  }
0x17a: {  	s2 =	simm.s32 @!p2 $0xFFFFFFC0;
	s19 =	sadd.s32 s28, s25;
	v3 =	vld [tilespmem:s10+$0x1000]  }
0x17b: {  	s2 =	sadd.s32 s2, s19;
	v40 =	vshll.u32 v0, $0x10;
	v41 =	vshll.u32 v1, $0x10  }
0x17c: {  	v42 =	vld [tilespmem:s2+$0x0];
	v0 =	vand.u32 $0xFFFF0000, v0;
	v1 =	vand.u32 $0xFFFF0000, v1;
	v4 =	vadd.f32 v41, v40  }
0x17d: {  	v43 =	vshll.u32 v2, $0x10;
	v0 =	vadd.f32 v1, v0  }
0x17e: {  	v1 =	vand.u32 $0xFFFF0000, v2;
	v2 =	vadd.f32 v43, v4  }
0x17f: {  	v44 =	vshll.u32 v3, $0x10;
	v0 =	vadd.f32 v1, v0  }
0x180: {  	v1 =	vand.u32 $0xFFFF0000, v3;
	v2 =	vadd.f32 v44, v2  }
0x181: {  	v3 =	vshll.u32 v42, $0x10;
	v0 =	vadd.f32 v1, v0  }
0x182: {  	v1 =	vand.u32 $0xFFFF0000, v42;
	v2 =	vadd.f32 v3, v2  }
0x183: {  	s23 =	simm.s32 $0x0;
	v0 =	vadd.f32 v1, v0  }
0x184: {  	[tilespmem:s23+$0x5700] =	vst.add.f32.msk $0xffff, v2  }
0x185: {  	[tilespmem:s23+$0x5710] =	vst.add.f32.msk $0xffff, v0  }
0x186: {  	v0 =	vld [tilespmem:s10+$0xFFFFF010]  }
0x187: {  	v1 =	vld [tilespmem:s10+$0xFFFFE010];
	_ =	sdelay $0x1  }
0x188: {  	v2 =	vld [tilespmem:s10+$0x10];
	_ =	sdelay $0x1  }
0x189: {  	v3 =	vld [tilespmem:s10+$0x1010]  }
0x18a: {  	v45 =	vshll.u32 v0, $0x10;
	v46 =	vshll.u32 v1, $0x10  }
0x18b: {  	v47 =	vld [tilespmem:s2+$0x10];
	v1 =	vand.u32 $0xFFFF0000, v1;
	v0 =	vand.u32 $0xFFFF0000, v0;
	v4 =	vadd.f32 v45, v46  }
0x18c: {  	v0 =	vadd.f32 v0, v1;
	v1 =	vshll.u32 v2, $0x10  }
0x18d: {  	v2 =	vand.u32 $0xFFFF0000, v2;
	v1 =	vadd.f32 v1, v4  }
0x18e: {  	v0 =	vadd.f32 v2, v0;
	v2 =	vshll.u32 v3, $0x10  }
0x18f: {  	v3 =	vand.u32 $0xFFFF0000, v3;
	v1 =	vadd.f32 v2, v1  }
0x190: {  	v0 =	vadd.f32 v3, v0;
	v2 =	vshll.u32 v47, $0x10  }
0x191: {  	v3 =	vand.u32 $0xFFFF0000, v47;
	v1 =	vadd.f32 v2, v1  }
0x192: {  	v0 =	vadd.f32 v3, v0  }
0x193: {  	[tilespmem:s23+$0x5720] =	vst.add.f32.msk $0xffff, v1  }
0x194: {  	[tilespmem:s23+$0x5730] =	vst.add.f32.msk $0xffff, v0  }
0x195: {  	v0 =	vld [tilespmem:s10+$0xFFFFE020]  }
0x196: {  	v1 =	vld [tilespmem:s10+$0xFFFFF020];
	_ =	sdelay $0x1  }
0x197: {  	v2 =	vld [tilespmem:s10+$0x20];
	_ =	sdelay $0x1  }
0x198: {  	v3 =	vld [tilespmem:s10+$0x1020]  }
0x199: {  	v48 =	vshll.u32 v0, $0x10;
	v49 =	vshll.u32 v1, $0x10  }
0x19a: {  	v50 =	vld [tilespmem:s2+$0x20];
	v0 =	vand.u32 $0xFFFF0000, v0;
	v1 =	vand.u32 $0xFFFF0000, v1;
	v4 =	vadd.f32 v49, v48  }
0x19b: {  	v0 =	vadd.f32 v1, v0;
	v1 =	vshll.u32 v2, $0x10  }
0x19c: {  	v2 =	vand.u32 $0xFFFF0000, v2;
	v1 =	vadd.f32 v1, v4  }
0x19d: {  	v0 =	vadd.f32 v2, v0;
	v2 =	vshll.u32 v3, $0x10  }
0x19e: {  	v3 =	vand.u32 $0xFFFF0000, v3;
	v1 =	vadd.f32 v2, v1  }
0x19f: {  	v0 =	vadd.f32 v3, v0;
	v2 =	vshll.u32 v50, $0x10  }
0x1a0: {  	v3 =	vand.u32 $0xFFFF0000, v50;
	v1 =	vadd.f32 v2, v1  }
0x1a1: {  	v0 =	vadd.f32 v3, v0  }
0x1a2: {  	[tilespmem:s23+$0x5740] =	vst.add.f32.msk $0xffff, v1  }
0x1a3: {  	[tilespmem:s23+$0x5750] =	vst.add.f32.msk $0xffff, v0  }
0x1a4: {  	v0 =	vld [tilespmem:s10+$0xFFFFE030]  }
0x1a5: {  	v1 =	vld [tilespmem:s10+$0xFFFFF030];
	_ =	sdelay $0x1  }
0x1a6: {  	v2 =	vld [tilespmem:s10+$0x30];
	_ =	sdelay $0x1  }
0x1a7: {  	v3 =	vld [tilespmem:s10+$0x1030]  }
0x1a8: {  	v51 =	vshll.u32 v0, $0x10;
	v52 =	vshll.u32 v1, $0x10  }
0x1a9: {  	v53 =	vld [tilespmem:s2+$0x30];
	v0 =	vand.u32 $0xFFFF0000, v0;
	v1 =	vand.u32 $0xFFFF0000, v1;
	v4 =	vadd.f32 v52, v51  }
0x1aa: {  	v0 =	vadd.f32 v1, v0;
	v1 =	vshll.u32 v2, $0x10  }
0x1ab: {  	v2 =	vand.u32 $0xFFFF0000, v2;
	v1 =	vadd.f32 v1, v4  }
0x1ac: {  	v0 =	vadd.f32 v2, v0;
	v2 =	vshll.u32 v3, $0x10  }
0x1ad: {  	v3 =	vand.u32 $0xFFFF0000, v3;
	v1 =	vadd.f32 v2, v1  }
0x1ae: {  	v0 =	vadd.f32 v3, v0;
	v2 =	vshll.u32 v53, $0x10  }
0x1af: {  	v3 =	vand.u32 $0xFFFF0000, v53;
	v1 =	vadd.f32 v2, v1  }
0x1b0: {  	v0 =	vadd.f32 v3, v0  }
0x1b1: {  	[tilespmem:s23+$0x5760] =	vst.add.f32.msk $0xffff, v1  }
0x1b2: {  	[tilespmem:s23+$0x5770] =	vst.add.f32.msk $0xffff, v0  }
0x1b3: {  	v0 =	vld [tilespmem:s10+$0xFFFFE040]  }
0x1b4: {  	v1 =	vld [tilespmem:s10+$0xFFFFF040];
	_ =	sdelay $0x1  }
0x1b5: {  	v2 =	vld [tilespmem:s10+$0x40]  }
0x1b6: {  	s31 =	sadd.s32 $0x41, s8  }
0x1b7: {  	p2 =	sgt.u32 s31, $0xC7;
	s3 =	sadd.s32 $0xFFFFCE00, s19;
	v3 =	vld [tilespmem:s10+$0x1040]  }
0x1b8: {  	s19 =	smov.u32 @p2 s3;
	v54 =	vshll.u32 v0, $0x10;
	v55 =	vshll.u32 v1, $0x10  }
0x1b9: {  	v56 =	vld [tilespmem:s19+$0x0];
	v0 =	vand.u32 $0xFFFF0000, v0;
	v1 =	vand.u32 $0xFFFF0000, v1;
	v4 =	vadd.f32 v55, v54  }
0x1ba: {  	v0 =	vadd.f32 v1, v0;
	v1 =	vshll.u32 v2, $0x10  }
0x1bb: {  	v2 =	vand.u32 $0xFFFF0000, v2;
	v1 =	vadd.f32 v1, v4  }
0x1bc: {  	v0 =	vadd.f32 v2, v0;
	v2 =	vshll.u32 v3, $0x10  }
0x1bd: {  	v3 =	vand.u32 $0xFFFF0000, v3;
	v1 =	vadd.f32 v2, v1  }
0x1be: {  	v0 =	vadd.f32 v3, v0;
	v2 =	vshll.u32 v56, $0x10  }
0x1bf: {  	v3 =	vand.u32 $0xFFFF0000, v56;
	v1 =	vadd.f32 v2, v1  }
0x1c0: {  	v0 =	vadd.f32 v3, v0  }
0x1c1: {  	[tilespmem:s23+$0x5780] =	vst.add.f32.msk $0xffff, v1  }
0x1c2: {  	[tilespmem:s23+$0x5790] =	vst.add.f32.msk $0xffff, v0  }
0x1c3: {  	v0 =	vld [tilespmem:s10+$0xFFFFE050]  }
0x1c4: {  	v1 =	vld [tilespmem:s10+$0xFFFFF050];
	_ =	sdelay $0x1  }
0x1c5: {  	v2 =	vld [tilespmem:s10+$0x50];
	_ =	sdelay $0x1  }
0x1c6: {  	v3 =	vld [tilespmem:s10+$0x1050]  }
0x1c7: {  	v57 =	vshll.u32 v0, $0x10;
	v58 =	vshll.u32 v1, $0x10  }
0x1c8: {  	v59 =	vld [tilespmem:s19+$0x10];
	v0 =	vand.u32 $0xFFFF0000, v0;
	v1 =	vand.u32 $0xFFFF0000, v1;
	v4 =	vadd.f32 v58, v57  }
0x1c9: {  	v0 =	vadd.f32 v1, v0;
	v1 =	vshll.u32 v2, $0x10  }
0x1ca: {  	v2 =	vand.u32 $0xFFFF0000, v2;
	v1 =	vadd.f32 v1, v4  }
0x1cb: {  	v0 =	vadd.f32 v2, v0;
	v2 =	vshll.u32 v3, $0x10  }
0x1cc: {  	v3 =	vand.u32 $0xFFFF0000, v3;
	v1 =	vadd.f32 v2, v1  }
0x1cd: {  	v0 =	vadd.f32 v3, v0;
	v2 =	vshll.u32 v59, $0x10  }
0x1ce: {  	v3 =	vand.u32 $0xFFFF0000, v59;
	v1 =	vadd.f32 v2, v1  }
0x1cf: {  	v0 =	vadd.f32 v3, v0  }
0x1d0: {  	[tilespmem:s23+$0x57A0] =	vst.add.f32.msk $0xffff, v1  }
0x1d1: {  	[tilespmem:s23+$0x57B0] =	vst.add.f32.msk $0xffff, v0  }
0x1d2: {  	v0 =	vld [tilespmem:s10+$0xFFFFE060]  }
0x1d3: {  	v1 =	vld [tilespmem:s10+$0xFFFFF060];
	_ =	sdelay $0x1  }
0x1d4: {  	v2 =	vld [tilespmem:s10+$0x60];
	_ =	sdelay $0x1  }
0x1d5: {  	v3 =	vld [tilespmem:s10+$0x1060];
	v60 =	vand.u32 $0xFFFF0000, v0  }
0x1d6: {  	v0 =	vshll.u32 v0, $0x10;
	v61 =	vshll.u32 v1, $0x10;
	v1 =	vand.u32 $0xFFFF0000, v1  }
0x1d7: {  	v62 =	vld [tilespmem:s19+$0x20];
	v0 =	vadd.f32 v61, v0;
	v1 =	vadd.f32 v1, v60  }
0x1d8: {  	v63 =	vshll.u32 v2, $0x10;
	v2 =	vand.u32 $0xFFFF0000, v2  }
0x1d9: {  	v0 =	vadd.f32 v63, v0;
	v1 =	vadd.f32 v2, v1  }
0x1da: {  	v2 =	vshll.u32 v3, $0x10;
	v3 =	vand.u32 $0xFFFF0000, v3  }
0x1db: {  	v0 =	vadd.f32 v2, v0;
	v2 =	vadd.f32 v3, v1  }
0x1dc: {  	v1 =	vshll.u32 v62, $0x10;
	v3 =	vand.u32 $0xFFFF0000, v62  }
0x1dd: {  	s4 =	simm.s32 $0x400;
	s3 =	sor.u32 $0x40, s15;
	s2 =	simm.s32 $0x11700;
	v1 =	vadd.f32 v1, v0;
	v0 =	vadd.f32 v3, v2  }
.LBB2_5:
0x1de: {  	s8 =	sadd.s32 $0x2, s8;
	s28 =	sadd.s32 $0x80, s28;
	s10 =	sadd.s32 $0x80, s10  }
0x1df: {  	p2 =	sne.s32 s4, $0x7C00;
	s21 =	smov.u32 s4;
	s4 =	sadd.s32 $0x400, s4;
	[tilespmem:s23+$0x57C0] =	vst.add.f32.msk $0xffff, v1  }
0x1e0: {  	[tilespmem:s23+$0x57D0] =	vst.add.f32.msk $0xffff, v0  }
0x1e1: {  	v0 =	vld [tilespmem:s2+$0xFFFFE070]  }
0x1e2: {  	v1 =	vld [tilespmem:s2+$0xFFFFF070]  }
0x1e3: {  	v2 =	vld [tilespmem:s2+$0x70]  }
0x1e4: {  	v3 =	vld [tilespmem:s2+$0x1070];
	s2 =	smov.u32 s10  }
0x1e5: {  	v4 =	vld [tilespmem:s19+$0x30]  }
0x1e6: {  	v5 =	vshll.u32 v0, $0x10  }
0x1e7: {  	v0 =	vand.u32 $0xFFFF0000, v0;
	v6 =	vshll.u32 v1, $0x10;
	v1 =	vand.u32 $0xFFFF0000, v1  }
0x1e8: {  	v5 =	vadd.f32 v6, v5;
	v0 =	vadd.f32 v1, v0  }
0x1e9: {  	v1 =	vshll.u32 v2, $0x10;
	v2 =	vand.u32 $0xFFFF0000, v2  }
0x1ea: {  	v1 =	vadd.f32 v1, v5;
	v0 =	vadd.f32 v2, v0  }
0x1eb: {  	v2 =	vshll.u32 v3, $0x10;
	v3 =	vand.u32 $0xFFFF0000, v3  }
0x1ec: {  	v1 =	vadd.f32 v2, v1;
	v0 =	vadd.f32 v3, v0  }
0x1ed: {  	v2 =	vshll.u32 v4, $0x10;
	v3 =	vand.u32 $0xFFFF0000, v4  }
0x1ee: {  	v1 =	vadd.f32 v2, v1;
	v0 =	vadd.f32 v3, v0;
	_ =	sdelay $0x1  }
0x1ef: {  	[tilespmem:s23+$0x57E0] =	vst.add.f32.msk $0xffff, v1  }
0x1f0: {  	[tilespmem:s23+$0x57F0] =	vst.add.f32.msk $0xffff, v0  }
0x1f1: {  	v0 =	vld [tilespmem:s10+$0xFFFFE000]  }
0x1f2: {  	v1 =	vld [tilespmem:s10+$0xFFFFF000]  }
0x1f3: {  	s19 =	sadd.s32 $0x40, s8;
	v2 =	vld [tilespmem:s10+$0x0]  }
0x1f4: {  	s20 =	simm.s32 $0xFFFFCDC0;
	p3 =	sgt.u32 s19, $0xC7  }
0x1f5: {  	s19 =	sadd.s32 s28, s25;
	s20 =	simm.s32 @!p3 $0xFFFFFFC0;
	v3 =	vld [tilespmem:s10+$0x1000]  }
0x1f6: {  	s31 =	sadd.s32 $0xFFFFCE00, s19;
	s20 =	sadd.s32 s20, s19;
	v4 =	vand.u32 $0xFFFF0000, v0  }
0x1f7: {  	v0 =	vshll.u32 v0, $0x10;
	v5 =	vshll.u32 v1, $0x10;
	v1 =	vand.u32 $0xFFFF0000, v1;
	v6 =	vld [tilespmem:s20+$0x0]  }
0x1f8: {  	v0 =	vadd.f32 v5, v0;
	v5 =	vshll.u32 v2, $0x10;
	v2 =	vand.u32 $0xFFFF0000, v2  }
0x1f9: {  	v1 =	vadd.f32 v1, v4  }
0x1fa: {  	v0 =	vadd.f32 v5, v0;
	v4 =	vshll.u32 v3, $0x10;
	v3 =	vand.u32 $0xFFFF0000, v3  }
0x1fb: {  	v1 =	vadd.f32 v2, v1  }
0x1fc: {  	v0 =	vadd.f32 v4, v0;
	v2 =	vshll.u32 v6, $0x10;
	v4 =	vand.u32 $0xFFFF0000, v6  }
0x1fd: {  	v1 =	vadd.f32 v3, v1  }
0x1fe: {  	v0 =	vadd.f32 v2, v0  }
0x1ff: {  	s23 =	sshra.s32 s21, $0x2;
	v1 =	vadd.f32 v4, v1  }
0x200: {  	[tilespmem:s23+$0x5700] =	vst.add.f32.msk $0xffff, v0  }
0x201: {  	[tilespmem:s23+$0x5710] =	vst.add.f32.msk $0xffff, v1  }
0x202: {  	v0 =	vld [tilespmem:s10+$0xFFFFF010]  }
0x203: {  	v1 =	vld [tilespmem:s10+$0xFFFFE010];
	_ =	sdelay $0x1  }
0x204: {  	v2 =	vld [tilespmem:s10+$0x10];
	_ =	sdelay $0x1  }
0x205: {  	v3 =	vshll.u32 v0, $0x10;
	v4 =	vld [tilespmem:s10+$0x1010]  }
0x206: {  	v0 =	vand.u32 $0xFFFF0000, v0;
	v5 =	vshll.u32 v1, $0x10;
	v1 =	vand.u32 $0xFFFF0000, v1  }
0x207: {  	v3 =	vadd.f32 v3, v5;
	v0 =	vadd.f32 v0, v1;
	v1 =	vld [tilespmem:s20+$0x10]  }
0x208: {  	v5 =	vshll.u32 v2, $0x10;
	v2 =	vand.u32 $0xFFFF0000, v2  }
0x209: {  	v3 =	vadd.f32 v5, v3;
	v0 =	vadd.f32 v2, v0  }
0x20a: {  	v2 =	vshll.u32 v4, $0x10;
	v4 =	vand.u32 $0xFFFF0000, v4  }
0x20b: {  	v2 =	vadd.f32 v2, v3;
	v0 =	vadd.f32 v4, v0  }
0x20c: {  	v3 =	vshll.u32 v1, $0x10;
	v1 =	vand.u32 $0xFFFF0000, v1  }
0x20d: {  	v2 =	vadd.f32 v3, v2;
	v0 =	vadd.f32 v1, v0;
	_ =	sdelay $0x1  }
0x20e: {  	[tilespmem:s23+$0x5720] =	vst.add.f32.msk $0xffff, v2  }
0x20f: {  	[tilespmem:s23+$0x5730] =	vst.add.f32.msk $0xffff, v0  }
0x210: {  	v0 =	vld [tilespmem:s10+$0xFFFFE020];
	_ =	sdelay $0x2  }
0x211: {  	v1 =	vld [tilespmem:s10+$0xFFFFF020];
	_ =	sdelay $0x1  }
0x212: {  	v2 =	vshll.u32 v0, $0x10;
	v3 =	vld [tilespmem:s10+$0x20];
	_ =	sdelay $0x1  }
0x213: {  	v4 =	vld [tilespmem:s10+$0x1020]  }
0x214: {  	v0 =	vand.u32 $0xFFFF0000, v0;
	v5 =	vshll.u32 v1, $0x10;
	v1 =	vand.u32 $0xFFFF0000, v1  }
0x215: {  	v2 =	vadd.f32 v5, v2;
	v0 =	vadd.f32 v1, v0;
	v1 =	vld [tilespmem:s20+$0x20]  }
0x216: {  	v5 =	vshll.u32 v3, $0x10;
	v3 =	vand.u32 $0xFFFF0000, v3  }
0x217: {  	v2 =	vadd.f32 v5, v2;
	v0 =	vadd.f32 v3, v0  }
0x218: {  	v3 =	vshll.u32 v4, $0x10;
	v4 =	vand.u32 $0xFFFF0000, v4  }
0x219: {  	v2 =	vadd.f32 v3, v2;
	v0 =	vadd.f32 v4, v0  }
0x21a: {  	v3 =	vshll.u32 v1, $0x10;
	v1 =	vand.u32 $0xFFFF0000, v1  }
0x21b: {  	v2 =	vadd.f32 v3, v2;
	v0 =	vadd.f32 v1, v0;
	_ =	sdelay $0x1  }
0x21c: {  	[tilespmem:s23+$0x5740] =	vst.add.f32.msk $0xffff, v2  }
0x21d: {  	[tilespmem:s23+$0x5750] =	vst.add.f32.msk $0xffff, v0  }
0x21e: {  	v0 =	vld [tilespmem:s10+$0xFFFFE030]  }
0x21f: {  	v1 =	vld [tilespmem:s10+$0xFFFFF030]  }
0x220: {  	v2 =	vld [tilespmem:s10+$0x30]  }
0x221: {  	v3 =	vld [tilespmem:s10+$0x1030];
	_ =	sdelay $0x1  }
0x222: {  	v4 =	vshll.u32 v0, $0x10;
	v0 =	vand.u32 $0xFFFF0000, v0  }
0x223: {  	v5 =	vshll.u32 v1, $0x10;
	v1 =	vand.u32 $0xFFFF0000, v1  }
0x224: {  	v4 =	vadd.f32 v5, v4;
	v0 =	vadd.f32 v1, v0;
	v1 =	vld [tilespmem:s20+$0x30]  }
0x225: {  	v5 =	vshll.u32 v2, $0x10;
	v2 =	vand.u32 $0xFFFF0000, v2  }
0x226: {  	v4 =	vadd.f32 v5, v4;
	v0 =	vadd.f32 v2, v0  }
0x227: {  	v2 =	vshll.u32 v3, $0x10;
	v3 =	vand.u32 $0xFFFF0000, v3  }
0x228: {  	v2 =	vadd.f32 v2, v4;
	v0 =	vadd.f32 v3, v0  }
0x229: {  	v3 =	vshll.u32 v1, $0x10;
	v1 =	vand.u32 $0xFFFF0000, v1  }
0x22a: {  	v2 =	vadd.f32 v3, v2;
	v0 =	vadd.f32 v1, v0;
	_ =	sdelay $0x1  }
0x22b: {  	[tilespmem:s23+$0x5760] =	vst.add.f32.msk $0xffff, v2  }
0x22c: {  	[tilespmem:s23+$0x5770] =	vst.add.f32.msk $0xffff, v0  }
0x22d: {  	v0 =	vld [tilespmem:s10+$0xFFFFE040]  }
0x22e: {  	v1 =	vld [tilespmem:s10+$0xFFFFF040]  }
0x22f: {  	v2 =	vld [tilespmem:s10+$0x40]  }
0x230: {  	v3 =	vld [tilespmem:s10+$0x1040]  }
0x231: {  	s20 =	sadd.s32 $0x41, s8  }
0x232: {  	p3 =	sgt.u32 s20, $0xC7;
	v4 =	vshll.u32 v0, $0x10;
	v0 =	vand.u32 $0xFFFF0000, v0  }
0x233: {  	s19 =	smov.u32 @p3 s31;
	v5 =	vshll.u32 v1, $0x10;
	v1 =	vand.u32 $0xFFFF0000, v1  }
0x234: {  	v4 =	vadd.f32 v5, v4;
	v0 =	vadd.f32 v1, v0;
	v1 =	vld [tilespmem:s19+$0x0]  }
0x235: {  	v5 =	vshll.u32 v2, $0x10;
	v2 =	vand.u32 $0xFFFF0000, v2  }
0x236: {  	v4 =	vadd.f32 v5, v4;
	v0 =	vadd.f32 v2, v0  }
0x237: {  	v2 =	vshll.u32 v3, $0x10;
	v3 =	vand.u32 $0xFFFF0000, v3  }
0x238: {  	v2 =	vadd.f32 v2, v4;
	v0 =	vadd.f32 v3, v0  }
0x239: {  	v3 =	vshll.u32 v1, $0x10;
	v1 =	vand.u32 $0xFFFF0000, v1  }
0x23a: {  	v2 =	vadd.f32 v3, v2;
	v0 =	vadd.f32 v1, v0;
	_ =	sdelay $0x1  }
0x23b: {  	[tilespmem:s23+$0x5780] =	vst.add.f32.msk $0xffff, v2  }
0x23c: {  	[tilespmem:s23+$0x5790] =	vst.add.f32.msk $0xffff, v0  }
0x23d: {  	v0 =	vld [tilespmem:s10+$0xFFFFE050]  }
0x23e: {  	v1 =	vld [tilespmem:s10+$0xFFFFF050]  }
0x23f: {  	v2 =	vld [tilespmem:s10+$0x50]  }
0x240: {  	v3 =	vld [tilespmem:s10+$0x1050]  }
0x241: {  	v4 =	vld [tilespmem:s19+$0x10]  }
0x242: {  	v5 =	vshll.u32 v0, $0x10  }
0x243: {  	v0 =	vand.u32 $0xFFFF0000, v0;
	v6 =	vshll.u32 v1, $0x10;
	v1 =	vand.u32 $0xFFFF0000, v1  }
0x244: {  	v5 =	vadd.f32 v6, v5;
	v0 =	vadd.f32 v1, v0  }
0x245: {  	v1 =	vshll.u32 v2, $0x10;
	v2 =	vand.u32 $0xFFFF0000, v2  }
0x246: {  	v1 =	vadd.f32 v1, v5;
	v0 =	vadd.f32 v2, v0  }
0x247: {  	v2 =	vshll.u32 v3, $0x10;
	v3 =	vand.u32 $0xFFFF0000, v3  }
0x248: {  	v1 =	vadd.f32 v2, v1;
	v0 =	vadd.f32 v3, v0  }
0x249: {  	v2 =	vshll.u32 v4, $0x10;
	v3 =	vand.u32 $0xFFFF0000, v4  }
0x24a: {  	v1 =	vadd.f32 v2, v1;
	v0 =	vadd.f32 v3, v0;
	_ =	sdelay $0x1  }
0x24b: {  	[tilespmem:s23+$0x57A0] =	vst.add.f32.msk $0xffff, v1  }
0x24c: {  	[tilespmem:s23+$0x57B0] =	vst.add.f32.msk $0xffff, v0  }
0x24d: {  	v0 =	vld [tilespmem:s10+$0xFFFFE060]  }
0x24e: {  	v1 =	vld [tilespmem:s10+$0xFFFFF060]  }
0x24f: {  	v2 =	vld [tilespmem:s10+$0x60]  }
0x250: {  	v3 =	vld [tilespmem:s10+$0x1060]  }
0x251: {  	v4 =	vld [tilespmem:s19+$0x20]  }
0x252: {  	v5 =	vand.u32 $0xFFFF0000, v0  }
0x253: {  	v0 =	vshll.u32 v0, $0x10;
	v6 =	vshll.u32 v1, $0x10;
	v1 =	vand.u32 $0xFFFF0000, v1  }
0x254: {  	v0 =	vadd.f32 v6, v0;
	v1 =	vadd.f32 v1, v5  }
0x255: {  	v5 =	vshll.u32 v2, $0x10;
	v2 =	vand.u32 $0xFFFF0000, v2  }
.Ltmp3:
0x256: {  	v0 =	vadd.f32 v5, v0;
	v1 =	vadd.f32 v2, v1;
	(pc) =	sbr.rel @p2 .LBB2_5-.Ltmp3, $4  }
0x257: {  	v2 =	vshll.u32 v3, $0x10;
	v3 =	vand.u32 $0xFFFF0000, v3  }
0x258: {  	v0 =	vadd.f32 v2, v0;
	v2 =	vadd.f32 v3, v1  }
0x259: {  	v1 =	vshll.u32 v4, $0x10;
	v3 =	vand.u32 $0xFFFF0000, v4  }
0x25a: {  	v1 =	vadd.f32 v1, v0;
	v0 =	vadd.f32 v3, v2  }
0x25b: {  	_ = 	snop  }
0x25c: {  	[tilespmem:s23+$0x57C0] =	vst.add.f32.msk $0xffff, v1  }
0x25d: {  	[tilespmem:s23+$0x57D0] =	vst.add.f32.msk $0xffff, v0  }
0x25e: {  	v0 =	vld [tilespmem:s2+$0xFFFFE070]  }
0x25f: {  	v1 =	vld [tilespmem:s2+$0xFFFFF070];
	_ =	sdelay $0x1  }
0x260: {  	v2 =	vld [tilespmem:s2+$0x70];
	_ =	sdelay $0x1  }
0x261: {  	v3 =	vld [tilespmem:s2+$0x1070]  }
0x262: {  	v4 =	vshll.u32 v0, $0x10;
	v5 =	vshll.u32 v1, $0x10  }
0x263: {  	v6 =	vld [tilespmem:s19+$0x30];
	v0 =	vand.u32 $0xFFFF0000, v0;
	v1 =	vand.u32 $0xFFFF0000, v1;
	v4 =	vadd.f32 v5, v4  }
0x264: {  	v0 =	vadd.f32 v1, v0;
	v1 =	vshll.u32 v2, $0x10  }
0x265: {  	v2 =	vand.u32 $0xFFFF0000, v2;
	v1 =	vadd.f32 v1, v4  }
0x266: {  	v0 =	vadd.f32 v2, v0;
	v2 =	vshll.u32 v3, $0x10  }
0x267: {  	v3 =	vand.u32 $0xFFFF0000, v3;
	v1 =	vadd.f32 v2, v1  }
0x268: {  	v0 =	vadd.f32 v3, v0;
	v2 =	vshll.u32 v6, $0x10  }
0x269: {  	s19 =	sadd.s32 s29, s3;
	v3 =	vand.u32 $0xFFFF0000, v6;
	v1 =	vadd.f32 v2, v1  }
0x26a: {  	s2 =	sshll.u32 s19, $0x4;
	v0 =	vadd.f32 v3, v0  }
0x26b: {  	s2 =	sand.u32 $0x1FFFF400, s2;
	[tilespmem:s23+$0x57E0] =	vst.add.f32.msk $0xffff, v1  }
0x26c: {  	s20 =	simm.s32 $0x0;
	s4 =	simm.s32 $0x5700;
	s2 =	sadd.s32 s12, s2;
	[tilespmem:s23+$0x57F0] =	vst.add.f32.msk $0xffff, v0  }
0x26d: {  	[hbm4b:s2+s20] =	stream.linear.scatter [tilespmem:s4], [sflag:$0x6], $0x2000, $0x38;
	[tilespmem:$0x1B700] =	vst v63  }
0x26e: {  	s2 =	simm.s32 @!p1 $0x8  }
0x26f: {  	_ =	swait.ge @!p1 [sflag:s2], $0x2000  }
0x270: {  	[sflag:s2] =	ssyncset.done @!p1 $0x0  }
0x271: {  	s21 =	simm.s32 $0xC;
	[sflag:s2] =	ssyncadd.s32 @!p1 $0xFFFFE000  }
0x272: {  	_ =	swait.ge [sflag:s21], $0x140  }
0x273: {  	s31 =	smov.u32 s12;
	s28 =	smov.u32 s5;
	[sflag:s21] =	ssyncset.done $0x0  }
0x274: {  	s25 =	simm.s32 $0x9700;
	s23 =	simm.s32 $0x35C0;
	[sflag:s21] =	ssyncadd.s32 $0xFFFFFEC0  }
0x275: {  	[tilespmem:s25], [sflag:$0x4] =	stream.indirect.gather [hbm4b:s5+s11], $0x80, s23, s11, $0xb8;
	[tilespmem:$0x1B700] =	vst v63  }
0x276: {  	s8 =	simm.s32 $0x3640;
	s4 =	simm.s32 $0x3600;
	s5 =	simm.s32 $0x17700  }
0x277: {  	[tilespmem:s5], [sflag:$0x4] =	stream.indirect.gather [hbm4b:s6+s11], $0x40, s4, s11, $0xb8;
	[tilespmem:$0x1B700] =	vst v63  }
0x278: {  	s10 =	simm.s32 $0x18700;
	s19 =	simm.s32 $0x19700;
	s2 =	rddreg [dreg:$0xb]  }
0x279: {  	[tilespmem:s10], [sflag:$0x4] =	stream.indirect.gather [hbm4b:s6+s11], $0x40, s8, s11, $0xb8;
	[tilespmem:$0x1B700] =	vst v63  }
0x27a: {  	s12 =	simm.s32 $0x3680;
	s20 =	simm.s32 $0x36C0;
	s2 =	sadd.s32 @!p0 s17, s2  }
0x27b: {  	[tilespmem:s19], [sflag:$0x4] =	stream.indirect.gather [hbm4b:s6+s11], $0x40, s12, s11, $0xb8;
	[tilespmem:$0x1B700] =	vst v63  }
0x27c: {  	s3 =	rddreg [dreg:$0x4];
	s21 =	simm.s32 $0x1A700;
	s2 =	sshrl.u32 @!p0 s2, $0x3  }
0x27d: {  	[tilespmem:s21], [sflag:$0x4] =	stream.indirect.gather [hbm4b:s6+s11], $0x40, s20, s11, $0xb8;
	[tilespmem:$0x1B700] =	vst v63  }
0x27e: {  	s2 =	sadd.s32 @!p0 s3, s2;
	s3 =	simm.s32 @!p0 $0x0;
	s4 =	simm.s32 @!p0 $0x3340  }
0x27f: {  	[tilespmem:s4], [sflag:$0xA] =	stream.linear.gather @!p0 [hbm4b:s2+s3], $0x140, $0x38;
	[tilespmem:$0x1B700] =	vst v63  }
0x280: {  	_ =	swait.ge [sflag:s7], $0x2000  }
0x281: {  	[sflag:s7] =	ssyncset.done $0x0  }
0x282: {  	[sflag:s7] =	ssyncadd.s32 $0xFFFFE000  }
0x283: {  	_ =	swait.ge [sflag:s7], $0x1000  }
0x284: {  	[sflag:s7] =	ssyncset.done $0x0  }
0x285: {  	[sflag:s7] =	ssyncadd.s32 $0xFFFFF000  }
0x286: {  	_ =	swait.ge [sflag:s7], $0x1000  }
0x287: {  	[sflag:s7] =	ssyncset.done $0x0  }
0x288: {  	[sflag:s7] =	ssyncadd.s32 $0xFFFFF000  }
0x289: {  	_ =	swait.ge [sflag:s7], $0x1000  }
0x28a: {  	[sflag:s7] =	ssyncset.done $0x0  }
0x28b: {  	[sflag:s7] =	ssyncadd.s32 $0xFFFFF000  }
0x28c: {  	_ =	swait.ge [sflag:s7], $0x1000  }
0x28d: {  	[sflag:s7] =	ssyncset.done $0x0  }
0x28e: {  	s8 =	simm.s32 $0x15700;
	[sflag:s7] =	ssyncadd.s32 $0xFFFFF000  }
0x28f: {  	v0 =	vld [tilespmem:s8+$0xFFFFE000]  }
0x290: {  	v1 =	vld [tilespmem:s8+$0xFFFFF000];
	_ =	sdelay $0x1  }
0x291: {  	s23 =	sadd.s32 $0x80, s26;
	v2 =	vld [tilespmem:s8+$0x0]  }
0x292: {  	p1 =	sgt.u32 s23, $0xC7;
	s2 =	simm.s32 $0xFFFFCDC0  }
0x293: {  	s10 =	sadd.s32 s30, s22;
	s2 =	simm.s32 @!p1 $0xFFFFFFC0;
	v3 =	vld [tilespmem:s8+$0x1000]  }
0x294: {  	s2 =	sadd.s32 s2, s10;
	v40 =	vshll.u32 v0, $0x10;
	v41 =	vshll.u32 v1, $0x10  }
0x295: {  	v42 =	vld [tilespmem:s2+$0x0];
	v0 =	vand.u32 $0xFFFF0000, v0;
	v1 =	vand.u32 $0xFFFF0000, v1;
	v4 =	vadd.f32 v41, v40  }
0x296: {  	v43 =	vshll.u32 v2, $0x10;
	v0 =	vadd.f32 v1, v0  }
0x297: {  	v1 =	vand.u32 $0xFFFF0000, v2;
	v2 =	vadd.f32 v43, v4  }
0x298: {  	v44 =	vshll.u32 v3, $0x10;
	v0 =	vadd.f32 v1, v0  }
0x299: {  	v1 =	vand.u32 $0xFFFF0000, v3;
	v2 =	vadd.f32 v44, v2  }
0x29a: {  	v3 =	vshll.u32 v42, $0x10;
	v0 =	vadd.f32 v1, v0  }
0x29b: {  	v1 =	vand.u32 $0xFFFF0000, v42;
	v2 =	vadd.f32 v3, v2  }
0x29c: {  	s19 =	simm.s32 $0x0;
	v0 =	vadd.f32 v1, v0  }
0x29d: {  	[tilespmem:s19+$0x7700] =	vst.add.f32.msk $0xffff, v2  }
0x29e: {  	[tilespmem:s19+$0x7710] =	vst.add.f32.msk $0xffff, v0  }
0x29f: {  	v0 =	vld [tilespmem:s8+$0xFFFFF010]  }
0x2a0: {  	v1 =	vld [tilespmem:s8+$0xFFFFE010];
	_ =	sdelay $0x1  }
0x2a1: {  	v2 =	vld [tilespmem:s8+$0x10];
	_ =	sdelay $0x1  }
0x2a2: {  	v3 =	vld [tilespmem:s8+$0x1010]  }
0x2a3: {  	v45 =	vshll.u32 v0, $0x10;
	v46 =	vshll.u32 v1, $0x10  }
0x2a4: {  	v47 =	vld [tilespmem:s2+$0x10];
	v1 =	vand.u32 $0xFFFF0000, v1;
	v0 =	vand.u32 $0xFFFF0000, v0;
	v4 =	vadd.f32 v45, v46  }
0x2a5: {  	v0 =	vadd.f32 v0, v1;
	v1 =	vshll.u32 v2, $0x10  }
0x2a6: {  	v2 =	vand.u32 $0xFFFF0000, v2;
	v1 =	vadd.f32 v1, v4  }
0x2a7: {  	v0 =	vadd.f32 v2, v0;
	v2 =	vshll.u32 v3, $0x10  }
0x2a8: {  	v3 =	vand.u32 $0xFFFF0000, v3;
	v1 =	vadd.f32 v2, v1  }
0x2a9: {  	v0 =	vadd.f32 v3, v0;
	v2 =	vshll.u32 v47, $0x10  }
0x2aa: {  	v3 =	vand.u32 $0xFFFF0000, v47;
	v1 =	vadd.f32 v2, v1  }
0x2ab: {  	v0 =	vadd.f32 v3, v0  }
0x2ac: {  	[tilespmem:s19+$0x7720] =	vst.add.f32.msk $0xffff, v1  }
0x2ad: {  	[tilespmem:s19+$0x7730] =	vst.add.f32.msk $0xffff, v0  }
0x2ae: {  	v0 =	vld [tilespmem:s8+$0xFFFFE020]  }
0x2af: {  	v1 =	vld [tilespmem:s8+$0xFFFFF020];
	_ =	sdelay $0x1  }
0x2b0: {  	v2 =	vld [tilespmem:s8+$0x20];
	_ =	sdelay $0x1  }
0x2b1: {  	v3 =	vld [tilespmem:s8+$0x1020]  }
0x2b2: {  	v48 =	vshll.u32 v0, $0x10;
	v49 =	vshll.u32 v1, $0x10  }
0x2b3: {  	v50 =	vld [tilespmem:s2+$0x20];
	v0 =	vand.u32 $0xFFFF0000, v0;
	v1 =	vand.u32 $0xFFFF0000, v1;
	v4 =	vadd.f32 v49, v48  }
0x2b4: {  	v0 =	vadd.f32 v1, v0;
	v1 =	vshll.u32 v2, $0x10  }
0x2b5: {  	v2 =	vand.u32 $0xFFFF0000, v2;
	v1 =	vadd.f32 v1, v4  }
0x2b6: {  	v0 =	vadd.f32 v2, v0;
	v2 =	vshll.u32 v3, $0x10  }
0x2b7: {  	v3 =	vand.u32 $0xFFFF0000, v3;
	v1 =	vadd.f32 v2, v1  }
0x2b8: {  	v0 =	vadd.f32 v3, v0;
	v2 =	vshll.u32 v50, $0x10  }
0x2b9: {  	v3 =	vand.u32 $0xFFFF0000, v50;
	v1 =	vadd.f32 v2, v1  }
0x2ba: {  	v0 =	vadd.f32 v3, v0  }
0x2bb: {  	[tilespmem:s19+$0x7740] =	vst.add.f32.msk $0xffff, v1  }
0x2bc: {  	[tilespmem:s19+$0x7750] =	vst.add.f32.msk $0xffff, v0  }
0x2bd: {  	v0 =	vld [tilespmem:s8+$0xFFFFE030]  }
0x2be: {  	v1 =	vld [tilespmem:s8+$0xFFFFF030];
	_ =	sdelay $0x1  }
0x2bf: {  	v2 =	vld [tilespmem:s8+$0x30];
	_ =	sdelay $0x1  }
0x2c0: {  	v3 =	vld [tilespmem:s8+$0x1030]  }
0x2c1: {  	v51 =	vshll.u32 v0, $0x10;
	v52 =	vshll.u32 v1, $0x10  }
0x2c2: {  	v53 =	vld [tilespmem:s2+$0x30];
	v0 =	vand.u32 $0xFFFF0000, v0;
	v1 =	vand.u32 $0xFFFF0000, v1;
	v4 =	vadd.f32 v52, v51  }
0x2c3: {  	v0 =	vadd.f32 v1, v0;
	v1 =	vshll.u32 v2, $0x10  }
0x2c4: {  	v2 =	vand.u32 $0xFFFF0000, v2;
	v1 =	vadd.f32 v1, v4  }
0x2c5: {  	v0 =	vadd.f32 v2, v0;
	v2 =	vshll.u32 v3, $0x10  }
0x2c6: {  	v3 =	vand.u32 $0xFFFF0000, v3;
	v1 =	vadd.f32 v2, v1  }
0x2c7: {  	v0 =	vadd.f32 v3, v0;
	v2 =	vshll.u32 v53, $0x10  }
0x2c8: {  	v3 =	vand.u32 $0xFFFF0000, v53;
	v1 =	vadd.f32 v2, v1  }
0x2c9: {  	v0 =	vadd.f32 v3, v0  }
0x2ca: {  	[tilespmem:s19+$0x7760] =	vst.add.f32.msk $0xffff, v1  }
0x2cb: {  	[tilespmem:s19+$0x7770] =	vst.add.f32.msk $0xffff, v0  }
0x2cc: {  	v0 =	vld [tilespmem:s8+$0xFFFFE040]  }
0x2cd: {  	v1 =	vld [tilespmem:s8+$0xFFFFF040];
	_ =	sdelay $0x1  }
0x2ce: {  	v2 =	vld [tilespmem:s8+$0x40]  }
0x2cf: {  	s25 =	sadd.s32 $0x81, s26  }
0x2d0: {  	s3 =	sadd.s32 $0xFFFFCE00, s10;
	p1 =	sgt.u32 s25, $0xC7;
	v3 =	vld [tilespmem:s8+$0x1040]  }
0x2d1: {  	s10 =	smov.u32 @p1 s3;
	v54 =	vshll.u32 v0, $0x10;
	v55 =	vshll.u32 v1, $0x10  }
0x2d2: {  	v56 =	vld [tilespmem:s10+$0x0];
	v0 =	vand.u32 $0xFFFF0000, v0;
	v1 =	vand.u32 $0xFFFF0000, v1;
	v4 =	vadd.f32 v55, v54  }
0x2d3: {  	v0 =	vadd.f32 v1, v0;
	v1 =	vshll.u32 v2, $0x10  }
0x2d4: {  	v2 =	vand.u32 $0xFFFF0000, v2;
	v1 =	vadd.f32 v1, v4  }
0x2d5: {  	v0 =	vadd.f32 v2, v0;
	v2 =	vshll.u32 v3, $0x10  }
0x2d6: {  	v3 =	vand.u32 $0xFFFF0000, v3;
	v1 =	vadd.f32 v2, v1  }
0x2d7: {  	v0 =	vadd.f32 v3, v0;
	v2 =	vshll.u32 v56, $0x10  }
0x2d8: {  	v3 =	vand.u32 $0xFFFF0000, v56;
	v1 =	vadd.f32 v2, v1  }
0x2d9: {  	v0 =	vadd.f32 v3, v0  }
0x2da: {  	[tilespmem:s19+$0x7780] =	vst.add.f32.msk $0xffff, v1  }
0x2db: {  	[tilespmem:s19+$0x7790] =	vst.add.f32.msk $0xffff, v0  }
0x2dc: {  	v0 =	vld [tilespmem:s8+$0xFFFFE050]  }
0x2dd: {  	v1 =	vld [tilespmem:s8+$0xFFFFF050];
	_ =	sdelay $0x1  }
0x2de: {  	v2 =	vld [tilespmem:s8+$0x50];
	_ =	sdelay $0x1  }
0x2df: {  	v3 =	vld [tilespmem:s8+$0x1050]  }
0x2e0: {  	v57 =	vshll.u32 v0, $0x10;
	v58 =	vshll.u32 v1, $0x10  }
0x2e1: {  	v59 =	vld [tilespmem:s10+$0x10];
	v0 =	vand.u32 $0xFFFF0000, v0;
	v1 =	vand.u32 $0xFFFF0000, v1;
	v4 =	vadd.f32 v58, v57  }
0x2e2: {  	v0 =	vadd.f32 v1, v0;
	v1 =	vshll.u32 v2, $0x10  }
0x2e3: {  	v2 =	vand.u32 $0xFFFF0000, v2;
	v1 =	vadd.f32 v1, v4  }
0x2e4: {  	v0 =	vadd.f32 v2, v0;
	v2 =	vshll.u32 v3, $0x10  }
0x2e5: {  	v3 =	vand.u32 $0xFFFF0000, v3;
	v1 =	vadd.f32 v2, v1  }
0x2e6: {  	v0 =	vadd.f32 v3, v0;
	v2 =	vshll.u32 v59, $0x10  }
0x2e7: {  	v3 =	vand.u32 $0xFFFF0000, v59;
	v1 =	vadd.f32 v2, v1  }
0x2e8: {  	v0 =	vadd.f32 v3, v0  }
0x2e9: {  	[tilespmem:s19+$0x77A0] =	vst.add.f32.msk $0xffff, v1  }
0x2ea: {  	[tilespmem:s19+$0x77B0] =	vst.add.f32.msk $0xffff, v0  }
0x2eb: {  	v0 =	vld [tilespmem:s8+$0xFFFFE060]  }
0x2ec: {  	v1 =	vld [tilespmem:s8+$0xFFFFF060];
	_ =	sdelay $0x1  }
0x2ed: {  	v2 =	vld [tilespmem:s8+$0x60];
	_ =	sdelay $0x1  }
0x2ee: {  	v3 =	vld [tilespmem:s8+$0x1060];
	v60 =	vand.u32 $0xFFFF0000, v0  }
0x2ef: {  	v0 =	vshll.u32 v0, $0x10;
	v61 =	vshll.u32 v1, $0x10;
	v1 =	vand.u32 $0xFFFF0000, v1  }
0x2f0: {  	v62 =	vld [tilespmem:s10+$0x20];
	v0 =	vadd.f32 v61, v0;
	v1 =	vadd.f32 v1, v60  }
0x2f1: {  	v63 =	vshll.u32 v2, $0x10;
	v2 =	vand.u32 $0xFFFF0000, v2  }
0x2f2: {  	v0 =	vadd.f32 v63, v0;
	v1 =	vadd.f32 v2, v1  }
0x2f3: {  	v2 =	vshll.u32 v3, $0x10;
	v3 =	vand.u32 $0xFFFF0000, v3  }
0x2f4: {  	v0 =	vadd.f32 v2, v0;
	v2 =	vadd.f32 v3, v1  }
0x2f5: {  	s23 =	smov.u32 s30;
	v1 =	vshll.u32 v62, $0x10;
	v3 =	vand.u32 $0xFFFF0000, v62  }
0x2f6: {  	s4 =	simm.s32 $0x400;
	s3 =	sor.u32 $0x80, s15;
	s2 =	simm.s32 $0x15700;
	v1 =	vadd.f32 v1, v0;
	v0 =	vadd.f32 v3, v2  }
.LBB2_7:
0x2f7: {  	s26 =	sadd.s32 $0x2, s26;
	s23 =	sadd.s32 $0x80, s23;
	s8 =	sadd.s32 $0x80, s8  }
0x2f8: {  	p1 =	sne.s32 s4, $0x7C00;
	s21 =	smov.u32 s4;
	s4 =	sadd.s32 $0x400, s4;
	[tilespmem:s19+$0x77C0] =	vst.add.f32.msk $0xffff, v1  }
0x2f9: {  	[tilespmem:s19+$0x77D0] =	vst.add.f32.msk $0xffff, v0  }
0x2fa: {  	v0 =	vld [tilespmem:s2+$0xFFFFE070]  }
0x2fb: {  	v1 =	vld [tilespmem:s2+$0xFFFFF070]  }
0x2fc: {  	v2 =	vld [tilespmem:s2+$0x70]  }
0x2fd: {  	v3 =	vld [tilespmem:s2+$0x1070];
	s2 =	smov.u32 s8  }
0x2fe: {  	v4 =	vld [tilespmem:s10+$0x30]  }
0x2ff: {  	v5 =	vshll.u32 v0, $0x10  }
0x300: {  	v0 =	vand.u32 $0xFFFF0000, v0;
	v6 =	vshll.u32 v1, $0x10;
	v1 =	vand.u32 $0xFFFF0000, v1  }
0x301: {  	v5 =	vadd.f32 v6, v5;
	v0 =	vadd.f32 v1, v0  }
0x302: {  	v1 =	vshll.u32 v2, $0x10;
	v2 =	vand.u32 $0xFFFF0000, v2  }
0x303: {  	v1 =	vadd.f32 v1, v5;
	v0 =	vadd.f32 v2, v0  }
0x304: {  	v2 =	vshll.u32 v3, $0x10;
	v3 =	vand.u32 $0xFFFF0000, v3  }
0x305: {  	v1 =	vadd.f32 v2, v1;
	v0 =	vadd.f32 v3, v0  }
0x306: {  	v2 =	vshll.u32 v4, $0x10;
	v3 =	vand.u32 $0xFFFF0000, v4  }
0x307: {  	v1 =	vadd.f32 v2, v1;
	v0 =	vadd.f32 v3, v0;
	_ =	sdelay $0x1  }
0x308: {  	[tilespmem:s19+$0x77E0] =	vst.add.f32.msk $0xffff, v1  }
0x309: {  	[tilespmem:s19+$0x77F0] =	vst.add.f32.msk $0xffff, v0  }
0x30a: {  	v0 =	vld [tilespmem:s8+$0xFFFFE000]  }
0x30b: {  	v1 =	vld [tilespmem:s8+$0xFFFFF000]  }
0x30c: {  	s10 =	sadd.s32 $0x80, s26;
	v2 =	vld [tilespmem:s8+$0x0]  }
0x30d: {  	p2 =	sgt.u32 s10, $0xC7;
	s19 =	simm.s32 $0xFFFFCDC0  }
0x30e: {  	s10 =	sadd.s32 s23, s22;
	s19 =	simm.s32 @!p2 $0xFFFFFFC0;
	v3 =	vld [tilespmem:s8+$0x1000]  }
0x30f: {  	s25 =	sadd.s32 $0xFFFFCE00, s10;
	s20 =	sadd.s32 s19, s10;
	v4 =	vand.u32 $0xFFFF0000, v0  }
0x310: {  	v0 =	vshll.u32 v0, $0x10;
	v5 =	vshll.u32 v1, $0x10;
	v1 =	vand.u32 $0xFFFF0000, v1;
	v6 =	vld [tilespmem:s20+$0x0]  }
0x311: {  	v0 =	vadd.f32 v5, v0;
	v5 =	vshll.u32 v2, $0x10;
	v2 =	vand.u32 $0xFFFF0000, v2  }
0x312: {  	v1 =	vadd.f32 v1, v4  }
0x313: {  	v0 =	vadd.f32 v5, v0;
	v4 =	vshll.u32 v3, $0x10;
	v3 =	vand.u32 $0xFFFF0000, v3  }
0x314: {  	v1 =	vadd.f32 v2, v1  }
0x315: {  	v0 =	vadd.f32 v4, v0;
	v2 =	vshll.u32 v6, $0x10;
	v4 =	vand.u32 $0xFFFF0000, v6  }
0x316: {  	v1 =	vadd.f32 v3, v1  }
0x317: {  	v0 =	vadd.f32 v2, v0  }
0x318: {  	s19 =	sshra.s32 s21, $0x2;
	v1 =	vadd.f32 v4, v1  }
0x319: {  	[tilespmem:s19+$0x7700] =	vst.add.f32.msk $0xffff, v0  }
0x31a: {  	[tilespmem:s19+$0x7710] =	vst.add.f32.msk $0xffff, v1  }
0x31b: {  	v0 =	vld [tilespmem:s8+$0xFFFFF010]  }
0x31c: {  	v1 =	vld [tilespmem:s8+$0xFFFFE010];
	_ =	sdelay $0x1  }
0x31d: {  	v2 =	vld [tilespmem:s8+$0x10];
	_ =	sdelay $0x1  }
0x31e: {  	v3 =	vshll.u32 v0, $0x10;
	v4 =	vld [tilespmem:s8+$0x1010]  }
0x31f: {  	v0 =	vand.u32 $0xFFFF0000, v0;
	v5 =	vshll.u32 v1, $0x10;
	v1 =	vand.u32 $0xFFFF0000, v1  }
0x320: {  	v3 =	vadd.f32 v3, v5;
	v0 =	vadd.f32 v0, v1;
	v1 =	vld [tilespmem:s20+$0x10]  }
0x321: {  	v5 =	vshll.u32 v2, $0x10;
	v2 =	vand.u32 $0xFFFF0000, v2  }
0x322: {  	v3 =	vadd.f32 v5, v3;
	v0 =	vadd.f32 v2, v0  }
0x323: {  	v2 =	vshll.u32 v4, $0x10;
	v4 =	vand.u32 $0xFFFF0000, v4  }
0x324: {  	v2 =	vadd.f32 v2, v3;
	v0 =	vadd.f32 v4, v0  }
0x325: {  	v3 =	vshll.u32 v1, $0x10;
	v1 =	vand.u32 $0xFFFF0000, v1  }
0x326: {  	v2 =	vadd.f32 v3, v2;
	v0 =	vadd.f32 v1, v0;
	_ =	sdelay $0x1  }
0x327: {  	[tilespmem:s19+$0x7720] =	vst.add.f32.msk $0xffff, v2  }
0x328: {  	[tilespmem:s19+$0x7730] =	vst.add.f32.msk $0xffff, v0  }
0x329: {  	v0 =	vld [tilespmem:s8+$0xFFFFE020];
	_ =	sdelay $0x2  }
0x32a: {  	v1 =	vld [tilespmem:s8+$0xFFFFF020];
	_ =	sdelay $0x1  }
0x32b: {  	v2 =	vshll.u32 v0, $0x10;
	v3 =	vld [tilespmem:s8+$0x20];
	_ =	sdelay $0x1  }
0x32c: {  	v4 =	vld [tilespmem:s8+$0x1020]  }
0x32d: {  	v0 =	vand.u32 $0xFFFF0000, v0;
	v5 =	vshll.u32 v1, $0x10;
	v1 =	vand.u32 $0xFFFF0000, v1  }
0x32e: {  	v2 =	vadd.f32 v5, v2;
	v0 =	vadd.f32 v1, v0;
	v1 =	vld [tilespmem:s20+$0x20]  }
0x32f: {  	v5 =	vshll.u32 v3, $0x10;
	v3 =	vand.u32 $0xFFFF0000, v3  }
0x330: {  	v2 =	vadd.f32 v5, v2;
	v0 =	vadd.f32 v3, v0  }
0x331: {  	v3 =	vshll.u32 v4, $0x10;
	v4 =	vand.u32 $0xFFFF0000, v4  }
0x332: {  	v2 =	vadd.f32 v3, v2;
	v0 =	vadd.f32 v4, v0  }
0x333: {  	v3 =	vshll.u32 v1, $0x10;
	v1 =	vand.u32 $0xFFFF0000, v1  }
0x334: {  	v2 =	vadd.f32 v3, v2;
	v0 =	vadd.f32 v1, v0;
	_ =	sdelay $0x1  }
0x335: {  	[tilespmem:s19+$0x7740] =	vst.add.f32.msk $0xffff, v2  }
0x336: {  	[tilespmem:s19+$0x7750] =	vst.add.f32.msk $0xffff, v0  }
0x337: {  	v0 =	vld [tilespmem:s8+$0xFFFFE030]  }
0x338: {  	v1 =	vld [tilespmem:s8+$0xFFFFF030]  }
0x339: {  	v2 =	vld [tilespmem:s8+$0x30]  }
0x33a: {  	v3 =	vld [tilespmem:s8+$0x1030];
	_ =	sdelay $0x1  }
0x33b: {  	v4 =	vshll.u32 v0, $0x10;
	v0 =	vand.u32 $0xFFFF0000, v0  }
0x33c: {  	v5 =	vshll.u32 v1, $0x10;
	v1 =	vand.u32 $0xFFFF0000, v1  }
0x33d: {  	v4 =	vadd.f32 v5, v4;
	v0 =	vadd.f32 v1, v0;
	v1 =	vld [tilespmem:s20+$0x30]  }
0x33e: {  	v5 =	vshll.u32 v2, $0x10;
	v2 =	vand.u32 $0xFFFF0000, v2  }
0x33f: {  	v4 =	vadd.f32 v5, v4;
	v0 =	vadd.f32 v2, v0  }
0x340: {  	v2 =	vshll.u32 v3, $0x10;
	v3 =	vand.u32 $0xFFFF0000, v3  }
0x341: {  	v2 =	vadd.f32 v2, v4;
	v0 =	vadd.f32 v3, v0  }
0x342: {  	v3 =	vshll.u32 v1, $0x10;
	v1 =	vand.u32 $0xFFFF0000, v1  }
0x343: {  	v2 =	vadd.f32 v3, v2;
	v0 =	vadd.f32 v1, v0;
	_ =	sdelay $0x1  }
0x344: {  	[tilespmem:s19+$0x7760] =	vst.add.f32.msk $0xffff, v2  }
0x345: {  	[tilespmem:s19+$0x7770] =	vst.add.f32.msk $0xffff, v0  }
0x346: {  	v0 =	vld [tilespmem:s8+$0xFFFFE040]  }
0x347: {  	v1 =	vld [tilespmem:s8+$0xFFFFF040]  }
0x348: {  	v2 =	vld [tilespmem:s8+$0x40]  }
0x349: {  	v3 =	vld [tilespmem:s8+$0x1040]  }
0x34a: {  	s20 =	sadd.s32 $0x81, s26  }
0x34b: {  	p2 =	sgt.u32 s20, $0xC7;
	v4 =	vshll.u32 v0, $0x10;
	v0 =	vand.u32 $0xFFFF0000, v0  }
0x34c: {  	s10 =	smov.u32 @p2 s25;
	v5 =	vshll.u32 v1, $0x10;
	v1 =	vand.u32 $0xFFFF0000, v1  }
0x34d: {  	v4 =	vadd.f32 v5, v4;
	v0 =	vadd.f32 v1, v0;
	v1 =	vld [tilespmem:s10+$0x0]  }
0x34e: {  	v5 =	vshll.u32 v2, $0x10;
	v2 =	vand.u32 $0xFFFF0000, v2  }
0x34f: {  	v4 =	vadd.f32 v5, v4;
	v0 =	vadd.f32 v2, v0  }
0x350: {  	v2 =	vshll.u32 v3, $0x10;
	v3 =	vand.u32 $0xFFFF0000, v3  }
0x351: {  	v2 =	vadd.f32 v2, v4;
	v0 =	vadd.f32 v3, v0  }
0x352: {  	v3 =	vshll.u32 v1, $0x10;
	v1 =	vand.u32 $0xFFFF0000, v1  }
0x353: {  	v2 =	vadd.f32 v3, v2;
	v0 =	vadd.f32 v1, v0;
	_ =	sdelay $0x1  }
0x354: {  	[tilespmem:s19+$0x7780] =	vst.add.f32.msk $0xffff, v2  }
0x355: {  	[tilespmem:s19+$0x7790] =	vst.add.f32.msk $0xffff, v0  }
0x356: {  	v0 =	vld [tilespmem:s8+$0xFFFFE050]  }
0x357: {  	v1 =	vld [tilespmem:s8+$0xFFFFF050]  }
0x358: {  	v2 =	vld [tilespmem:s8+$0x50]  }
0x359: {  	v3 =	vld [tilespmem:s8+$0x1050]  }
0x35a: {  	v4 =	vld [tilespmem:s10+$0x10]  }
0x35b: {  	v5 =	vshll.u32 v0, $0x10  }
0x35c: {  	v0 =	vand.u32 $0xFFFF0000, v0;
	v6 =	vshll.u32 v1, $0x10;
	v1 =	vand.u32 $0xFFFF0000, v1  }
0x35d: {  	v5 =	vadd.f32 v6, v5;
	v0 =	vadd.f32 v1, v0  }
0x35e: {  	v1 =	vshll.u32 v2, $0x10;
	v2 =	vand.u32 $0xFFFF0000, v2  }
0x35f: {  	v1 =	vadd.f32 v1, v5;
	v0 =	vadd.f32 v2, v0  }
0x360: {  	v2 =	vshll.u32 v3, $0x10;
	v3 =	vand.u32 $0xFFFF0000, v3  }
0x361: {  	v1 =	vadd.f32 v2, v1;
	v0 =	vadd.f32 v3, v0  }
0x362: {  	v2 =	vshll.u32 v4, $0x10;
	v3 =	vand.u32 $0xFFFF0000, v4  }
0x363: {  	v1 =	vadd.f32 v2, v1;
	v0 =	vadd.f32 v3, v0;
	_ =	sdelay $0x1  }
0x364: {  	[tilespmem:s19+$0x77A0] =	vst.add.f32.msk $0xffff, v1  }
0x365: {  	[tilespmem:s19+$0x77B0] =	vst.add.f32.msk $0xffff, v0  }
0x366: {  	v0 =	vld [tilespmem:s8+$0xFFFFE060]  }
0x367: {  	v1 =	vld [tilespmem:s8+$0xFFFFF060]  }
0x368: {  	v2 =	vld [tilespmem:s8+$0x60]  }
0x369: {  	v3 =	vld [tilespmem:s8+$0x1060]  }
0x36a: {  	v4 =	vld [tilespmem:s10+$0x20]  }
0x36b: {  	v5 =	vand.u32 $0xFFFF0000, v0  }
0x36c: {  	v0 =	vshll.u32 v0, $0x10;
	v6 =	vshll.u32 v1, $0x10;
	v1 =	vand.u32 $0xFFFF0000, v1  }
0x36d: {  	v0 =	vadd.f32 v6, v0;
	v1 =	vadd.f32 v1, v5  }
0x36e: {  	v5 =	vshll.u32 v2, $0x10;
	v2 =	vand.u32 $0xFFFF0000, v2  }
.Ltmp4:
0x36f: {  	v0 =	vadd.f32 v5, v0;
	v1 =	vadd.f32 v2, v1;
	(pc) =	sbr.rel @p1 .LBB2_7-.Ltmp4, $4  }
0x370: {  	v2 =	vshll.u32 v3, $0x10;
	v3 =	vand.u32 $0xFFFF0000, v3  }
0x371: {  	v0 =	vadd.f32 v2, v0;
	v2 =	vadd.f32 v3, v1  }
0x372: {  	v1 =	vshll.u32 v4, $0x10;
	v3 =	vand.u32 $0xFFFF0000, v4  }
0x373: {  	v1 =	vadd.f32 v1, v0;
	v0 =	vadd.f32 v3, v2  }
0x374: {  	_ = 	snop  }
0x375: {  	[tilespmem:s19+$0x77C0] =	vst.add.f32.msk $0xffff, v1  }
0x376: {  	[tilespmem:s19+$0x77D0] =	vst.add.f32.msk $0xffff, v0  }
0x377: {  	v0 =	vld [tilespmem:s2+$0xFFFFE070]  }
0x378: {  	v1 =	vld [tilespmem:s2+$0xFFFFF070];
	_ =	sdelay $0x1  }
0x379: {  	v2 =	vld [tilespmem:s2+$0x70];
	_ =	sdelay $0x1  }
0x37a: {  	v3 =	vld [tilespmem:s2+$0x1070]  }
0x37b: {  	v4 =	vshll.u32 v0, $0x10;
	v5 =	vshll.u32 v1, $0x10  }
0x37c: {  	v6 =	vld [tilespmem:s10+$0x30];
	v0 =	vand.u32 $0xFFFF0000, v0;
	v1 =	vand.u32 $0xFFFF0000, v1;
	v4 =	vadd.f32 v5, v4  }
0x37d: {  	v0 =	vadd.f32 v1, v0;
	v1 =	vshll.u32 v2, $0x10  }
0x37e: {  	v2 =	vand.u32 $0xFFFF0000, v2;
	v1 =	vadd.f32 v1, v4  }
0x37f: {  	v0 =	vadd.f32 v2, v0;
	v2 =	vshll.u32 v3, $0x10  }
0x380: {  	v3 =	vand.u32 $0xFFFF0000, v3;
	v1 =	vadd.f32 v2, v1  }
0x381: {  	v0 =	vadd.f32 v3, v0;
	v2 =	vshll.u32 v6, $0x10  }
0x382: {  	s23 =	sadd.s32 s29, s3;
	v3 =	vand.u32 $0xFFFF0000, v6;
	v1 =	vadd.f32 v2, v1  }
0x383: {  	s2 =	sshll.u32 s23, $0x4;
	v0 =	vadd.f32 v3, v0  }
0x384: {  	s2 =	sand.u32 $0x1FFFF800, s2;
	[tilespmem:s19+$0x77E0] =	vst.add.f32.msk $0xffff, v1  }
0x385: {  	s5 =	simm.s32 $0x0;
	s25 =	simm.s32 $0x7700;
	s2 =	sadd.s32 s31, s2;
	[tilespmem:s19+$0x77F0] =	vst.add.f32.msk $0xffff, v0  }
0x386: {  	[hbm4b:s2+s5] =	stream.linear.scatter [tilespmem:s25], [sflag:$0x7], $0x2000, $0x38;
	[tilespmem:$0x1B700] =	vst v63  }
0x387: {  	s2 =	simm.s32 @!p0 $0x5  }
0x388: {  	_ =	swait.ge @!p0 [sflag:s2], $0x2000  }
0x389: {  	[sflag:s2] =	ssyncset.done @!p0 $0x0  }
0x38a: {  	[sflag:s2] =	ssyncadd.s32 @!p0 $0xFFFFE000;
	s2 =	simm.s32 @!p0 $0x9  }
0x38b: {  	_ =	swait.ge @!p0 [sflag:s2], $0x140  }
0x38c: {  	s3 =	simm.s32 @!p0 $0x3200;
	[sflag:s2] =	ssyncset.done @!p0 $0x0  }
0x38d: {  	s4 =	simm.s32 @!p0 $0x3700;
	[sflag:s2] =	ssyncadd.s32 @!p0 $0xFFFFFEC0;
	s2 =	simm.s32 @!p0 $0x40  }
0x38e: {  	[tilespmem:s4], [sflag:$0x1] =	stream.indirect.gather @!p0 [hbm4b:s28+s2], $0x80, s3, s2, $0xb8;
	[tilespmem:$0x1B700] =	vst v63  }
0x38f: {  	s3 =	simm.s32 @!p0 $0x3240;
	s4 =	simm.s32 @!p0 $0xB700  }
0x390: {  	[tilespmem:s4], [sflag:$0x1] =	stream.indirect.gather @!p0 [hbm4b:s6+s2], $0x40, s3, s2, $0xb8;
	[tilespmem:$0x1B700] =	vst v63  }
0x391: {  	s3 =	simm.s32 @!p0 $0x3280;
	s4 =	simm.s32 @!p0 $0xC700  }
0x392: {  	[tilespmem:s4], [sflag:$0x1] =	stream.indirect.gather @!p0 [hbm4b:s6+s2], $0x40, s3, s2, $0xb8;
	[tilespmem:$0x1B700] =	vst v63  }
0x393: {  	s3 =	simm.s32 @!p0 $0x32C0;
	s4 =	simm.s32 @!p0 $0xD700  }
0x394: {  	[tilespmem:s4], [sflag:$0x1] =	stream.indirect.gather @!p0 [hbm4b:s6+s2], $0x40, s3, s2, $0xb8;
	[tilespmem:$0x1B700] =	vst v63  }
0x395: {  	s3 =	simm.s32 @!p0 $0x3300;
	s4 =	simm.s32 @!p0 $0xE700  }
0x396: {  	[tilespmem:s4], [sflag:$0x1] =	stream.indirect.gather @!p0 [hbm4b:s6+s2], $0x40, s3, s2, $0xb8;
	[tilespmem:$0x1B700] =	vst v63  }
0x397: {  	s2 =	rddreg [dreg:$0xc]  }
0x398: {  	s2 =	sadd.s32 @!p0 s17, s2  }
0x399: {  	s3 =	rddreg [dreg:$0x4];
	s2 =	sshrl.u32 @!p0 s2, $0x3  }
0x39a: {  	s4 =	simm.s32 @!p0 $0x3480;
	s2 =	sadd.s32 @!p0 s3, s2;
	s3 =	simm.s32 @!p0 $0x0  }
0x39b: {  	[tilespmem:s4], [sflag:$0xB] =	stream.linear.gather @!p0 [hbm4b:s2+s3], $0x140, $0x38;
	[tilespmem:$0x1B700] =	vst v63  }
0x39c: {  	_ =	swait.ge [sflag:s18], $0x2000  }
0x39d: {  	[sflag:s18] =	ssyncset.done $0x0  }
0x39e: {  	[sflag:s18] =	ssyncadd.s32 $0xFFFFE000  }
0x39f: {  	_ =	swait.ge [sflag:s18], $0x1000  }
0x3a0: {  	[sflag:s18] =	ssyncset.done $0x0  }
0x3a1: {  	[sflag:s18] =	ssyncadd.s32 $0xFFFFF000  }
0x3a2: {  	_ =	swait.ge [sflag:s18], $0x1000  }
0x3a3: {  	[sflag:s18] =	ssyncset.done $0x0  }
0x3a4: {  	[sflag:s18] =	ssyncadd.s32 $0xFFFFF000  }
0x3a5: {  	_ =	swait.ge [sflag:s18], $0x1000  }
0x3a6: {  	[sflag:s18] =	ssyncset.done $0x0  }
0x3a7: {  	[sflag:s18] =	ssyncadd.s32 $0xFFFFF000  }
0x3a8: {  	_ =	swait.ge [sflag:s18], $0x1000  }
0x3a9: {  	[sflag:s18] =	ssyncset.done $0x0  }
0x3aa: {  	s8 =	simm.s32 $0x19700;
	[sflag:s18] =	ssyncadd.s32 $0xFFFFF000  }
0x3ab: {  	v0 =	vld [tilespmem:s8+$0xFFFFE000]  }
0x3ac: {  	v1 =	vld [tilespmem:s8+$0xFFFFF000];
	_ =	sdelay $0x1  }
0x3ad: {  	s26 =	sadd.s32 $0xC0, s14;
	v2 =	vld [tilespmem:s8+$0x0]  }
0x3ae: {  	p1 =	sgt.u32 s26, $0xC7;
	s2 =	simm.s32 $0xFFFFCDC0  }
0x3af: {  	s10 =	sadd.s32 s1, s13;
	s2 =	simm.s32 @!p1 $0xFFFFFFC0;
	v3 =	vld [tilespmem:s8+$0x1000]  }
0x3b0: {  	s2 =	sadd.s32 s2, s10;
	v40 =	vshll.u32 v0, $0x10;
	v41 =	vshll.u32 v1, $0x10  }
0x3b1: {  	v42 =	vld [tilespmem:s2+$0x0];
	v0 =	vand.u32 $0xFFFF0000, v0;
	v1 =	vand.u32 $0xFFFF0000, v1;
	v4 =	vadd.f32 v41, v40  }
0x3b2: {  	v43 =	vshll.u32 v2, $0x10;
	v0 =	vadd.f32 v1, v0  }
0x3b3: {  	v1 =	vand.u32 $0xFFFF0000, v2;
	v2 =	vadd.f32 v43, v4  }
0x3b4: {  	v44 =	vshll.u32 v3, $0x10;
	v0 =	vadd.f32 v1, v0  }
0x3b5: {  	v1 =	vand.u32 $0xFFFF0000, v3;
	v2 =	vadd.f32 v44, v2  }
0x3b6: {  	v3 =	vshll.u32 v42, $0x10;
	v0 =	vadd.f32 v1, v0  }
0x3b7: {  	v1 =	vand.u32 $0xFFFF0000, v42;
	v2 =	vadd.f32 v3, v2  }
0x3b8: {  	s17 =	simm.s32 $0x0;
	v0 =	vadd.f32 v1, v0  }
0x3b9: {  	[tilespmem:s17+$0x9700] =	vst.add.f32.msk $0xffff, v2  }
0x3ba: {  	[tilespmem:s17+$0x9710] =	vst.add.f32.msk $0xffff, v0  }
0x3bb: {  	v0 =	vld [tilespmem:s8+$0xFFFFF010]  }
0x3bc: {  	v1 =	vld [tilespmem:s8+$0xFFFFE010];
	_ =	sdelay $0x1  }
0x3bd: {  	v2 =	vld [tilespmem:s8+$0x10];
	_ =	sdelay $0x1  }
0x3be: {  	v3 =	vld [tilespmem:s8+$0x1010]  }
0x3bf: {  	v45 =	vshll.u32 v0, $0x10;
	v46 =	vshll.u32 v1, $0x10  }
0x3c0: {  	v47 =	vld [tilespmem:s2+$0x10];
	v1 =	vand.u32 $0xFFFF0000, v1;
	v0 =	vand.u32 $0xFFFF0000, v0;
	v4 =	vadd.f32 v45, v46  }
0x3c1: {  	v0 =	vadd.f32 v0, v1;
	v1 =	vshll.u32 v2, $0x10  }
0x3c2: {  	v2 =	vand.u32 $0xFFFF0000, v2;
	v1 =	vadd.f32 v1, v4  }
0x3c3: {  	v0 =	vadd.f32 v2, v0;
	v2 =	vshll.u32 v3, $0x10  }
0x3c4: {  	v3 =	vand.u32 $0xFFFF0000, v3;
	v1 =	vadd.f32 v2, v1  }
0x3c5: {  	v0 =	vadd.f32 v3, v0;
	v2 =	vshll.u32 v47, $0x10  }
0x3c6: {  	v3 =	vand.u32 $0xFFFF0000, v47;
	v1 =	vadd.f32 v2, v1  }
0x3c7: {  	v0 =	vadd.f32 v3, v0  }
0x3c8: {  	[tilespmem:s17+$0x9720] =	vst.add.f32.msk $0xffff, v1  }
0x3c9: {  	[tilespmem:s17+$0x9730] =	vst.add.f32.msk $0xffff, v0  }
0x3ca: {  	v0 =	vld [tilespmem:s8+$0xFFFFE020]  }
0x3cb: {  	v1 =	vld [tilespmem:s8+$0xFFFFF020];
	_ =	sdelay $0x1  }
0x3cc: {  	v2 =	vld [tilespmem:s8+$0x20];
	_ =	sdelay $0x1  }
0x3cd: {  	v3 =	vld [tilespmem:s8+$0x1020]  }
0x3ce: {  	v48 =	vshll.u32 v0, $0x10;
	v49 =	vshll.u32 v1, $0x10  }
0x3cf: {  	v50 =	vld [tilespmem:s2+$0x20];
	v0 =	vand.u32 $0xFFFF0000, v0;
	v1 =	vand.u32 $0xFFFF0000, v1;
	v4 =	vadd.f32 v49, v48  }
0x3d0: {  	v0 =	vadd.f32 v1, v0;
	v1 =	vshll.u32 v2, $0x10  }
0x3d1: {  	v2 =	vand.u32 $0xFFFF0000, v2;
	v1 =	vadd.f32 v1, v4  }
0x3d2: {  	v0 =	vadd.f32 v2, v0;
	v2 =	vshll.u32 v3, $0x10  }
0x3d3: {  	v3 =	vand.u32 $0xFFFF0000, v3;
	v1 =	vadd.f32 v2, v1  }
0x3d4: {  	v0 =	vadd.f32 v3, v0;
	v2 =	vshll.u32 v50, $0x10  }
0x3d5: {  	v3 =	vand.u32 $0xFFFF0000, v50;
	v1 =	vadd.f32 v2, v1  }
0x3d6: {  	v0 =	vadd.f32 v3, v0  }
0x3d7: {  	[tilespmem:s17+$0x9740] =	vst.add.f32.msk $0xffff, v1  }
0x3d8: {  	[tilespmem:s17+$0x9750] =	vst.add.f32.msk $0xffff, v0  }
0x3d9: {  	v0 =	vld [tilespmem:s8+$0xFFFFE030]  }
0x3da: {  	v1 =	vld [tilespmem:s8+$0xFFFFF030];
	_ =	sdelay $0x1  }
0x3db: {  	v2 =	vld [tilespmem:s8+$0x30];
	_ =	sdelay $0x1  }
0x3dc: {  	v3 =	vld [tilespmem:s8+$0x1030]  }
0x3dd: {  	v51 =	vshll.u32 v0, $0x10;
	v52 =	vshll.u32 v1, $0x10  }
0x3de: {  	v53 =	vld [tilespmem:s2+$0x30];
	v0 =	vand.u32 $0xFFFF0000, v0;
	v1 =	vand.u32 $0xFFFF0000, v1;
	v4 =	vadd.f32 v52, v51  }
0x3df: {  	v0 =	vadd.f32 v1, v0;
	v1 =	vshll.u32 v2, $0x10  }
0x3e0: {  	v2 =	vand.u32 $0xFFFF0000, v2;
	v1 =	vadd.f32 v1, v4  }
0x3e1: {  	v0 =	vadd.f32 v2, v0;
	v2 =	vshll.u32 v3, $0x10  }
0x3e2: {  	v3 =	vand.u32 $0xFFFF0000, v3;
	v1 =	vadd.f32 v2, v1  }
0x3e3: {  	v0 =	vadd.f32 v3, v0;
	v2 =	vshll.u32 v53, $0x10  }
0x3e4: {  	v3 =	vand.u32 $0xFFFF0000, v53;
	v1 =	vadd.f32 v2, v1  }
0x3e5: {  	v0 =	vadd.f32 v3, v0  }
0x3e6: {  	[tilespmem:s17+$0x9760] =	vst.add.f32.msk $0xffff, v1  }
0x3e7: {  	[tilespmem:s17+$0x9770] =	vst.add.f32.msk $0xffff, v0  }
0x3e8: {  	v0 =	vld [tilespmem:s8+$0xFFFFE040]  }
0x3e9: {  	v1 =	vld [tilespmem:s8+$0xFFFFF040];
	_ =	sdelay $0x1  }
0x3ea: {  	v2 =	vld [tilespmem:s8+$0x40]  }
0x3eb: {  	s12 =	smov.u32 s29;
	s29 =	sadd.s32 $0xC1, s14  }
0x3ec: {  	s3 =	sadd.s32 $0xFFFFCE00, s10;
	p1 =	sgt.u32 s29, $0xC7;
	v3 =	vld [tilespmem:s8+$0x1040]  }
0x3ed: {  	s10 =	smov.u32 @p1 s3;
	v54 =	vshll.u32 v0, $0x10;
	v55 =	vshll.u32 v1, $0x10  }
0x3ee: {  	v56 =	vld [tilespmem:s10+$0x0];
	v0 =	vand.u32 $0xFFFF0000, v0;
	v1 =	vand.u32 $0xFFFF0000, v1;
	v4 =	vadd.f32 v55, v54  }
0x3ef: {  	v0 =	vadd.f32 v1, v0;
	v1 =	vshll.u32 v2, $0x10  }
0x3f0: {  	v2 =	vand.u32 $0xFFFF0000, v2;
	v1 =	vadd.f32 v1, v4  }
0x3f1: {  	v0 =	vadd.f32 v2, v0;
	v2 =	vshll.u32 v3, $0x10  }
0x3f2: {  	v3 =	vand.u32 $0xFFFF0000, v3;
	v1 =	vadd.f32 v2, v1  }
0x3f3: {  	v0 =	vadd.f32 v3, v0;
	v2 =	vshll.u32 v56, $0x10  }
0x3f4: {  	v3 =	vand.u32 $0xFFFF0000, v56;
	v1 =	vadd.f32 v2, v1  }
0x3f5: {  	v0 =	vadd.f32 v3, v0  }
0x3f6: {  	[tilespmem:s17+$0x9780] =	vst.add.f32.msk $0xffff, v1  }
0x3f7: {  	[tilespmem:s17+$0x9790] =	vst.add.f32.msk $0xffff, v0  }
0x3f8: {  	v0 =	vld [tilespmem:s8+$0xFFFFE050]  }
0x3f9: {  	v1 =	vld [tilespmem:s8+$0xFFFFF050];
	_ =	sdelay $0x1  }
0x3fa: {  	v2 =	vld [tilespmem:s8+$0x50];
	_ =	sdelay $0x1  }
0x3fb: {  	v3 =	vld [tilespmem:s8+$0x1050]  }
0x3fc: {  	v57 =	vshll.u32 v0, $0x10;
	v58 =	vshll.u32 v1, $0x10  }
0x3fd: {  	v59 =	vld [tilespmem:s10+$0x10];
	v0 =	vand.u32 $0xFFFF0000, v0;
	v1 =	vand.u32 $0xFFFF0000, v1;
	v4 =	vadd.f32 v58, v57  }
0x3fe: {  	v0 =	vadd.f32 v1, v0;
	v1 =	vshll.u32 v2, $0x10  }
0x3ff: {  	v2 =	vand.u32 $0xFFFF0000, v2;
	v1 =	vadd.f32 v1, v4  }
0x400: {  	v0 =	vadd.f32 v2, v0;
	v2 =	vshll.u32 v3, $0x10  }
0x401: {  	v3 =	vand.u32 $0xFFFF0000, v3;
	v1 =	vadd.f32 v2, v1  }
0x402: {  	v0 =	vadd.f32 v3, v0;
	v2 =	vshll.u32 v59, $0x10  }
0x403: {  	v3 =	vand.u32 $0xFFFF0000, v59;
	v1 =	vadd.f32 v2, v1  }
0x404: {  	v0 =	vadd.f32 v3, v0  }
0x405: {  	[tilespmem:s17+$0x97A0] =	vst.add.f32.msk $0xffff, v1  }
0x406: {  	[tilespmem:s17+$0x97B0] =	vst.add.f32.msk $0xffff, v0  }
0x407: {  	v0 =	vld [tilespmem:s8+$0xFFFFE060]  }
0x408: {  	v1 =	vld [tilespmem:s8+$0xFFFFF060];
	_ =	sdelay $0x1  }
0x409: {  	v2 =	vld [tilespmem:s8+$0x60];
	_ =	sdelay $0x1  }
0x40a: {  	v3 =	vld [tilespmem:s8+$0x1060];
	v60 =	vand.u32 $0xFFFF0000, v0  }
0x40b: {  	v0 =	vshll.u32 v0, $0x10;
	v61 =	vshll.u32 v1, $0x10;
	v1 =	vand.u32 $0xFFFF0000, v1  }
0x40c: {  	v62 =	vld [tilespmem:s10+$0x20];
	v0 =	vadd.f32 v61, v0;
	v1 =	vadd.f32 v1, v60  }
0x40d: {  	v63 =	vshll.u32 v2, $0x10;
	v2 =	vand.u32 $0xFFFF0000, v2  }
0x40e: {  	v0 =	vadd.f32 v63, v0;
	v1 =	vadd.f32 v2, v1  }
0x40f: {  	v2 =	vshll.u32 v3, $0x10;
	v3 =	vand.u32 $0xFFFF0000, v3  }
0x410: {  	v0 =	vadd.f32 v2, v0;
	v2 =	vadd.f32 v3, v1  }
0x411: {  	s4 =	simm.s32 $0x400;
	v1 =	vshll.u32 v62, $0x10;
	v3 =	vand.u32 $0xFFFF0000, v62  }
0x412: {  	s3 =	sor.u32 $0xC0, s15;
	s15 =	smov.u32 s1;
	s2 =	simm.s32 $0x19700;
	v1 =	vadd.f32 v1, v0;
	v0 =	vadd.f32 v3, v2  }
.LBB2_9:
0x413: {  	s14 =	sadd.s32 $0x2, s14;
	s15 =	sadd.s32 $0x80, s15;
	s8 =	sadd.s32 $0x80, s8  }
0x414: {  	p1 =	sne.s32 s4, $0x7C00;
	s21 =	smov.u32 s4;
	s4 =	sadd.s32 $0x400, s4;
	[tilespmem:s17+$0x97C0] =	vst.add.f32.msk $0xffff, v1  }
0x415: {  	[tilespmem:s17+$0x97D0] =	vst.add.f32.msk $0xffff, v0  }
0x416: {  	v0 =	vld [tilespmem:s2+$0xFFFFE070]  }
0x417: {  	v1 =	vld [tilespmem:s2+$0xFFFFF070]  }
0x418: {  	v2 =	vld [tilespmem:s2+$0x70]  }
0x419: {  	v3 =	vld [tilespmem:s2+$0x1070];
	s2 =	smov.u32 s8  }
0x41a: {  	v4 =	vld [tilespmem:s10+$0x30]  }
0x41b: {  	v5 =	vshll.u32 v0, $0x10  }
0x41c: {  	v0 =	vand.u32 $0xFFFF0000, v0;
	v6 =	vshll.u32 v1, $0x10;
	v1 =	vand.u32 $0xFFFF0000, v1  }
0x41d: {  	v5 =	vadd.f32 v6, v5;
	v0 =	vadd.f32 v1, v0  }
0x41e: {  	v1 =	vshll.u32 v2, $0x10;
	v2 =	vand.u32 $0xFFFF0000, v2  }
0x41f: {  	v1 =	vadd.f32 v1, v5;
	v0 =	vadd.f32 v2, v0  }
0x420: {  	v2 =	vshll.u32 v3, $0x10;
	v3 =	vand.u32 $0xFFFF0000, v3  }
0x421: {  	v1 =	vadd.f32 v2, v1;
	v0 =	vadd.f32 v3, v0  }
0x422: {  	v2 =	vshll.u32 v4, $0x10;
	v3 =	vand.u32 $0xFFFF0000, v4  }
0x423: {  	v1 =	vadd.f32 v2, v1;
	v0 =	vadd.f32 v3, v0;
	_ =	sdelay $0x1  }
0x424: {  	[tilespmem:s17+$0x97E0] =	vst.add.f32.msk $0xffff, v1  }
0x425: {  	[tilespmem:s17+$0x97F0] =	vst.add.f32.msk $0xffff, v0  }
0x426: {  	v0 =	vld [tilespmem:s8+$0xFFFFE000]  }
0x427: {  	v1 =	vld [tilespmem:s8+$0xFFFFF000]  }
0x428: {  	s10 =	sadd.s32 $0xC0, s14;
	v2 =	vld [tilespmem:s8+$0x0]  }
0x429: {  	p2 =	sgt.u32 s10, $0xC7;
	s17 =	simm.s32 $0xFFFFCDC0  }
0x42a: {  	s10 =	sadd.s32 s15, s13;
	s17 =	simm.s32 @!p2 $0xFFFFFFC0;
	v3 =	vld [tilespmem:s8+$0x1000]  }
0x42b: {  	s19 =	sadd.s32 $0xFFFFCE00, s10;
	s20 =	sadd.s32 s17, s10;
	v4 =	vand.u32 $0xFFFF0000, v0  }
0x42c: {  	v0 =	vshll.u32 v0, $0x10;
	v5 =	vshll.u32 v1, $0x10;
	v1 =	vand.u32 $0xFFFF0000, v1;
	v6 =	vld [tilespmem:s20+$0x0]  }
0x42d: {  	v0 =	vadd.f32 v5, v0;
	v5 =	vshll.u32 v2, $0x10;
	v2 =	vand.u32 $0xFFFF0000, v2  }
0x42e: {  	v1 =	vadd.f32 v1, v4  }
0x42f: {  	v0 =	vadd.f32 v5, v0;
	v4 =	vshll.u32 v3, $0x10;
	v3 =	vand.u32 $0xFFFF0000, v3  }
0x430: {  	v1 =	vadd.f32 v2, v1  }
0x431: {  	v0 =	vadd.f32 v4, v0;
	v2 =	vshll.u32 v6, $0x10;
	v4 =	vand.u32 $0xFFFF0000, v6  }
0x432: {  	v1 =	vadd.f32 v3, v1  }
0x433: {  	v0 =	vadd.f32 v2, v0  }
0x434: {  	s17 =	sshra.s32 s21, $0x2;
	v1 =	vadd.f32 v4, v1  }
0x435: {  	[tilespmem:s17+$0x9700] =	vst.add.f32.msk $0xffff, v0  }
0x436: {  	[tilespmem:s17+$0x9710] =	vst.add.f32.msk $0xffff, v1  }
0x437: {  	v0 =	vld [tilespmem:s8+$0xFFFFF010]  }
0x438: {  	v1 =	vld [tilespmem:s8+$0xFFFFE010];
	_ =	sdelay $0x1  }
0x439: {  	v2 =	vld [tilespmem:s8+$0x10];
	_ =	sdelay $0x1  }
0x43a: {  	v3 =	vshll.u32 v0, $0x10;
	v4 =	vld [tilespmem:s8+$0x1010]  }
0x43b: {  	v0 =	vand.u32 $0xFFFF0000, v0;
	v5 =	vshll.u32 v1, $0x10;
	v1 =	vand.u32 $0xFFFF0000, v1  }
0x43c: {  	v3 =	vadd.f32 v3, v5;
	v0 =	vadd.f32 v0, v1;
	v1 =	vld [tilespmem:s20+$0x10]  }
0x43d: {  	v5 =	vshll.u32 v2, $0x10;
	v2 =	vand.u32 $0xFFFF0000, v2  }
0x43e: {  	v3 =	vadd.f32 v5, v3;
	v0 =	vadd.f32 v2, v0  }
0x43f: {  	v2 =	vshll.u32 v4, $0x10;
	v4 =	vand.u32 $0xFFFF0000, v4  }
0x440: {  	v2 =	vadd.f32 v2, v3;
	v0 =	vadd.f32 v4, v0  }
0x441: {  	v3 =	vshll.u32 v1, $0x10;
	v1 =	vand.u32 $0xFFFF0000, v1  }
0x442: {  	v2 =	vadd.f32 v3, v2;
	v0 =	vadd.f32 v1, v0;
	_ =	sdelay $0x1  }
0x443: {  	[tilespmem:s17+$0x9720] =	vst.add.f32.msk $0xffff, v2  }
0x444: {  	[tilespmem:s17+$0x9730] =	vst.add.f32.msk $0xffff, v0  }
0x445: {  	v0 =	vld [tilespmem:s8+$0xFFFFE020];
	_ =	sdelay $0x2  }
0x446: {  	v1 =	vld [tilespmem:s8+$0xFFFFF020];
	_ =	sdelay $0x1  }
0x447: {  	v2 =	vshll.u32 v0, $0x10;
	v3 =	vld [tilespmem:s8+$0x20];
	_ =	sdelay $0x1  }
0x448: {  	v4 =	vld [tilespmem:s8+$0x1020]  }
0x449: {  	v0 =	vand.u32 $0xFFFF0000, v0;
	v5 =	vshll.u32 v1, $0x10;
	v1 =	vand.u32 $0xFFFF0000, v1  }
0x44a: {  	v2 =	vadd.f32 v5, v2;
	v0 =	vadd.f32 v1, v0;
	v1 =	vld [tilespmem:s20+$0x20]  }
0x44b: {  	v5 =	vshll.u32 v3, $0x10;
	v3 =	vand.u32 $0xFFFF0000, v3  }
0x44c: {  	v2 =	vadd.f32 v5, v2;
	v0 =	vadd.f32 v3, v0  }
0x44d: {  	v3 =	vshll.u32 v4, $0x10;
	v4 =	vand.u32 $0xFFFF0000, v4  }
0x44e: {  	v2 =	vadd.f32 v3, v2;
	v0 =	vadd.f32 v4, v0  }
0x44f: {  	v3 =	vshll.u32 v1, $0x10;
	v1 =	vand.u32 $0xFFFF0000, v1  }
0x450: {  	v2 =	vadd.f32 v3, v2;
	v0 =	vadd.f32 v1, v0;
	_ =	sdelay $0x1  }
0x451: {  	[tilespmem:s17+$0x9740] =	vst.add.f32.msk $0xffff, v2  }
0x452: {  	[tilespmem:s17+$0x9750] =	vst.add.f32.msk $0xffff, v0  }
0x453: {  	v0 =	vld [tilespmem:s8+$0xFFFFE030]  }
0x454: {  	v1 =	vld [tilespmem:s8+$0xFFFFF030]  }
0x455: {  	v2 =	vld [tilespmem:s8+$0x30]  }
0x456: {  	v3 =	vld [tilespmem:s8+$0x1030];
	_ =	sdelay $0x1  }
0x457: {  	v4 =	vshll.u32 v0, $0x10;
	v0 =	vand.u32 $0xFFFF0000, v0  }
0x458: {  	v5 =	vshll.u32 v1, $0x10;
	v1 =	vand.u32 $0xFFFF0000, v1  }
0x459: {  	v4 =	vadd.f32 v5, v4;
	v0 =	vadd.f32 v1, v0;
	v1 =	vld [tilespmem:s20+$0x30]  }
0x45a: {  	v5 =	vshll.u32 v2, $0x10;
	v2 =	vand.u32 $0xFFFF0000, v2  }
0x45b: {  	v4 =	vadd.f32 v5, v4;
	v0 =	vadd.f32 v2, v0  }
0x45c: {  	v2 =	vshll.u32 v3, $0x10;
	v3 =	vand.u32 $0xFFFF0000, v3  }
0x45d: {  	v2 =	vadd.f32 v2, v4;
	v0 =	vadd.f32 v3, v0  }
0x45e: {  	v3 =	vshll.u32 v1, $0x10;
	v1 =	vand.u32 $0xFFFF0000, v1  }
0x45f: {  	v2 =	vadd.f32 v3, v2;
	v0 =	vadd.f32 v1, v0;
	_ =	sdelay $0x1  }
0x460: {  	[tilespmem:s17+$0x9760] =	vst.add.f32.msk $0xffff, v2  }
0x461: {  	[tilespmem:s17+$0x9770] =	vst.add.f32.msk $0xffff, v0  }
0x462: {  	v0 =	vld [tilespmem:s8+$0xFFFFE040]  }
0x463: {  	v1 =	vld [tilespmem:s8+$0xFFFFF040]  }
0x464: {  	v2 =	vld [tilespmem:s8+$0x40]  }
0x465: {  	v3 =	vld [tilespmem:s8+$0x1040]  }
0x466: {  	s20 =	sadd.s32 $0xC1, s14  }
0x467: {  	p2 =	sgt.u32 s20, $0xC7;
	v4 =	vshll.u32 v0, $0x10;
	v0 =	vand.u32 $0xFFFF0000, v0  }
0x468: {  	s10 =	smov.u32 @p2 s19;
	v5 =	vshll.u32 v1, $0x10;
	v1 =	vand.u32 $0xFFFF0000, v1  }
0x469: {  	v4 =	vadd.f32 v5, v4;
	v0 =	vadd.f32 v1, v0;
	v1 =	vld [tilespmem:s10+$0x0]  }
0x46a: {  	v5 =	vshll.u32 v2, $0x10;
	v2 =	vand.u32 $0xFFFF0000, v2  }
0x46b: {  	v4 =	vadd.f32 v5, v4;
	v0 =	vadd.f32 v2, v0  }
0x46c: {  	v2 =	vshll.u32 v3, $0x10;
	v3 =	vand.u32 $0xFFFF0000, v3  }
0x46d: {  	v2 =	vadd.f32 v2, v4;
	v0 =	vadd.f32 v3, v0  }
0x46e: {  	v3 =	vshll.u32 v1, $0x10;
	v1 =	vand.u32 $0xFFFF0000, v1  }
0x46f: {  	v2 =	vadd.f32 v3, v2;
	v0 =	vadd.f32 v1, v0;
	_ =	sdelay $0x1  }
0x470: {  	[tilespmem:s17+$0x9780] =	vst.add.f32.msk $0xffff, v2  }
0x471: {  	[tilespmem:s17+$0x9790] =	vst.add.f32.msk $0xffff, v0  }
0x472: {  	v0 =	vld [tilespmem:s8+$0xFFFFE050]  }
0x473: {  	v1 =	vld [tilespmem:s8+$0xFFFFF050]  }
0x474: {  	v2 =	vld [tilespmem:s8+$0x50]  }
0x475: {  	v3 =	vld [tilespmem:s8+$0x1050]  }
0x476: {  	v4 =	vld [tilespmem:s10+$0x10]  }
0x477: {  	v5 =	vshll.u32 v0, $0x10  }
0x478: {  	v0 =	vand.u32 $0xFFFF0000, v0;
	v6 =	vshll.u32 v1, $0x10;
	v1 =	vand.u32 $0xFFFF0000, v1  }
0x479: {  	v5 =	vadd.f32 v6, v5;
	v0 =	vadd.f32 v1, v0  }
0x47a: {  	v1 =	vshll.u32 v2, $0x10;
	v2 =	vand.u32 $0xFFFF0000, v2  }
0x47b: {  	v1 =	vadd.f32 v1, v5;
	v0 =	vadd.f32 v2, v0  }
0x47c: {  	v2 =	vshll.u32 v3, $0x10;
	v3 =	vand.u32 $0xFFFF0000, v3  }
0x47d: {  	v1 =	vadd.f32 v2, v1;
	v0 =	vadd.f32 v3, v0  }
0x47e: {  	v2 =	vshll.u32 v4, $0x10;
	v3 =	vand.u32 $0xFFFF0000, v4  }
0x47f: {  	v1 =	vadd.f32 v2, v1;
	v0 =	vadd.f32 v3, v0;
	_ =	sdelay $0x1  }
0x480: {  	[tilespmem:s17+$0x97A0] =	vst.add.f32.msk $0xffff, v1  }
0x481: {  	[tilespmem:s17+$0x97B0] =	vst.add.f32.msk $0xffff, v0  }
0x482: {  	v0 =	vld [tilespmem:s8+$0xFFFFE060]  }
0x483: {  	v1 =	vld [tilespmem:s8+$0xFFFFF060]  }
0x484: {  	v2 =	vld [tilespmem:s8+$0x60]  }
0x485: {  	v3 =	vld [tilespmem:s8+$0x1060]  }
0x486: {  	v4 =	vld [tilespmem:s10+$0x20]  }
0x487: {  	v5 =	vand.u32 $0xFFFF0000, v0  }
0x488: {  	v0 =	vshll.u32 v0, $0x10;
	v6 =	vshll.u32 v1, $0x10;
	v1 =	vand.u32 $0xFFFF0000, v1  }
0x489: {  	v0 =	vadd.f32 v6, v0;
	v1 =	vadd.f32 v1, v5  }
0x48a: {  	v5 =	vshll.u32 v2, $0x10;
	v2 =	vand.u32 $0xFFFF0000, v2  }
.Ltmp5:
0x48b: {  	v0 =	vadd.f32 v5, v0;
	v1 =	vadd.f32 v2, v1;
	(pc) =	sbr.rel @p1 .LBB2_9-.Ltmp5, $4  }
0x48c: {  	v2 =	vshll.u32 v3, $0x10;
	v3 =	vand.u32 $0xFFFF0000, v3  }
0x48d: {  	v0 =	vadd.f32 v2, v0;
	v2 =	vadd.f32 v3, v1  }
0x48e: {  	v1 =	vshll.u32 v4, $0x10;
	v3 =	vand.u32 $0xFFFF0000, v4  }
0x48f: {  	v1 =	vadd.f32 v1, v0;
	v0 =	vadd.f32 v3, v2  }
0x490: {  	_ = 	snop  }
0x491: {  	[tilespmem:s17+$0x97C0] =	vst.add.f32.msk $0xffff, v1  }
0x492: {  	[tilespmem:s17+$0x97D0] =	vst.add.f32.msk $0xffff, v0  }
0x493: {  	v0 =	vld [tilespmem:s2+$0xFFFFE070]  }
0x494: {  	v1 =	vld [tilespmem:s2+$0xFFFFF070];
	_ =	sdelay $0x1  }
0x495: {  	v2 =	vld [tilespmem:s2+$0x70];
	_ =	sdelay $0x1  }
0x496: {  	v3 =	vld [tilespmem:s2+$0x1070]  }
0x497: {  	v4 =	vshll.u32 v0, $0x10;
	v5 =	vshll.u32 v1, $0x10  }
0x498: {  	v6 =	vld [tilespmem:s10+$0x30];
	v0 =	vand.u32 $0xFFFF0000, v0;
	v1 =	vand.u32 $0xFFFF0000, v1;
	v4 =	vadd.f32 v5, v4  }
0x499: {  	v60 =	vshll.u32 v2, $0x10;
	v0 =	vadd.f32 v1, v0  }
0x49a: {  	v2 =	vand.u32 $0xFFFF0000, v2;
	v1 =	vadd.f32 v60, v4  }
0x49b: {  	v61 =	vshll.u32 v3, $0x10;
	v0 =	vadd.f32 v2, v0  }
0x49c: {  	v3 =	vand.u32 $0xFFFF0000, v3;
	v1 =	vadd.f32 v61, v1  }
0x49d: {  	v62 =	vshll.u32 v6, $0x10;
	v0 =	vadd.f32 v3, v0  }
.Ltmp6:
0x49e: {  	s26 =	sadd.s32 s12, s3;
	v63 =	vand.u32 $0xFFFF0000, v6;
	v1 =	vadd.f32 v62, v1;
	(pc) =	sbr.rel @p0 .LBB2_12-.Ltmp6, $4  }
0x49f: {  	s2 =	sshll.u32 s26, $0x4;
	v0 =	vadd.f32 v63, v0  }
0x4a0: {  	s2 =	sand.u32 $0x1FFFFC00, s2;
	[tilespmem:s17+$0x97E0] =	vst.add.f32.msk $0xffff, v1  }
0x4a1: {  	s29 =	simm.s32 $0x9700;
	s2 =	sadd.s32 s31, s2;
	[tilespmem:s17+$0x97F0] =	vst.add.f32.msk $0xffff, v0  }
0x4a2: {  	[hbm4b:s2+s5] =	stream.linear.scatter [tilespmem:s29], [sflag:$0x8], $0x2000, $0x38;
	[tilespmem:$0x1B700] =	vst v63  }
0x4a3: {  	s2 =	simm.s32 $0x6  }
0x4a4: {  	_ =	swait.ge [sflag:s2], $0x2000  }
0x4a5: {  	s4 =	simm.s32 $0xA;
	s8 =	simm.s32 $0x3340;
	[sflag:s2] =	ssyncset.done $0x0  }
0x4a6: {  	s3 =	simm.s32 $0x5700;
	s10 =	simm.s32 $0x3380;
	[sflag:s2] =	ssyncadd.s32 $0xFFFFE000  }
0x4a7: {  	s13 =	simm.s32 $0xF700;
	s14 =	simm.s32 $0x33C0;
	_ =	swait.ge [sflag:s4], $0x140  }
0x4a8: {  	s15 =	simm.s32 $0x10700;
	s17 =	simm.s32 $0x3400;
	[sflag:s4] =	ssyncset.done $0x0  }
0x4a9: {  	s19 =	simm.s32 $0x11700;
	s20 =	smul.u32 $0x500, s16;
	[sflag:s4] =	ssyncadd.s32 $0xFFFFFEC0  }
0x4aa: {  	[tilespmem:s3], [sflag:$0x2] =	stream.indirect.gather [hbm4b:s28+s11], $0x80, s8, s11, $0xb8;
	[tilespmem:$0x1B700] =	vst v63  }
0x4ab: {  	s21 =	simm.s32 $0x3440;
	s25 =	simm.s32 $0x35C0;
	s22 =	rddreg [dreg:$0xd]  }
0x4ac: {  	[tilespmem:s13], [sflag:$0x2] =	stream.indirect.gather [hbm4b:s6+s11], $0x40, s10, s11, $0xb8;
	[tilespmem:$0x1B700] =	vst v63  }
0x4ad: {  	s16 =	sadd.s32 $0x1, s16;
	s24 =	sadd.s32 $0x100, s24;
	s23 =	rddreg [dreg:$0x4]  }
0x4ae: {  	[tilespmem:s15], [sflag:$0x2] =	stream.indirect.gather [hbm4b:s6+s11], $0x40, s14, s11, $0xb8;
	[tilespmem:$0x1B700] =	vst v63  }
0x4af: {  	s30 =	sadd.s32 $0x4000, s30;
	s1 =	sadd.s32 $0x4000, s1;
	s26 =	rddreg [dreg:$0x14]  }
0x4b0: {  	[tilespmem:s19], [sflag:$0x2] =	stream.indirect.gather [hbm4b:s6+s11], $0x40, s17, s11, $0xb8;
	[tilespmem:$0x1B700] =	vst v63  }
0x4b1: {  	s29 =	rddreg [dreg:$0x10];
	s4 =	simm.s32 $0x12700;
	s2 =	sadd.s32 s20, s22  }
0x4b2: {  	[tilespmem:s4], [sflag:$0x2] =	stream.indirect.gather [hbm4b:s6+s11], $0x40, s21, s11, $0xb8;
	[tilespmem:$0x1B700] =	vst v63  }
.Ltmp7:
0x4b3: {  	s2 =	sshrl.u32 s2, $0x3;
	s8 =	rddreg [dreg:$0x11];
	(pc) =	sbr.rel .LBB2_2-.Ltmp7, $4  }
0x4b4: {  	s2 =	sadd.s32 s23, s2;
	s8 =	sadd.s32 $0x100, s8;
	s13 =	rddreg [dreg:$0x12]  }
0x4b5: {  	[tilespmem:s25], [sflag:$0xC] =	stream.linear.gather [hbm4b:s2+s5], $0x140, $0x38;
	[tilespmem:$0x1B700] =	vst v63  }
0x4b6: {  	s13 =	sadd.s32 $0x100, s13;
	s14 =	rddreg [dreg:$0x13];
	s2 =	sadd.s32 $0x4000, s29  }
0x4b7: {  	s14 =	sadd.s32 $0x100, s14;
	s4 =	sadd.s32 $0x4000, s26;
	[dreg:$0x10] =	wrdreg s2  }
.LBB2_13:
0x4b8: {  	_ =	sfence.sel $0x180000  }
0x4b9: {  	[bflag:$0x0] =	sbarrier.arrive $0xFFFF  }
0x4ba: {  	_ =	strace $0x90000047  }
0x4bb: {  	s0 =	stileid.u32;
	[bflag:$0x2] =	sbarrier.arrive $0xFFFF  }
0x4bc: {  	p0 =	sne.s32 s0, $0x0;
	s0 =	rddreg [dreg:$0x3]  }
0x4bd: {  	s0 =	sadd.s32 @!p0 $0x100000, s0  }
0x4be: {  	[sflag:s0] =	ssyncadd.tile.s32 @!p0 $0x1;
	_ =	shalt  }
.Lfunc_end2:
_tile_overlayer_lowered:
.L_overlay_start_2:
0x4bf: {  	(tag) =	ssettag $0x2  }
0x4c0: {  	s0 =	rddreg [dreg:$0x0];
	s2 =	stileid.u32  }
0x4c1: {  	s1 =	rddreg [dreg:$0x1];
	p0 =	sne.s32 s2, $0x0  }
0x4c2: {  	s3 =	rddreg [dreg:$0x2];
	[bflag:$0x3] =	sbarrier.arrive $0xFFFF;
	s2 =	simm.s32 @!p0 $0x1C0D  }
0x4c3: {  	[timem:s3], [sflag:s2] =	dma.local @!p0 [hbm:s0], s1  }
0x4c4: {  	s0 =	simm.s32 @!p0 $0xD  }
0x4c5: {  	_ =	swait.ge @!p0 [sflag:s0], s1  }
0x4c6: {  	s1 =	ssub.s32 @!p0 $0x0, s1;
	[sflag:s0] =	ssyncset.done @!p0 $0x0  }
0x4c7: {  	[sflag:s0] =	ssyncadd.s32 @!p0 s1  }
0x4c8: {  	[bflag:$0x3] =	sbarrier.arrive $0xFFFF  }
0x4c9: {  	_ =	shalt  }

</sc_bundles>
